<compile_context>
chip_gen: v7x
topology: tpu7x:2x2x1
jax: 0.10.2.dev20260603
libtpu: 0.0.44.dev20260713+nightly
codegen_flags: <defaults>
</compile_context>

<pallas_src>
import functools

import jax
import jax.numpy as jnp
from jax import lax
from jax.experimental import pallas as pl
from jax.experimental.pallas import tpu as pltpu
from jax.experimental.pallas import tpu_sc as plsc

N = 10000
E = 160000
D = 256
DE = 16
R = 50
B = 16
NEG = 8
K = 10
RP = 64

NC = 2
NSC = 16
NW = NC * NSC

CH = 80
PER_W = 5120
E2 = NW * PER_W
EB = 1280
NB = E2 // EB
NBV = E // EB

F32 = jnp.float32
BF16 = jnp.bfloat16
I32 = jnp.int32
HI = lax.Precision.HIGHEST


def _gather_add_all(xa, xb, src_pad, dst_pad):
    mesh = plsc.VectorSubcoreMesh(core_axis_name="c", subcore_axis_name="s")

    NCH = PER_W // CH

    @functools.partial(
        pl.kernel,
        out_type=jax.ShapeDtypeStruct((E2, D), F32),
        mesh=mesh,
        scratch_types=[
            pltpu.VMEM((CH,), I32),
            pltpu.VMEM((CH,), I32),
            pltpu.VMEM((CH, D), F32),
            pltpu.VMEM((CH, D), F32),
            pltpu.VMEM((CH,), I32),
            pltpu.VMEM((CH,), I32),
            pltpu.VMEM((CH, D), F32),
            pltpu.VMEM((CH, D), F32),
            pltpu.SemaphoreType.DMA,
            pltpu.SemaphoreType.DMA,
            pltpu.SemaphoreType.DMA,
            pltpu.SemaphoreType.DMA,
        ],
    )
    def k(xa_h, xb_h, src_h, dst_h, out_h,
          isrc0, idst0, ra0, rb0, isrc1, idst1, ra1, rb1,
          sa0, sb0, sa1, sb1):
        wid = lax.axis_index("s") * NC + lax.axis_index("c")
        base = wid * PER_W
        bufs = ((isrc0, idst0, ra0, rb0, sa0, sb0),
                (isrc1, idst1, ra1, rb1, sa1, sb1))

        def fire(c, buf):
            isrc, idst, ra, rb, sa, sb = buf
            off = pl.multiple_of(base + c * CH, CH)
            pltpu.sync_copy(src_h.at[pl.ds(off, CH)], isrc)
            pltpu.sync_copy(dst_h.at[pl.ds(off, CH)], idst)
            pltpu.async_copy(xa_h.at[isrc], ra, sa)
            pltpu.async_copy(xb_h.at[idst], rb, sb)

        def process(c, buf):
            isrc, idst, ra, rb, sa, sb = buf
            off = pl.multiple_of(base + c * CH, CH)
            pltpu.make_async_copy(xa_h.at[isrc], ra, sa).wait()
            pltpu.make_async_copy(xb_h.at[idst], rb, sb).wait()

            def addrow(r, carry2):
                for c16 in range(D // 16):
                    sl = pl.ds(c16 * 16, 16)
                    ra[r, sl] = ra[r, sl] + rb[r, sl]
                return carry2

            lax.fori_loop(0, CH, addrow, 0, unroll=4)
            pltpu.sync_copy(ra, out_h.at[pl.ds(off, CH)])

        fire(0, bufs[0])

        def pair(gp, carry):
            g0 = gp * 2
            fire(g0 + 1, bufs[1])
            process(g0, bufs[0])

            @pl.when(gp < NCH // 2 - 1)
            def _():
                fire(g0 + 2, bufs[0])

            process(g0 + 1, bufs[1])
            return carry

        lax.fori_loop(0, NCH // 2, pair, 0, unroll=False)

    return k(xa, xb, src_pad, dst_pad)


def _score_body(hp_ref, base_ref, et_ref, relp_ref, xlm_ref, w2_ref,
                tki_ref, s_scr):
    i = pl.program_id(0)
    et = et_ref[0]
    oh = (lax.broadcasted_iota(I32, (RP, EB), 0) == et).astype(F32)
    relg = lax.dot_general(oh, relp_ref[...], (((0,), (0,)), ((), ())),
                           preferred_element_type=F32, precision=HI)
    g = jnp.maximum((hp_ref[...] + base_ref[...]) + relg, 0.0)
    kg = jnp.dot(g.astype(BF16), w2_ref[...].astype(BF16),
                 preferred_element_type=F32)
    kgbf = kg.astype(BF16)
    xlm = xlm_ref[...]
    s1 = lax.dot_general(xlm[:, :128].astype(BF16), kgbf[:, :128],
                         (((1,), (1,)), ((), ())), preferred_element_type=F32)
    s2 = lax.dot_general(xlm[:, 128:].astype(BF16), kgbf[:, 128:],
                         (((1,), (1,)), ((), ())), preferred_element_type=F32)
    sT = s1 + s2
    col = lax.broadcasted_iota(I32, (B, EB), 1) + i * EB
    sT = jnp.where(col < E, sT, F32(-3e38))
    s_scr[:, pl.ds(i * EB, EB)] = sT

    @pl.when(i == NB - 1)
    def _():
        s = s_scr[...]
        iota = lax.broadcasted_iota(I32, (B, E2), 1)
        out_iota = lax.broadcasted_iota(I32, (B, 128), 1)
        tk = jnp.zeros((B, 128), I32)
        for j in range(K):
            m = jnp.max(s, axis=1, keepdims=True)
            idx = jnp.min(jnp.where(s == m, iota, I32(E2)), axis=1,
                          keepdims=True)
            tk = jnp.where(out_iota == j, idx, tk)
            s = jnp.where(iota == idx, F32(-3e38), s)
        tki_ref[...] = tk


def _score_topk(h_pre, base, etype3, relp, x_lm, W2):
    clamp = lambda i: jnp.minimum(i, NBV - 1)
    return pl.pallas_call(
        _score_body,
        grid=(NB,),
        in_specs=[
            pl.BlockSpec((EB, D), lambda i: (i, 0)),
            pl.BlockSpec((EB, D), lambda i: (clamp(i), 0)),
            pl.BlockSpec((1, 1, EB), lambda i: (clamp(i), 0, 0)),
            pl.BlockSpec((RP, D), lambda i: (0, 0)),
            pl.BlockSpec((B, D), lambda i: (0, 0)),
            pl.BlockSpec((D, D), lambda i: (0, 0)),
        ],
        out_specs=pl.BlockSpec((B, 128), lambda i: (0, 0)),
        out_shape=jax.ShapeDtypeStruct((B, 128), I32),
        scratch_shapes=[pltpu.VMEM((B, E2), F32)],
    )(h_pre, base, etype3, relp, x_lm, W2)


def _gather_tail(xa, xb, h_pre, trip, neg_src, neg_tail, topk_pad):
    mesh = plsc.VectorSubcoreMesh(core_axis_name="c", subcore_axis_name="s")
    MN = B * K * NEG
    MC = 256
    nw_n = MN // NW
    nw_c = MC // NW

    @functools.partial(
        pl.kernel,
        out_type=(
            jax.ShapeDtypeStruct((MN, D), F32),
            jax.ShapeDtypeStruct((MN, D), F32),
            jax.ShapeDtypeStruct((MC, D), F32),
            jax.ShapeDtypeStruct((MC, D), F32),
        ),
        mesh=mesh,
        scratch_types=[
            pltpu.VMEM((nw_n,), I32),
            pltpu.VMEM((nw_n,), I32),
            pltpu.VMEM((nw_c,), I32),
            pltpu.VMEM((nw_n, D), F32),
            pltpu.VMEM((nw_n, D), F32),
            pltpu.VMEM((nw_c, D), F32),
            pltpu.VMEM((nw_c, D), F32),
            pltpu.SemaphoreType.DMA,
            pltpu.SemaphoreType.DMA,
            pltpu.SemaphoreType.DMA,
            pltpu.SemaphoreType.DMA,
        ],
    )
    def k(xa_h, xb_h, hp_h, tr_h, ns_h, nt_h, tk_h,
          o1, o2, o3, o4, i1, i2, i3, r1, r2, r3, r4, s1, s2, s3, s4):
        wid = lax.axis_index("s") * NC + lax.axis_index("c")
        pltpu.sync_copy(ns_h.at[pl.ds(wid * nw_n, nw_n)], i1)
        pltpu.sync_copy(nt_h.at[pl.ds(wid * nw_n, nw_n)], i2)
        pltpu.sync_copy(tk_h.at[pl.ds(wid * nw_c, nw_c)], i3)
        c1 = pltpu.async_copy(xa_h.at[i1], r1, s1)
        c2 = pltpu.async_copy(xb_h.at[i2], r2, s2)
        c3 = pltpu.async_copy(hp_h.at[i3], r3, s3)
        c4 = pltpu.async_copy(tr_h.at[i3], r4, s4)
        c1.wait()
        c2.wait()
        c3.wait()
        c4.wait()
        pltpu.sync_copy(r1, o1.at[pl.ds(wid * nw_n, nw_n)])
        pltpu.sync_copy(r2, o2.at[pl.ds(wid * nw_n, nw_n)])
        pltpu.sync_copy(r3, o3.at[pl.ds(wid * nw_c, nw_c)])
        pltpu.sync_copy(r4, o4.at[pl.ds(wid * nw_c, nw_c)])

    return k(xa, xb, h_pre, trip, neg_src, neg_tail, topk_pad)


def _tail_body(hc_ref, ca_ref, ct_ref, gxa_ref, gxb_ref, na_ref, nt_ref,
               w1c_ref, relp_ref, w2_ref, xlc_ref, xln_ref,
               cz_ref, nz_ref, pos_ref, neg_ref):
    w1c = w1c_ref[...]
    relp = relp_ref[...]
    w2 = w2_ref[...]
    ohc = (lax.broadcasted_iota(I32, (256, RP), 1) == ct_ref[...]).astype(F32)
    bc = (jnp.dot(ca_ref[...], w1c, preferred_element_type=F32, precision=HI)
          + jnp.dot(ohc, relp, preferred_element_type=F32, precision=HI))
    cz = jnp.dot(jnp.maximum(hc_ref[...] + bc, 0.0), w2,
                 preferred_element_type=F32, precision=HI)
    cz_ref[...] = cz
    pos = jnp.sum(cz * xlc_ref[...], axis=1, keepdims=True)
    pos_ref[...] = jnp.broadcast_to(pos, (256, 128))
    ohn = (lax.broadcasted_iota(I32, (B * K * NEG, RP), 1)
           == nt_ref[...]).astype(F32)
    bn = (jnp.dot(na_ref[...], w1c, preferred_element_type=F32, precision=HI)
          + jnp.dot(ohn, relp, preferred_element_type=F32, precision=HI))
    hn = gxa_ref[...] + gxb_ref[...] + bn
    nz = jnp.dot(jnp.maximum(hn, 0.0), w2, preferred_element_type=F32,
                 precision=HI)
    nz_ref[...] = nz
    neg = jnp.sum(nz * xln_ref[...], axis=1, keepdims=True)
    neg_ref[...] = jnp.broadcast_to(neg, (B * K * NEG, 128))


def _tail(h_cand, cand_attr, cand_type, gxa, gxb, neg_attr, neg_type,
          W1c, relp, W2, xl_rep_c, xl_rep_n):
    MN = B * K * NEG
    return pl.pallas_call(
        _tail_body,
        out_shape=[
            jax.ShapeDtypeStruct((256, D), F32),
            jax.ShapeDtypeStruct((MN, D), F32),
            jax.ShapeDtypeStruct((256, 128), F32),
            jax.ShapeDtypeStruct((MN, 128), F32),
        ],
    )(h_cand, cand_attr, cand_type, gxa, gxb, neg_attr, neg_type,
      W1c, relp, W2, xl_rep_c, xl_rep_n)


def kernel(x_lm, x, edge_index, edge_type, edge_attr, triplet_embedding,
           neg_tail, W1, rel_emb, W2, k):
    del k
    src = edge_index[0]
    dst = edge_index[1]

    xa = x @ W1[:D]
    xb = x @ W1[D:2 * D]
    base = edge_attr @ W1[2 * D:]
    pad_e = E2 - E
    src_pad = jnp.concatenate([src, jnp.zeros((pad_e,), I32)])
    dst_pad = jnp.concatenate([dst, jnp.zeros((pad_e,), I32)])
    etype3 = edge_type.reshape(NBV, 1, EB)
    relp = jnp.concatenate([rel_emb, jnp.zeros((RP - R, D), F32)])
    W1c = W1[2 * D:, :]

    h_pre = _gather_add_all(xa, xb, src_pad, dst_pad)

    tki = _score_topk(h_pre, base, etype3, relp, x_lm, W2)
    topk_idx = tki[:, :K]

    flat_tk = topk_idx.reshape(B * K)
    topk_pad = jnp.concatenate([flat_tk, jnp.zeros((256 - B * K,), I32)])
    cand_src = jnp.take(src, flat_tk, axis=0)
    cand_type = jnp.take(edge_type, flat_tk, axis=0)
    cand_attr = jnp.take(edge_attr, flat_tk, axis=0)

    neg_src = jnp.repeat(cand_src.reshape(B, K), NEG, axis=1).reshape(-1)
    neg_type_f = jnp.repeat(cand_type.reshape(B, K), NEG, axis=1).reshape(-1)
    neg_attr = jnp.repeat(cand_attr.reshape(B, K, DE), NEG, axis=1
                          ).reshape(-1, DE)
    neg_tail_f = neg_tail.reshape(-1)

    gxa, gxb, h_cand, trip_cand = _gather_tail(
        xa, xb, h_pre, triplet_embedding, neg_src, neg_tail_f, topk_pad)

    cand_attr_p = jnp.concatenate(
        [cand_attr, jnp.zeros((256 - B * K, DE), F32)])
    cand_type_p = jnp.concatenate(
        [cand_type, jnp.zeros((256 - B * K,), I32)]).reshape(256, 1)
    xl_rep_c = jnp.concatenate(
        [jnp.repeat(x_lm, K, axis=0), jnp.zeros((256 - B * K, D), F32)])
    xl_rep_n = jnp.repeat(x_lm, K * NEG, axis=0)

    cz, nz, pos, neg = _tail(
        h_cand, cand_attr_p, cand_type_p, gxa, gxb,
        neg_attr, neg_type_f.reshape(B * K * NEG, 1), W1c, relp, W2,
        xl_rep_c, xl_rep_n)

    candidates_z = cz[:B * K].reshape(B, K, D)
    negatives_z = nz.reshape(B, K * NEG, D)
    candidates_lm_z = trip_cand[:B * K].reshape(B, K, D)
    pos_scores = pos[:B * K, 0].reshape(B, K)
    neg_scores = neg[:, 0].reshape(B, K * NEG)

    return (x_lm, pos_scores, neg_scores, candidates_z, candidates_lm_z,
            negatives_z)

# --- scband reference (transcript-rebuilt; emitter-appended) ---
"""Pipeline reference for scband-sfavel-86208583565458 (READ-ONLY COPY).

The authoritative reference and input builder live on the scoring server;
editing this copy changes nothing except your own understanding.
"""

import jax, jax.numpy as jnp
import numpy as np

N = 10000
E = 160000
D = 256
DE = 16
R = 50
B = 16
K = 10
NS = 8


def _triplet_embed(x, src, dst, eattr, etype, W1, rel_emb, W2):
    # Simplified KnowledgeModel: edge (triplet) encoder producing one embedding per triplet.
    h = jnp.concatenate([x[src], x[dst], eattr], axis=-1)
    h = jax.nn.relu(h @ W1 + rel_emb[etype])
    return h @ W2


def setup_inputs(seed: int = 0):
    key = jax.random.key(seed)
    ks = jax.random.split(key, 12)
    x_lm = jax.random.normal(ks[0], (B, D), dtype=jnp.float32)
    x = jax.random.normal(ks[1], (N, D), dtype=jnp.float32) * 0.1
    edge_index = jax.random.randint(ks[2], (2, E), 0, N, dtype=jnp.int32)
    edge_type = jax.random.randint(ks[3], (E,), 0, R, dtype=jnp.int32)
    edge_attr = jax.random.normal(ks[4], (E, DE), dtype=jnp.float32)
    triplet_embedding = jax.random.normal(ks[5], (E, D), dtype=jnp.float32)
    neg_tail = jax.random.randint(ks[6], (B, K * NS), 0, N, dtype=jnp.int32)
    W1 = jax.random.normal(ks[7], (2 * D + DE, D), dtype=jnp.float32) * (1.0 / np.sqrt(2 * D + DE))
    rel_emb = jax.random.normal(ks[8], (R, D), dtype=jnp.float32) * 0.02
    W2 = jax.random.normal(ks[9], (D, D), dtype=jnp.float32) * (1.0 / np.sqrt(D))
    return {"x_lm": x_lm, "x": x, "edge_index": edge_index, "edge_type": edge_type,
            "edge_attr": edge_attr, "triplet_embedding": triplet_embedding,
            "neg_tail": neg_tail, "W1": W1, "rel_emb": rel_emb, "W2": W2, "k": K}


def reference(x_lm, x, edge_index, edge_type, edge_attr, triplet_embedding, neg_tail, W1, rel_emb, W2, k):
    src = edge_index[0]
    dst = edge_index[1]
    # Encode every KG triplet.
    kg_z = _triplet_embed(x, src, dst, edge_attr, edge_type, W1, rel_emb, W2)
    # score(x_lm, x_triplets): dot-product similarity against all triplets.
    scores = x_lm @ kg_z.T  # [B, E]
    scores = scores + jnp.asarray(k, scores.dtype) * 0.0
    k_static = neg_tail.shape[1] // NS
    _, topk_idx = jax.lax.top_k(scores, k_static)  # [B, k]
    # _get_top_k_triplets gathers
    cand_src = src[topk_idx]
    cand_dst = dst[topk_idx]
    cand_type = edge_type[topk_idx]
    cand_attr = edge_attr[topk_idx]
    candidates_z = kg_z[topk_idx]              # [B, k, D]
    candidates_lm_z = triplet_embedding[topk_idx]  # [B, k, D]
    # negative_sample: perturb tails of candidate triplets (no_grad in original).
    neg_src = jnp.repeat(cand_src, NS, axis=1)      # [B, k*NS]
    neg_type = jnp.repeat(cand_type, NS, axis=1)
    neg_attr = jnp.repeat(cand_attr, NS, axis=1)
    negatives_z = _triplet_embed(x, neg_src, neg_tail, neg_attr, neg_type, W1, rel_emb, W2)
    negatives_z = jax.lax.stop_gradient(negatives_z)  # [B, k*NS, D]
    pos_scores = jnp.einsum('bd,bkd->bk', x_lm, candidates_z)
    neg_scores = jnp.einsum('bd,bnd->bn', x_lm, negatives_z)
    return (x_lm, pos_scores, neg_scores, candidates_z, candidates_lm_z, negatives_z)

if __name__ == "__main__":
    import jax
    _d = setup_inputs()
    print(jax.jit(kernel)(*tuple(_d.values())))

</pallas_src>

<mosaic_0001>
#map = affine_map<(d0, d1) -> (0, 0)>
#map1 = affine_map<(d0, d1) -> (0)>
module attributes {stable_mosaic.version = 14 : i64} {
  func.func @k(%arg0: i32, %arg1: i32, %arg2: memref<10000x256xf32, #tpu.memory_space<hbm>>, %arg3: memref<10000x256xf32, #tpu.memory_space<hbm>>, %arg4: memref<163840xi32, #tpu.memory_space<hbm>>, %arg5: memref<163840xi32, #tpu.memory_space<hbm>>, %arg6: memref<163840x256xf32, #tpu.memory_space<hbm>>, %arg7: memref<80xi32, #tpu.memory_space<vmem>>, %arg8: memref<80xi32, #tpu.memory_space<vmem>>, %arg9: memref<80x256xf32, #tpu.memory_space<vmem>>, %arg10: memref<80x256xf32, #tpu.memory_space<vmem>>, %arg11: memref<80xi32, #tpu.memory_space<vmem>>, %arg12: memref<80xi32, #tpu.memory_space<vmem>>, %arg13: memref<80x256xf32, #tpu.memory_space<vmem>>, %arg14: memref<80x256xf32, #tpu.memory_space<vmem>>, %arg15: memref<!tpu.dma_semaphore, #tpu.memory_space<semaphore_mem>>, %arg16: memref<!tpu.dma_semaphore, #tpu.memory_space<semaphore_mem>>, %arg17: memref<!tpu.dma_semaphore, #tpu.memory_space<semaphore_mem>>, %arg18: memref<!tpu.dma_semaphore, #tpu.memory_space<semaphore_mem>>) attributes {dimension_semantics = [#tpu.dimension_semantics<core_parallel>, #tpu.dimension_semantics<subcore_parallel>], iteration_bounds = array<i64: 2, 16>, scalar_prefetch = 0 : i64, scratch_operands = 12 : i64, tpu.core_type = #tpu.core_type<sc_vector_subcore>, window_params = [{transform_indices = #map}, {transform_indices = #map}, {transform_indices = #map1}, {transform_indices = #map1}, {transform_indices = #map}]} {
    %mul3A = arith.constant 2 : i32
    %mul3A_0 = arith.muli %arg1, %mul3A : i32
    %add3A = arith.addi %mul3A_0, %arg0 : i32
    %mul3A_1 = arith.constant 5120 : i32
    %mul3A_2 = arith.muli %add3A, %mul3A_1 : i32
    %add3A_3 = arith.constant 0 : i32
    %add3A_4 = arith.addi %mul3A_2, %add3A_3 : i32
    %multiple_of3A = tpu.assume_multiple %add3A_4, 80 : i32
    "tpu.region"() ({
      %run_scoped3A = tpu.sem_alloc : memref<!tpu.dma_semaphore, #tpu.memory_space<semaphore_mem>>
      %dma_start3A_15 = tpu.memref_slice %arg4[%multiple_of3A] : memref<163840xi32, #tpu.memory_space<hbm>> -> memref<80xi32, #tpu.memory_space<hbm>>
      %dma_start3A_16 = tpu.memref_slice %arg4[%multiple_of3A] : memref<163840xi32, #tpu.memory_space<hbm>> -> memref<80xi32, #tpu.memory_space<hbm>>
      tpu.enqueue_dma source(%dma_start3A_16 : memref<80xi32, #tpu.memory_space<hbm>>) target(%arg7 : memref<80xi32, #tpu.memory_space<vmem>>) target_semaphore(%run_scoped3A : memref<!tpu.dma_semaphore, #tpu.memory_space<semaphore_mem>>)
      %dma_wait3A = tpu.memref_slice %arg4[%multiple_of3A] : memref<163840xi32, #tpu.memory_space<hbm>> -> memref<80xi32, #tpu.memory_space<hbm>>
      %dma_wait3A_17 = tpu.memref_slice %arg4[%multiple_of3A] : memref<163840xi32, #tpu.memory_space<hbm>> -> memref<80xi32, #tpu.memory_space<hbm>>
      tpu.wait_dma2 semaphore(%run_scoped3A : memref<!tpu.dma_semaphore, #tpu.memory_space<semaphore_mem>>) src(%dma_wait3A_17 : memref<80xi32, #tpu.memory_space<hbm>>) dst(%arg7 : memref<80xi32, #tpu.memory_space<vmem>>)
      tpu.yield
    }) : () -> ()
    "tpu.region"() ({
      %run_scoped3A = tpu.sem_alloc : memref<!tpu.dma_semaphore, #tpu.memory_space<semaphore_mem>>
      %dma_start3A_15 = tpu.memref_slice %arg5[%multiple_of3A] : memref<163840xi32, #tpu.memory_space<hbm>> -> memref<80xi32, #tpu.memory_space<hbm>>
      %dma_start3A_16 = tpu.memref_slice %arg5[%multiple_of3A] : memref<163840xi32, #tpu.memory_space<hbm>> -> memref<80xi32, #tpu.memory_space<hbm>>
      tpu.enqueue_dma source(%dma_start3A_16 : memref<80xi32, #tpu.memory_space<hbm>>) target(%arg8 : memref<80xi32, #tpu.memory_space<vmem>>) target_semaphore(%run_scoped3A : memref<!tpu.dma_semaphore, #tpu.memory_space<semaphore_mem>>)
      %dma_wait3A = tpu.memref_slice %arg5[%multiple_of3A] : memref<163840xi32, #tpu.memory_space<hbm>> -> memref<80xi32, #tpu.memory_space<hbm>>
      %dma_wait3A_17 = tpu.memref_slice %arg5[%multiple_of3A] : memref<163840xi32, #tpu.memory_space<hbm>> -> memref<80xi32, #tpu.memory_space<hbm>>
      tpu.wait_dma2 semaphore(%run_scoped3A : memref<!tpu.dma_semaphore, #tpu.memory_space<semaphore_mem>>) src(%dma_wait3A_17 : memref<80xi32, #tpu.memory_space<hbm>>) dst(%arg8 : memref<80xi32, #tpu.memory_space<vmem>>)
      tpu.yield
    }) : () -> ()
    %dma_start3A = arith.constant 0 : i32
    %dma_start3A_5 = arith.constant 0 : i32
    %dma_start3A_6 = tpu.memref_slice %arg2[%dma_start3A, %dma_start3A_5] : memref<10000x256xf32, #tpu.memory_space<hbm>> -> memref<10000x256xf32, #tpu.memory_space<hbm>>
    tpu.enqueue_indirect_dma source(%dma_start3A_6 : memref<10000x256xf32, #tpu.memory_space<hbm>>) target(%arg9 : memref<80x256xf32, #tpu.memory_space<vmem>>) offsets(%arg7 : memref<80xi32, #tpu.memory_space<vmem>>) semaphore(%arg15 : memref<!tpu.dma_semaphore, #tpu.memory_space<semaphore_mem>>)
    %dma_start3A_7 = arith.constant 0 : i32
    %dma_start3A_8 = arith.constant 0 : i32
    %dma_start3A_9 = tpu.memref_slice %arg3[%dma_start3A_7, %dma_start3A_8] : memref<10000x256xf32, #tpu.memory_space<hbm>> -> memref<10000x256xf32, #tpu.memory_space<hbm>>
    tpu.enqueue_indirect_dma source(%dma_start3A_9 : memref<10000x256xf32, #tpu.memory_space<hbm>>) target(%arg10 : memref<80x256xf32, #tpu.memory_space<vmem>>) offsets(%arg8 : memref<80xi32, #tpu.memory_space<vmem>>) semaphore(%arg16 : memref<!tpu.dma_semaphore, #tpu.memory_space<semaphore_mem>>)
    %scan3A = arith.constant 0 : i32
    %scan3A_10 = arith.constant 0 : i32
    %scan3A_11 = arith.constant 32 : i32
    %scan3A_12 = arith.addi %scan3A_10, %scan3A_11 : i32
    %scan3A_13 = arith.constant 1 : i32
    scf.for %scan3A_15 = %scan3A_10 to %scan3A_12 step %scan3A_13  : i32 {
      %mul3A_16 = arith.constant 2 : i32
      %mul3A_17 = arith.muli %scan3A_15, %mul3A_16 : i32
      %add3A_18 = arith.constant 1 : i32
      %add3A_19 = arith.addi %mul3A_17, %add3A_18 : i32
      %mul3A_20 = arith.constant 80 : i32
      %mul3A_21 = arith.muli %add3A_19, %mul3A_20 : i32
      %add3A_22 = arith.addi %mul3A_2, %mul3A_21 : i32
      %multiple_of3A_23 = tpu.assume_multiple %add3A_22, 80 : i32
      "tpu.region"() ({
        %run_scoped3A = tpu.sem_alloc : memref<!tpu.dma_semaphore, #tpu.memory_space<semaphore_mem>>
        %dma_start3A_65 = tpu.memref_slice %arg4[%multiple_of3A_23] : memref<163840xi32, #tpu.memory_space<hbm>> -> memref<80xi32, #tpu.memory_space<hbm>>
        %dma_start3A_66 = tpu.memref_slice %arg4[%multiple_of3A_23] : memref<163840xi32, #tpu.memory_space<hbm>> -> memref<80xi32, #tpu.memory_space<hbm>>
        tpu.enqueue_dma source(%dma_start3A_66 : memref<80xi32, #tpu.memory_space<hbm>>) target(%arg11 : memref<80xi32, #tpu.memory_space<vmem>>) target_semaphore(%run_scoped3A : memref<!tpu.dma_semaphore, #tpu.memory_space<semaphore_mem>>)
        %dma_wait3A_67 = tpu.memref_slice %arg4[%multiple_of3A_23] : memref<163840xi32, #tpu.memory_space<hbm>> -> memref<80xi32, #tpu.memory_space<hbm>>
        %dma_wait3A_68 = tpu.memref_slice %arg4[%multiple_of3A_23] : memref<163840xi32, #tpu.memory_space<hbm>> -> memref<80xi32, #tpu.memory_space<hbm>>
        tpu.wait_dma2 semaphore(%run_scoped3A : memref<!tpu.dma_semaphore, #tpu.memory_space<semaphore_mem>>) src(%dma_wait3A_68 : memref<80xi32, #tpu.memory_space<hbm>>) dst(%arg11 : memref<80xi32, #tpu.memory_space<vmem>>)
        tpu.yield
      }) : () -> ()
      "tpu.region"() ({
        %run_scoped3A = tpu.sem_alloc : memref<!tpu.dma_semaphore, #tpu.memory_space<semaphore_mem>>
        %dma_start3A_65 = tpu.memref_slice %arg5[%multiple_of3A_23] : memref<163840xi32, #tpu.memory_space<hbm>> -> memref<80xi32, #tpu.memory_space<hbm>>
        %dma_start3A_66 = tpu.memref_slice %arg5[%multiple_of3A_23] : memref<163840xi32, #tpu.memory_space<hbm>> -> memref<80xi32, #tpu.memory_space<hbm>>
        tpu.enqueue_dma source(%dma_start3A_66 : memref<80xi32, #tpu.memory_space<hbm>>) target(%arg12 : memref<80xi32, #tpu.memory_space<vmem>>) target_semaphore(%run_scoped3A : memref<!tpu.dma_semaphore, #tpu.memory_space<semaphore_mem>>)
        %dma_wait3A_67 = tpu.memref_slice %arg5[%multiple_of3A_23] : memref<163840xi32, #tpu.memory_space<hbm>> -> memref<80xi32, #tpu.memory_space<hbm>>
        %dma_wait3A_68 = tpu.memref_slice %arg5[%multiple_of3A_23] : memref<163840xi32, #tpu.memory_space<hbm>> -> memref<80xi32, #tpu.memory_space<hbm>>
        tpu.wait_dma2 semaphore(%run_scoped3A : memref<!tpu.dma_semaphore, #tpu.memory_space<semaphore_mem>>) src(%dma_wait3A_68 : memref<80xi32, #tpu.memory_space<hbm>>) dst(%arg12 : memref<80xi32, #tpu.memory_space<vmem>>)
        tpu.yield
      }) : () -> ()
      %dma_start3A_24 = arith.constant 0 : i32
      %dma_start3A_25 = arith.constant 0 : i32
      %dma_start3A_26 = tpu.memref_slice %arg2[%dma_start3A_24, %dma_start3A_25] : memref<10000x256xf32, #tpu.memory_space<hbm>> -> memref<10000x256xf32, #tpu.memory_space<hbm>>
      tpu.enqueue_indirect_dma source(%dma_start3A_26 : memref<10000x256xf32, #tpu.memory_space<hbm>>) target(%arg13 : memref<80x256xf32, #tpu.memory_space<vmem>>) offsets(%arg11 : memref<80xi32, #tpu.memory_space<vmem>>) semaphore(%arg17 : memref<!tpu.dma_semaphore, #tpu.memory_space<semaphore_mem>>)
      %dma_start3A_27 = arith.constant 0 : i32
      %dma_start3A_28 = arith.constant 0 : i32
      %dma_start3A_29 = tpu.memref_slice %arg3[%dma_start3A_27, %dma_start3A_28] : memref<10000x256xf32, #tpu.memory_space<hbm>> -> memref<10000x256xf32, #tpu.memory_space<hbm>>
      tpu.enqueue_indirect_dma source(%dma_start3A_29 : memref<10000x256xf32, #tpu.memory_space<hbm>>) target(%arg14 : memref<80x256xf32, #tpu.memory_space<vmem>>) offsets(%arg12 : memref<80xi32, #tpu.memory_space<vmem>>) semaphore(%arg18 : memref<!tpu.dma_semaphore, #tpu.memory_space<semaphore_mem>>)
      %mul3A_30 = arith.constant 80 : i32
      %mul3A_31 = arith.muli %mul3A_17, %mul3A_30 : i32
      %add3A_32 = arith.addi %mul3A_2, %mul3A_31 : i32
      %multiple_of3A_33 = tpu.assume_multiple %add3A_32, 80 : i32
      %dma_wait3A = arith.constant 0 : i32
      %dma_wait3A_34 = arith.constant 0 : i32
      %dma_wait3A_35 = tpu.memref_slice %arg2[%dma_wait3A, %dma_wait3A_34] : memref<10000x256xf32, #tpu.memory_space<hbm>> -> memref<10000x256xf32, #tpu.memory_space<hbm>>
      tpu.wait_indirect_dma semaphore(%arg15 : memref<!tpu.dma_semaphore, #tpu.memory_space<semaphore_mem>>) src(%dma_wait3A_35 : memref<10000x256xf32, #tpu.memory_space<hbm>>) dst(%arg9 : memref<80x256xf32, #tpu.memory_space<vmem>>)
      %dma_wait3A_36 = arith.constant 0 : i32
      %dma_wait3A_37 = arith.constant 0 : i32
      %dma_wait3A_38 = tpu.memref_slice %arg3[%dma_wait3A_36, %dma_wait3A_37] : memref<10000x256xf32, #tpu.memory_space<hbm>> -> memref<10000x256xf32, #tpu.memory_space<hbm>>
      tpu.wait_indirect_dma semaphore(%arg16 : memref<!tpu.dma_semaphore, #tpu.memory_space<semaphore_mem>>) src(%dma_wait3A_38 : memref<10000x256xf32, #tpu.memory_space<hbm>>) dst(%arg10 : memref<80x256xf32, #tpu.memory_space<vmem>>)
      %scan3A_39 = arith.constant 0 : i32
      %scan3A_40 = arith.constant 0 : i32
      %scan3A_41 = arith.constant 80 : i32
      %scan3A_42 = arith.addi %scan3A_40, %scan3A_41 : i32
      %scan3A_43 = arith.constant 4 : i32
      scf.for %scan3A_65 = %scan3A_40 to %scan3A_42 step %scan3A_43  : i32 {
        %get3A = arith.index_cast %scan3A_65 : i32 to index
        %get3A_66 = arith.constant 0 : index
        %get3A_67 = tpu.vector_load %arg9[%get3A, %get3A_66] {strides = array<i32>} : memref<80x256xf32, #tpu.memory_space<vmem>>, vector<1x16xf32>,
        %get3A_68 = vector.shape_cast %get3A_67 : vector<1x16xf32> to vector<16xf32>
        %get3A_69 = arith.index_cast %scan3A_65 : i32 to index
        %get3A_70 = arith.constant 0 : index
        %get3A_71 = tpu.vector_load %arg10[%get3A_69, %get3A_70] {strides = array<i32>} : memref<80x256xf32, #tpu.memory_space<vmem>>, vector<1x16xf32>,
        %get3A_72 = vector.shape_cast %get3A_71 : vector<1x16xf32> to vector<16xf32>
        %add3A_73 = arith.addf %get3A_68, %get3A_72 : vector<16xf32>
        %swap3A = arith.index_cast %scan3A_65 : i32 to index
        %swap3A_74 = arith.constant 0 : index
        %swap3A_75 = tpu.vector_load %arg9[%swap3A, %swap3A_74] {strides = array<i32>} : memref<80x256xf32, #tpu.memory_space<vmem>>, vector<1x16xf32>,
        %swap3A_76 = vector.shape_cast %swap3A_75 : vector<1x16xf32> to vector<16xf32>
        %swap3A_77 = vector.shape_cast %add3A_73 : vector<16xf32> to vector<1x16xf32>
        tpu.vector_store %arg9[%swap3A, %swap3A_74], %swap3A_77 {strides = array<i32>} : memref<80x256xf32, #tpu.memory_space<vmem>>, vector<1x16xf32>,
        %get3A_78 = arith.index_cast %scan3A_65 : i32 to index
        %get3A_79 = arith.constant 16 : index
        %get3A_80 = tpu.vector_load %arg9[%get3A_78, %get3A_79] {strides = array<i32>} : memref<80x256xf32, #tpu.memory_space<vmem>>, vector<1x16xf32>,
        %get3A_81 = vector.shape_cast %get3A_80 : vector<1x16xf32> to vector<16xf32>
        %get3A_82 = arith.index_cast %scan3A_65 : i32 to index
        %get3A_83 = arith.constant 16 : index
        %get3A_84 = tpu.vector_load %arg10[%get3A_82, %get3A_83] {strides = array<i32>} : memref<80x256xf32, #tpu.memory_space<vmem>>, vector<1x16xf32>,
        %get3A_85 = vector.shape_cast %get3A_84 : vector<1x16xf32> to vector<16xf32>
        %add3A_86 = arith.addf %get3A_81, %get3A_85 : vector<16xf32>
        %swap3A_87 = arith.index_cast %scan3A_65 : i32 to index
        %swap3A_88 = arith.constant 16 : index
        %swap3A_89 = tpu.vector_load %arg9[%swap3A_87, %swap3A_88] {strides = array<i32>} : memref<80x256xf32, #tpu.memory_space<vmem>>, vector<1x16xf32>,
        %swap3A_90 = vector.shape_cast %swap3A_89 : vector<1x16xf32> to vector<16xf32>
        %swap3A_91 = vector.shape_cast %add3A_86 : vector<16xf32> to vector<1x16xf32>
        tpu.vector_store %arg9[%swap3A_87, %swap3A_88], %swap3A_91 {strides = array<i32>} : memref<80x256xf32, #tpu.memory_space<vmem>>, vector<1x16xf32>,
        %get3A_92 = arith.index_cast %scan3A_65 : i32 to index
        %get3A_93 = arith.constant 32 : index
        %get3A_94 = tpu.vector_load %arg9[%get3A_92, %get3A_93] {strides = array<i32>} : memref<80x256xf32, #tpu.memory_space<vmem>>, vector<1x16xf32>,
        %get3A_95 = vector.shape_cast %get3A_94 : vector<1x16xf32> to vector<16xf32>
        %get3A_96 = arith.index_cast %scan3A_65 : i32 to index
        %get3A_97 = arith.constant 32 : index
        %get3A_98 = tpu.vector_load %arg10[%get3A_96, %get3A_97] {strides = array<i32>} : memref<80x256xf32, #tpu.memory_space<vmem>>, vector<1x16xf32>,
        %get3A_99 = vector.shape_cast %get3A_98 : vector<1x16xf32> to vector<16xf32>
        %add3A_100 = arith.addf %get3A_95, %get3A_99 : vector<16xf32>
        %swap3A_101 = arith.index_cast %scan3A_65 : i32 to index
        %swap3A_102 = arith.constant 32 : index
        %swap3A_103 = tpu.vector_load %arg9[%swap3A_101, %swap3A_102] {strides = array<i32>} : memref<80x256xf32, #tpu.memory_space<vmem>>, vector<1x16xf32>,
        %swap3A_104 = vector.shape_cast %swap3A_103 : vector<1x16xf32> to vector<16xf32>
        %swap3A_105 = vector.shape_cast %add3A_100 : vector<16xf32> to vector<1x16xf32>
        tpu.vector_store %arg9[%swap3A_101, %swap3A_102], %swap3A_105 {strides = array<i32>} : memref<80x256xf32, #tpu.memory_space<vmem>>, vector<1x16xf32>,
        %get3A_106 = arith.index_cast %scan3A_65 : i32 to index
        %get3A_107 = arith.constant 48 : index
        %get3A_108 = tpu.vector_load %arg9[%get3A_106, %get3A_107] {strides = array<i32>} : memref<80x256xf32, #tpu.memory_space<vmem>>, vector<1x16xf32>,
        %get3A_109 = vector.shape_cast %get3A_108 : vector<1x16xf32> to vector<16xf32>
        %get3A_110 = arith.index_cast %scan3A_65 : i32 to index
        %get3A_111 = arith.constant 48 : index
        %get3A_112 = tpu.vector_load %arg10[%get3A_110, %get3A_111] {strides = array<i32>} : memref<80x256xf32, #tpu.memory_space<vmem>>, vector<1x16xf32>,
        %get3A_113 = vector.shape_cast %get3A_112 : vector<1x16xf32> to vector<16xf32>
        %add3A_114 = arith.addf %get3A_109, %get3A_113 : vector<16xf32>
        %swap3A_115 = arith.index_cast %scan3A_65 : i32 to index
        %swap3A_116 = arith.constant 48 : index
        %swap3A_117 = tpu.vector_load %arg9[%swap3A_115, %swap3A_116] {strides = array<i32>} : memref<80x256xf32, #tpu.memory_space<vmem>>, vector<1x16xf32>,
        %swap3A_118 = vector.shape_cast %swap3A_117 : vector<1x16xf32> to vector<16xf32>
        %swap3A_119 = vector.shape_cast %add3A_114 : vector<16xf32> to vector<1x16xf32>
        tpu.vector_store %arg9[%swap3A_115, %swap3A_116], %swap3A_119 {strides = array<i32>} : memref<80x256xf32, #tpu.memory_space<vmem>>, vector<1x16xf32>,
        %get3A_120 = arith.index_cast %scan3A_65 : i32 to index
        %get3A_121 = arith.constant 64 : index
        %get3A_122 = tpu.vector_load %arg9[%get3A_120, %get3A_121] {strides = array<i32>} : memref<80x256xf32, #tpu.memory_space<vmem>>, vector<1x16xf32>,
        %get3A_123 = vector.shape_cast %get3A_122 : vector<1x16xf32> to vector<16xf32>
        %get3A_124 = arith.index_cast %scan3A_65 : i32 to index
        %get3A_125 = arith.constant 64 : index
        %get3A_126 = tpu.vector_load %arg10[%get3A_124, %get3A_125] {strides = array<i32>} : memref<80x256xf32, #tpu.memory_space<vmem>>, vector<1x16xf32>,
        %get3A_127 = vector.shape_cast %get3A_126 : vector<1x16xf32> to vector<16xf32>
        %add3A_128 = arith.addf %get3A_123, %get3A_127 : vector<16xf32>
        %swap3A_129 = arith.index_cast %scan3A_65 : i32 to index
        %swap3A_130 = arith.constant 64 : index
        %swap3A_131 = tpu.vector_load %arg9[%swap3A_129, %swap3A_130] {strides = array<i32>} : memref<80x256xf32, #tpu.memory_space<vmem>>, vector<1x16xf32>,
        %swap3A_132 = vector.shape_cast %swap3A_131 : vector<1x16xf32> to vector<16xf32>
        %swap3A_133 = vector.shape_cast %add3A_128 : vector<16xf32> to vector<1x16xf32>
        tpu.vector_store %arg9[%swap3A_129, %swap3A_130], %swap3A_133 {strides = array<i32>} : memref<80x256xf32, #tpu.memory_space<vmem>>, vector<1x16xf32>,
        %get3A_134 = arith.index_cast %scan3A_65 : i32 to index
        %get3A_135 = arith.constant 80 : index
        %get3A_136 = tpu.vector_load %arg9[%get3A_134, %get3A_135] {strides = array<i32>} : memref<80x256xf32, #tpu.memory_space<vmem>>, vector<1x16xf32>,
        %get3A_137 = vector.shape_cast %get3A_136 : vector<1x16xf32> to vector<16xf32>
        %get3A_138 = arith.index_cast %scan3A_65 : i32 to index
        %get3A_139 = arith.constant 80 : index
        %get3A_140 = tpu.vector_load %arg10[%get3A_138, %get3A_139] {strides = array<i32>} : memref<80x256xf32, #tpu.memory_space<vmem>>, vector<1x16xf32>,
        %get3A_141 = vector.shape_cast %get3A_140 : vector<1x16xf32> to vector<16xf32>
        %add3A_142 = arith.addf %get3A_137, %get3A_141 : vector<16xf32>
        %swap3A_143 = arith.index_cast %scan3A_65 : i32 to index
        %swap3A_144 = arith.constant 80 : index
        %swap3A_145 = tpu.vector_load %arg9[%swap3A_143, %swap3A_144] {strides = array<i32>} : memref<80x256xf32, #tpu.memory_space<vmem>>, vector<1x16xf32>,
        %swap3A_146 = vector.shape_cast %swap3A_145 : vector<1x16xf32> to vector<16xf32>
        %swap3A_147 = vector.shape_cast %add3A_142 : vector<16xf32> to vector<1x16xf32>
        tpu.vector_store %arg9[%swap3A_143, %swap3A_144], %swap3A_147 {strides = array<i32>} : memref<80x256xf32, #tpu.memory_space<vmem>>, vector<1x16xf32>,
        %get3A_148 = arith.index_cast %scan3A_65 : i32 to index
        %get3A_149 = arith.constant 96 : index
        %get3A_150 = tpu.vector_load %arg9[%get3A_148, %get3A_149] {strides = array<i32>} : memref<80x256xf32, #tpu.memory_space<vmem>>, vector<1x16xf32>,
        %get3A_151 = vector.shape_cast %get3A_150 : vector<1x16xf32> to vector<16xf32>
        %get3A_152 = arith.index_cast %scan3A_65 : i32 to index
        %get3A_153 = arith.constant 96 : index
        %get3A_154 = tpu.vector_load %arg10[%get3A_152, %get3A_153] {strides = array<i32>} : memref<80x256xf32, #tpu.memory_space<vmem>>, vector<1x16xf32>,
        %get3A_155 = vector.shape_cast %get3A_154 : vector<1x16xf32> to vector<16xf32>
        %add3A_156 = arith.addf %get3A_151, %get3A_155 : vector<16xf32>
        %swap3A_157 = arith.index_cast %scan3A_65 : i32 to index
        %swap3A_158 = arith.constant 96 : index
        %swap3A_159 = tpu.vector_load %arg9[%swap3A_157, %swap3A_158] {strides = array<i32>} : memref<80x256xf32, #tpu.memory_space<vmem>>, vector<1x16xf32>,
        %swap3A_160 = vector.shape_cast %swap3A_159 : vector<1x16xf32> to vector<16xf32>
        %swap3A_161 = vector.shape_cast %add3A_156 : vector<16xf32> to vector<1x16xf32>
        tpu.vector_store %arg9[%swap3A_157, %swap3A_158], %swap3A_161 {strides = array<i32>} : memref<80x256xf32, #tpu.memory_space<vmem>>, vector<1x16xf32>,
        %get3A_162 = arith.index_cast %scan3A_65 : i32 to index
        %get3A_163 = arith.constant 112 : index
        %get3A_164 = tpu.vector_load %arg9[%get3A_162, %get3A_163] {strides = array<i32>} : memref<80x256xf32, #tpu.memory_space<vmem>>, vector<1x16xf32>,
        %get3A_165 = vector.shape_cast %get3A_164 : vector<1x16xf32> to vector<16xf32>
        %get3A_166 = arith.index_cast %scan3A_65 : i32 to index
        %get3A_167 = arith.constant 112 : index
        %get3A_168 = tpu.vector_load %arg10[%get3A_166, %get3A_167] {strides = array<i32>} : memref<80x256xf32, #tpu.memory_space<vmem>>, vector<1x16xf32>,
        %get3A_169 = vector.shape_cast %get3A_168 : vector<1x16xf32> to vector<16xf32>
        %add3A_170 = arith.addf %get3A_165, %get3A_169 : vector<16xf32>
        %swap3A_171 = arith.index_cast %scan3A_65 : i32 to index
        %swap3A_172 = arith.constant 112 : index
        %swap3A_173 = tpu.vector_load %arg9[%swap3A_171, %swap3A_172] {strides = array<i32>} : memref<80x256xf32, #tpu.memory_space<vmem>>, vector<1x16xf32>,
        %swap3A_174 = vector.shape_cast %swap3A_173 : vector<1x16xf32> to vector<16xf32>
        %swap3A_175 = vector.shape_cast %add3A_170 : vector<16xf32> to vector<1x16xf32>
        tpu.vector_store %arg9[%swap3A_171, %swap3A_172], %swap3A_175 {strides = array<i32>} : memref<80x256xf32, #tpu.memory_space<vmem>>, vector<1x16xf32>,
        %get3A_176 = arith.index_cast %scan3A_65 : i32 to index
        %get3A_177 = arith.constant 128 : index
        %get3A_178 = tpu.vector_load %arg9[%get3A_176, %get3A_177] {strides = array<i32>} : memref<80x256xf32, #tpu.memory_space<vmem>>, vector<1x16xf32>,
        %get3A_179 = vector.shape_cast %get3A_178 : vector<1x16xf32> to vector<16xf32>
        %get3A_180 = arith.index_cast %scan3A_65 : i32 to index
        %get3A_181 = arith.constant 128 : index
        %get3A_182 = tpu.vector_load %arg10[%get3A_180, %get3A_181] {strides = array<i32>} : memref<80x256xf32, #tpu.memory_space<vmem>>, vector<1x16xf32>,
        %get3A_183 = vector.shape_cast %get3A_182 : vector<1x16xf32> to vector<16xf32>
        %add3A_184 = arith.addf %get3A_179, %get3A_183 : vector<16xf32>
        %swap3A_185 = arith.index_cast %scan3A_65 : i32 to index
        %swap3A_186 = arith.constant 128 : index
        %swap3A_187 = tpu.vector_load %arg9[%swap3A_185, %swap3A_186] {strides = array<i32>} : memref<80x256xf32, #tpu.memory_space<vmem>>, vector<1x16xf32>,
        %swap3A_188 = vector.shape_cast %swap3A_187 : vector<1x16xf32> to vector<16xf32>
        %swap3A_189 = vector.shape_cast %add3A_184 : vector<16xf32> to vector<1x16xf32>
        tpu.vector_store %arg9[%swap3A_185, %swap3A_186], %swap3A_189 {strides = array<i32>} : memref<80x256xf32, #tpu.memory_space<vmem>>, vector<1x16xf32>,
        %get3A_190 = arith.index_cast %scan3A_65 : i32 to index
        %get3A_191 = arith.constant 144 : index
        %get3A_192 = tpu.vector_load %arg9[%get3A_190, %get3A_191] {strides = array<i32>} : memref<80x256xf32, #tpu.memory_space<vmem>>, vector<1x16xf32>,
        %get3A_193 = vector.shape_cast %get3A_192 : vector<1x16xf32> to vector<16xf32>
        %get3A_194 = arith.index_cast %scan3A_65 : i32 to index
        %get3A_195 = arith.constant 144 : index
        %get3A_196 = tpu.vector_load %arg10[%get3A_194, %get3A_195] {strides = array<i32>} : memref<80x256xf32, #tpu.memory_space<vmem>>, vector<1x16xf32>,
        %get3A_197 = vector.shape_cast %get3A_196 : vector<1x16xf32> to vector<16xf32>
        %add3A_198 = arith.addf %get3A_193, %get3A_197 : vector<16xf32>
        %swap3A_199 = arith.index_cast %scan3A_65 : i32 to index
        %swap3A_200 = arith.constant 144 : index
        %swap3A_201 = tpu.vector_load %arg9[%swap3A_199, %swap3A_200] {strides = array<i32>} : memref<80x256xf32, #tpu.memory_space<vmem>>, vector<1x16xf32>,
        %swap3A_202 = vector.shape_cast %swap3A_201 : vector<1x16xf32> to vector<16xf32>
        %swap3A_203 = vector.shape_cast %add3A_198 : vector<16xf32> to vector<1x16xf32>
        tpu.vector_store %arg9[%swap3A_199, %swap3A_200], %swap3A_203 {strides = array<i32>} : memref<80x256xf32, #tpu.memory_space<vmem>>, vector<1x16xf32>,
        %get3A_204 = arith.index_cast %scan3A_65 : i32 to index
        %get3A_205 = arith.constant 160 : index
        %get3A_206 = tpu.vector_load %arg9[%get3A_204, %get3A_205] {strides = array<i32>} : memref<80x256xf32, #tpu.memory_space<vmem>>, vector<1x16xf32>,
        %get3A_207 = vector.shape_cast %get3A_206 : vector<1x16xf32> to vector<16xf32>
        %get3A_208 = arith.index_cast %scan3A_65 : i32 to index
        %get3A_209 = arith.constant 160 : index
        %get3A_210 = tpu.vector_load %arg10[%get3A_208, %get3A_209] {strides = array<i32>} : memref<80x256xf32, #tpu.memory_space<vmem>>, vector<1x16xf32>,
        %get3A_211 = vector.shape_cast %get3A_210 : vector<1x16xf32> to vector<16xf32>
        %add3A_212 = arith.addf %get3A_207, %get3A_211 : vector<16xf32>
        %swap3A_213 = arith.index_cast %scan3A_65 : i32 to index
        %swap3A_214 = arith.constant 160 : index
        %swap3A_215 = tpu.vector_load %arg9[%swap3A_213, %swap3A_214] {strides = array<i32>} : memref<80x256xf32, #tpu.memory_space<vmem>>, vector<1x16xf32>,
        %swap3A_216 = vector.shape_cast %swap3A_215 : vector<1x16xf32> to vector<16xf32>
        %swap3A_217 = vector.shape_cast %add3A_212 : vector<16xf32> to vector<1x16xf32>
        tpu.vector_store %arg9[%swap3A_213, %swap3A_214], %swap3A_217 {strides = array<i32>} : memref<80x256xf32, #tpu.memory_space<vmem>>, vector<1x16xf32>,
        %get3A_218 = arith.index_cast %scan3A_65 : i32 to index
        %get3A_219 = arith.constant 176 : index
        %get3A_220 = tpu.vector_load %arg9[%get3A_218, %get3A_219] {strides = array<i32>} : memref<80x256xf32, #tpu.memory_space<vmem>>, vector<1x16xf32>,
        %get3A_221 = vector.shape_cast %get3A_220 : vector<1x16xf32> to vector<16xf32>
        %get3A_222 = arith.index_cast %scan3A_65 : i32 to index
        %get3A_223 = arith.constant 176 : index
        %get3A_224 = tpu.vector_load %arg10[%get3A_222, %get3A_223] {strides = array<i32>} : memref<80x256xf32, #tpu.memory_space<vmem>>, vector<1x16xf32>,
        %get3A_225 = vector.shape_cast %get3A_224 : vector<1x16xf32> to vector<16xf32>
        %add3A_226 = arith.addf %get3A_221, %get3A_225 : vector<16xf32>
        %swap3A_227 = arith.index_cast %scan3A_65 : i32 to index
        %swap3A_228 = arith.constant 176 : index
        %swap3A_229 = tpu.vector_load %arg9[%swap3A_227, %swap3A_228] {strides = array<i32>} : memref<80x256xf32, #tpu.memory_space<vmem>>, vector<1x16xf32>,
        %swap3A_230 = vector.shape_cast %swap3A_229 : vector<1x16xf32> to vector<16xf32>
        %swap3A_231 = vector.shape_cast %add3A_226 : vector<16xf32> to vector<1x16xf32>
        tpu.vector_store %arg9[%swap3A_227, %swap3A_228], %swap3A_231 {strides = array<i32>} : memref<80x256xf32, #tpu.memory_space<vmem>>, vector<1x16xf32>,
        %get3A_232 = arith.index_cast %scan3A_65 : i32 to index
        %get3A_233 = arith.constant 192 : index
        %get3A_234 = tpu.vector_load %arg9[%get3A_232, %get3A_233] {strides = array<i32>} : memref<80x256xf32, #tpu.memory_space<vmem>>, vector<1x16xf32>,
        %get3A_235 = vector.shape_cast %get3A_234 : vector<1x16xf32> to vector<16xf32>
        %get3A_236 = arith.index_cast %scan3A_65 : i32 to index
        %get3A_237 = arith.constant 192 : index
        %get3A_238 = tpu.vector_load %arg10[%get3A_236, %get3A_237] {strides = array<i32>} : memref<80x256xf32, #tpu.memory_space<vmem>>, vector<1x16xf32>,
        %get3A_239 = vector.shape_cast %get3A_238 : vector<1x16xf32> to vector<16xf32>
        %add3A_240 = arith.addf %get3A_235, %get3A_239 : vector<16xf32>
        %swap3A_241 = arith.index_cast %scan3A_65 : i32 to index
        %swap3A_242 = arith.constant 192 : index
        %swap3A_243 = tpu.vector_load %arg9[%swap3A_241, %swap3A_242] {strides = array<i32>} : memref<80x256xf32, #tpu.memory_space<vmem>>, vector<1x16xf32>,
        %swap3A_244 = vector.shape_cast %swap3A_243 : vector<1x16xf32> to vector<16xf32>
        %swap3A_245 = vector.shape_cast %add3A_240 : vector<16xf32> to vector<1x16xf32>
        tpu.vector_store %arg9[%swap3A_241, %swap3A_242], %swap3A_245 {strides = array<i32>} : memref<80x256xf32, #tpu.memory_space<vmem>>, vector<1x16xf32>,
        %get3A_246 = arith.index_cast %scan3A_65 : i32 to index
        %get3A_247 = arith.constant 208 : index
        %get3A_248 = tpu.vector_load %arg9[%get3A_246, %get3A_247] {strides = array<i32>} : memref<80x256xf32, #tpu.memory_space<vmem>>, vector<1x16xf32>,
        %get3A_249 = vector.shape_cast %get3A_248 : vector<1x16xf32> to vector<16xf32>
        %get3A_250 = arith.index_cast %scan3A_65 : i32 to index
        %get3A_251 = arith.constant 208 : index
        %get3A_252 = tpu.vector_load %arg10[%get3A_250, %get3A_251] {strides = array<i32>} : memref<80x256xf32, #tpu.memory_space<vmem>>, vector<1x16xf32>,
        %get3A_253 = vector.shape_cast %get3A_252 : vector<1x16xf32> to vector<16xf32>
        %add3A_254 = arith.addf %get3A_249, %get3A_253 : vector<16xf32>
        %swap3A_255 = arith.index_cast %scan3A_65 : i32 to index
        %swap3A_256 = arith.constant 208 : index
        %swap3A_257 = tpu.vector_load %arg9[%swap3A_255, %swap3A_256] {strides = array<i32>} : memref<80x256xf32, #tpu.memory_space<vmem>>, vector<1x16xf32>,
        %swap3A_258 = vector.shape_cast %swap3A_257 : vector<1x16xf32> to vector<16xf32>
        %swap3A_259 = vector.shape_cast %add3A_254 : vector<16xf32> to vector<1x16xf32>
        tpu.vector_store %arg9[%swap3A_255, %swap3A_256], %swap3A_259 {strides = array<i32>} : memref<80x256xf32, #tpu.memory_space<vmem>>, vector<1x16xf32>,
        %get3A_260 = arith.index_cast %scan3A_65 : i32 to index
        %get3A_261 = arith.constant 224 : index
        %get3A_262 = tpu.vector_load %arg9[%get3A_260, %get3A_261] {strides = array<i32>} : memref<80x256xf32, #tpu.memory_space<vmem>>, vector<1x16xf32>,
        %get3A_263 = vector.shape_cast %get3A_262 : vector<1x16xf32> to vector<16xf32>
        %get3A_264 = arith.index_cast %scan3A_65 : i32 to index
        %get3A_265 = arith.constant 224 : index
        %get3A_266 = tpu.vector_load %arg10[%get3A_264, %get3A_265] {strides = array<i32>} : memref<80x256xf32, #tpu.memory_space<vmem>>, vector<1x16xf32>,
        %get3A_267 = vector.shape_cast %get3A_266 : vector<1x16xf32> to vector<16xf32>
        %add3A_268 = arith.addf %get3A_263, %get3A_267 : vector<16xf32>
        %swap3A_269 = arith.index_cast %scan3A_65 : i32 to index
        %swap3A_270 = arith.constant 224 : index
        %swap3A_271 = tpu.vector_load %arg9[%swap3A_269, %swap3A_270] {strides = array<i32>} : memref<80x256xf32, #tpu.memory_space<vmem>>, vector<1x16xf32>,
        %swap3A_272 = vector.shape_cast %swap3A_271 : vector<1x16xf32> to vector<16xf32>
        %swap3A_273 = vector.shape_cast %add3A_268 : vector<16xf32> to vector<1x16xf32>
        tpu.vector_store %arg9[%swap3A_269, %swap3A_270], %swap3A_273 {strides = array<i32>} : memref<80x256xf32, #tpu.memory_space<vmem>>, vector<1x16xf32>,
        %get3A_274 = arith.index_cast %scan3A_65 : i32 to index
        %get3A_275 = arith.constant 240 : index
        %get3A_276 = tpu.vector_load %arg9[%get3A_274, %get3A_275] {strides = array<i32>} : memref<80x256xf32, #tpu.memory_space<vmem>>, vector<1x16xf32>,
        %get3A_277 = vector.shape_cast %get3A_276 : vector<1x16xf32> to vector<16xf32>
        %get3A_278 = arith.index_cast %scan3A_65 : i32 to index
        %get3A_279 = arith.constant 240 : index
        %get3A_280 = tpu.vector_load %arg10[%get3A_278, %get3A_279] {strides = array<i32>} : memref<80x256xf32, #tpu.memory_space<vmem>>, vector<1x16xf32>,
        %get3A_281 = vector.shape_cast %get3A_280 : vector<1x16xf32> to vector<16xf32>
        %add3A_282 = arith.addf %get3A_277, %get3A_281 : vector<16xf32>
        %swap3A_283 = arith.index_cast %scan3A_65 : i32 to index
        %swap3A_284 = arith.constant 240 : index
        %swap3A_285 = tpu.vector_load %arg9[%swap3A_283, %swap3A_284] {strides = array<i32>} : memref<80x256xf32, #tpu.memory_space<vmem>>, vector<1x16xf32>,
        %swap3A_286 = vector.shape_cast %swap3A_285 : vector<1x16xf32> to vector<16xf32>
        %swap3A_287 = vector.shape_cast %add3A_282 : vector<16xf32> to vector<1x16xf32>
        tpu.vector_store %arg9[%swap3A_283, %swap3A_284], %swap3A_287 {strides = array<i32>} : memref<80x256xf32, #tpu.memory_space<vmem>>, vector<1x16xf32>,
        %scan3A_288 = arith.constant 1 : i32
        %scan3A_289 = arith.addi %scan3A_65, %scan3A_288 : i32
        %get3A_290 = arith.index_cast %scan3A_289 : i32 to index
        %get3A_291 = arith.constant 0 : index
        %get3A_292 = tpu.vector_load %arg9[%get3A_290, %get3A_291] {strides = array<i32>} : memref<80x256xf32, #tpu.memory_space<vmem>>, vector<1x16xf32>,
        %get3A_293 = vector.shape_cast %get3A_292 : vector<1x16xf32> to vector<16xf32>
        %get3A_294 = arith.index_cast %scan3A_289 : i32 to index
        %get3A_295 = arith.constant 0 : index
        %get3A_296 = tpu.vector_load %arg10[%get3A_294, %get3A_295] {strides = array<i32>} : memref<80x256xf32, #tpu.memory_space<vmem>>, vector<1x16xf32>,
        %get3A_297 = vector.shape_cast %get3A_296 : vector<1x16xf32> to vector<16xf32>
        %add3A_298 = arith.addf %get3A_293, %get3A_297 : vector<16xf32>
        %swap3A_299 = arith.index_cast %scan3A_289 : i32 to index
        %swap3A_300 = arith.constant 0 : index
        %swap3A_301 = tpu.vector_load %arg9[%swap3A_299, %swap3A_300] {strides = array<i32>} : memref<80x256xf32, #tpu.memory_space<vmem>>, vector<1x16xf32>,
        %swap3A_302 = vector.shape_cast %swap3A_301 : vector<1x16xf32> to vector<16xf32>
        %swap3A_303 = vector.shape_cast %add3A_298 : vector<16xf32> to vector<1x16xf32>
        tpu.vector_store %arg9[%swap3A_299, %swap3A_300], %swap3A_303 {strides = array<i32>} : memref<80x256xf32, #tpu.memory_space<vmem>>, vector<1x16xf32>,
        %get3A_304 = arith.index_cast %scan3A_289 : i32 to index
        %get3A_305 = arith.constant 16 : index
        %get3A_306 = tpu.vector_load %arg9[%get3A_304, %get3A_305] {strides = array<i32>} : memref<80x256xf32, #tpu.memory_space<vmem>>, vector<1x16xf32>,
        %get3A_307 = vector.shape_cast %get3A_306 : vector<1x16xf32> to vector<16xf32>
        %get3A_308 = arith.index_cast %scan3A_289 : i32 to index
        %get3A_309 = arith.constant 16 : index
        %get3A_310 = tpu.vector_load %arg10[%get3A_308, %get3A_309] {strides = array<i32>} : memref<80x256xf32, #tpu.memory_space<vmem>>, vector<1x16xf32>,
        %get3A_311 = vector.shape_cast %get3A_310 : vector<1x16xf32> to vector<16xf32>
        %add3A_312 = arith.addf %get3A_307, %get3A_311 : vector<16xf32>
        %swap3A_313 = arith.index_cast %scan3A_289 : i32 to index
        %swap3A_314 = arith.constant 16 : index
        %swap3A_315 = tpu.vector_load %arg9[%swap3A_313, %swap3A_314] {strides = array<i32>} : memref<80x256xf32, #tpu.memory_space<vmem>>, vector<1x16xf32>,
        %swap3A_316 = vector.shape_cast %swap3A_315 : vector<1x16xf32> to vector<16xf32>
        %swap3A_317 = vector.shape_cast %add3A_312 : vector<16xf32> to vector<1x16xf32>
        tpu.vector_store %arg9[%swap3A_313, %swap3A_314], %swap3A_317 {strides = array<i32>} : memref<80x256xf32, #tpu.memory_space<vmem>>, vector<1x16xf32>,
        %get3A_318 = arith.index_cast %scan3A_289 : i32 to index
        %get3A_319 = arith.constant 32 : index
        %get3A_320 = tpu.vector_load %arg9[%get3A_318, %get3A_319] {strides = array<i32>} : memref<80x256xf32, #tpu.memory_space<vmem>>, vector<1x16xf32>,
        %get3A_321 = vector.shape_cast %get3A_320 : vector<1x16xf32> to vector<16xf32>
        %get3A_322 = arith.index_cast %scan3A_289 : i32 to index
        %get3A_323 = arith.constant 32 : index
        %get3A_324 = tpu.vector_load %arg10[%get3A_322, %get3A_323] {strides = array<i32>} : memref<80x256xf32, #tpu.memory_space<vmem>>, vector<1x16xf32>,
        %get3A_325 = vector.shape_cast %get3A_324 : vector<1x16xf32> to vector<16xf32>
        %add3A_326 = arith.addf %get3A_321, %get3A_325 : vector<16xf32>
        %swap3A_327 = arith.index_cast %scan3A_289 : i32 to index
        %swap3A_328 = arith.constant 32 : index
        %swap3A_329 = tpu.vector_load %arg9[%swap3A_327, %swap3A_328] {strides = array<i32>} : memref<80x256xf32, #tpu.memory_space<vmem>>, vector<1x16xf32>,
        %swap3A_330 = vector.shape_cast %swap3A_329 : vector<1x16xf32> to vector<16xf32>
        %swap3A_331 = vector.shape_cast %add3A_326 : vector<16xf32> to vector<1x16xf32>
        tpu.vector_store %arg9[%swap3A_327, %swap3A_328], %swap3A_331 {strides = array<i32>} : memref<80x256xf32, #tpu.memory_space<vmem>>, vector<1x16xf32>,
        %get3A_332 = arith.index_cast %scan3A_289 : i32 to index
        %get3A_333 = arith.constant 48 : index
        %get3A_334 = tpu.vector_load %arg9[%get3A_332, %get3A_333] {strides = array<i32>} : memref<80x256xf32, #tpu.memory_space<vmem>>, vector<1x16xf32>,
        %get3A_335 = vector.shape_cast %get3A_334 : vector<1x16xf32> to vector<16xf32>
        %get3A_336 = arith.index_cast %scan3A_289 : i32 to index
        %get3A_337 = arith.constant 48 : index
        %get3A_338 = tpu.vector_load %arg10[%get3A_336, %get3A_337] {strides = array<i32>} : memref<80x256xf32, #tpu.memory_space<vmem>>, vector<1x16xf32>,
        %get3A_339 = vector.shape_cast %get3A_338 : vector<1x16xf32> to vector<16xf32>
        %add3A_340 = arith.addf %get3A_335, %get3A_339 : vector<16xf32>
        %swap3A_341 = arith.index_cast %scan3A_289 : i32 to index
        %swap3A_342 = arith.constant 48 : index
        %swap3A_343 = tpu.vector_load %arg9[%swap3A_341, %swap3A_342] {strides = array<i32>} : memref<80x256xf32, #tpu.memory_space<vmem>>, vector<1x16xf32>,
        %swap3A_344 = vector.shape_cast %swap3A_343 : vector<1x16xf32> to vector<16xf32>
        %swap3A_345 = vector.shape_cast %add3A_340 : vector<16xf32> to vector<1x16xf32>
        tpu.vector_store %arg9[%swap3A_341, %swap3A_342], %swap3A_345 {strides = array<i32>} : memref<80x256xf32, #tpu.memory_space<vmem>>, vector<1x16xf32>,
        %get3A_346 = arith.index_cast %scan3A_289 : i32 to index
        %get3A_347 = arith.constant 64 : index
        %get3A_348 = tpu.vector_load %arg9[%get3A_346, %get3A_347] {strides = array<i32>} : memref<80x256xf32, #tpu.memory_space<vmem>>, vector<1x16xf32>,
        %get3A_349 = vector.shape_cast %get3A_348 : vector<1x16xf32> to vector<16xf32>
        %get3A_350 = arith.index_cast %scan3A_289 : i32 to index
        %get3A_351 = arith.constant 64 : index
        %get3A_352 = tpu.vector_load %arg10[%get3A_350, %get3A_351] {strides = array<i32>} : memref<80x256xf32, #tpu.memory_space<vmem>>, vector<1x16xf32>,
        %get3A_353 = vector.shape_cast %get3A_352 : vector<1x16xf32> to vector<16xf32>
        %add3A_354 = arith.addf %get3A_349, %get3A_353 : vector<16xf32>
        %swap3A_355 = arith.index_cast %scan3A_289 : i32 to index
        %swap3A_356 = arith.constant 64 : index
        %swap3A_357 = tpu.vector_load %arg9[%swap3A_355, %swap3A_356] {strides = array<i32>} : memref<80x256xf32, #tpu.memory_space<vmem>>, vector<1x16xf32>,
        %swap3A_358 = vector.shape_cast %swap3A_357 : vector<1x16xf32> to vector<16xf32>
        %swap3A_359 = vector.shape_cast %add3A_354 : vector<16xf32> to vector<1x16xf32>
        tpu.vector_store %arg9[%swap3A_355, %swap3A_356], %swap3A_359 {strides = array<i32>} : memref<80x256xf32, #tpu.memory_space<vmem>>, vector<1x16xf32>,
        %get3A_360 = arith.index_cast %scan3A_289 : i32 to index
        %get3A_361 = arith.constant 80 : index
        %get3A_362 = tpu.vector_load %arg9[%get3A_360, %get3A_361] {strides = array<i32>} : memref<80x256xf32, #tpu.memory_space<vmem>>, vector<1x16xf32>,
        %get3A_363 = vector.shape_cast %get3A_362 : vector<1x16xf32> to vector<16xf32>
        %get3A_364 = arith.index_cast %scan3A_289 : i32 to index
        %get3A_365 = arith.constant 80 : index
        %get3A_366 = tpu.vector_load %arg10[%get3A_364, %get3A_365] {strides = array<i32>} : memref<80x256xf32, #tpu.memory_space<vmem>>, vector<1x16xf32>,
        %get3A_367 = vector.shape_cast %get3A_366 : vector<1x16xf32> to vector<16xf32>
        %add3A_368 = arith.addf %get3A_363, %get3A_367 : vector<16xf32>
        %swap3A_369 = arith.index_cast %scan3A_289 : i32 to index
        %swap3A_370 = arith.constant 80 : index
        %swap3A_371 = tpu.vector_load %arg9[%swap3A_369, %swap3A_370] {strides = array<i32>} : memref<80x256xf32, #tpu.memory_space<vmem>>, vector<1x16xf32>,
        %swap3A_372 = vector.shape_cast %swap3A_371 : vector<1x16xf32> to vector<16xf32>
        %swap3A_373 = vector.shape_cast %add3A_368 : vector<16xf32> to vector<1x16xf32>
        tpu.vector_store %arg9[%swap3A_369, %swap3A_370], %swap3A_373 {strides = array<i32>} : memref<80x256xf32, #tpu.memory_space<vmem>>, vector<1x16xf32>,
        %get3A_374 = arith.index_cast %scan3A_289 : i32 to index
        %get3A_375 = arith.constant 96 : index
        %get3A_376 = tpu.vector_load %arg9[%get3A_374, %get3A_375] {strides = array<i32>} : memref<80x256xf32, #tpu.memory_space<vmem>>, vector<1x16xf32>,
        %get3A_377 = vector.shape_cast %get3A_376 : vector<1x16xf32> to vector<16xf32>
        %get3A_378 = arith.index_cast %scan3A_289 : i32 to index
        %get3A_379 = arith.constant 96 : index
        %get3A_380 = tpu.vector_load %arg10[%get3A_378, %get3A_379] {strides = array<i32>} : memref<80x256xf32, #tpu.memory_space<vmem>>, vector<1x16xf32>,
        %get3A_381 = vector.shape_cast %get3A_380 : vector<1x16xf32> to vector<16xf32>
        %add3A_382 = arith.addf %get3A_377, %get3A_381 : vector<16xf32>
        %swap3A_383 = arith.index_cast %scan3A_289 : i32 to index
        %swap3A_384 = arith.constant 96 : index
        %swap3A_385 = tpu.vector_load %arg9[%swap3A_383, %swap3A_384] {strides = array<i32>} : memref<80x256xf32, #tpu.memory_space<vmem>>, vector<1x16xf32>,
        %swap3A_386 = vector.shape_cast %swap3A_385 : vector<1x16xf32> to vector<16xf32>
        %swap3A_387 = vector.shape_cast %add3A_382 : vector<16xf32> to vector<1x16xf32>
        tpu.vector_store %arg9[%swap3A_383, %swap3A_384], %swap3A_387 {strides = array<i32>} : memref<80x256xf32, #tpu.memory_space<vmem>>, vector<1x16xf32>,
        %get3A_388 = arith.index_cast %scan3A_289 : i32 to index
        %get3A_389 = arith.constant 112 : index
        %get3A_390 = tpu.vector_load %arg9[%get3A_388, %get3A_389] {strides = array<i32>} : memref<80x256xf32, #tpu.memory_space<vmem>>, vector<1x16xf32>,
        %get3A_391 = vector.shape_cast %get3A_390 : vector<1x16xf32> to vector<16xf32>
        %get3A_392 = arith.index_cast %scan3A_289 : i32 to index
        %get3A_393 = arith.constant 112 : index
        %get3A_394 = tpu.vector_load %arg10[%get3A_392, %get3A_393] {strides = array<i32>} : memref<80x256xf32, #tpu.memory_space<vmem>>, vector<1x16xf32>,
        %get3A_395 = vector.shape_cast %get3A_394 : vector<1x16xf32> to vector<16xf32>
        %add3A_396 = arith.addf %get3A_391, %get3A_395 : vector<16xf32>
        %swap3A_397 = arith.index_cast %scan3A_289 : i32 to index
        %swap3A_398 = arith.constant 112 : index
        %swap3A_399 = tpu.vector_load %arg9[%swap3A_397, %swap3A_398] {strides = array<i32>} : memref<80x256xf32, #tpu.memory_space<vmem>>, vector<1x16xf32>,
        %swap3A_400 = vector.shape_cast %swap3A_399 : vector<1x16xf32> to vector<16xf32>
        %swap3A_401 = vector.shape_cast %add3A_396 : vector<16xf32> to vector<1x16xf32>
        tpu.vector_store %arg9[%swap3A_397, %swap3A_398], %swap3A_401 {strides = array<i32>} : memref<80x256xf32, #tpu.memory_space<vmem>>, vector<1x16xf32>,
        %get3A_402 = arith.index_cast %scan3A_289 : i32 to index
        %get3A_403 = arith.constant 128 : index
        %get3A_404 = tpu.vector_load %arg9[%get3A_402, %get3A_403] {strides = array<i32>} : memref<80x256xf32, #tpu.memory_space<vmem>>, vector<1x16xf32>,
        %get3A_405 = vector.shape_cast %get3A_404 : vector<1x16xf32> to vector<16xf32>
        %get3A_406 = arith.index_cast %scan3A_289 : i32 to index
        %get3A_407 = arith.constant 128 : index
        %get3A_408 = tpu.vector_load %arg10[%get3A_406, %get3A_407] {strides = array<i32>} : memref<80x256xf32, #tpu.memory_space<vmem>>, vector<1x16xf32>,
        %get3A_409 = vector.shape_cast %get3A_408 : vector<1x16xf32> to vector<16xf32>
        %add3A_410 = arith.addf %get3A_405, %get3A_409 : vector<16xf32>
        %swap3A_411 = arith.index_cast %scan3A_289 : i32 to index
        %swap3A_412 = arith.constant 128 : index
        %swap3A_413 = tpu.vector_load %arg9[%swap3A_411, %swap3A_412] {strides = array<i32>} : memref<80x256xf32, #tpu.memory_space<vmem>>, vector<1x16xf32>,
        %swap3A_414 = vector.shape_cast %swap3A_413 : vector<1x16xf32> to vector<16xf32>
        %swap3A_415 = vector.shape_cast %add3A_410 : vector<16xf32> to vector<1x16xf32>
        tpu.vector_store %arg9[%swap3A_411, %swap3A_412], %swap3A_415 {strides = array<i32>} : memref<80x256xf32, #tpu.memory_space<vmem>>, vector<1x16xf32>,
        %get3A_416 = arith.index_cast %scan3A_289 : i32 to index
        %get3A_417 = arith.constant 144 : index
        %get3A_418 = tpu.vector_load %arg9[%get3A_416, %get3A_417] {strides = array<i32>} : memref<80x256xf32, #tpu.memory_space<vmem>>, vector<1x16xf32>,
        %get3A_419 = vector.shape_cast %get3A_418 : vector<1x16xf32> to vector<16xf32>
        %get3A_420 = arith.index_cast %scan3A_289 : i32 to index
        %get3A_421 = arith.constant 144 : index
        %get3A_422 = tpu.vector_load %arg10[%get3A_420, %get3A_421] {strides = array<i32>} : memref<80x256xf32, #tpu.memory_space<vmem>>, vector<1x16xf32>,
        %get3A_423 = vector.shape_cast %get3A_422 : vector<1x16xf32> to vector<16xf32>
        %add3A_424 = arith.addf %get3A_419, %get3A_423 : vector<16xf32>
        %swap3A_425 = arith.index_cast %scan3A_289 : i32 to index
        %swap3A_426 = arith.constant 144 : index
        %swap3A_427 = tpu.vector_load %arg9[%swap3A_425, %swap3A_426] {strides = array<i32>} : memref<80x256xf32, #tpu.memory_space<vmem>>, vector<1x16xf32>,
        %swap3A_428 = vector.shape_cast %swap3A_427 : vector<1x16xf32> to vector<16xf32>
        %swap3A_429 = vector.shape_cast %add3A_424 : vector<16xf32> to vector<1x16xf32>
        tpu.vector_store %arg9[%swap3A_425, %swap3A_426], %swap3A_429 {strides = array<i32>} : memref<80x256xf32, #tpu.memory_space<vmem>>, vector<1x16xf32>,
        %get3A_430 = arith.index_cast %scan3A_289 : i32 to index
        %get3A_431 = arith.constant 160 : index
        %get3A_432 = tpu.vector_load %arg9[%get3A_430, %get3A_431] {strides = array<i32>} : memref<80x256xf32, #tpu.memory_space<vmem>>, vector<1x16xf32>,
        %get3A_433 = vector.shape_cast %get3A_432 : vector<1x16xf32> to vector<16xf32>
        %get3A_434 = arith.index_cast %scan3A_289 : i32 to index
        %get3A_435 = arith.constant 160 : index
        %get3A_436 = tpu.vector_load %arg10[%get3A_434, %get3A_435] {strides = array<i32>} : memref<80x256xf32, #tpu.memory_space<vmem>>, vector<1x16xf32>,
        %get3A_437 = vector.shape_cast %get3A_436 : vector<1x16xf32> to vector<16xf32>
        %add3A_438 = arith.addf %get3A_433, %get3A_437 : vector<16xf32>
        %swap3A_439 = arith.index_cast %scan3A_289 : i32 to index
        %swap3A_440 = arith.constant 160 : index
        %swap3A_441 = tpu.vector_load %arg9[%swap3A_439, %swap3A_440] {strides = array<i32>} : memref<80x256xf32, #tpu.memory_space<vmem>>, vector<1x16xf32>,
        %swap3A_442 = vector.shape_cast %swap3A_441 : vector<1x16xf32> to vector<16xf32>
        %swap3A_443 = vector.shape_cast %add3A_438 : vector<16xf32> to vector<1x16xf32>
        tpu.vector_store %arg9[%swap3A_439, %swap3A_440], %swap3A_443 {strides = array<i32>} : memref<80x256xf32, #tpu.memory_space<vmem>>, vector<1x16xf32>,
        %get3A_444 = arith.index_cast %scan3A_289 : i32 to index
        %get3A_445 = arith.constant 176 : index
        %get3A_446 = tpu.vector_load %arg9[%get3A_444, %get3A_445] {strides = array<i32>} : memref<80x256xf32, #tpu.memory_space<vmem>>, vector<1x16xf32>,
        %get3A_447 = vector.shape_cast %get3A_446 : vector<1x16xf32> to vector<16xf32>
        %get3A_448 = arith.index_cast %scan3A_289 : i32 to index
        %get3A_449 = arith.constant 176 : index
        %get3A_450 = tpu.vector_load %arg10[%get3A_448, %get3A_449] {strides = array<i32>} : memref<80x256xf32, #tpu.memory_space<vmem>>, vector<1x16xf32>,
        %get3A_451 = vector.shape_cast %get3A_450 : vector<1x16xf32> to vector<16xf32>
        %add3A_452 = arith.addf %get3A_447, %get3A_451 : vector<16xf32>
        %swap3A_453 = arith.index_cast %scan3A_289 : i32 to index
        %swap3A_454 = arith.constant 176 : index
        %swap3A_455 = tpu.vector_load %arg9[%swap3A_453, %swap3A_454] {strides = array<i32>} : memref<80x256xf32, #tpu.memory_space<vmem>>, vector<1x16xf32>,
        %swap3A_456 = vector.shape_cast %swap3A_455 : vector<1x16xf32> to vector<16xf32>
        %swap3A_457 = vector.shape_cast %add3A_452 : vector<16xf32> to vector<1x16xf32>
        tpu.vector_store %arg9[%swap3A_453, %swap3A_454], %swap3A_457 {strides = array<i32>} : memref<80x256xf32, #tpu.memory_space<vmem>>, vector<1x16xf32>,
        %get3A_458 = arith.index_cast %scan3A_289 : i32 to index
        %get3A_459 = arith.constant 192 : index
        %get3A_460 = tpu.vector_load %arg9[%get3A_458, %get3A_459] {strides = array<i32>} : memref<80x256xf32, #tpu.memory_space<vmem>>, vector<1x16xf32>,
        %get3A_461 = vector.shape_cast %get3A_460 : vector<1x16xf32> to vector<16xf32>
        %get3A_462 = arith.index_cast %scan3A_289 : i32 to index
        %get3A_463 = arith.constant 192 : index
        %get3A_464 = tpu.vector_load %arg10[%get3A_462, %get3A_463] {strides = array<i32>} : memref<80x256xf32, #tpu.memory_space<vmem>>, vector<1x16xf32>,
        %get3A_465 = vector.shape_cast %get3A_464 : vector<1x16xf32> to vector<16xf32>
        %add3A_466 = arith.addf %get3A_461, %get3A_465 : vector<16xf32>
        %swap3A_467 = arith.index_cast %scan3A_289 : i32 to index
        %swap3A_468 = arith.constant 192 : index
        %swap3A_469 = tpu.vector_load %arg9[%swap3A_467, %swap3A_468] {strides = array<i32>} : memref<80x256xf32, #tpu.memory_space<vmem>>, vector<1x16xf32>,
        %swap3A_470 = vector.shape_cast %swap3A_469 : vector<1x16xf32> to vector<16xf32>
        %swap3A_471 = vector.shape_cast %add3A_466 : vector<16xf32> to vector<1x16xf32>
        tpu.vector_store %arg9[%swap3A_467, %swap3A_468], %swap3A_471 {strides = array<i32>} : memref<80x256xf32, #tpu.memory_space<vmem>>, vector<1x16xf32>,
        %get3A_472 = arith.index_cast %scan3A_289 : i32 to index
        %get3A_473 = arith.constant 208 : index
        %get3A_474 = tpu.vector_load %arg9[%get3A_472, %get3A_473] {strides = array<i32>} : memref<80x256xf32, #tpu.memory_space<vmem>>, vector<1x16xf32>,
        %get3A_475 = vector.shape_cast %get3A_474 : vector<1x16xf32> to vector<16xf32>
        %get3A_476 = arith.index_cast %scan3A_289 : i32 to index
        %get3A_477 = arith.constant 208 : index
        %get3A_478 = tpu.vector_load %arg10[%get3A_476, %get3A_477] {strides = array<i32>} : memref<80x256xf32, #tpu.memory_space<vmem>>, vector<1x16xf32>,
        %get3A_479 = vector.shape_cast %get3A_478 : vector<1x16xf32> to vector<16xf32>
        %add3A_480 = arith.addf %get3A_475, %get3A_479 : vector<16xf32>
        %swap3A_481 = arith.index_cast %scan3A_289 : i32 to index
        %swap3A_482 = arith.constant 208 : index
        %swap3A_483 = tpu.vector_load %arg9[%swap3A_481, %swap3A_482] {strides = array<i32>} : memref<80x256xf32, #tpu.memory_space<vmem>>, vector<1x16xf32>,
        %swap3A_484 = vector.shape_cast %swap3A_483 : vector<1x16xf32> to vector<16xf32>
        %swap3A_485 = vector.shape_cast %add3A_480 : vector<16xf32> to vector<1x16xf32>
        tpu.vector_store %arg9[%swap3A_481, %swap3A_482], %swap3A_485 {strides = array<i32>} : memref<80x256xf32, #tpu.memory_space<vmem>>, vector<1x16xf32>,
        %get3A_486 = arith.index_cast %scan3A_289 : i32 to index
        %get3A_487 = arith.constant 224 : index
        %get3A_488 = tpu.vector_load %arg9[%get3A_486, %get3A_487] {strides = array<i32>} : memref<80x256xf32, #tpu.memory_space<vmem>>, vector<1x16xf32>,
        %get3A_489 = vector.shape_cast %get3A_488 : vector<1x16xf32> to vector<16xf32>
        %get3A_490 = arith.index_cast %scan3A_289 : i32 to index
        %get3A_491 = arith.constant 224 : index
        %get3A_492 = tpu.vector_load %arg10[%get3A_490, %get3A_491] {strides = array<i32>} : memref<80x256xf32, #tpu.memory_space<vmem>>, vector<1x16xf32>,
        %get3A_493 = vector.shape_cast %get3A_492 : vector<1x16xf32> to vector<16xf32>
        %add3A_494 = arith.addf %get3A_489, %get3A_493 : vector<16xf32>
        %swap3A_495 = arith.index_cast %scan3A_289 : i32 to index
        %swap3A_496 = arith.constant 224 : index
        %swap3A_497 = tpu.vector_load %arg9[%swap3A_495, %swap3A_496] {strides = array<i32>} : memref<80x256xf32, #tpu.memory_space<vmem>>, vector<1x16xf32>,
        %swap3A_498 = vector.shape_cast %swap3A_497 : vector<1x16xf32> to vector<16xf32>
        %swap3A_499 = vector.shape_cast %add3A_494 : vector<16xf32> to vector<1x16xf32>
        tpu.vector_store %arg9[%swap3A_495, %swap3A_496], %swap3A_499 {strides = array<i32>} : memref<80x256xf32, #tpu.memory_space<vmem>>, vector<1x16xf32>,
        %get3A_500 = arith.index_cast %scan3A_289 : i32 to index
        %get3A_501 = arith.constant 240 : index
        %get3A_502 = tpu.vector_load %arg9[%get3A_500, %get3A_501] {strides = array<i32>} : memref<80x256xf32, #tpu.memory_space<vmem>>, vector<1x16xf32>,
        %get3A_503 = vector.shape_cast %get3A_502 : vector<1x16xf32> to vector<16xf32>
        %get3A_504 = arith.index_cast %scan3A_289 : i32 to index
        %get3A_505 = arith.constant 240 : index
        %get3A_506 = tpu.vector_load %arg10[%get3A_504, %get3A_505] {strides = array<i32>} : memref<80x256xf32, #tpu.memory_space<vmem>>, vector<1x16xf32>,
        %get3A_507 = vector.shape_cast %get3A_506 : vector<1x16xf32> to vector<16xf32>
        %add3A_508 = arith.addf %get3A_503, %get3A_507 : vector<16xf32>
        %swap3A_509 = arith.index_cast %scan3A_289 : i32 to index
        %swap3A_510 = arith.constant 240 : index
        %swap3A_511 = tpu.vector_load %arg9[%swap3A_509, %swap3A_510] {strides = array<i32>} : memref<80x256xf32, #tpu.memory_space<vmem>>, vector<1x16xf32>,
        %swap3A_512 = vector.shape_cast %swap3A_511 : vector<1x16xf32> to vector<16xf32>
        %swap3A_513 = vector.shape_cast %add3A_508 : vector<16xf32> to vector<1x16xf32>
        tpu.vector_store %arg9[%swap3A_509, %swap3A_510], %swap3A_513 {strides = array<i32>} : memref<80x256xf32, #tpu.memory_space<vmem>>, vector<1x16xf32>,
        %scan3A_514 = arith.constant 2 : i32
        %scan3A_515 = arith.addi %scan3A_65, %scan3A_514 : i32
        %get3A_516 = arith.index_cast %scan3A_515 : i32 to index
        %get3A_517 = arith.constant 0 : index
        %get3A_518 = tpu.vector_load %arg9[%get3A_516, %get3A_517] {strides = array<i32>} : memref<80x256xf32, #tpu.memory_space<vmem>>, vector<1x16xf32>,
        %get3A_519 = vector.shape_cast %get3A_518 : vector<1x16xf32> to vector<16xf32>
        %get3A_520 = arith.index_cast %scan3A_515 : i32 to index
        %get3A_521 = arith.constant 0 : index
        %get3A_522 = tpu.vector_load %arg10[%get3A_520, %get3A_521] {strides = array<i32>} : memref<80x256xf32, #tpu.memory_space<vmem>>, vector<1x16xf32>,
        %get3A_523 = vector.shape_cast %get3A_522 : vector<1x16xf32> to vector<16xf32>
        %add3A_524 = arith.addf %get3A_519, %get3A_523 : vector<16xf32>
        %swap3A_525 = arith.index_cast %scan3A_515 : i32 to index
        %swap3A_526 = arith.constant 0 : index
        %swap3A_527 = tpu.vector_load %arg9[%swap3A_525, %swap3A_526] {strides = array<i32>} : memref<80x256xf32, #tpu.memory_space<vmem>>, vector<1x16xf32>,
        %swap3A_528 = vector.shape_cast %swap3A_527 : vector<1x16xf32> to vector<16xf32>
        %swap3A_529 = vector.shape_cast %add3A_524 : vector<16xf32> to vector<1x16xf32>
        tpu.vector_store %arg9[%swap3A_525, %swap3A_526], %swap3A_529 {strides = array<i32>} : memref<80x256xf32, #tpu.memory_space<vmem>>, vector<1x16xf32>,
        %get3A_530 = arith.index_cast %scan3A_515 : i32 to index
        %get3A_531 = arith.constant 16 : index
        %get3A_532 = tpu.vector_load %arg9[%get3A_530, %get3A_531] {strides = array<i32>} : memref<80x256xf32, #tpu.memory_space<vmem>>, vector<1x16xf32>,
        %get3A_533 = vector.shape_cast %get3A_532 : vector<1x16xf32> to vector<16xf32>
        %get3A_534 = arith.index_cast %scan3A_515 : i32 to index
        %get3A_535 = arith.constant 16 : index
        %get3A_536 = tpu.vector_load %arg10[%get3A_534, %get3A_535] {strides = array<i32>} : memref<80x256xf32, #tpu.memory_space<vmem>>, vector<1x16xf32>,
        %get3A_537 = vector.shape_cast %get3A_536 : vector<1x16xf32> to vector<16xf32>
        %add3A_538 = arith.addf %get3A_533, %get3A_537 : vector<16xf32>
        %swap3A_539 = arith.index_cast %scan3A_515 : i32 to index
        %swap3A_540 = arith.constant 16 : index
        %swap3A_541 = tpu.vector_load %arg9[%swap3A_539, %swap3A_540] {strides = array<i32>} : memref<80x256xf32, #tpu.memory_space<vmem>>, vector<1x16xf32>,
        %swap3A_542 = vector.shape_cast %swap3A_541 : vector<1x16xf32> to vector<16xf32>
        %swap3A_543 = vector.shape_cast %add3A_538 : vector<16xf32> to vector<1x16xf32>
        tpu.vector_store %arg9[%swap3A_539, %swap3A_540], %swap3A_543 {strides = array<i32>} : memref<80x256xf32, #tpu.memory_space<vmem>>, vector<1x16xf32>,
        %get3A_544 = arith.index_cast %scan3A_515 : i32 to index
        %get3A_545 = arith.constant 32 : index
        %get3A_546 = tpu.vector_load %arg9[%get3A_544, %get3A_545] {strides = array<i32>} : memref<80x256xf32, #tpu.memory_space<vmem>>, vector<1x16xf32>,
        %get3A_547 = vector.shape_cast %get3A_546 : vector<1x16xf32> to vector<16xf32>
        %get3A_548 = arith.index_cast %scan3A_515 : i32 to index
        %get3A_549 = arith.constant 32 : index
        %get3A_550 = tpu.vector_load %arg10[%get3A_548, %get3A_549] {strides = array<i32>} : memref<80x256xf32, #tpu.memory_space<vmem>>, vector<1x16xf32>,
        %get3A_551 = vector.shape_cast %get3A_550 : vector<1x16xf32> to vector<16xf32>
        %add3A_552 = arith.addf %get3A_547, %get3A_551 : vector<16xf32>
        %swap3A_553 = arith.index_cast %scan3A_515 : i32 to index
        %swap3A_554 = arith.constant 32 : index
        %swap3A_555 = tpu.vector_load %arg9[%swap3A_553, %swap3A_554] {strides = array<i32>} : memref<80x256xf32, #tpu.memory_space<vmem>>, vector<1x16xf32>,
        %swap3A_556 = vector.shape_cast %swap3A_555 : vector<1x16xf32> to vector<16xf32>
        %swap3A_557 = vector.shape_cast %add3A_552 : vector<16xf32> to vector<1x16xf32>
        tpu.vector_store %arg9[%swap3A_553, %swap3A_554], %swap3A_557 {strides = array<i32>} : memref<80x256xf32, #tpu.memory_space<vmem>>, vector<1x16xf32>,
        %get3A_558 = arith.index_cast %scan3A_515 : i32 to index
        %get3A_559 = arith.constant 48 : index
        %get3A_560 = tpu.vector_load %arg9[%get3A_558, %get3A_559] {strides = array<i32>} : memref<80x256xf32, #tpu.memory_space<vmem>>, vector<1x16xf32>,
        %get3A_561 = vector.shape_cast %get3A_560 : vector<1x16xf32> to vector<16xf32>
        %get3A_562 = arith.index_cast %scan3A_515 : i32 to index
        %get3A_563 = arith.constant 48 : index
        %get3A_564 = tpu.vector_load %arg10[%get3A_562, %get3A_563] {strides = array<i32>} : memref<80x256xf32, #tpu.memory_space<vmem>>, vector<1x16xf32>,
        %get3A_565 = vector.shape_cast %get3A_564 : vector<1x16xf32> to vector<16xf32>
        %add3A_566 = arith.addf %get3A_561, %get3A_565 : vector<16xf32>
        %swap3A_567 = arith.index_cast %scan3A_515 : i32 to index
        %swap3A_568 = arith.constant 48 : index
        %swap3A_569 = tpu.vector_load %arg9[%swap3A_567, %swap3A_568] {strides = array<i32>} : memref<80x256xf32, #tpu.memory_space<vmem>>, vector<1x16xf32>,
        %swap3A_570 = vector.shape_cast %swap3A_569 : vector<1x16xf32> to vector<16xf32>
        %swap3A_571 = vector.shape_cast %add3A_566 : vector<16xf32> to vector<1x16xf32>
        tpu.vector_store %arg9[%swap3A_567, %swap3A_568], %swap3A_571 {strides = array<i32>} : memref<80x256xf32, #tpu.memory_space<vmem>>, vector<1x16xf32>,
        %get3A_572 = arith.index_cast %scan3A_515 : i32 to index
        %get3A_573 = arith.constant 64 : index
        %get3A_574 = tpu.vector_load %arg9[%get3A_572, %get3A_573] {strides = array<i32>} : memref<80x256xf32, #tpu.memory_space<vmem>>, vector<1x16xf32>,
        %get3A_575 = vector.shape_cast %get3A_574 : vector<1x16xf32> to vector<16xf32>
        %get3A_576 = arith.index_cast %scan3A_515 : i32 to index
        %get3A_577 = arith.constant 64 : index
        %get3A_578 = tpu.vector_load %arg10[%get3A_576, %get3A_577] {strides = array<i32>} : memref<80x256xf32, #tpu.memory_space<vmem>>, vector<1x16xf32>,
        %get3A_579 = vector.shape_cast %get3A_578 : vector<1x16xf32> to vector<16xf32>
        %add3A_580 = arith.addf %get3A_575, %get3A_579 : vector<16xf32>
        %swap3A_581 = arith.index_cast %scan3A_515 : i32 to index
        %swap3A_582 = arith.constant 64 : index
        %swap3A_583 = tpu.vector_load %arg9[%swap3A_581, %swap3A_582] {strides = array<i32>} : memref<80x256xf32, #tpu.memory_space<vmem>>, vector<1x16xf32>,
        %swap3A_584 = vector.shape_cast %swap3A_583 : vector<1x16xf32> to vector<16xf32>
        %swap3A_585 = vector.shape_cast %add3A_580 : vector<16xf32> to vector<1x16xf32>
        tpu.vector_store %arg9[%swap3A_581, %swap3A_582], %swap3A_585 {strides = array<i32>} : memref<80x256xf32, #tpu.memory_space<vmem>>, vector<1x16xf32>,
        %get3A_586 = arith.index_cast %scan3A_515 : i32 to index
        %get3A_587 = arith.constant 80 : index
        %get3A_588 = tpu.vector_load %arg9[%get3A_586, %get3A_587] {strides = array<i32>} : memref<80x256xf32, #tpu.memory_space<vmem>>, vector<1x16xf32>,
        %get3A_589 = vector.shape_cast %get3A_588 : vector<1x16xf32> to vector<16xf32>
        %get3A_590 = arith.index_cast %scan3A_515 : i32 to index
        %get3A_591 = arith.constant 80 : index
        %get3A_592 = tpu.vector_load %arg10[%get3A_590, %get3A_591] {strides = array<i32>} : memref<80x256xf32, #tpu.memory_space<vmem>>, vector<1x16xf32>,
        %get3A_593 = vector.shape_cast %get3A_592 : vector<1x16xf32> to vector<16xf32>
        %add3A_594 = arith.addf %get3A_589, %get3A_593 : vector<16xf32>
        %swap3A_595 = arith.index_cast %scan3A_515 : i32 to index
        %swap3A_596 = arith.constant 80 : index
        %swap3A_597 = tpu.vector_load %arg9[%swap3A_595, %swap3A_596] {strides = array<i32>} : memref<80x256xf32, #tpu.memory_space<vmem>>, vector<1x16xf32>,
        %swap3A_598 = vector.shape_cast %swap3A_597 : vector<1x16xf32> to vector<16xf32>
        %swap3A_599 = vector.shape_cast %add3A_594 : vector<16xf32> to vector<1x16xf32>
        tpu.vector_store %arg9[%swap3A_595, %swap3A_596], %swap3A_599 {strides = array<i32>} : memref<80x256xf32, #tpu.memory_space<vmem>>, vector<1x16xf32>,
        %get3A_600 = arith.index_cast %scan3A_515 : i32 to index
        %get3A_601 = arith.constant 96 : index
        %get3A_602 = tpu.vector_load %arg9[%get3A_600, %get3A_601] {strides = array<i32>} : memref<80x256xf32, #tpu.memory_space<vmem>>, vector<1x16xf32>,
        %get3A_603 = vector.shape_cast %get3A_602 : vector<1x16xf32> to vector<16xf32>
        %get3A_604 = arith.index_cast %scan3A_515 : i32 to index
        %get3A_605 = arith.constant 96 : index
        %get3A_606 = tpu.vector_load %arg10[%get3A_604, %get3A_605] {strides = array<i32>} : memref<80x256xf32, #tpu.memory_space<vmem>>, vector<1x16xf32>,
        %get3A_607 = vector.shape_cast %get3A_606 : vector<1x16xf32> to vector<16xf32>
        %add3A_608 = arith.addf %get3A_603, %get3A_607 : vector<16xf32>
        %swap3A_609 = arith.index_cast %scan3A_515 : i32 to index
        %swap3A_610 = arith.constant 96 : index
        %swap3A_611 = tpu.vector_load %arg9[%swap3A_609, %swap3A_610] {strides = array<i32>} : memref<80x256xf32, #tpu.memory_space<vmem>>, vector<1x16xf32>,
        %swap3A_612 = vector.shape_cast %swap3A_611 : vector<1x16xf32> to vector<16xf32>
        %swap3A_613 = vector.shape_cast %add3A_608 : vector<16xf32> to vector<1x16xf32>
        tpu.vector_store %arg9[%swap3A_609, %swap3A_610], %swap3A_613 {strides = array<i32>} : memref<80x256xf32, #tpu.memory_space<vmem>>, vector<1x16xf32>,
        %get3A_614 = arith.index_cast %scan3A_515 : i32 to index
        %get3A_615 = arith.constant 112 : index
        %get3A_616 = tpu.vector_load %arg9[%get3A_614, %get3A_615] {strides = array<i32>} : memref<80x256xf32, #tpu.memory_space<vmem>>, vector<1x16xf32>,
        %get3A_617 = vector.shape_cast %get3A_616 : vector<1x16xf32> to vector<16xf32>
        %get3A_618 = arith.index_cast %scan3A_515 : i32 to index
        %get3A_619 = arith.constant 112 : index
        %get3A_620 = tpu.vector_load %arg10[%get3A_618, %get3A_619] {strides = array<i32>} : memref<80x256xf32, #tpu.memory_space<vmem>>, vector<1x16xf32>,
        %get3A_621 = vector.shape_cast %get3A_620 : vector<1x16xf32> to vector<16xf32>
        %add3A_622 = arith.addf %get3A_617, %get3A_621 : vector<16xf32>
        %swap3A_623 = arith.index_cast %scan3A_515 : i32 to index
        %swap3A_624 = arith.constant 112 : index
        %swap3A_625 = tpu.vector_load %arg9[%swap3A_623, %swap3A_624] {strides = array<i32>} : memref<80x256xf32, #tpu.memory_space<vmem>>, vector<1x16xf32>,
        %swap3A_626 = vector.shape_cast %swap3A_625 : vector<1x16xf32> to vector<16xf32>
        %swap3A_627 = vector.shape_cast %add3A_622 : vector<16xf32> to vector<1x16xf32>
        tpu.vector_store %arg9[%swap3A_623, %swap3A_624], %swap3A_627 {strides = array<i32>} : memref<80x256xf32, #tpu.memory_space<vmem>>, vector<1x16xf32>,
        %get3A_628 = arith.index_cast %scan3A_515 : i32 to index
        %get3A_629 = arith.constant 128 : index
        %get3A_630 = tpu.vector_load %arg9[%get3A_628, %get3A_629] {strides = array<i32>} : memref<80x256xf32, #tpu.memory_space<vmem>>, vector<1x16xf32>,
        %get3A_631 = vector.shape_cast %get3A_630 : vector<1x16xf32> to vector<16xf32>
        %get3A_632 = arith.index_cast %scan3A_515 : i32 to index
        %get3A_633 = arith.constant 128 : index
        %get3A_634 = tpu.vector_load %arg10[%get3A_632, %get3A_633] {strides = array<i32>} : memref<80x256xf32, #tpu.memory_space<vmem>>, vector<1x16xf32>,
        %get3A_635 = vector.shape_cast %get3A_634 : vector<1x16xf32> to vector<16xf32>
        %add3A_636 = arith.addf %get3A_631, %get3A_635 : vector<16xf32>
        %swap3A_637 = arith.index_cast %scan3A_515 : i32 to index
        %swap3A_638 = arith.constant 128 : index
        %swap3A_639 = tpu.vector_load %arg9[%swap3A_637, %swap3A_638] {strides = array<i32>} : memref<80x256xf32, #tpu.memory_space<vmem>>, vector<1x16xf32>,
        %swap3A_640 = vector.shape_cast %swap3A_639 : vector<1x16xf32> to vector<16xf32>
        %swap3A_641 = vector.shape_cast %add3A_636 : vector<16xf32> to vector<1x16xf32>
        tpu.vector_store %arg9[%swap3A_637, %swap3A_638], %swap3A_641 {strides = array<i32>} : memref<80x256xf32, #tpu.memory_space<vmem>>, vector<1x16xf32>,
        %get3A_642 = arith.index_cast %scan3A_515 : i32 to index
        %get3A_643 = arith.constant 144 : index
        %get3A_644 = tpu.vector_load %arg9[%get3A_642, %get3A_643] {strides = array<i32>} : memref<80x256xf32, #tpu.memory_space<vmem>>, vector<1x16xf32>,
        %get3A_645 = vector.shape_cast %get3A_644 : vector<1x16xf32> to vector<16xf32>
        %get3A_646 = arith.index_cast %scan3A_515 : i32 to index
        %get3A_647 = arith.constant 144 : index
        %get3A_648 = tpu.vector_load %arg10[%get3A_646, %get3A_647] {strides = array<i32>} : memref<80x256xf32, #tpu.memory_space<vmem>>, vector<1x16xf32>,
        %get3A_649 = vector.shape_cast %get3A_648 : vector<1x16xf32> to vector<16xf32>
        %add3A_650 = arith.addf %get3A_645, %get3A_649 : vector<16xf32>
        %swap3A_651 = arith.index_cast %scan3A_515 : i32 to index
        %swap3A_652 = arith.constant 144 : index
        %swap3A_653 = tpu.vector_load %arg9[%swap3A_651, %swap3A_652] {strides = array<i32>} : memref<80x256xf32, #tpu.memory_space<vmem>>, vector<1x16xf32>,
        %swap3A_654 = vector.shape_cast %swap3A_653 : vector<1x16xf32> to vector<16xf32>
        %swap3A_655 = vector.shape_cast %add3A_650 : vector<16xf32> to vector<1x16xf32>
        tpu.vector_store %arg9[%swap3A_651, %swap3A_652], %swap3A_655 {strides = array<i32>} : memref<80x256xf32, #tpu.memory_space<vmem>>, vector<1x16xf32>,
        %get3A_656 = arith.index_cast %scan3A_515 : i32 to index
        %get3A_657 = arith.constant 160 : index
        %get3A_658 = tpu.vector_load %arg9[%get3A_656, %get3A_657] {strides = array<i32>} : memref<80x256xf32, #tpu.memory_space<vmem>>, vector<1x16xf32>,
        %get3A_659 = vector.shape_cast %get3A_658 : vector<1x16xf32> to vector<16xf32>
        %get3A_660 = arith.index_cast %scan3A_515 : i32 to index
        %get3A_661 = arith.constant 160 : index
        %get3A_662 = tpu.vector_load %arg10[%get3A_660, %get3A_661] {strides = array<i32>} : memref<80x256xf32, #tpu.memory_space<vmem>>, vector<1x16xf32>,
        %get3A_663 = vector.shape_cast %get3A_662 : vector<1x16xf32> to vector<16xf32>
        %add3A_664 = arith.addf %get3A_659, %get3A_663 : vector<16xf32>
        %swap3A_665 = arith.index_cast %scan3A_515 : i32 to index
        %swap3A_666 = arith.constant 160 : index
        %swap3A_667 = tpu.vector_load %arg9[%swap3A_665, %swap3A_666] {strides = array<i32>} : memref<80x256xf32, #tpu.memory_space<vmem>>, vector<1x16xf32>,
        %swap3A_668 = vector.shape_cast %swap3A_667 : vector<1x16xf32> to vector<16xf32>
        %swap3A_669 = vector.shape_cast %add3A_664 : vector<16xf32> to vector<1x16xf32>
        tpu.vector_store %arg9[%swap3A_665, %swap3A_666], %swap3A_669 {strides = array<i32>} : memref<80x256xf32, #tpu.memory_space<vmem>>, vector<1x16xf32>,
        %get3A_670 = arith.index_cast %scan3A_515 : i32 to index
        %get3A_671 = arith.constant 176 : index
        %get3A_672 = tpu.vector_load %arg9[%get3A_670, %get3A_671] {strides = array<i32>} : memref<80x256xf32, #tpu.memory_space<vmem>>, vector<1x16xf32>,
        %get3A_673 = vector.shape_cast %get3A_672 : vector<1x16xf32> to vector<16xf32>
        %get3A_674 = arith.index_cast %scan3A_515 : i32 to index
        %get3A_675 = arith.constant 176 : index
        %get3A_676 = tpu.vector_load %arg10[%get3A_674, %get3A_675] {strides = array<i32>} : memref<80x256xf32, #tpu.memory_space<vmem>>, vector<1x16xf32>,
        %get3A_677 = vector.shape_cast %get3A_676 : vector<1x16xf32> to vector<16xf32>
        %add3A_678 = arith.addf %get3A_673, %get3A_677 : vector<16xf32>
        %swap3A_679 = arith.index_cast %scan3A_515 : i32 to index
        %swap3A_680 = arith.constant 176 : index
        %swap3A_681 = tpu.vector_load %arg9[%swap3A_679, %swap3A_680] {strides = array<i32>} : memref<80x256xf32, #tpu.memory_space<vmem>>, vector<1x16xf32>,
        %swap3A_682 = vector.shape_cast %swap3A_681 : vector<1x16xf32> to vector<16xf32>
        %swap3A_683 = vector.shape_cast %add3A_678 : vector<16xf32> to vector<1x16xf32>
        tpu.vector_store %arg9[%swap3A_679, %swap3A_680], %swap3A_683 {strides = array<i32>} : memref<80x256xf32, #tpu.memory_space<vmem>>, vector<1x16xf32>,
        %get3A_684 = arith.index_cast %scan3A_515 : i32 to index
        %get3A_685 = arith.constant 192 : index
        %get3A_686 = tpu.vector_load %arg9[%get3A_684, %get3A_685] {strides = array<i32>} : memref<80x256xf32, #tpu.memory_space<vmem>>, vector<1x16xf32>,
        %get3A_687 = vector.shape_cast %get3A_686 : vector<1x16xf32> to vector<16xf32>
        %get3A_688 = arith.index_cast %scan3A_515 : i32 to index
        %get3A_689 = arith.constant 192 : index
        %get3A_690 = tpu.vector_load %arg10[%get3A_688, %get3A_689] {strides = array<i32>} : memref<80x256xf32, #tpu.memory_space<vmem>>, vector<1x16xf32>,
        %get3A_691 = vector.shape_cast %get3A_690 : vector<1x16xf32> to vector<16xf32>
        %add3A_692 = arith.addf %get3A_687, %get3A_691 : vector<16xf32>
        %swap3A_693 = arith.index_cast %scan3A_515 : i32 to index
        %swap3A_694 = arith.constant 192 : index
        %swap3A_695 = tpu.vector_load %arg9[%swap3A_693, %swap3A_694] {strides = array<i32>} : memref<80x256xf32, #tpu.memory_space<vmem>>, vector<1x16xf32>,
        %swap3A_696 = vector.shape_cast %swap3A_695 : vector<1x16xf32> to vector<16xf32>
        %swap3A_697 = vector.shape_cast %add3A_692 : vector<16xf32> to vector<1x16xf32>
        tpu.vector_store %arg9[%swap3A_693, %swap3A_694], %swap3A_697 {strides = array<i32>} : memref<80x256xf32, #tpu.memory_space<vmem>>, vector<1x16xf32>,
        %get3A_698 = arith.index_cast %scan3A_515 : i32 to index
        %get3A_699 = arith.constant 208 : index
        %get3A_700 = tpu.vector_load %arg9[%get3A_698, %get3A_699] {strides = array<i32>} : memref<80x256xf32, #tpu.memory_space<vmem>>, vector<1x16xf32>,
        %get3A_701 = vector.shape_cast %get3A_700 : vector<1x16xf32> to vector<16xf32>
        %get3A_702 = arith.index_cast %scan3A_515 : i32 to index
        %get3A_703 = arith.constant 208 : index
        %get3A_704 = tpu.vector_load %arg10[%get3A_702, %get3A_703] {strides = array<i32>} : memref<80x256xf32, #tpu.memory_space<vmem>>, vector<1x16xf32>,
        %get3A_705 = vector.shape_cast %get3A_704 : vector<1x16xf32> to vector<16xf32>
        %add3A_706 = arith.addf %get3A_701, %get3A_705 : vector<16xf32>
        %swap3A_707 = arith.index_cast %scan3A_515 : i32 to index
        %swap3A_708 = arith.constant 208 : index
        %swap3A_709 = tpu.vector_load %arg9[%swap3A_707, %swap3A_708] {strides = array<i32>} : memref<80x256xf32, #tpu.memory_space<vmem>>, vector<1x16xf32>,
        %swap3A_710 = vector.shape_cast %swap3A_709 : vector<1x16xf32> to vector<16xf32>
        %swap3A_711 = vector.shape_cast %add3A_706 : vector<16xf32> to vector<1x16xf32>
        tpu.vector_store %arg9[%swap3A_707, %swap3A_708], %swap3A_711 {strides = array<i32>} : memref<80x256xf32, #tpu.memory_space<vmem>>, vector<1x16xf32>,
        %get3A_712 = arith.index_cast %scan3A_515 : i32 to index
        %get3A_713 = arith.constant 224 : index
        %get3A_714 = tpu.vector_load %arg9[%get3A_712, %get3A_713] {strides = array<i32>} : memref<80x256xf32, #tpu.memory_space<vmem>>, vector<1x16xf32>,
        %get3A_715 = vector.shape_cast %get3A_714 : vector<1x16xf32> to vector<16xf32>
        %get3A_716 = arith.index_cast %scan3A_515 : i32 to index
        %get3A_717 = arith.constant 224 : index
        %get3A_718 = tpu.vector_load %arg10[%get3A_716, %get3A_717] {strides = array<i32>} : memref<80x256xf32, #tpu.memory_space<vmem>>, vector<1x16xf32>,
        %get3A_719 = vector.shape_cast %get3A_718 : vector<1x16xf32> to vector<16xf32>
        %add3A_720 = arith.addf %get3A_715, %get3A_719 : vector<16xf32>
        %swap3A_721 = arith.index_cast %scan3A_515 : i32 to index
        %swap3A_722 = arith.constant 224 : index
        %swap3A_723 = tpu.vector_load %arg9[%swap3A_721, %swap3A_722] {strides = array<i32>} : memref<80x256xf32, #tpu.memory_space<vmem>>, vector<1x16xf32>,
        %swap3A_724 = vector.shape_cast %swap3A_723 : vector<1x16xf32> to vector<16xf32>
        %swap3A_725 = vector.shape_cast %add3A_720 : vector<16xf32> to vector<1x16xf32>
        tpu.vector_store %arg9[%swap3A_721, %swap3A_722], %swap3A_725 {strides = array<i32>} : memref<80x256xf32, #tpu.memory_space<vmem>>, vector<1x16xf32>,
        %get3A_726 = arith.index_cast %scan3A_515 : i32 to index
        %get3A_727 = arith.constant 240 : index
        %get3A_728 = tpu.vector_load %arg9[%get3A_726, %get3A_727] {strides = array<i32>} : memref<80x256xf32, #tpu.memory_space<vmem>>, vector<1x16xf32>,
        %get3A_729 = vector.shape_cast %get3A_728 : vector<1x16xf32> to vector<16xf32>
        %get3A_730 = arith.index_cast %scan3A_515 : i32 to index
        %get3A_731 = arith.constant 240 : index
        %get3A_732 = tpu.vector_load %arg10[%get3A_730, %get3A_731] {strides = array<i32>} : memref<80x256xf32, #tpu.memory_space<vmem>>, vector<1x16xf32>,
        %get3A_733 = vector.shape_cast %get3A_732 : vector<1x16xf32> to vector<16xf32>
        %add3A_734 = arith.addf %get3A_729, %get3A_733 : vector<16xf32>
        %swap3A_735 = arith.index_cast %scan3A_515 : i32 to index
        %swap3A_736 = arith.constant 240 : index
        %swap3A_737 = tpu.vector_load %arg9[%swap3A_735, %swap3A_736] {strides = array<i32>} : memref<80x256xf32, #tpu.memory_space<vmem>>, vector<1x16xf32>,
        %swap3A_738 = vector.shape_cast %swap3A_737 : vector<1x16xf32> to vector<16xf32>
        %swap3A_739 = vector.shape_cast %add3A_734 : vector<16xf32> to vector<1x16xf32>
        tpu.vector_store %arg9[%swap3A_735, %swap3A_736], %swap3A_739 {strides = array<i32>} : memref<80x256xf32, #tpu.memory_space<vmem>>, vector<1x16xf32>,
        %scan3A_740 = arith.constant 3 : i32
        %scan3A_741 = arith.addi %scan3A_65, %scan3A_740 : i32
        %get3A_742 = arith.index_cast %scan3A_741 : i32 to index
        %get3A_743 = arith.constant 0 : index
        %get3A_744 = tpu.vector_load %arg9[%get3A_742, %get3A_743] {strides = array<i32>} : memref<80x256xf32, #tpu.memory_space<vmem>>, vector<1x16xf32>,
        %get3A_745 = vector.shape_cast %get3A_744 : vector<1x16xf32> to vector<16xf32>
        %get3A_746 = arith.index_cast %scan3A_741 : i32 to index
        %get3A_747 = arith.constant 0 : index
        %get3A_748 = tpu.vector_load %arg10[%get3A_746, %get3A_747] {strides = array<i32>} : memref<80x256xf32, #tpu.memory_space<vmem>>, vector<1x16xf32>,
        %get3A_749 = vector.shape_cast %get3A_748 : vector<1x16xf32> to vector<16xf32>
        %add3A_750 = arith.addf %get3A_745, %get3A_749 : vector<16xf32>
        %swap3A_751 = arith.index_cast %scan3A_741 : i32 to index
        %swap3A_752 = arith.constant 0 : index
        %swap3A_753 = tpu.vector_load %arg9[%swap3A_751, %swap3A_752] {strides = array<i32>} : memref<80x256xf32, #tpu.memory_space<vmem>>, vector<1x16xf32>,
        %swap3A_754 = vector.shape_cast %swap3A_753 : vector<1x16xf32> to vector<16xf32>
        %swap3A_755 = vector.shape_cast %add3A_750 : vector<16xf32> to vector<1x16xf32>
        tpu.vector_store %arg9[%swap3A_751, %swap3A_752], %swap3A_755 {strides = array<i32>} : memref<80x256xf32, #tpu.memory_space<vmem>>, vector<1x16xf32>,
        %get3A_756 = arith.index_cast %scan3A_741 : i32 to index
        %get3A_757 = arith.constant 16 : index
        %get3A_758 = tpu.vector_load %arg9[%get3A_756, %get3A_757] {strides = array<i32>} : memref<80x256xf32, #tpu.memory_space<vmem>>, vector<1x16xf32>,
        %get3A_759 = vector.shape_cast %get3A_758 : vector<1x16xf32> to vector<16xf32>
        %get3A_760 = arith.index_cast %scan3A_741 : i32 to index
        %get3A_761 = arith.constant 16 : index
        %get3A_762 = tpu.vector_load %arg10[%get3A_760, %get3A_761] {strides = array<i32>} : memref<80x256xf32, #tpu.memory_space<vmem>>, vector<1x16xf32>,
        %get3A_763 = vector.shape_cast %get3A_762 : vector<1x16xf32> to vector<16xf32>
        %add3A_764 = arith.addf %get3A_759, %get3A_763 : vector<16xf32>
        %swap3A_765 = arith.index_cast %scan3A_741 : i32 to index
        %swap3A_766 = arith.constant 16 : index
        %swap3A_767 = tpu.vector_load %arg9[%swap3A_765, %swap3A_766] {strides = array<i32>} : memref<80x256xf32, #tpu.memory_space<vmem>>, vector<1x16xf32>,
        %swap3A_768 = vector.shape_cast %swap3A_767 : vector<1x16xf32> to vector<16xf32>
        %swap3A_769 = vector.shape_cast %add3A_764 : vector<16xf32> to vector<1x16xf32>
        tpu.vector_store %arg9[%swap3A_765, %swap3A_766], %swap3A_769 {strides = array<i32>} : memref<80x256xf32, #tpu.memory_space<vmem>>, vector<1x16xf32>,
        %get3A_770 = arith.index_cast %scan3A_741 : i32 to index
        %get3A_771 = arith.constant 32 : index
        %get3A_772 = tpu.vector_load %arg9[%get3A_770, %get3A_771] {strides = array<i32>} : memref<80x256xf32, #tpu.memory_space<vmem>>, vector<1x16xf32>,
        %get3A_773 = vector.shape_cast %get3A_772 : vector<1x16xf32> to vector<16xf32>
        %get3A_774 = arith.index_cast %scan3A_741 : i32 to index
        %get3A_775 = arith.constant 32 : index
        %get3A_776 = tpu.vector_load %arg10[%get3A_774, %get3A_775] {strides = array<i32>} : memref<80x256xf32, #tpu.memory_space<vmem>>, vector<1x16xf32>,
        %get3A_777 = vector.shape_cast %get3A_776 : vector<1x16xf32> to vector<16xf32>
        %add3A_778 = arith.addf %get3A_773, %get3A_777 : vector<16xf32>
        %swap3A_779 = arith.index_cast %scan3A_741 : i32 to index
        %swap3A_780 = arith.constant 32 : index
        %swap3A_781 = tpu.vector_load %arg9[%swap3A_779, %swap3A_780] {strides = array<i32>} : memref<80x256xf32, #tpu.memory_space<vmem>>, vector<1x16xf32>,
        %swap3A_782 = vector.shape_cast %swap3A_781 : vector<1x16xf32> to vector<16xf32>
        %swap3A_783 = vector.shape_cast %add3A_778 : vector<16xf32> to vector<1x16xf32>
        tpu.vector_store %arg9[%swap3A_779, %swap3A_780], %swap3A_783 {strides = array<i32>} : memref<80x256xf32, #tpu.memory_space<vmem>>, vector<1x16xf32>,
        %get3A_784 = arith.index_cast %scan3A_741 : i32 to index
        %get3A_785 = arith.constant 48 : index
        %get3A_786 = tpu.vector_load %arg9[%get3A_784, %get3A_785] {strides = array<i32>} : memref<80x256xf32, #tpu.memory_space<vmem>>, vector<1x16xf32>,
        %get3A_787 = vector.shape_cast %get3A_786 : vector<1x16xf32> to vector<16xf32>
        %get3A_788 = arith.index_cast %scan3A_741 : i32 to index
        %get3A_789 = arith.constant 48 : index
        %get3A_790 = tpu.vector_load %arg10[%get3A_788, %get3A_789] {strides = array<i32>} : memref<80x256xf32, #tpu.memory_space<vmem>>, vector<1x16xf32>,
        %get3A_791 = vector.shape_cast %get3A_790 : vector<1x16xf32> to vector<16xf32>
        %add3A_792 = arith.addf %get3A_787, %get3A_791 : vector<16xf32>
        %swap3A_793 = arith.index_cast %scan3A_741 : i32 to index
        %swap3A_794 = arith.constant 48 : index
        %swap3A_795 = tpu.vector_load %arg9[%swap3A_793, %swap3A_794] {strides = array<i32>} : memref<80x256xf32, #tpu.memory_space<vmem>>, vector<1x16xf32>,
        %swap3A_796 = vector.shape_cast %swap3A_795 : vector<1x16xf32> to vector<16xf32>
        %swap3A_797 = vector.shape_cast %add3A_792 : vector<16xf32> to vector<1x16xf32>
        tpu.vector_store %arg9[%swap3A_793, %swap3A_794], %swap3A_797 {strides = array<i32>} : memref<80x256xf32, #tpu.memory_space<vmem>>, vector<1x16xf32>,
        %get3A_798 = arith.index_cast %scan3A_741 : i32 to index
        %get3A_799 = arith.constant 64 : index
        %get3A_800 = tpu.vector_load %arg9[%get3A_798, %get3A_799] {strides = array<i32>} : memref<80x256xf32, #tpu.memory_space<vmem>>, vector<1x16xf32>,
        %get3A_801 = vector.shape_cast %get3A_800 : vector<1x16xf32> to vector<16xf32>
        %get3A_802 = arith.index_cast %scan3A_741 : i32 to index
        %get3A_803 = arith.constant 64 : index
        %get3A_804 = tpu.vector_load %arg10[%get3A_802, %get3A_803] {strides = array<i32>} : memref<80x256xf32, #tpu.memory_space<vmem>>, vector<1x16xf32>,
        %get3A_805 = vector.shape_cast %get3A_804 : vector<1x16xf32> to vector<16xf32>
        %add3A_806 = arith.addf %get3A_801, %get3A_805 : vector<16xf32>
        %swap3A_807 = arith.index_cast %scan3A_741 : i32 to index
        %swap3A_808 = arith.constant 64 : index
        %swap3A_809 = tpu.vector_load %arg9[%swap3A_807, %swap3A_808] {strides = array<i32>} : memref<80x256xf32, #tpu.memory_space<vmem>>, vector<1x16xf32>,
        %swap3A_810 = vector.shape_cast %swap3A_809 : vector<1x16xf32> to vector<16xf32>
        %swap3A_811 = vector.shape_cast %add3A_806 : vector<16xf32> to vector<1x16xf32>
        tpu.vector_store %arg9[%swap3A_807, %swap3A_808], %swap3A_811 {strides = array<i32>} : memref<80x256xf32, #tpu.memory_space<vmem>>, vector<1x16xf32>,
        %get3A_812 = arith.index_cast %scan3A_741 : i32 to index
        %get3A_813 = arith.constant 80 : index
        %get3A_814 = tpu.vector_load %arg9[%get3A_812, %get3A_813] {strides = array<i32>} : memref<80x256xf32, #tpu.memory_space<vmem>>, vector<1x16xf32>,
        %get3A_815 = vector.shape_cast %get3A_814 : vector<1x16xf32> to vector<16xf32>
        %get3A_816 = arith.index_cast %scan3A_741 : i32 to index
        %get3A_817 = arith.constant 80 : index
        %get3A_818 = tpu.vector_load %arg10[%get3A_816, %get3A_817] {strides = array<i32>} : memref<80x256xf32, #tpu.memory_space<vmem>>, vector<1x16xf32>,
        %get3A_819 = vector.shape_cast %get3A_818 : vector<1x16xf32> to vector<16xf32>
        %add3A_820 = arith.addf %get3A_815, %get3A_819 : vector<16xf32>
        %swap3A_821 = arith.index_cast %scan3A_741 : i32 to index
        %swap3A_822 = arith.constant 80 : index
        %swap3A_823 = tpu.vector_load %arg9[%swap3A_821, %swap3A_822] {strides = array<i32>} : memref<80x256xf32, #tpu.memory_space<vmem>>, vector<1x16xf32>,
        %swap3A_824 = vector.shape_cast %swap3A_823 : vector<1x16xf32> to vector<16xf32>
        %swap3A_825 = vector.shape_cast %add3A_820 : vector<16xf32> to vector<1x16xf32>
        tpu.vector_store %arg9[%swap3A_821, %swap3A_822], %swap3A_825 {strides = array<i32>} : memref<80x256xf32, #tpu.memory_space<vmem>>, vector<1x16xf32>,
        %get3A_826 = arith.index_cast %scan3A_741 : i32 to index
        %get3A_827 = arith.constant 96 : index
        %get3A_828 = tpu.vector_load %arg9[%get3A_826, %get3A_827] {strides = array<i32>} : memref<80x256xf32, #tpu.memory_space<vmem>>, vector<1x16xf32>,
        %get3A_829 = vector.shape_cast %get3A_828 : vector<1x16xf32> to vector<16xf32>
        %get3A_830 = arith.index_cast %scan3A_741 : i32 to index
        %get3A_831 = arith.constant 96 : index
        %get3A_832 = tpu.vector_load %arg10[%get3A_830, %get3A_831] {strides = array<i32>} : memref<80x256xf32, #tpu.memory_space<vmem>>, vector<1x16xf32>,
        %get3A_833 = vector.shape_cast %get3A_832 : vector<1x16xf32> to vector<16xf32>
        %add3A_834 = arith.addf %get3A_829, %get3A_833 : vector<16xf32>
        %swap3A_835 = arith.index_cast %scan3A_741 : i32 to index
        %swap3A_836 = arith.constant 96 : index
        %swap3A_837 = tpu.vector_load %arg9[%swap3A_835, %swap3A_836] {strides = array<i32>} : memref<80x256xf32, #tpu.memory_space<vmem>>, vector<1x16xf32>,
        %swap3A_838 = vector.shape_cast %swap3A_837 : vector<1x16xf32> to vector<16xf32>
        %swap3A_839 = vector.shape_cast %add3A_834 : vector<16xf32> to vector<1x16xf32>
        tpu.vector_store %arg9[%swap3A_835, %swap3A_836], %swap3A_839 {strides = array<i32>} : memref<80x256xf32, #tpu.memory_space<vmem>>, vector<1x16xf32>,
        %get3A_840 = arith.index_cast %scan3A_741 : i32 to index
        %get3A_841 = arith.constant 112 : index
        %get3A_842 = tpu.vector_load %arg9[%get3A_840, %get3A_841] {strides = array<i32>} : memref<80x256xf32, #tpu.memory_space<vmem>>, vector<1x16xf32>,
        %get3A_843 = vector.shape_cast %get3A_842 : vector<1x16xf32> to vector<16xf32>
        %get3A_844 = arith.index_cast %scan3A_741 : i32 to index
        %get3A_845 = arith.constant 112 : index
        %get3A_846 = tpu.vector_load %arg10[%get3A_844, %get3A_845] {strides = array<i32>} : memref<80x256xf32, #tpu.memory_space<vmem>>, vector<1x16xf32>,
        %get3A_847 = vector.shape_cast %get3A_846 : vector<1x16xf32> to vector<16xf32>
        %add3A_848 = arith.addf %get3A_843, %get3A_847 : vector<16xf32>
        %swap3A_849 = arith.index_cast %scan3A_741 : i32 to index
        %swap3A_850 = arith.constant 112 : index
        %swap3A_851 = tpu.vector_load %arg9[%swap3A_849, %swap3A_850] {strides = array<i32>} : memref<80x256xf32, #tpu.memory_space<vmem>>, vector<1x16xf32>,
        %swap3A_852 = vector.shape_cast %swap3A_851 : vector<1x16xf32> to vector<16xf32>
        %swap3A_853 = vector.shape_cast %add3A_848 : vector<16xf32> to vector<1x16xf32>
        tpu.vector_store %arg9[%swap3A_849, %swap3A_850], %swap3A_853 {strides = array<i32>} : memref<80x256xf32, #tpu.memory_space<vmem>>, vector<1x16xf32>,
        %get3A_854 = arith.index_cast %scan3A_741 : i32 to index
        %get3A_855 = arith.constant 128 : index
        %get3A_856 = tpu.vector_load %arg9[%get3A_854, %get3A_855] {strides = array<i32>} : memref<80x256xf32, #tpu.memory_space<vmem>>, vector<1x16xf32>,
        %get3A_857 = vector.shape_cast %get3A_856 : vector<1x16xf32> to vector<16xf32>
        %get3A_858 = arith.index_cast %scan3A_741 : i32 to index
        %get3A_859 = arith.constant 128 : index
        %get3A_860 = tpu.vector_load %arg10[%get3A_858, %get3A_859] {strides = array<i32>} : memref<80x256xf32, #tpu.memory_space<vmem>>, vector<1x16xf32>,
        %get3A_861 = vector.shape_cast %get3A_860 : vector<1x16xf32> to vector<16xf32>
        %add3A_862 = arith.addf %get3A_857, %get3A_861 : vector<16xf32>
        %swap3A_863 = arith.index_cast %scan3A_741 : i32 to index
        %swap3A_864 = arith.constant 128 : index
        %swap3A_865 = tpu.vector_load %arg9[%swap3A_863, %swap3A_864] {strides = array<i32>} : memref<80x256xf32, #tpu.memory_space<vmem>>, vector<1x16xf32>,
        %swap3A_866 = vector.shape_cast %swap3A_865 : vector<1x16xf32> to vector<16xf32>
        %swap3A_867 = vector.shape_cast %add3A_862 : vector<16xf32> to vector<1x16xf32>
        tpu.vector_store %arg9[%swap3A_863, %swap3A_864], %swap3A_867 {strides = array<i32>} : memref<80x256xf32, #tpu.memory_space<vmem>>, vector<1x16xf32>,
        %get3A_868 = arith.index_cast %scan3A_741 : i32 to index
        %get3A_869 = arith.constant 144 : index
        %get3A_870 = tpu.vector_load %arg9[%get3A_868, %get3A_869] {strides = array<i32>} : memref<80x256xf32, #tpu.memory_space<vmem>>, vector<1x16xf32>,
        %get3A_871 = vector.shape_cast %get3A_870 : vector<1x16xf32> to vector<16xf32>
        %get3A_872 = arith.index_cast %scan3A_741 : i32 to index
        %get3A_873 = arith.constant 144 : index
        %get3A_874 = tpu.vector_load %arg10[%get3A_872, %get3A_873] {strides = array<i32>} : memref<80x256xf32, #tpu.memory_space<vmem>>, vector<1x16xf32>,
        %get3A_875 = vector.shape_cast %get3A_874 : vector<1x16xf32> to vector<16xf32>
        %add3A_876 = arith.addf %get3A_871, %get3A_875 : vector<16xf32>
        %swap3A_877 = arith.index_cast %scan3A_741 : i32 to index
        %swap3A_878 = arith.constant 144 : index
        %swap3A_879 = tpu.vector_load %arg9[%swap3A_877, %swap3A_878] {strides = array<i32>} : memref<80x256xf32, #tpu.memory_space<vmem>>, vector<1x16xf32>,
        %swap3A_880 = vector.shape_cast %swap3A_879 : vector<1x16xf32> to vector<16xf32>
        %swap3A_881 = vector.shape_cast %add3A_876 : vector<16xf32> to vector<1x16xf32>
        tpu.vector_store %arg9[%swap3A_877, %swap3A_878], %swap3A_881 {strides = array<i32>} : memref<80x256xf32, #tpu.memory_space<vmem>>, vector<1x16xf32>,
        %get3A_882 = arith.index_cast %scan3A_741 : i32 to index
        %get3A_883 = arith.constant 160 : index
        %get3A_884 = tpu.vector_load %arg9[%get3A_882, %get3A_883] {strides = array<i32>} : memref<80x256xf32, #tpu.memory_space<vmem>>, vector<1x16xf32>,
        %get3A_885 = vector.shape_cast %get3A_884 : vector<1x16xf32> to vector<16xf32>
        %get3A_886 = arith.index_cast %scan3A_741 : i32 to index
        %get3A_887 = arith.constant 160 : index
        %get3A_888 = tpu.vector_load %arg10[%get3A_886, %get3A_887] {strides = array<i32>} : memref<80x256xf32, #tpu.memory_space<vmem>>, vector<1x16xf32>,
        %get3A_889 = vector.shape_cast %get3A_888 : vector<1x16xf32> to vector<16xf32>
        %add3A_890 = arith.addf %get3A_885, %get3A_889 : vector<16xf32>
        %swap3A_891 = arith.index_cast %scan3A_741 : i32 to index
        %swap3A_892 = arith.constant 160 : index
        %swap3A_893 = tpu.vector_load %arg9[%swap3A_891, %swap3A_892] {strides = array<i32>} : memref<80x256xf32, #tpu.memory_space<vmem>>, vector<1x16xf32>,
        %swap3A_894 = vector.shape_cast %swap3A_893 : vector<1x16xf32> to vector<16xf32>
        %swap3A_895 = vector.shape_cast %add3A_890 : vector<16xf32> to vector<1x16xf32>
        tpu.vector_store %arg9[%swap3A_891, %swap3A_892], %swap3A_895 {strides = array<i32>} : memref<80x256xf32, #tpu.memory_space<vmem>>, vector<1x16xf32>,
        %get3A_896 = arith.index_cast %scan3A_741 : i32 to index
        %get3A_897 = arith.constant 176 : index
        %get3A_898 = tpu.vector_load %arg9[%get3A_896, %get3A_897] {strides = array<i32>} : memref<80x256xf32, #tpu.memory_space<vmem>>, vector<1x16xf32>,
        %get3A_899 = vector.shape_cast %get3A_898 : vector<1x16xf32> to vector<16xf32>
        %get3A_900 = arith.index_cast %scan3A_741 : i32 to index
        %get3A_901 = arith.constant 176 : index
        %get3A_902 = tpu.vector_load %arg10[%get3A_900, %get3A_901] {strides = array<i32>} : memref<80x256xf32, #tpu.memory_space<vmem>>, vector<1x16xf32>,
        %get3A_903 = vector.shape_cast %get3A_902 : vector<1x16xf32> to vector<16xf32>
        %add3A_904 = arith.addf %get3A_899, %get3A_903 : vector<16xf32>
        %swap3A_905 = arith.index_cast %scan3A_741 : i32 to index
        %swap3A_906 = arith.constant 176 : index
        %swap3A_907 = tpu.vector_load %arg9[%swap3A_905, %swap3A_906] {strides = array<i32>} : memref<80x256xf32, #tpu.memory_space<vmem>>, vector<1x16xf32>,
        %swap3A_908 = vector.shape_cast %swap3A_907 : vector<1x16xf32> to vector<16xf32>
        %swap3A_909 = vector.shape_cast %add3A_904 : vector<16xf32> to vector<1x16xf32>
        tpu.vector_store %arg9[%swap3A_905, %swap3A_906], %swap3A_909 {strides = array<i32>} : memref<80x256xf32, #tpu.memory_space<vmem>>, vector<1x16xf32>,
        %get3A_910 = arith.index_cast %scan3A_741 : i32 to index
        %get3A_911 = arith.constant 192 : index
        %get3A_912 = tpu.vector_load %arg9[%get3A_910, %get3A_911] {strides = array<i32>} : memref<80x256xf32, #tpu.memory_space<vmem>>, vector<1x16xf32>,
        %get3A_913 = vector.shape_cast %get3A_912 : vector<1x16xf32> to vector<16xf32>
        %get3A_914 = arith.index_cast %scan3A_741 : i32 to index
        %get3A_915 = arith.constant 192 : index
        %get3A_916 = tpu.vector_load %arg10[%get3A_914, %get3A_915] {strides = array<i32>} : memref<80x256xf32, #tpu.memory_space<vmem>>, vector<1x16xf32>,
        %get3A_917 = vector.shape_cast %get3A_916 : vector<1x16xf32> to vector<16xf32>
        %add3A_918 = arith.addf %get3A_913, %get3A_917 : vector<16xf32>
        %swap3A_919 = arith.index_cast %scan3A_741 : i32 to index
        %swap3A_920 = arith.constant 192 : index
        %swap3A_921 = tpu.vector_load %arg9[%swap3A_919, %swap3A_920] {strides = array<i32>} : memref<80x256xf32, #tpu.memory_space<vmem>>, vector<1x16xf32>,
        %swap3A_922 = vector.shape_cast %swap3A_921 : vector<1x16xf32> to vector<16xf32>
        %swap3A_923 = vector.shape_cast %add3A_918 : vector<16xf32> to vector<1x16xf32>
        tpu.vector_store %arg9[%swap3A_919, %swap3A_920], %swap3A_923 {strides = array<i32>} : memref<80x256xf32, #tpu.memory_space<vmem>>, vector<1x16xf32>,
        %get3A_924 = arith.index_cast %scan3A_741 : i32 to index
        %get3A_925 = arith.constant 208 : index
        %get3A_926 = tpu.vector_load %arg9[%get3A_924, %get3A_925] {strides = array<i32>} : memref<80x256xf32, #tpu.memory_space<vmem>>, vector<1x16xf32>,
        %get3A_927 = vector.shape_cast %get3A_926 : vector<1x16xf32> to vector<16xf32>
        %get3A_928 = arith.index_cast %scan3A_741 : i32 to index
        %get3A_929 = arith.constant 208 : index
        %get3A_930 = tpu.vector_load %arg10[%get3A_928, %get3A_929] {strides = array<i32>} : memref<80x256xf32, #tpu.memory_space<vmem>>, vector<1x16xf32>,
        %get3A_931 = vector.shape_cast %get3A_930 : vector<1x16xf32> to vector<16xf32>
        %add3A_932 = arith.addf %get3A_927, %get3A_931 : vector<16xf32>
        %swap3A_933 = arith.index_cast %scan3A_741 : i32 to index
        %swap3A_934 = arith.constant 208 : index
        %swap3A_935 = tpu.vector_load %arg9[%swap3A_933, %swap3A_934] {strides = array<i32>} : memref<80x256xf32, #tpu.memory_space<vmem>>, vector<1x16xf32>,
        %swap3A_936 = vector.shape_cast %swap3A_935 : vector<1x16xf32> to vector<16xf32>
        %swap3A_937 = vector.shape_cast %add3A_932 : vector<16xf32> to vector<1x16xf32>
        tpu.vector_store %arg9[%swap3A_933, %swap3A_934], %swap3A_937 {strides = array<i32>} : memref<80x256xf32, #tpu.memory_space<vmem>>, vector<1x16xf32>,
        %get3A_938 = arith.index_cast %scan3A_741 : i32 to index
        %get3A_939 = arith.constant 224 : index
        %get3A_940 = tpu.vector_load %arg9[%get3A_938, %get3A_939] {strides = array<i32>} : memref<80x256xf32, #tpu.memory_space<vmem>>, vector<1x16xf32>,
        %get3A_941 = vector.shape_cast %get3A_940 : vector<1x16xf32> to vector<16xf32>
        %get3A_942 = arith.index_cast %scan3A_741 : i32 to index
        %get3A_943 = arith.constant 224 : index
        %get3A_944 = tpu.vector_load %arg10[%get3A_942, %get3A_943] {strides = array<i32>} : memref<80x256xf32, #tpu.memory_space<vmem>>, vector<1x16xf32>,
        %get3A_945 = vector.shape_cast %get3A_944 : vector<1x16xf32> to vector<16xf32>
        %add3A_946 = arith.addf %get3A_941, %get3A_945 : vector<16xf32>
        %swap3A_947 = arith.index_cast %scan3A_741 : i32 to index
        %swap3A_948 = arith.constant 224 : index
        %swap3A_949 = tpu.vector_load %arg9[%swap3A_947, %swap3A_948] {strides = array<i32>} : memref<80x256xf32, #tpu.memory_space<vmem>>, vector<1x16xf32>,
        %swap3A_950 = vector.shape_cast %swap3A_949 : vector<1x16xf32> to vector<16xf32>
        %swap3A_951 = vector.shape_cast %add3A_946 : vector<16xf32> to vector<1x16xf32>
        tpu.vector_store %arg9[%swap3A_947, %swap3A_948], %swap3A_951 {strides = array<i32>} : memref<80x256xf32, #tpu.memory_space<vmem>>, vector<1x16xf32>,
        %get3A_952 = arith.index_cast %scan3A_741 : i32 to index
        %get3A_953 = arith.constant 240 : index
        %get3A_954 = tpu.vector_load %arg9[%get3A_952, %get3A_953] {strides = array<i32>} : memref<80x256xf32, #tpu.memory_space<vmem>>, vector<1x16xf32>,
        %get3A_955 = vector.shape_cast %get3A_954 : vector<1x16xf32> to vector<16xf32>
        %get3A_956 = arith.index_cast %scan3A_741 : i32 to index
        %get3A_957 = arith.constant 240 : index
        %get3A_958 = tpu.vector_load %arg10[%get3A_956, %get3A_957] {strides = array<i32>} : memref<80x256xf32, #tpu.memory_space<vmem>>, vector<1x16xf32>,
        %get3A_959 = vector.shape_cast %get3A_958 : vector<1x16xf32> to vector<16xf32>
        %add3A_960 = arith.addf %get3A_955, %get3A_959 : vector<16xf32>
        %swap3A_961 = arith.index_cast %scan3A_741 : i32 to index
        %swap3A_962 = arith.constant 240 : index
        %swap3A_963 = tpu.vector_load %arg9[%swap3A_961, %swap3A_962] {strides = array<i32>} : memref<80x256xf32, #tpu.memory_space<vmem>>, vector<1x16xf32>,
        %swap3A_964 = vector.shape_cast %swap3A_963 : vector<1x16xf32> to vector<16xf32>
        %swap3A_965 = vector.shape_cast %add3A_960 : vector<16xf32> to vector<1x16xf32>
        tpu.vector_store %arg9[%swap3A_961, %swap3A_962], %swap3A_965 {strides = array<i32>} : memref<80x256xf32, #tpu.memory_space<vmem>>, vector<1x16xf32>,
      }
      %scan3A_44 = arith.constant 80 : i32
      "tpu.region"() ({
        %run_scoped3A = tpu.sem_alloc : memref<!tpu.dma_semaphore, #tpu.memory_space<semaphore_mem>>
        %dma_start3A_65 = arith.constant 0 : i32
        %dma_start3A_66 = tpu.memref_slice %arg6[%multiple_of3A_33, %dma_start3A_65] : memref<163840x256xf32, #tpu.memory_space<hbm>> -> memref<80x256xf32, #tpu.memory_space<hbm>>
        %dma_start3A_67 = arith.constant 0 : i32
        %dma_start3A_68 = tpu.memref_slice %arg6[%multiple_of3A_33, %dma_start3A_67] : memref<163840x256xf32, #tpu.memory_space<hbm>> -> memref<80x256xf32, #tpu.memory_space<hbm>>
        tpu.enqueue_dma source(%arg9 : memref<80x256xf32, #tpu.memory_space<vmem>>) target(%dma_start3A_68 : memref<80x256xf32, #tpu.memory_space<hbm>>) target_semaphore(%run_scoped3A : memref<!tpu.dma_semaphore, #tpu.memory_space<semaphore_mem>>)
        %dma_wait3A_69 = arith.constant 0 : i32
        %dma_wait3A_70 = tpu.memref_slice %arg6[%multiple_of3A_33, %dma_wait3A_69] : memref<163840x256xf32, #tpu.memory_space<hbm>> -> memref<80x256xf32, #tpu.memory_space<hbm>>
        %dma_wait3A_71 = arith.constant 0 : i32
        %dma_wait3A_72 = tpu.memref_slice %arg6[%multiple_of3A_33, %dma_wait3A_71] : memref<163840x256xf32, #tpu.memory_space<hbm>> -> memref<80x256xf32, #tpu.memory_space<hbm>>
        tpu.wait_dma2 semaphore(%run_scoped3A : memref<!tpu.dma_semaphore, #tpu.memory_space<semaphore_mem>>) src(%arg9 : memref<80x256xf32, #tpu.memory_space<vmem>>) dst(%dma_wait3A_72 : memref<80x256xf32, #tpu.memory_space<hbm>>)
        tpu.yield
      }) : () -> ()
      %lt3A = arith.constant 31 : i32
      %lt3A_45 = arith.cmpi slt, %scan3A_15, %lt3A : i32
      %convert_element_type3A = arith.extui %lt3A_45 : i1 to i32
      %cond3A = arith.constant 0 : i32
      %cond3A_46 = arith.cmpi ne, %convert_element_type3A, %cond3A : i32
      scf.if %cond3A_46 {
        %add3A_65 = arith.constant 2 : i32
        %add3A_66 = arith.addi %mul3A_17, %add3A_65 : i32
        %mul3A_67 = arith.constant 80 : i32
        %mul3A_68 = arith.muli %add3A_66, %mul3A_67 : i32
        %add3A_69 = arith.addi %mul3A_2, %mul3A_68 : i32
        %multiple_of3A_70 = tpu.assume_multiple %add3A_69, 80 : i32
        "tpu.region"() ({
          %run_scoped3A = tpu.sem_alloc : memref<!tpu.dma_semaphore, #tpu.memory_space<semaphore_mem>>
          %dma_start3A_77 = tpu.memref_slice %arg4[%multiple_of3A_70] : memref<163840xi32, #tpu.memory_space<hbm>> -> memref<80xi32, #tpu.memory_space<hbm>>
          %dma_start3A_78 = tpu.memref_slice %arg4[%multiple_of3A_70] : memref<163840xi32, #tpu.memory_space<hbm>> -> memref<80xi32, #tpu.memory_space<hbm>>
          tpu.enqueue_dma source(%dma_start3A_78 : memref<80xi32, #tpu.memory_space<hbm>>) target(%arg7 : memref<80xi32, #tpu.memory_space<vmem>>) target_semaphore(%run_scoped3A : memref<!tpu.dma_semaphore, #tpu.memory_space<semaphore_mem>>)
          %dma_wait3A_79 = tpu.memref_slice %arg4[%multiple_of3A_70] : memref<163840xi32, #tpu.memory_space<hbm>> -> memref<80xi32, #tpu.memory_space<hbm>>
          %dma_wait3A_80 = tpu.memref_slice %arg4[%multiple_of3A_70] : memref<163840xi32, #tpu.memory_space<hbm>> -> memref<80xi32, #tpu.memory_space<hbm>>
          tpu.wait_dma2 semaphore(%run_scoped3A : memref<!tpu.dma_semaphore, #tpu.memory_space<semaphore_mem>>) src(%dma_wait3A_80 : memref<80xi32, #tpu.memory_space<hbm>>) dst(%arg7 : memref<80xi32, #tpu.memory_space<vmem>>)
          tpu.yield
        }) : () -> ()
        "tpu.region"() ({
          %run_scoped3A = tpu.sem_alloc : memref<!tpu.dma_semaphore, #tpu.memory_space<semaphore_mem>>
          %dma_start3A_77 = tpu.memref_slice %arg5[%multiple_of3A_70] : memref<163840xi32, #tpu.memory_space<hbm>> -> memref<80xi32, #tpu.memory_space<hbm>>
          %dma_start3A_78 = tpu.memref_slice %arg5[%multiple_of3A_70] : memref<163840xi32, #tpu.memory_space<hbm>> -> memref<80xi32, #tpu.memory_space<hbm>>
          tpu.enqueue_dma source(%dma_start3A_78 : memref<80xi32, #tpu.memory_space<hbm>>) target(%arg8 : memref<80xi32, #tpu.memory_space<vmem>>) target_semaphore(%run_scoped3A : memref<!tpu.dma_semaphore, #tpu.memory_space<semaphore_mem>>)
          %dma_wait3A_79 = tpu.memref_slice %arg5[%multiple_of3A_70] : memref<163840xi32, #tpu.memory_space<hbm>> -> memref<80xi32, #tpu.memory_space<hbm>>
          %dma_wait3A_80 = tpu.memref_slice %arg5[%multiple_of3A_70] : memref<163840xi32, #tpu.memory_space<hbm>> -> memref<80xi32, #tpu.memory_space<hbm>>
          tpu.wait_dma2 semaphore(%run_scoped3A : memref<!tpu.dma_semaphore, #tpu.memory_space<semaphore_mem>>) src(%dma_wait3A_80 : memref<80xi32, #tpu.memory_space<hbm>>) dst(%arg8 : memref<80xi32, #tpu.memory_space<vmem>>)
          tpu.yield
        }) : () -> ()
        %dma_start3A_71 = arith.constant 0 : i32
        %dma_start3A_72 = arith.constant 0 : i32
        %dma_start3A_73 = tpu.memref_slice %arg2[%dma_start3A_71, %dma_start3A_72] : memref<10000x256xf32, #tpu.memory_space<hbm>> -> memref<10000x256xf32, #tpu.memory_space<hbm>>
        tpu.enqueue_indirect_dma source(%dma_start3A_73 : memref<10000x256xf32, #tpu.memory_space<hbm>>) target(%arg9 : memref<80x256xf32, #tpu.memory_space<vmem>>) offsets(%arg7 : memref<80xi32, #tpu.memory_space<vmem>>) semaphore(%arg15 : memref<!tpu.dma_semaphore, #tpu.memory_space<semaphore_mem>>)
        %dma_start3A_74 = arith.constant 0 : i32
        %dma_start3A_75 = arith.constant 0 : i32
        %dma_start3A_76 = tpu.memref_slice %arg3[%dma_start3A_74, %dma_start3A_75] : memref<10000x256xf32, #tpu.memory_space<hbm>> -> memref<10000x256xf32, #tpu.memory_space<hbm>>
        tpu.enqueue_indirect_dma source(%dma_start3A_76 : memref<10000x256xf32, #tpu.memory_space<hbm>>) target(%arg10 : memref<80x256xf32, #tpu.memory_space<vmem>>) offsets(%arg8 : memref<80xi32, #tpu.memory_space<vmem>>) semaphore(%arg16 : memref<!tpu.dma_semaphore, #tpu.memory_space<semaphore_mem>>)
      } else {
      }
      %add3A_47 = arith.constant 1 : i32
      %add3A_48 = arith.addi %mul3A_17, %add3A_47 : i32
      %mul3A_49 = arith.constant 80 : i32
      %mul3A_50 = arith.muli %add3A_48, %mul3A_49 : i32
      %add3A_51 = arith.addi %mul3A_2, %mul3A_50 : i32
      %multiple_of3A_52 = tpu.assume_multiple %add3A_51, 80 : i32
      %dma_wait3A_53 = arith.constant 0 : i32
      %dma_wait3A_54 = arith.constant 0 : i32
      %dma_wait3A_55 = tpu.memref_slice %arg2[%dma_wait3A_53, %dma_wait3A_54] : memref<10000x256xf32, #tpu.memory_space<hbm>> -> memref<10000x256xf32, #tpu.memory_space<hbm>>
      tpu.wait_indirect_dma semaphore(%arg17 : memref<!tpu.dma_semaphore, #tpu.memory_space<semaphore_mem>>) src(%dma_wait3A_55 : memref<10000x256xf32, #tpu.memory_space<hbm>>) dst(%arg13 : memref<80x256xf32, #tpu.memory_space<vmem>>)
      %dma_wait3A_56 = arith.constant 0 : i32
      %dma_wait3A_57 = arith.constant 0 : i32
      %dma_wait3A_58 = tpu.memref_slice %arg3[%dma_wait3A_56, %dma_wait3A_57] : memref<10000x256xf32, #tpu.memory_space<hbm>> -> memref<10000x256xf32, #tpu.memory_space<hbm>>
      tpu.wait_indirect_dma semaphore(%arg18 : memref<!tpu.dma_semaphore, #tpu.memory_space<semaphore_mem>>) src(%dma_wait3A_58 : memref<10000x256xf32, #tpu.memory_space<hbm>>) dst(%arg14 : memref<80x256xf32, #tpu.memory_space<vmem>>)
      %scan3A_59 = arith.constant 0 : i32
      %scan3A_60 = arith.constant 0 : i32
      %scan3A_61 = arith.constant 80 : i32
      %scan3A_62 = arith.addi %scan3A_60, %scan3A_61 : i32
      %scan3A_63 = arith.constant 4 : i32
      scf.for %scan3A_65 = %scan3A_60 to %scan3A_62 step %scan3A_63  : i32 {
        %get3A = arith.index_cast %scan3A_65 : i32 to index
        %get3A_66 = arith.constant 0 : index
        %get3A_67 = tpu.vector_load %arg13[%get3A, %get3A_66] {strides = array<i32>} : memref<80x256xf32, #tpu.memory_space<vmem>>, vector<1x16xf32>,
        %get3A_68 = vector.shape_cast %get3A_67 : vector<1x16xf32> to vector<16xf32>
        %get3A_69 = arith.index_cast %scan3A_65 : i32 to index
        %get3A_70 = arith.constant 0 : index
        %get3A_71 = tpu.vector_load %arg14[%get3A_69, %get3A_70] {strides = array<i32>} : memref<80x256xf32, #tpu.memory_space<vmem>>, vector<1x16xf32>,
        %get3A_72 = vector.shape_cast %get3A_71 : vector<1x16xf32> to vector<16xf32>
        %add3A_73 = arith.addf %get3A_68, %get3A_72 : vector<16xf32>
        %swap3A = arith.index_cast %scan3A_65 : i32 to index
        %swap3A_74 = arith.constant 0 : index
        %swap3A_75 = tpu.vector_load %arg13[%swap3A, %swap3A_74] {strides = array<i32>} : memref<80x256xf32, #tpu.memory_space<vmem>>, vector<1x16xf32>,
        %swap3A_76 = vector.shape_cast %swap3A_75 : vector<1x16xf32> to vector<16xf32>
        %swap3A_77 = vector.shape_cast %add3A_73 : vector<16xf32> to vector<1x16xf32>
        tpu.vector_store %arg13[%swap3A, %swap3A_74], %swap3A_77 {strides = array<i32>} : memref<80x256xf32, #tpu.memory_space<vmem>>, vector<1x16xf32>,
        %get3A_78 = arith.index_cast %scan3A_65 : i32 to index
        %get3A_79 = arith.constant 16 : index
        %get3A_80 = tpu.vector_load %arg13[%get3A_78, %get3A_79] {strides = array<i32>} : memref<80x256xf32, #tpu.memory_space<vmem>>, vector<1x16xf32>,
        %get3A_81 = vector.shape_cast %get3A_80 : vector<1x16xf32> to vector<16xf32>
        %get3A_82 = arith.index_cast %scan3A_65 : i32 to index
        %get3A_83 = arith.constant 16 : index
        %get3A_84 = tpu.vector_load %arg14[%get3A_82, %get3A_83] {strides = array<i32>} : memref<80x256xf32, #tpu.memory_space<vmem>>, vector<1x16xf32>,
        %get3A_85 = vector.shape_cast %get3A_84 : vector<1x16xf32> to vector<16xf32>
        %add3A_86 = arith.addf %get3A_81, %get3A_85 : vector<16xf32>
        %swap3A_87 = arith.index_cast %scan3A_65 : i32 to index
        %swap3A_88 = arith.constant 16 : index
        %swap3A_89 = tpu.vector_load %arg13[%swap3A_87, %swap3A_88] {strides = array<i32>} : memref<80x256xf32, #tpu.memory_space<vmem>>, vector<1x16xf32>,
        %swap3A_90 = vector.shape_cast %swap3A_89 : vector<1x16xf32> to vector<16xf32>
        %swap3A_91 = vector.shape_cast %add3A_86 : vector<16xf32> to vector<1x16xf32>
        tpu.vector_store %arg13[%swap3A_87, %swap3A_88], %swap3A_91 {strides = array<i32>} : memref<80x256xf32, #tpu.memory_space<vmem>>, vector<1x16xf32>,
        %get3A_92 = arith.index_cast %scan3A_65 : i32 to index
        %get3A_93 = arith.constant 32 : index
        %get3A_94 = tpu.vector_load %arg13[%get3A_92, %get3A_93] {strides = array<i32>} : memref<80x256xf32, #tpu.memory_space<vmem>>, vector<1x16xf32>,
        %get3A_95 = vector.shape_cast %get3A_94 : vector<1x16xf32> to vector<16xf32>
        %get3A_96 = arith.index_cast %scan3A_65 : i32 to index
        %get3A_97 = arith.constant 32 : index
        %get3A_98 = tpu.vector_load %arg14[%get3A_96, %get3A_97] {strides = array<i32>} : memref<80x256xf32, #tpu.memory_space<vmem>>, vector<1x16xf32>,
        %get3A_99 = vector.shape_cast %get3A_98 : vector<1x16xf32> to vector<16xf32>
        %add3A_100 = arith.addf %get3A_95, %get3A_99 : vector<16xf32>
        %swap3A_101 = arith.index_cast %scan3A_65 : i32 to index
        %swap3A_102 = arith.constant 32 : index
        %swap3A_103 = tpu.vector_load %arg13[%swap3A_101, %swap3A_102] {strides = array<i32>} : memref<80x256xf32, #tpu.memory_space<vmem>>, vector<1x16xf32>,
        %swap3A_104 = vector.shape_cast %swap3A_103 : vector<1x16xf32> to vector<16xf32>
        %swap3A_105 = vector.shape_cast %add3A_100 : vector<16xf32> to vector<1x16xf32>
        tpu.vector_store %arg13[%swap3A_101, %swap3A_102], %swap3A_105 {strides = array<i32>} : memref<80x256xf32, #tpu.memory_space<vmem>>, vector<1x16xf32>,
        %get3A_106 = arith.index_cast %scan3A_65 : i32 to index
        %get3A_107 = arith.constant 48 : index
        %get3A_108 = tpu.vector_load %arg13[%get3A_106, %get3A_107] {strides = array<i32>} : memref<80x256xf32, #tpu.memory_space<vmem>>, vector<1x16xf32>,
        %get3A_109 = vector.shape_cast %get3A_108 : vector<1x16xf32> to vector<16xf32>
        %get3A_110 = arith.index_cast %scan3A_65 : i32 to index
        %get3A_111 = arith.constant 48 : index
        %get3A_112 = tpu.vector_load %arg14[%get3A_110, %get3A_111] {strides = array<i32>} : memref<80x256xf32, #tpu.memory_space<vmem>>, vector<1x16xf32>,
        %get3A_113 = vector.shape_cast %get3A_112 : vector<1x16xf32> to vector<16xf32>
        %add3A_114 = arith.addf %get3A_109, %get3A_113 : vector<16xf32>
        %swap3A_115 = arith.index_cast %scan3A_65 : i32 to index
        %swap3A_116 = arith.constant 48 : index
        %swap3A_117 = tpu.vector_load %arg13[%swap3A_115, %swap3A_116] {strides = array<i32>} : memref<80x256xf32, #tpu.memory_space<vmem>>, vector<1x16xf32>,
        %swap3A_118 = vector.shape_cast %swap3A_117 : vector<1x16xf32> to vector<16xf32>
        %swap3A_119 = vector.shape_cast %add3A_114 : vector<16xf32> to vector<1x16xf32>
        tpu.vector_store %arg13[%swap3A_115, %swap3A_116], %swap3A_119 {strides = array<i32>} : memref<80x256xf32, #tpu.memory_space<vmem>>, vector<1x16xf32>,
        %get3A_120 = arith.index_cast %scan3A_65 : i32 to index
        %get3A_121 = arith.constant 64 : index
        %get3A_122 = tpu.vector_load %arg13[%get3A_120, %get3A_121] {strides = array<i32>} : memref<80x256xf32, #tpu.memory_space<vmem>>, vector<1x16xf32>,
        %get3A_123 = vector.shape_cast %get3A_122 : vector<1x16xf32> to vector<16xf32>
        %get3A_124 = arith.index_cast %scan3A_65 : i32 to index
        %get3A_125 = arith.constant 64 : index
        %get3A_126 = tpu.vector_load %arg14[%get3A_124, %get3A_125] {strides = array<i32>} : memref<80x256xf32, #tpu.memory_space<vmem>>, vector<1x16xf32>,
        %get3A_127 = vector.shape_cast %get3A_126 : vector<1x16xf32> to vector<16xf32>
        %add3A_128 = arith.addf %get3A_123, %get3A_127 : vector<16xf32>
        %swap3A_129 = arith.index_cast %scan3A_65 : i32 to index
        %swap3A_130 = arith.constant 64 : index
        %swap3A_131 = tpu.vector_load %arg13[%swap3A_129, %swap3A_130] {strides = array<i32>} : memref<80x256xf32, #tpu.memory_space<vmem>>, vector<1x16xf32>,
        %swap3A_132 = vector.shape_cast %swap3A_131 : vector<1x16xf32> to vector<16xf32>
        %swap3A_133 = vector.shape_cast %add3A_128 : vector<16xf32> to vector<1x16xf32>
        tpu.vector_store %arg13[%swap3A_129, %swap3A_130], %swap3A_133 {strides = array<i32>} : memref<80x256xf32, #tpu.memory_space<vmem>>, vector<1x16xf32>,
        %get3A_134 = arith.index_cast %scan3A_65 : i32 to index
        %get3A_135 = arith.constant 80 : index
        %get3A_136 = tpu.vector_load %arg13[%get3A_134, %get3A_135] {strides = array<i32>} : memref<80x256xf32, #tpu.memory_space<vmem>>, vector<1x16xf32>,
        %get3A_137 = vector.shape_cast %get3A_136 : vector<1x16xf32> to vector<16xf32>
        %get3A_138 = arith.index_cast %scan3A_65 : i32 to index
        %get3A_139 = arith.constant 80 : index
        %get3A_140 = tpu.vector_load %arg14[%get3A_138, %get3A_139] {strides = array<i32>} : memref<80x256xf32, #tpu.memory_space<vmem>>, vector<1x16xf32>,
        %get3A_141 = vector.shape_cast %get3A_140 : vector<1x16xf32> to vector<16xf32>
        %add3A_142 = arith.addf %get3A_137, %get3A_141 : vector<16xf32>
        %swap3A_143 = arith.index_cast %scan3A_65 : i32 to index
        %swap3A_144 = arith.constant 80 : index
        %swap3A_145 = tpu.vector_load %arg13[%swap3A_143, %swap3A_144] {strides = array<i32>} : memref<80x256xf32, #tpu.memory_space<vmem>>, vector<1x16xf32>,
        %swap3A_146 = vector.shape_cast %swap3A_145 : vector<1x16xf32> to vector<16xf32>
        %swap3A_147 = vector.shape_cast %add3A_142 : vector<16xf32> to vector<1x16xf32>
        tpu.vector_store %arg13[%swap3A_143, %swap3A_144], %swap3A_147 {strides = array<i32>} : memref<80x256xf32, #tpu.memory_space<vmem>>, vector<1x16xf32>,
        %get3A_148 = arith.index_cast %scan3A_65 : i32 to index
        %get3A_149 = arith.constant 96 : index
        %get3A_150 = tpu.vector_load %arg13[%get3A_148, %get3A_149] {strides = array<i32>} : memref<80x256xf32, #tpu.memory_space<vmem>>, vector<1x16xf32>,
        %get3A_151 = vector.shape_cast %get3A_150 : vector<1x16xf32> to vector<16xf32>
        %get3A_152 = arith.index_cast %scan3A_65 : i32 to index
        %get3A_153 = arith.constant 96 : index
        %get3A_154 = tpu.vector_load %arg14[%get3A_152, %get3A_153] {strides = array<i32>} : memref<80x256xf32, #tpu.memory_space<vmem>>, vector<1x16xf32>,
        %get3A_155 = vector.shape_cast %get3A_154 : vector<1x16xf32> to vector<16xf32>
        %add3A_156 = arith.addf %get3A_151, %get3A_155 : vector<16xf32>
        %swap3A_157 = arith.index_cast %scan3A_65 : i32 to index
        %swap3A_158 = arith.constant 96 : index
        %swap3A_159 = tpu.vector_load %arg13[%swap3A_157, %swap3A_158] {strides = array<i32>} : memref<80x256xf32, #tpu.memory_space<vmem>>, vector<1x16xf32>,
        %swap3A_160 = vector.shape_cast %swap3A_159 : vector<1x16xf32> to vector<16xf32>
        %swap3A_161 = vector.shape_cast %add3A_156 : vector<16xf32> to vector<1x16xf32>
        tpu.vector_store %arg13[%swap3A_157, %swap3A_158], %swap3A_161 {strides = array<i32>} : memref<80x256xf32, #tpu.memory_space<vmem>>, vector<1x16xf32>,
        %get3A_162 = arith.index_cast %scan3A_65 : i32 to index
        %get3A_163 = arith.constant 112 : index
        %get3A_164 = tpu.vector_load %arg13[%get3A_162, %get3A_163] {strides = array<i32>} : memref<80x256xf32, #tpu.memory_space<vmem>>, vector<1x16xf32>,
        %get3A_165 = vector.shape_cast %get3A_164 : vector<1x16xf32> to vector<16xf32>
        %get3A_166 = arith.index_cast %scan3A_65 : i32 to index
        %get3A_167 = arith.constant 112 : index
        %get3A_168 = tpu.vector_load %arg14[%get3A_166, %get3A_167] {strides = array<i32>} : memref<80x256xf32, #tpu.memory_space<vmem>>, vector<1x16xf32>,
        %get3A_169 = vector.shape_cast %get3A_168 : vector<1x16xf32> to vector<16xf32>
        %add3A_170 = arith.addf %get3A_165, %get3A_169 : vector<16xf32>
        %swap3A_171 = arith.index_cast %scan3A_65 : i32 to index
        %swap3A_172 = arith.constant 112 : index
        %swap3A_173 = tpu.vector_load %arg13[%swap3A_171, %swap3A_172] {strides = array<i32>} : memref<80x256xf32, #tpu.memory_space<vmem>>, vector<1x16xf32>,
        %swap3A_174 = vector.shape_cast %swap3A_173 : vector<1x16xf32> to vector<16xf32>
        %swap3A_175 = vector.shape_cast %add3A_170 : vector<16xf32> to vector<1x16xf32>
        tpu.vector_store %arg13[%swap3A_171, %swap3A_172], %swap3A_175 {strides = array<i32>} : memref<80x256xf32, #tpu.memory_space<vmem>>, vector<1x16xf32>,
        %get3A_176 = arith.index_cast %scan3A_65 : i32 to index
        %get3A_177 = arith.constant 128 : index
        %get3A_178 = tpu.vector_load %arg13[%get3A_176, %get3A_177] {strides = array<i32>} : memref<80x256xf32, #tpu.memory_space<vmem>>, vector<1x16xf32>,
        %get3A_179 = vector.shape_cast %get3A_178 : vector<1x16xf32> to vector<16xf32>
        %get3A_180 = arith.index_cast %scan3A_65 : i32 to index
        %get3A_181 = arith.constant 128 : index
        %get3A_182 = tpu.vector_load %arg14[%get3A_180, %get3A_181] {strides = array<i32>} : memref<80x256xf32, #tpu.memory_space<vmem>>, vector<1x16xf32>,
        %get3A_183 = vector.shape_cast %get3A_182 : vector<1x16xf32> to vector<16xf32>
        %add3A_184 = arith.addf %get3A_179, %get3A_183 : vector<16xf32>
        %swap3A_185 = arith.index_cast %scan3A_65 : i32 to index
        %swap3A_186 = arith.constant 128 : index
        %swap3A_187 = tpu.vector_load %arg13[%swap3A_185, %swap3A_186] {strides = array<i32>} : memref<80x256xf32, #tpu.memory_space<vmem>>, vector<1x16xf32>,
        %swap3A_188 = vector.shape_cast %swap3A_187 : vector<1x16xf32> to vector<16xf32>
        %swap3A_189 = vector.shape_cast %add3A_184 : vector<16xf32> to vector<1x16xf32>
        tpu.vector_store %arg13[%swap3A_185, %swap3A_186], %swap3A_189 {strides = array<i32>} : memref<80x256xf32, #tpu.memory_space<vmem>>, vector<1x16xf32>,
        %get3A_190 = arith.index_cast %scan3A_65 : i32 to index
        %get3A_191 = arith.constant 144 : index
        %get3A_192 = tpu.vector_load %arg13[%get3A_190, %get3A_191] {strides = array<i32>} : memref<80x256xf32, #tpu.memory_space<vmem>>, vector<1x16xf32>,
        %get3A_193 = vector.shape_cast %get3A_192 : vector<1x16xf32> to vector<16xf32>
        %get3A_194 = arith.index_cast %scan3A_65 : i32 to index
        %get3A_195 = arith.constant 144 : index
        %get3A_196 = tpu.vector_load %arg14[%get3A_194, %get3A_195] {strides = array<i32>} : memref<80x256xf32, #tpu.memory_space<vmem>>, vector<1x16xf32>,
        %get3A_197 = vector.shape_cast %get3A_196 : vector<1x16xf32> to vector<16xf32>
        %add3A_198 = arith.addf %get3A_193, %get3A_197 : vector<16xf32>
        %swap3A_199 = arith.index_cast %scan3A_65 : i32 to index
        %swap3A_200 = arith.constant 144 : index
        %swap3A_201 = tpu.vector_load %arg13[%swap3A_199, %swap3A_200] {strides = array<i32>} : memref<80x256xf32, #tpu.memory_space<vmem>>, vector<1x16xf32>,
        %swap3A_202 = vector.shape_cast %swap3A_201 : vector<1x16xf32> to vector<16xf32>
        %swap3A_203 = vector.shape_cast %add3A_198 : vector<16xf32> to vector<1x16xf32>
        tpu.vector_store %arg13[%swap3A_199, %swap3A_200], %swap3A_203 {strides = array<i32>} : memref<80x256xf32, #tpu.memory_space<vmem>>, vector<1x16xf32>,
        %get3A_204 = arith.index_cast %scan3A_65 : i32 to index
        %get3A_205 = arith.constant 160 : index
        %get3A_206 = tpu.vector_load %arg13[%get3A_204, %get3A_205] {strides = array<i32>} : memref<80x256xf32, #tpu.memory_space<vmem>>, vector<1x16xf32>,
        %get3A_207 = vector.shape_cast %get3A_206 : vector<1x16xf32> to vector<16xf32>
        %get3A_208 = arith.index_cast %scan3A_65 : i32 to index
        %get3A_209 = arith.constant 160 : index
        %get3A_210 = tpu.vector_load %arg14[%get3A_208, %get3A_209] {strides = array<i32>} : memref<80x256xf32, #tpu.memory_space<vmem>>, vector<1x16xf32>,
        %get3A_211 = vector.shape_cast %get3A_210 : vector<1x16xf32> to vector<16xf32>
        %add3A_212 = arith.addf %get3A_207, %get3A_211 : vector<16xf32>
        %swap3A_213 = arith.index_cast %scan3A_65 : i32 to index
        %swap3A_214 = arith.constant 160 : index
        %swap3A_215 = tpu.vector_load %arg13[%swap3A_213, %swap3A_214] {strides = array<i32>} : memref<80x256xf32, #tpu.memory_space<vmem>>, vector<1x16xf32>,
        %swap3A_216 = vector.shape_cast %swap3A_215 : vector<1x16xf32> to vector<16xf32>
        %swap3A_217 = vector.shape_cast %add3A_212 : vector<16xf32> to vector<1x16xf32>
        tpu.vector_store %arg13[%swap3A_213, %swap3A_214], %swap3A_217 {strides = array<i32>} : memref<80x256xf32, #tpu.memory_space<vmem>>, vector<1x16xf32>,
        %get3A_218 = arith.index_cast %scan3A_65 : i32 to index
        %get3A_219 = arith.constant 176 : index
        %get3A_220 = tpu.vector_load %arg13[%get3A_218, %get3A_219] {strides = array<i32>} : memref<80x256xf32, #tpu.memory_space<vmem>>, vector<1x16xf32>,
        %get3A_221 = vector.shape_cast %get3A_220 : vector<1x16xf32> to vector<16xf32>
        %get3A_222 = arith.index_cast %scan3A_65 : i32 to index
        %get3A_223 = arith.constant 176 : index
        %get3A_224 = tpu.vector_load %arg14[%get3A_222, %get3A_223] {strides = array<i32>} : memref<80x256xf32, #tpu.memory_space<vmem>>, vector<1x16xf32>,
        %get3A_225 = vector.shape_cast %get3A_224 : vector<1x16xf32> to vector<16xf32>
        %add3A_226 = arith.addf %get3A_221, %get3A_225 : vector<16xf32>
        %swap3A_227 = arith.index_cast %scan3A_65 : i32 to index
        %swap3A_228 = arith.constant 176 : index
        %swap3A_229 = tpu.vector_load %arg13[%swap3A_227, %swap3A_228] {strides = array<i32>} : memref<80x256xf32, #tpu.memory_space<vmem>>, vector<1x16xf32>,
        %swap3A_230 = vector.shape_cast %swap3A_229 : vector<1x16xf32> to vector<16xf32>
        %swap3A_231 = vector.shape_cast %add3A_226 : vector<16xf32> to vector<1x16xf32>
        tpu.vector_store %arg13[%swap3A_227, %swap3A_228], %swap3A_231 {strides = array<i32>} : memref<80x256xf32, #tpu.memory_space<vmem>>, vector<1x16xf32>,
        %get3A_232 = arith.index_cast %scan3A_65 : i32 to index
        %get3A_233 = arith.constant 192 : index
        %get3A_234 = tpu.vector_load %arg13[%get3A_232, %get3A_233] {strides = array<i32>} : memref<80x256xf32, #tpu.memory_space<vmem>>, vector<1x16xf32>,
        %get3A_235 = vector.shape_cast %get3A_234 : vector<1x16xf32> to vector<16xf32>
        %get3A_236 = arith.index_cast %scan3A_65 : i32 to index
        %get3A_237 = arith.constant 192 : index
        %get3A_238 = tpu.vector_load %arg14[%get3A_236, %get3A_237] {strides = array<i32>} : memref<80x256xf32, #tpu.memory_space<vmem>>, vector<1x16xf32>,
        %get3A_239 = vector.shape_cast %get3A_238 : vector<1x16xf32> to vector<16xf32>
        %add3A_240 = arith.addf %get3A_235, %get3A_239 : vector<16xf32>
        %swap3A_241 = arith.index_cast %scan3A_65 : i32 to index
        %swap3A_242 = arith.constant 192 : index
        %swap3A_243 = tpu.vector_load %arg13[%swap3A_241, %swap3A_242] {strides = array<i32>} : memref<80x256xf32, #tpu.memory_space<vmem>>, vector<1x16xf32>,
        %swap3A_244 = vector.shape_cast %swap3A_243 : vector<1x16xf32> to vector<16xf32>
        %swap3A_245 = vector.shape_cast %add3A_240 : vector<16xf32> to vector<1x16xf32>
        tpu.vector_store %arg13[%swap3A_241, %swap3A_242], %swap3A_245 {strides = array<i32>} : memref<80x256xf32, #tpu.memory_space<vmem>>, vector<1x16xf32>,
        %get3A_246 = arith.index_cast %scan3A_65 : i32 to index
        %get3A_247 = arith.constant 208 : index
        %get3A_248 = tpu.vector_load %arg13[%get3A_246, %get3A_247] {strides = array<i32>} : memref<80x256xf32, #tpu.memory_space<vmem>>, vector<1x16xf32>,
        %get3A_249 = vector.shape_cast %get3A_248 : vector<1x16xf32> to vector<16xf32>
        %get3A_250 = arith.index_cast %scan3A_65 : i32 to index
        %get3A_251 = arith.constant 208 : index
        %get3A_252 = tpu.vector_load %arg14[%get3A_250, %get3A_251] {strides = array<i32>} : memref<80x256xf32, #tpu.memory_space<vmem>>, vector<1x16xf32>,
        %get3A_253 = vector.shape_cast %get3A_252 : vector<1x16xf32> to vector<16xf32>
        %add3A_254 = arith.addf %get3A_249, %get3A_253 : vector<16xf32>
        %swap3A_255 = arith.index_cast %scan3A_65 : i32 to index
        %swap3A_256 = arith.constant 208 : index
        %swap3A_257 = tpu.vector_load %arg13[%swap3A_255, %swap3A_256] {strides = array<i32>} : memref<80x256xf32, #tpu.memory_space<vmem>>, vector<1x16xf32>,
        %swap3A_258 = vector.shape_cast %swap3A_257 : vector<1x16xf32> to vector<16xf32>
        %swap3A_259 = vector.shape_cast %add3A_254 : vector<16xf32> to vector<1x16xf32>
        tpu.vector_store %arg13[%swap3A_255, %swap3A_256], %swap3A_259 {strides = array<i32>} : memref<80x256xf32, #tpu.memory_space<vmem>>, vector<1x16xf32>,
        %get3A_260 = arith.index_cast %scan3A_65 : i32 to index
        %get3A_261 = arith.constant 224 : index
        %get3A_262 = tpu.vector_load %arg13[%get3A_260, %get3A_261] {strides = array<i32>} : memref<80x256xf32, #tpu.memory_space<vmem>>, vector<1x16xf32>,
        %get3A_263 = vector.shape_cast %get3A_262 : vector<1x16xf32> to vector<16xf32>
        %get3A_264 = arith.index_cast %scan3A_65 : i32 to index
        %get3A_265 = arith.constant 224 : index
        %get3A_266 = tpu.vector_load %arg14[%get3A_264, %get3A_265] {strides = array<i32>} : memref<80x256xf32, #tpu.memory_space<vmem>>, vector<1x16xf32>,
        %get3A_267 = vector.shape_cast %get3A_266 : vector<1x16xf32> to vector<16xf32>
        %add3A_268 = arith.addf %get3A_263, %get3A_267 : vector<16xf32>
        %swap3A_269 = arith.index_cast %scan3A_65 : i32 to index
        %swap3A_270 = arith.constant 224 : index
        %swap3A_271 = tpu.vector_load %arg13[%swap3A_269, %swap3A_270] {strides = array<i32>} : memref<80x256xf32, #tpu.memory_space<vmem>>, vector<1x16xf32>,
        %swap3A_272 = vector.shape_cast %swap3A_271 : vector<1x16xf32> to vector<16xf32>
        %swap3A_273 = vector.shape_cast %add3A_268 : vector<16xf32> to vector<1x16xf32>
        tpu.vector_store %arg13[%swap3A_269, %swap3A_270], %swap3A_273 {strides = array<i32>} : memref<80x256xf32, #tpu.memory_space<vmem>>, vector<1x16xf32>,
        %get3A_274 = arith.index_cast %scan3A_65 : i32 to index
        %get3A_275 = arith.constant 240 : index
        %get3A_276 = tpu.vector_load %arg13[%get3A_274, %get3A_275] {strides = array<i32>} : memref<80x256xf32, #tpu.memory_space<vmem>>, vector<1x16xf32>,
        %get3A_277 = vector.shape_cast %get3A_276 : vector<1x16xf32> to vector<16xf32>
        %get3A_278 = arith.index_cast %scan3A_65 : i32 to index
        %get3A_279 = arith.constant 240 : index
        %get3A_280 = tpu.vector_load %arg14[%get3A_278, %get3A_279] {strides = array<i32>} : memref<80x256xf32, #tpu.memory_space<vmem>>, vector<1x16xf32>,
        %get3A_281 = vector.shape_cast %get3A_280 : vector<1x16xf32> to vector<16xf32>
        %add3A_282 = arith.addf %get3A_277, %get3A_281 : vector<16xf32>
        %swap3A_283 = arith.index_cast %scan3A_65 : i32 to index
        %swap3A_284 = arith.constant 240 : index
        %swap3A_285 = tpu.vector_load %arg13[%swap3A_283, %swap3A_284] {strides = array<i32>} : memref<80x256xf32, #tpu.memory_space<vmem>>, vector<1x16xf32>,
        %swap3A_286 = vector.shape_cast %swap3A_285 : vector<1x16xf32> to vector<16xf32>
        %swap3A_287 = vector.shape_cast %add3A_282 : vector<16xf32> to vector<1x16xf32>
        tpu.vector_store %arg13[%swap3A_283, %swap3A_284], %swap3A_287 {strides = array<i32>} : memref<80x256xf32, #tpu.memory_space<vmem>>, vector<1x16xf32>,
        %scan3A_288 = arith.constant 1 : i32
        %scan3A_289 = arith.addi %scan3A_65, %scan3A_288 : i32
        %get3A_290 = arith.index_cast %scan3A_289 : i32 to index
        %get3A_291 = arith.constant 0 : index
        %get3A_292 = tpu.vector_load %arg13[%get3A_290, %get3A_291] {strides = array<i32>} : memref<80x256xf32, #tpu.memory_space<vmem>>, vector<1x16xf32>,
        %get3A_293 = vector.shape_cast %get3A_292 : vector<1x16xf32> to vector<16xf32>
        %get3A_294 = arith.index_cast %scan3A_289 : i32 to index
        %get3A_295 = arith.constant 0 : index
        %get3A_296 = tpu.vector_load %arg14[%get3A_294, %get3A_295] {strides = array<i32>} : memref<80x256xf32, #tpu.memory_space<vmem>>, vector<1x16xf32>,
        %get3A_297 = vector.shape_cast %get3A_296 : vector<1x16xf32> to vector<16xf32>
        %add3A_298 = arith.addf %get3A_293, %get3A_297 : vector<16xf32>
        %swap3A_299 = arith.index_cast %scan3A_289 : i32 to index
        %swap3A_300 = arith.constant 0 : index
        %swap3A_301 = tpu.vector_load %arg13[%swap3A_299, %swap3A_300] {strides = array<i32>} : memref<80x256xf32, #tpu.memory_space<vmem>>, vector<1x16xf32>,
        %swap3A_302 = vector.shape_cast %swap3A_301 : vector<1x16xf32> to vector<16xf32>
        %swap3A_303 = vector.shape_cast %add3A_298 : vector<16xf32> to vector<1x16xf32>
        tpu.vector_store %arg13[%swap3A_299, %swap3A_300], %swap3A_303 {strides = array<i32>} : memref<80x256xf32, #tpu.memory_space<vmem>>, vector<1x16xf32>,
        %get3A_304 = arith.index_cast %scan3A_289 : i32 to index
        %get3A_305 = arith.constant 16 : index
        %get3A_306 = tpu.vector_load %arg13[%get3A_304, %get3A_305] {strides = array<i32>} : memref<80x256xf32, #tpu.memory_space<vmem>>, vector<1x16xf32>,
        %get3A_307 = vector.shape_cast %get3A_306 : vector<1x16xf32> to vector<16xf32>
        %get3A_308 = arith.index_cast %scan3A_289 : i32 to index
        %get3A_309 = arith.constant 16 : index
        %get3A_310 = tpu.vector_load %arg14[%get3A_308, %get3A_309] {strides = array<i32>} : memref<80x256xf32, #tpu.memory_space<vmem>>, vector<1x16xf32>,
        %get3A_311 = vector.shape_cast %get3A_310 : vector<1x16xf32> to vector<16xf32>
        %add3A_312 = arith.addf %get3A_307, %get3A_311 : vector<16xf32>
        %swap3A_313 = arith.index_cast %scan3A_289 : i32 to index
        %swap3A_314 = arith.constant 16 : index
        %swap3A_315 = tpu.vector_load %arg13[%swap3A_313, %swap3A_314] {strides = array<i32>} : memref<80x256xf32, #tpu.memory_space<vmem>>, vector<1x16xf32>,
        %swap3A_316 = vector.shape_cast %swap3A_315 : vector<1x16xf32> to vector<16xf32>
        %swap3A_317 = vector.shape_cast %add3A_312 : vector<16xf32> to vector<1x16xf32>
        tpu.vector_store %arg13[%swap3A_313, %swap3A_314], %swap3A_317 {strides = array<i32>} : memref<80x256xf32, #tpu.memory_space<vmem>>, vector<1x16xf32>,
        %get3A_318 = arith.index_cast %scan3A_289 : i32 to index
        %get3A_319 = arith.constant 32 : index
        %get3A_320 = tpu.vector_load %arg13[%get3A_318, %get3A_319] {strides = array<i32>} : memref<80x256xf32, #tpu.memory_space<vmem>>, vector<1x16xf32>,
        %get3A_321 = vector.shape_cast %get3A_320 : vector<1x16xf32> to vector<16xf32>
        %get3A_322 = arith.index_cast %scan3A_289 : i32 to index
        %get3A_323 = arith.constant 32 : index
        %get3A_324 = tpu.vector_load %arg14[%get3A_322, %get3A_323] {strides = array<i32>} : memref<80x256xf32, #tpu.memory_space<vmem>>, vector<1x16xf32>,
        %get3A_325 = vector.shape_cast %get3A_324 : vector<1x16xf32> to vector<16xf32>
        %add3A_326 = arith.addf %get3A_321, %get3A_325 : vector<16xf32>
        %swap3A_327 = arith.index_cast %scan3A_289 : i32 to index
        %swap3A_328 = arith.constant 32 : index
        %swap3A_329 = tpu.vector_load %arg13[%swap3A_327, %swap3A_328] {strides = array<i32>} : memref<80x256xf32, #tpu.memory_space<vmem>>, vector<1x16xf32>,
        %swap3A_330 = vector.shape_cast %swap3A_329 : vector<1x16xf32> to vector<16xf32>
        %swap3A_331 = vector.shape_cast %add3A_326 : vector<16xf32> to vector<1x16xf32>
        tpu.vector_store %arg13[%swap3A_327, %swap3A_328], %swap3A_331 {strides = array<i32>} : memref<80x256xf32, #tpu.memory_space<vmem>>, vector<1x16xf32>,
        %get3A_332 = arith.index_cast %scan3A_289 : i32 to index
        %get3A_333 = arith.constant 48 : index
        %get3A_334 = tpu.vector_load %arg13[%get3A_332, %get3A_333] {strides = array<i32>} : memref<80x256xf32, #tpu.memory_space<vmem>>, vector<1x16xf32>,
        %get3A_335 = vector.shape_cast %get3A_334 : vector<1x16xf32> to vector<16xf32>
        %get3A_336 = arith.index_cast %scan3A_289 : i32 to index
        %get3A_337 = arith.constant 48 : index
        %get3A_338 = tpu.vector_load %arg14[%get3A_336, %get3A_337] {strides = array<i32>} : memref<80x256xf32, #tpu.memory_space<vmem>>, vector<1x16xf32>,
        %get3A_339 = vector.shape_cast %get3A_338 : vector<1x16xf32> to vector<16xf32>
        %add3A_340 = arith.addf %get3A_335, %get3A_339 : vector<16xf32>
        %swap3A_341 = arith.index_cast %scan3A_289 : i32 to index
        %swap3A_342 = arith.constant 48 : index
        %swap3A_343 = tpu.vector_load %arg13[%swap3A_341, %swap3A_342] {strides = array<i32>} : memref<80x256xf32, #tpu.memory_space<vmem>>, vector<1x16xf32>,
        %swap3A_344 = vector.shape_cast %swap3A_343 : vector<1x16xf32> to vector<16xf32>
        %swap3A_345 = vector.shape_cast %add3A_340 : vector<16xf32> to vector<1x16xf32>
        tpu.vector_store %arg13[%swap3A_341, %swap3A_342], %swap3A_345 {strides = array<i32>} : memref<80x256xf32, #tpu.memory_space<vmem>>, vector<1x16xf32>,
        %get3A_346 = arith.index_cast %scan3A_289 : i32 to index
        %get3A_347 = arith.constant 64 : index
        %get3A_348 = tpu.vector_load %arg13[%get3A_346, %get3A_347] {strides = array<i32>} : memref<80x256xf32, #tpu.memory_space<vmem>>, vector<1x16xf32>,
        %get3A_349 = vector.shape_cast %get3A_348 : vector<1x16xf32> to vector<16xf32>
        %get3A_350 = arith.index_cast %scan3A_289 : i32 to index
        %get3A_351 = arith.constant 64 : index
        %get3A_352 = tpu.vector_load %arg14[%get3A_350, %get3A_351] {strides = array<i32>} : memref<80x256xf32, #tpu.memory_space<vmem>>, vector<1x16xf32>,
        %get3A_353 = vector.shape_cast %get3A_352 : vector<1x16xf32> to vector<16xf32>
        %add3A_354 = arith.addf %get3A_349, %get3A_353 : vector<16xf32>
        %swap3A_355 = arith.index_cast %scan3A_289 : i32 to index
        %swap3A_356 = arith.constant 64 : index
        %swap3A_357 = tpu.vector_load %arg13[%swap3A_355, %swap3A_356] {strides = array<i32>} : memref<80x256xf32, #tpu.memory_space<vmem>>, vector<1x16xf32>,
        %swap3A_358 = vector.shape_cast %swap3A_357 : vector<1x16xf32> to vector<16xf32>
        %swap3A_359 = vector.shape_cast %add3A_354 : vector<16xf32> to vector<1x16xf32>
        tpu.vector_store %arg13[%swap3A_355, %swap3A_356], %swap3A_359 {strides = array<i32>} : memref<80x256xf32, #tpu.memory_space<vmem>>, vector<1x16xf32>,
        %get3A_360 = arith.index_cast %scan3A_289 : i32 to index
        %get3A_361 = arith.constant 80 : index
        %get3A_362 = tpu.vector_load %arg13[%get3A_360, %get3A_361] {strides = array<i32>} : memref<80x256xf32, #tpu.memory_space<vmem>>, vector<1x16xf32>,
        %get3A_363 = vector.shape_cast %get3A_362 : vector<1x16xf32> to vector<16xf32>
        %get3A_364 = arith.index_cast %scan3A_289 : i32 to index
        %get3A_365 = arith.constant 80 : index
        %get3A_366 = tpu.vector_load %arg14[%get3A_364, %get3A_365] {strides = array<i32>} : memref<80x256xf32, #tpu.memory_space<vmem>>, vector<1x16xf32>,
        %get3A_367 = vector.shape_cast %get3A_366 : vector<1x16xf32> to vector<16xf32>
        %add3A_368 = arith.addf %get3A_363, %get3A_367 : vector<16xf32>
        %swap3A_369 = arith.index_cast %scan3A_289 : i32 to index
        %swap3A_370 = arith.constant 80 : index
        %swap3A_371 = tpu.vector_load %arg13[%swap3A_369, %swap3A_370] {strides = array<i32>} : memref<80x256xf32, #tpu.memory_space<vmem>>, vector<1x16xf32>,
        %swap3A_372 = vector.shape_cast %swap3A_371 : vector<1x16xf32> to vector<16xf32>
        %swap3A_373 = vector.shape_cast %add3A_368 : vector<16xf32> to vector<1x16xf32>
        tpu.vector_store %arg13[%swap3A_369, %swap3A_370], %swap3A_373 {strides = array<i32>} : memref<80x256xf32, #tpu.memory_space<vmem>>, vector<1x16xf32>,
        %get3A_374 = arith.index_cast %scan3A_289 : i32 to index
        %get3A_375 = arith.constant 96 : index
        %get3A_376 = tpu.vector_load %arg13[%get3A_374, %get3A_375] {strides = array<i32>} : memref<80x256xf32, #tpu.memory_space<vmem>>, vector<1x16xf32>,
        %get3A_377 = vector.shape_cast %get3A_376 : vector<1x16xf32> to vector<16xf32>
        %get3A_378 = arith.index_cast %scan3A_289 : i32 to index
        %get3A_379 = arith.constant 96 : index
        %get3A_380 = tpu.vector_load %arg14[%get3A_378, %get3A_379] {strides = array<i32>} : memref<80x256xf32, #tpu.memory_space<vmem>>, vector<1x16xf32>,
        %get3A_381 = vector.shape_cast %get3A_380 : vector<1x16xf32> to vector<16xf32>
        %add3A_382 = arith.addf %get3A_377, %get3A_381 : vector<16xf32>
        %swap3A_383 = arith.index_cast %scan3A_289 : i32 to index
        %swap3A_384 = arith.constant 96 : index
        %swap3A_385 = tpu.vector_load %arg13[%swap3A_383, %swap3A_384] {strides = array<i32>} : memref<80x256xf32, #tpu.memory_space<vmem>>, vector<1x16xf32>,
        %swap3A_386 = vector.shape_cast %swap3A_385 : vector<1x16xf32> to vector<16xf32>
        %swap3A_387 = vector.shape_cast %add3A_382 : vector<16xf32> to vector<1x16xf32>
        tpu.vector_store %arg13[%swap3A_383, %swap3A_384], %swap3A_387 {strides = array<i32>} : memref<80x256xf32, #tpu.memory_space<vmem>>, vector<1x16xf32>,
        %get3A_388 = arith.index_cast %scan3A_289 : i32 to index
        %get3A_389 = arith.constant 112 : index
        %get3A_390 = tpu.vector_load %arg13[%get3A_388, %get3A_389] {strides = array<i32>} : memref<80x256xf32, #tpu.memory_space<vmem>>, vector<1x16xf32>,
        %get3A_391 = vector.shape_cast %get3A_390 : vector<1x16xf32> to vector<16xf32>
        %get3A_392 = arith.index_cast %scan3A_289 : i32 to index
        %get3A_393 = arith.constant 112 : index
        %get3A_394 = tpu.vector_load %arg14[%get3A_392, %get3A_393] {strides = array<i32>} : memref<80x256xf32, #tpu.memory_space<vmem>>, vector<1x16xf32>,
        %get3A_395 = vector.shape_cast %get3A_394 : vector<1x16xf32> to vector<16xf32>
        %add3A_396 = arith.addf %get3A_391, %get3A_395 : vector<16xf32>
        %swap3A_397 = arith.index_cast %scan3A_289 : i32 to index
        %swap3A_398 = arith.constant 112 : index
        %swap3A_399 = tpu.vector_load %arg13[%swap3A_397, %swap3A_398] {strides = array<i32>} : memref<80x256xf32, #tpu.memory_space<vmem>>, vector<1x16xf32>,
        %swap3A_400 = vector.shape_cast %swap3A_399 : vector<1x16xf32> to vector<16xf32>
        %swap3A_401 = vector.shape_cast %add3A_396 : vector<16xf32> to vector<1x16xf32>
        tpu.vector_store %arg13[%swap3A_397, %swap3A_398], %swap3A_401 {strides = array<i32>} : memref<80x256xf32, #tpu.memory_space<vmem>>, vector<1x16xf32>,
        %get3A_402 = arith.index_cast %scan3A_289 : i32 to index
        %get3A_403 = arith.constant 128 : index
        %get3A_404 = tpu.vector_load %arg13[%get3A_402, %get3A_403] {strides = array<i32>} : memref<80x256xf32, #tpu.memory_space<vmem>>, vector<1x16xf32>,
        %get3A_405 = vector.shape_cast %get3A_404 : vector<1x16xf32> to vector<16xf32>
        %get3A_406 = arith.index_cast %scan3A_289 : i32 to index
        %get3A_407 = arith.constant 128 : index
        %get3A_408 = tpu.vector_load %arg14[%get3A_406, %get3A_407] {strides = array<i32>} : memref<80x256xf32, #tpu.memory_space<vmem>>, vector<1x16xf32>,
        %get3A_409 = vector.shape_cast %get3A_408 : vector<1x16xf32> to vector<16xf32>
        %add3A_410 = arith.addf %get3A_405, %get3A_409 : vector<16xf32>
        %swap3A_411 = arith.index_cast %scan3A_289 : i32 to index
        %swap3A_412 = arith.constant 128 : index
        %swap3A_413 = tpu.vector_load %arg13[%swap3A_411, %swap3A_412] {strides = array<i32>} : memref<80x256xf32, #tpu.memory_space<vmem>>, vector<1x16xf32>,
        %swap3A_414 = vector.shape_cast %swap3A_413 : vector<1x16xf32> to vector<16xf32>
        %swap3A_415 = vector.shape_cast %add3A_410 : vector<16xf32> to vector<1x16xf32>
        tpu.vector_store %arg13[%swap3A_411, %swap3A_412], %swap3A_415 {strides = array<i32>} : memref<80x256xf32, #tpu.memory_space<vmem>>, vector<1x16xf32>,
        %get3A_416 = arith.index_cast %scan3A_289 : i32 to index
        %get3A_417 = arith.constant 144 : index
        %get3A_418 = tpu.vector_load %arg13[%get3A_416, %get3A_417] {strides = array<i32>} : memref<80x256xf32, #tpu.memory_space<vmem>>, vector<1x16xf32>,
        %get3A_419 = vector.shape_cast %get3A_418 : vector<1x16xf32> to vector<16xf32>
        %get3A_420 = arith.index_cast %scan3A_289 : i32 to index
        %get3A_421 = arith.constant 144 : index
        %get3A_422 = tpu.vector_load %arg14[%get3A_420, %get3A_421] {strides = array<i32>} : memref<80x256xf32, #tpu.memory_space<vmem>>, vector<1x16xf32>,
        %get3A_423 = vector.shape_cast %get3A_422 : vector<1x16xf32> to vector<16xf32>
        %add3A_424 = arith.addf %get3A_419, %get3A_423 : vector<16xf32>
        %swap3A_425 = arith.index_cast %scan3A_289 : i32 to index
        %swap3A_426 = arith.constant 144 : index
        %swap3A_427 = tpu.vector_load %arg13[%swap3A_425, %swap3A_426] {strides = array<i32>} : memref<80x256xf32, #tpu.memory_space<vmem>>, vector<1x16xf32>,
        %swap3A_428 = vector.shape_cast %swap3A_427 : vector<1x16xf32> to vector<16xf32>
        %swap3A_429 = vector.shape_cast %add3A_424 : vector<16xf32> to vector<1x16xf32>
        tpu.vector_store %arg13[%swap3A_425, %swap3A_426], %swap3A_429 {strides = array<i32>} : memref<80x256xf32, #tpu.memory_space<vmem>>, vector<1x16xf32>,
        %get3A_430 = arith.index_cast %scan3A_289 : i32 to index
        %get3A_431 = arith.constant 160 : index
        %get3A_432 = tpu.vector_load %arg13[%get3A_430, %get3A_431] {strides = array<i32>} : memref<80x256xf32, #tpu.memory_space<vmem>>, vector<1x16xf32>,
        %get3A_433 = vector.shape_cast %get3A_432 : vector<1x16xf32> to vector<16xf32>
        %get3A_434 = arith.index_cast %scan3A_289 : i32 to index
        %get3A_435 = arith.constant 160 : index
        %get3A_436 = tpu.vector_load %arg14[%get3A_434, %get3A_435] {strides = array<i32>} : memref<80x256xf32, #tpu.memory_space<vmem>>, vector<1x16xf32>,
        %get3A_437 = vector.shape_cast %get3A_436 : vector<1x16xf32> to vector<16xf32>
        %add3A_438 = arith.addf %get3A_433, %get3A_437 : vector<16xf32>
        %swap3A_439 = arith.index_cast %scan3A_289 : i32 to index
        %swap3A_440 = arith.constant 160 : index
        %swap3A_441 = tpu.vector_load %arg13[%swap3A_439, %swap3A_440] {strides = array<i32>} : memref<80x256xf32, #tpu.memory_space<vmem>>, vector<1x16xf32>,
        %swap3A_442 = vector.shape_cast %swap3A_441 : vector<1x16xf32> to vector<16xf32>
        %swap3A_443 = vector.shape_cast %add3A_438 : vector<16xf32> to vector<1x16xf32>
        tpu.vector_store %arg13[%swap3A_439, %swap3A_440], %swap3A_443 {strides = array<i32>} : memref<80x256xf32, #tpu.memory_space<vmem>>, vector<1x16xf32>,
        %get3A_444 = arith.index_cast %scan3A_289 : i32 to index
        %get3A_445 = arith.constant 176 : index
        %get3A_446 = tpu.vector_load %arg13[%get3A_444, %get3A_445] {strides = array<i32>} : memref<80x256xf32, #tpu.memory_space<vmem>>, vector<1x16xf32>,
        %get3A_447 = vector.shape_cast %get3A_446 : vector<1x16xf32> to vector<16xf32>
        %get3A_448 = arith.index_cast %scan3A_289 : i32 to index
        %get3A_449 = arith.constant 176 : index
        %get3A_450 = tpu.vector_load %arg14[%get3A_448, %get3A_449] {strides = array<i32>} : memref<80x256xf32, #tpu.memory_space<vmem>>, vector<1x16xf32>,
        %get3A_451 = vector.shape_cast %get3A_450 : vector<1x16xf32> to vector<16xf32>
        %add3A_452 = arith.addf %get3A_447, %get3A_451 : vector<16xf32>
        %swap3A_453 = arith.index_cast %scan3A_289 : i32 to index
        %swap3A_454 = arith.constant 176 : index
        %swap3A_455 = tpu.vector_load %arg13[%swap3A_453, %swap3A_454] {strides = array<i32>} : memref<80x256xf32, #tpu.memory_space<vmem>>, vector<1x16xf32>,
        %swap3A_456 = vector.shape_cast %swap3A_455 : vector<1x16xf32> to vector<16xf32>
        %swap3A_457 = vector.shape_cast %add3A_452 : vector<16xf32> to vector<1x16xf32>
        tpu.vector_store %arg13[%swap3A_453, %swap3A_454], %swap3A_457 {strides = array<i32>} : memref<80x256xf32, #tpu.memory_space<vmem>>, vector<1x16xf32>,
        %get3A_458 = arith.index_cast %scan3A_289 : i32 to index
        %get3A_459 = arith.constant 192 : index
        %get3A_460 = tpu.vector_load %arg13[%get3A_458, %get3A_459] {strides = array<i32>} : memref<80x256xf32, #tpu.memory_space<vmem>>, vector<1x16xf32>,
        %get3A_461 = vector.shape_cast %get3A_460 : vector<1x16xf32> to vector<16xf32>
        %get3A_462 = arith.index_cast %scan3A_289 : i32 to index
        %get3A_463 = arith.constant 192 : index
        %get3A_464 = tpu.vector_load %arg14[%get3A_462, %get3A_463] {strides = array<i32>} : memref<80x256xf32, #tpu.memory_space<vmem>>, vector<1x16xf32>,
        %get3A_465 = vector.shape_cast %get3A_464 : vector<1x16xf32> to vector<16xf32>
        %add3A_466 = arith.addf %get3A_461, %get3A_465 : vector<16xf32>
        %swap3A_467 = arith.index_cast %scan3A_289 : i32 to index
        %swap3A_468 = arith.constant 192 : index
        %swap3A_469 = tpu.vector_load %arg13[%swap3A_467, %swap3A_468] {strides = array<i32>} : memref<80x256xf32, #tpu.memory_space<vmem>>, vector<1x16xf32>,
        %swap3A_470 = vector.shape_cast %swap3A_469 : vector<1x16xf32> to vector<16xf32>
        %swap3A_471 = vector.shape_cast %add3A_466 : vector<16xf32> to vector<1x16xf32>
        tpu.vector_store %arg13[%swap3A_467, %swap3A_468], %swap3A_471 {strides = array<i32>} : memref<80x256xf32, #tpu.memory_space<vmem>>, vector<1x16xf32>,
        %get3A_472 = arith.index_cast %scan3A_289 : i32 to index
        %get3A_473 = arith.constant 208 : index
        %get3A_474 = tpu.vector_load %arg13[%get3A_472, %get3A_473] {strides = array<i32>} : memref<80x256xf32, #tpu.memory_space<vmem>>, vector<1x16xf32>,
        %get3A_475 = vector.shape_cast %get3A_474 : vector<1x16xf32> to vector<16xf32>
        %get3A_476 = arith.index_cast %scan3A_289 : i32 to index
        %get3A_477 = arith.constant 208 : index
        %get3A_478 = tpu.vector_load %arg14[%get3A_476, %get3A_477] {strides = array<i32>} : memref<80x256xf32, #tpu.memory_space<vmem>>, vector<1x16xf32>,
        %get3A_479 = vector.shape_cast %get3A_478 : vector<1x16xf32> to vector<16xf32>
        %add3A_480 = arith.addf %get3A_475, %get3A_479 : vector<16xf32>
        %swap3A_481 = arith.index_cast %scan3A_289 : i32 to index
        %swap3A_482 = arith.constant 208 : index
        %swap3A_483 = tpu.vector_load %arg13[%swap3A_481, %swap3A_482] {strides = array<i32>} : memref<80x256xf32, #tpu.memory_space<vmem>>, vector<1x16xf32>,
        %swap3A_484 = vector.shape_cast %swap3A_483 : vector<1x16xf32> to vector<16xf32>
        %swap3A_485 = vector.shape_cast %add3A_480 : vector<16xf32> to vector<1x16xf32>
        tpu.vector_store %arg13[%swap3A_481, %swap3A_482], %swap3A_485 {strides = array<i32>} : memref<80x256xf32, #tpu.memory_space<vmem>>, vector<1x16xf32>,
        %get3A_486 = arith.index_cast %scan3A_289 : i32 to index
        %get3A_487 = arith.constant 224 : index
        %get3A_488 = tpu.vector_load %arg13[%get3A_486, %get3A_487] {strides = array<i32>} : memref<80x256xf32, #tpu.memory_space<vmem>>, vector<1x16xf32>,
        %get3A_489 = vector.shape_cast %get3A_488 : vector<1x16xf32> to vector<16xf32>
        %get3A_490 = arith.index_cast %scan3A_289 : i32 to index
        %get3A_491 = arith.constant 224 : index
        %get3A_492 = tpu.vector_load %arg14[%get3A_490, %get3A_491] {strides = array<i32>} : memref<80x256xf32, #tpu.memory_space<vmem>>, vector<1x16xf32>,
        %get3A_493 = vector.shape_cast %get3A_492 : vector<1x16xf32> to vector<16xf32>
        %add3A_494 = arith.addf %get3A_489, %get3A_493 : vector<16xf32>
        %swap3A_495 = arith.index_cast %scan3A_289 : i32 to index
        %swap3A_496 = arith.constant 224 : index
        %swap3A_497 = tpu.vector_load %arg13[%swap3A_495, %swap3A_496] {strides = array<i32>} : memref<80x256xf32, #tpu.memory_space<vmem>>, vector<1x16xf32>,
        %swap3A_498 = vector.shape_cast %swap3A_497 : vector<1x16xf32> to vector<16xf32>
        %swap3A_499 = vector.shape_cast %add3A_494 : vector<16xf32> to vector<1x16xf32>
        tpu.vector_store %arg13[%swap3A_495, %swap3A_496], %swap3A_499 {strides = array<i32>} : memref<80x256xf32, #tpu.memory_space<vmem>>, vector<1x16xf32>,
        %get3A_500 = arith.index_cast %scan3A_289 : i32 to index
        %get3A_501 = arith.constant 240 : index
        %get3A_502 = tpu.vector_load %arg13[%get3A_500, %get3A_501] {strides = array<i32>} : memref<80x256xf32, #tpu.memory_space<vmem>>, vector<1x16xf32>,
        %get3A_503 = vector.shape_cast %get3A_502 : vector<1x16xf32> to vector<16xf32>
        %get3A_504 = arith.index_cast %scan3A_289 : i32 to index
        %get3A_505 = arith.constant 240 : index
        %get3A_506 = tpu.vector_load %arg14[%get3A_504, %get3A_505] {strides = array<i32>} : memref<80x256xf32, #tpu.memory_space<vmem>>, vector<1x16xf32>,
        %get3A_507 = vector.shape_cast %get3A_506 : vector<1x16xf32> to vector<16xf32>
        %add3A_508 = arith.addf %get3A_503, %get3A_507 : vector<16xf32>
        %swap3A_509 = arith.index_cast %scan3A_289 : i32 to index
        %swap3A_510 = arith.constant 240 : index
        %swap3A_511 = tpu.vector_load %arg13[%swap3A_509, %swap3A_510] {strides = array<i32>} : memref<80x256xf32, #tpu.memory_space<vmem>>, vector<1x16xf32>,
        %swap3A_512 = vector.shape_cast %swap3A_511 : vector<1x16xf32> to vector<16xf32>
        %swap3A_513 = vector.shape_cast %add3A_508 : vector<16xf32> to vector<1x16xf32>
        tpu.vector_store %arg13[%swap3A_509, %swap3A_510], %swap3A_513 {strides = array<i32>} : memref<80x256xf32, #tpu.memory_space<vmem>>, vector<1x16xf32>,
        %scan3A_514 = arith.constant 2 : i32
        %scan3A_515 = arith.addi %scan3A_65, %scan3A_514 : i32
        %get3A_516 = arith.index_cast %scan3A_515 : i32 to index
        %get3A_517 = arith.constant 0 : index
        %get3A_518 = tpu.vector_load %arg13[%get3A_516, %get3A_517] {strides = array<i32>} : memref<80x256xf32, #tpu.memory_space<vmem>>, vector<1x16xf32>,
        %get3A_519 = vector.shape_cast %get3A_518 : vector<1x16xf32> to vector<16xf32>
        %get3A_520 = arith.index_cast %scan3A_515 : i32 to index
        %get3A_521 = arith.constant 0 : index
        %get3A_522 = tpu.vector_load %arg14[%get3A_520, %get3A_521] {strides = array<i32>} : memref<80x256xf32, #tpu.memory_space<vmem>>, vector<1x16xf32>,
        %get3A_523 = vector.shape_cast %get3A_522 : vector<1x16xf32> to vector<16xf32>
        %add3A_524 = arith.addf %get3A_519, %get3A_523 : vector<16xf32>
        %swap3A_525 = arith.index_cast %scan3A_515 : i32 to index
        %swap3A_526 = arith.constant 0 : index
        %swap3A_527 = tpu.vector_load %arg13[%swap3A_525, %swap3A_526] {strides = array<i32>} : memref<80x256xf32, #tpu.memory_space<vmem>>, vector<1x16xf32>,
        %swap3A_528 = vector.shape_cast %swap3A_527 : vector<1x16xf32> to vector<16xf32>
        %swap3A_529 = vector.shape_cast %add3A_524 : vector<16xf32> to vector<1x16xf32>
        tpu.vector_store %arg13[%swap3A_525, %swap3A_526], %swap3A_529 {strides = array<i32>} : memref<80x256xf32, #tpu.memory_space<vmem>>, vector<1x16xf32>,
        %get3A_530 = arith.index_cast %scan3A_515 : i32 to index
        %get3A_531 = arith.constant 16 : index
        %get3A_532 = tpu.vector_load %arg13[%get3A_530, %get3A_531] {strides = array<i32>} : memref<80x256xf32, #tpu.memory_space<vmem>>, vector<1x16xf32>,
        %get3A_533 = vector.shape_cast %get3A_532 : vector<1x16xf32> to vector<16xf32>
        %get3A_534 = arith.index_cast %scan3A_515 : i32 to index
        %get3A_535 = arith.constant 16 : index
        %get3A_536 = tpu.vector_load %arg14[%get3A_534, %get3A_535] {strides = array<i32>} : memref<80x256xf32, #tpu.memory_space<vmem>>, vector<1x16xf32>,
        %get3A_537 = vector.shape_cast %get3A_536 : vector<1x16xf32> to vector<16xf32>
        %add3A_538 = arith.addf %get3A_533, %get3A_537 : vector<16xf32>
        %swap3A_539 = arith.index_cast %scan3A_515 : i32 to index
        %swap3A_540 = arith.constant 16 : index
        %swap3A_541 = tpu.vector_load %arg13[%swap3A_539, %swap3A_540] {strides = array<i32>} : memref<80x256xf32, #tpu.memory_space<vmem>>, vector<1x16xf32>,
        %swap3A_542 = vector.shape_cast %swap3A_541 : vector<1x16xf32> to vector<16xf32>
        %swap3A_543 = vector.shape_cast %add3A_538 : vector<16xf32> to vector<1x16xf32>
        tpu.vector_store %arg13[%swap3A_539, %swap3A_540], %swap3A_543 {strides = array<i32>} : memref<80x256xf32, #tpu.memory_space<vmem>>, vector<1x16xf32>,
        %get3A_544 = arith.index_cast %scan3A_515 : i32 to index
        %get3A_545 = arith.constant 32 : index
        %get3A_546 = tpu.vector_load %arg13[%get3A_544, %get3A_545] {strides = array<i32>} : memref<80x256xf32, #tpu.memory_space<vmem>>, vector<1x16xf32>,
        %get3A_547 = vector.shape_cast %get3A_546 : vector<1x16xf32> to vector<16xf32>
        %get3A_548 = arith.index_cast %scan3A_515 : i32 to index
        %get3A_549 = arith.constant 32 : index
        %get3A_550 = tpu.vector_load %arg14[%get3A_548, %get3A_549] {strides = array<i32>} : memref<80x256xf32, #tpu.memory_space<vmem>>, vector<1x16xf32>,
        %get3A_551 = vector.shape_cast %get3A_550 : vector<1x16xf32> to vector<16xf32>
        %add3A_552 = arith.addf %get3A_547, %get3A_551 : vector<16xf32>
        %swap3A_553 = arith.index_cast %scan3A_515 : i32 to index
        %swap3A_554 = arith.constant 32 : index
        %swap3A_555 = tpu.vector_load %arg13[%swap3A_553, %swap3A_554] {strides = array<i32>} : memref<80x256xf32, #tpu.memory_space<vmem>>, vector<1x16xf32>,
        %swap3A_556 = vector.shape_cast %swap3A_555 : vector<1x16xf32> to vector<16xf32>
        %swap3A_557 = vector.shape_cast %add3A_552 : vector<16xf32> to vector<1x16xf32>
        tpu.vector_store %arg13[%swap3A_553, %swap3A_554], %swap3A_557 {strides = array<i32>} : memref<80x256xf32, #tpu.memory_space<vmem>>, vector<1x16xf32>,
        %get3A_558 = arith.index_cast %scan3A_515 : i32 to index
        %get3A_559 = arith.constant 48 : index
        %get3A_560 = tpu.vector_load %arg13[%get3A_558, %get3A_559] {strides = array<i32>} : memref<80x256xf32, #tpu.memory_space<vmem>>, vector<1x16xf32>,
        %get3A_561 = vector.shape_cast %get3A_560 : vector<1x16xf32> to vector<16xf32>
        %get3A_562 = arith.index_cast %scan3A_515 : i32 to index
        %get3A_563 = arith.constant 48 : index
        %get3A_564 = tpu.vector_load %arg14[%get3A_562, %get3A_563] {strides = array<i32>} : memref<80x256xf32, #tpu.memory_space<vmem>>, vector<1x16xf32>,
        %get3A_565 = vector.shape_cast %get3A_564 : vector<1x16xf32> to vector<16xf32>
        %add3A_566 = arith.addf %get3A_561, %get3A_565 : vector<16xf32>
        %swap3A_567 = arith.index_cast %scan3A_515 : i32 to index
        %swap3A_568 = arith.constant 48 : index
        %swap3A_569 = tpu.vector_load %arg13[%swap3A_567, %swap3A_568] {strides = array<i32>} : memref<80x256xf32, #tpu.memory_space<vmem>>, vector<1x16xf32>,
        %swap3A_570 = vector.shape_cast %swap3A_569 : vector<1x16xf32> to vector<16xf32>
        %swap3A_571 = vector.shape_cast %add3A_566 : vector<16xf32> to vector<1x16xf32>
        tpu.vector_store %arg13[%swap3A_567, %swap3A_568], %swap3A_571 {strides = array<i32>} : memref<80x256xf32, #tpu.memory_space<vmem>>, vector<1x16xf32>,
        %get3A_572 = arith.index_cast %scan3A_515 : i32 to index
        %get3A_573 = arith.constant 64 : index
        %get3A_574 = tpu.vector_load %arg13[%get3A_572, %get3A_573] {strides = array<i32>} : memref<80x256xf32, #tpu.memory_space<vmem>>, vector<1x16xf32>,
        %get3A_575 = vector.shape_cast %get3A_574 : vector<1x16xf32> to vector<16xf32>
        %get3A_576 = arith.index_cast %scan3A_515 : i32 to index
        %get3A_577 = arith.constant 64 : index
        %get3A_578 = tpu.vector_load %arg14[%get3A_576, %get3A_577] {strides = array<i32>} : memref<80x256xf32, #tpu.memory_space<vmem>>, vector<1x16xf32>,
        %get3A_579 = vector.shape_cast %get3A_578 : vector<1x16xf32> to vector<16xf32>
        %add3A_580 = arith.addf %get3A_575, %get3A_579 : vector<16xf32>
        %swap3A_581 = arith.index_cast %scan3A_515 : i32 to index
        %swap3A_582 = arith.constant 64 : index
        %swap3A_583 = tpu.vector_load %arg13[%swap3A_581, %swap3A_582] {strides = array<i32>} : memref<80x256xf32, #tpu.memory_space<vmem>>, vector<1x16xf32>,
        %swap3A_584 = vector.shape_cast %swap3A_583 : vector<1x16xf32> to vector<16xf32>
        %swap3A_585 = vector.shape_cast %add3A_580 : vector<16xf32> to vector<1x16xf32>
        tpu.vector_store %arg13[%swap3A_581, %swap3A_582], %swap3A_585 {strides = array<i32>} : memref<80x256xf32, #tpu.memory_space<vmem>>, vector<1x16xf32>,
        %get3A_586 = arith.index_cast %scan3A_515 : i32 to index
        %get3A_587 = arith.constant 80 : index
        %get3A_588 = tpu.vector_load %arg13[%get3A_586, %get3A_587] {strides = array<i32>} : memref<80x256xf32, #tpu.memory_space<vmem>>, vector<1x16xf32>,
        %get3A_589 = vector.shape_cast %get3A_588 : vector<1x16xf32> to vector<16xf32>
        %get3A_590 = arith.index_cast %scan3A_515 : i32 to index
        %get3A_591 = arith.constant 80 : index
        %get3A_592 = tpu.vector_load %arg14[%get3A_590, %get3A_591] {strides = array<i32>} : memref<80x256xf32, #tpu.memory_space<vmem>>, vector<1x16xf32>,
        %get3A_593 = vector.shape_cast %get3A_592 : vector<1x16xf32> to vector<16xf32>
        %add3A_594 = arith.addf %get3A_589, %get3A_593 : vector<16xf32>
        %swap3A_595 = arith.index_cast %scan3A_515 : i32 to index
        %swap3A_596 = arith.constant 80 : index
        %swap3A_597 = tpu.vector_load %arg13[%swap3A_595, %swap3A_596] {strides = array<i32>} : memref<80x256xf32, #tpu.memory_space<vmem>>, vector<1x16xf32>,
        %swap3A_598 = vector.shape_cast %swap3A_597 : vector<1x16xf32> to vector<16xf32>
        %swap3A_599 = vector.shape_cast %add3A_594 : vector<16xf32> to vector<1x16xf32>
        tpu.vector_store %arg13[%swap3A_595, %swap3A_596], %swap3A_599 {strides = array<i32>} : memref<80x256xf32, #tpu.memory_space<vmem>>, vector<1x16xf32>,
        %get3A_600 = arith.index_cast %scan3A_515 : i32 to index
        %get3A_601 = arith.constant 96 : index
        %get3A_602 = tpu.vector_load %arg13[%get3A_600, %get3A_601] {strides = array<i32>} : memref<80x256xf32, #tpu.memory_space<vmem>>, vector<1x16xf32>,
        %get3A_603 = vector.shape_cast %get3A_602 : vector<1x16xf32> to vector<16xf32>
        %get3A_604 = arith.index_cast %scan3A_515 : i32 to index
        %get3A_605 = arith.constant 96 : index
        %get3A_606 = tpu.vector_load %arg14[%get3A_604, %get3A_605] {strides = array<i32>} : memref<80x256xf32, #tpu.memory_space<vmem>>, vector<1x16xf32>,
        %get3A_607 = vector.shape_cast %get3A_606 : vector<1x16xf32> to vector<16xf32>
        %add3A_608 = arith.addf %get3A_603, %get3A_607 : vector<16xf32>
        %swap3A_609 = arith.index_cast %scan3A_515 : i32 to index
        %swap3A_610 = arith.constant 96 : index
        %swap3A_611 = tpu.vector_load %arg13[%swap3A_609, %swap3A_610] {strides = array<i32>} : memref<80x256xf32, #tpu.memory_space<vmem>>, vector<1x16xf32>,
        %swap3A_612 = vector.shape_cast %swap3A_611 : vector<1x16xf32> to vector<16xf32>
        %swap3A_613 = vector.shape_cast %add3A_608 : vector<16xf32> to vector<1x16xf32>
        tpu.vector_store %arg13[%swap3A_609, %swap3A_610], %swap3A_613 {strides = array<i32>} : memref<80x256xf32, #tpu.memory_space<vmem>>, vector<1x16xf32>,
        %get3A_614 = arith.index_cast %scan3A_515 : i32 to index
        %get3A_615 = arith.constant 112 : index
        %get3A_616 = tpu.vector_load %arg13[%get3A_614, %get3A_615] {strides = array<i32>} : memref<80x256xf32, #tpu.memory_space<vmem>>, vector<1x16xf32>,
        %get3A_617 = vector.shape_cast %get3A_616 : vector<1x16xf32> to vector<16xf32>
        %get3A_618 = arith.index_cast %scan3A_515 : i32 to index
        %get3A_619 = arith.constant 112 : index
        %get3A_620 = tpu.vector_load %arg14[%get3A_618, %get3A_619] {strides = array<i32>} : memref<80x256xf32, #tpu.memory_space<vmem>>, vector<1x16xf32>,
        %get3A_621 = vector.shape_cast %get3A_620 : vector<1x16xf32> to vector<16xf32>
        %add3A_622 = arith.addf %get3A_617, %get3A_621 : vector<16xf32>
        %swap3A_623 = arith.index_cast %scan3A_515 : i32 to index
        %swap3A_624 = arith.constant 112 : index
        %swap3A_625 = tpu.vector_load %arg13[%swap3A_623, %swap3A_624] {strides = array<i32>} : memref<80x256xf32, #tpu.memory_space<vmem>>, vector<1x16xf32>,
        %swap3A_626 = vector.shape_cast %swap3A_625 : vector<1x16xf32> to vector<16xf32>
        %swap3A_627 = vector.shape_cast %add3A_622 : vector<16xf32> to vector<1x16xf32>
        tpu.vector_store %arg13[%swap3A_623, %swap3A_624], %swap3A_627 {strides = array<i32>} : memref<80x256xf32, #tpu.memory_space<vmem>>, vector<1x16xf32>,
        %get3A_628 = arith.index_cast %scan3A_515 : i32 to index
        %get3A_629 = arith.constant 128 : index
        %get3A_630 = tpu.vector_load %arg13[%get3A_628, %get3A_629] {strides = array<i32>} : memref<80x256xf32, #tpu.memory_space<vmem>>, vector<1x16xf32>,
        %get3A_631 = vector.shape_cast %get3A_630 : vector<1x16xf32> to vector<16xf32>
        %get3A_632 = arith.index_cast %scan3A_515 : i32 to index
        %get3A_633 = arith.constant 128 : index
        %get3A_634 = tpu.vector_load %arg14[%get3A_632, %get3A_633] {strides = array<i32>} : memref<80x256xf32, #tpu.memory_space<vmem>>, vector<1x16xf32>,
        %get3A_635 = vector.shape_cast %get3A_634 : vector<1x16xf32> to vector<16xf32>
        %add3A_636 = arith.addf %get3A_631, %get3A_635 : vector<16xf32>
        %swap3A_637 = arith.index_cast %scan3A_515 : i32 to index
        %swap3A_638 = arith.constant 128 : index
        %swap3A_639 = tpu.vector_load %arg13[%swap3A_637, %swap3A_638] {strides = array<i32>} : memref<80x256xf32, #tpu.memory_space<vmem>>, vector<1x16xf32>,
        %swap3A_640 = vector.shape_cast %swap3A_639 : vector<1x16xf32> to vector<16xf32>
        %swap3A_641 = vector.shape_cast %add3A_636 : vector<16xf32> to vector<1x16xf32>
        tpu.vector_store %arg13[%swap3A_637, %swap3A_638], %swap3A_641 {strides = array<i32>} : memref<80x256xf32, #tpu.memory_space<vmem>>, vector<1x16xf32>,
        %get3A_642 = arith.index_cast %scan3A_515 : i32 to index
        %get3A_643 = arith.constant 144 : index
        %get3A_644 = tpu.vector_load %arg13[%get3A_642, %get3A_643] {strides = array<i32>} : memref<80x256xf32, #tpu.memory_space<vmem>>, vector<1x16xf32>,
        %get3A_645 = vector.shape_cast %get3A_644 : vector<1x16xf32> to vector<16xf32>
        %get3A_646 = arith.index_cast %scan3A_515 : i32 to index
        %get3A_647 = arith.constant 144 : index
        %get3A_648 = tpu.vector_load %arg14[%get3A_646, %get3A_647] {strides = array<i32>} : memref<80x256xf32, #tpu.memory_space<vmem>>, vector<1x16xf32>,
        %get3A_649 = vector.shape_cast %get3A_648 : vector<1x16xf32> to vector<16xf32>
        %add3A_650 = arith.addf %get3A_645, %get3A_649 : vector<16xf32>
        %swap3A_651 = arith.index_cast %scan3A_515 : i32 to index
        %swap3A_652 = arith.constant 144 : index
        %swap3A_653 = tpu.vector_load %arg13[%swap3A_651, %swap3A_652] {strides = array<i32>} : memref<80x256xf32, #tpu.memory_space<vmem>>, vector<1x16xf32>,
        %swap3A_654 = vector.shape_cast %swap3A_653 : vector<1x16xf32> to vector<16xf32>
        %swap3A_655 = vector.shape_cast %add3A_650 : vector<16xf32> to vector<1x16xf32>
        tpu.vector_store %arg13[%swap3A_651, %swap3A_652], %swap3A_655 {strides = array<i32>} : memref<80x256xf32, #tpu.memory_space<vmem>>, vector<1x16xf32>,
        %get3A_656 = arith.index_cast %scan3A_515 : i32 to index
        %get3A_657 = arith.constant 160 : index
        %get3A_658 = tpu.vector_load %arg13[%get3A_656, %get3A_657] {strides = array<i32>} : memref<80x256xf32, #tpu.memory_space<vmem>>, vector<1x16xf32>,
        %get3A_659 = vector.shape_cast %get3A_658 : vector<1x16xf32> to vector<16xf32>
        %get3A_660 = arith.index_cast %scan3A_515 : i32 to index
        %get3A_661 = arith.constant 160 : index
        %get3A_662 = tpu.vector_load %arg14[%get3A_660, %get3A_661] {strides = array<i32>} : memref<80x256xf32, #tpu.memory_space<vmem>>, vector<1x16xf32>,
        %get3A_663 = vector.shape_cast %get3A_662 : vector<1x16xf32> to vector<16xf32>
        %add3A_664 = arith.addf %get3A_659, %get3A_663 : vector<16xf32>
        %swap3A_665 = arith.index_cast %scan3A_515 : i32 to index
        %swap3A_666 = arith.constant 160 : index
        %swap3A_667 = tpu.vector_load %arg13[%swap3A_665, %swap3A_666] {strides = array<i32>} : memref<80x256xf32, #tpu.memory_space<vmem>>, vector<1x16xf32>,
        %swap3A_668 = vector.shape_cast %swap3A_667 : vector<1x16xf32> to vector<16xf32>
        %swap3A_669 = vector.shape_cast %add3A_664 : vector<16xf32> to vector<1x16xf32>
        tpu.vector_store %arg13[%swap3A_665, %swap3A_666], %swap3A_669 {strides = array<i32>} : memref<80x256xf32, #tpu.memory_space<vmem>>, vector<1x16xf32>,
        %get3A_670 = arith.index_cast %scan3A_515 : i32 to index
        %get3A_671 = arith.constant 176 : index
        %get3A_672 = tpu.vector_load %arg13[%get3A_670, %get3A_671] {strides = array<i32>} : memref<80x256xf32, #tpu.memory_space<vmem>>, vector<1x16xf32>,
        %get3A_673 = vector.shape_cast %get3A_672 : vector<1x16xf32> to vector<16xf32>
        %get3A_674 = arith.index_cast %scan3A_515 : i32 to index
        %get3A_675 = arith.constant 176 : index
        %get3A_676 = tpu.vector_load %arg14[%get3A_674, %get3A_675] {strides = array<i32>} : memref<80x256xf32, #tpu.memory_space<vmem>>, vector<1x16xf32>,
        %get3A_677 = vector.shape_cast %get3A_676 : vector<1x16xf32> to vector<16xf32>
        %add3A_678 = arith.addf %get3A_673, %get3A_677 : vector<16xf32>
        %swap3A_679 = arith.index_cast %scan3A_515 : i32 to index
        %swap3A_680 = arith.constant 176 : index
        %swap3A_681 = tpu.vector_load %arg13[%swap3A_679, %swap3A_680] {strides = array<i32>} : memref<80x256xf32, #tpu.memory_space<vmem>>, vector<1x16xf32>,
        %swap3A_682 = vector.shape_cast %swap3A_681 : vector<1x16xf32> to vector<16xf32>
        %swap3A_683 = vector.shape_cast %add3A_678 : vector<16xf32> to vector<1x16xf32>
        tpu.vector_store %arg13[%swap3A_679, %swap3A_680], %swap3A_683 {strides = array<i32>} : memref<80x256xf32, #tpu.memory_space<vmem>>, vector<1x16xf32>,
        %get3A_684 = arith.index_cast %scan3A_515 : i32 to index
        %get3A_685 = arith.constant 192 : index
        %get3A_686 = tpu.vector_load %arg13[%get3A_684, %get3A_685] {strides = array<i32>} : memref<80x256xf32, #tpu.memory_space<vmem>>, vector<1x16xf32>,
        %get3A_687 = vector.shape_cast %get3A_686 : vector<1x16xf32> to vector<16xf32>
        %get3A_688 = arith.index_cast %scan3A_515 : i32 to index
        %get3A_689 = arith.constant 192 : index
        %get3A_690 = tpu.vector_load %arg14[%get3A_688, %get3A_689] {strides = array<i32>} : memref<80x256xf32, #tpu.memory_space<vmem>>, vector<1x16xf32>,
        %get3A_691 = vector.shape_cast %get3A_690 : vector<1x16xf32> to vector<16xf32>
        %add3A_692 = arith.addf %get3A_687, %get3A_691 : vector<16xf32>
        %swap3A_693 = arith.index_cast %scan3A_515 : i32 to index
        %swap3A_694 = arith.constant 192 : index
        %swap3A_695 = tpu.vector_load %arg13[%swap3A_693, %swap3A_694] {strides = array<i32>} : memref<80x256xf32, #tpu.memory_space<vmem>>, vector<1x16xf32>,
        %swap3A_696 = vector.shape_cast %swap3A_695 : vector<1x16xf32> to vector<16xf32>
        %swap3A_697 = vector.shape_cast %add3A_692 : vector<16xf32> to vector<1x16xf32>
        tpu.vector_store %arg13[%swap3A_693, %swap3A_694], %swap3A_697 {strides = array<i32>} : memref<80x256xf32, #tpu.memory_space<vmem>>, vector<1x16xf32>,
        %get3A_698 = arith.index_cast %scan3A_515 : i32 to index
        %get3A_699 = arith.constant 208 : index
        %get3A_700 = tpu.vector_load %arg13[%get3A_698, %get3A_699] {strides = array<i32>} : memref<80x256xf32, #tpu.memory_space<vmem>>, vector<1x16xf32>,
        %get3A_701 = vector.shape_cast %get3A_700 : vector<1x16xf32> to vector<16xf32>
        %get3A_702 = arith.index_cast %scan3A_515 : i32 to index
        %get3A_703 = arith.constant 208 : index
        %get3A_704 = tpu.vector_load %arg14[%get3A_702, %get3A_703] {strides = array<i32>} : memref<80x256xf32, #tpu.memory_space<vmem>>, vector<1x16xf32>,
        %get3A_705 = vector.shape_cast %get3A_704 : vector<1x16xf32> to vector<16xf32>
        %add3A_706 = arith.addf %get3A_701, %get3A_705 : vector<16xf32>
        %swap3A_707 = arith.index_cast %scan3A_515 : i32 to index
        %swap3A_708 = arith.constant 208 : index
        %swap3A_709 = tpu.vector_load %arg13[%swap3A_707, %swap3A_708] {strides = array<i32>} : memref<80x256xf32, #tpu.memory_space<vmem>>, vector<1x16xf32>,
        %swap3A_710 = vector.shape_cast %swap3A_709 : vector<1x16xf32> to vector<16xf32>
        %swap3A_711 = vector.shape_cast %add3A_706 : vector<16xf32> to vector<1x16xf32>
        tpu.vector_store %arg13[%swap3A_707, %swap3A_708], %swap3A_711 {strides = array<i32>} : memref<80x256xf32, #tpu.memory_space<vmem>>, vector<1x16xf32>,
        %get3A_712 = arith.index_cast %scan3A_515 : i32 to index
        %get3A_713 = arith.constant 224 : index
        %get3A_714 = tpu.vector_load %arg13[%get3A_712, %get3A_713] {strides = array<i32>} : memref<80x256xf32, #tpu.memory_space<vmem>>, vector<1x16xf32>,
        %get3A_715 = vector.shape_cast %get3A_714 : vector<1x16xf32> to vector<16xf32>
        %get3A_716 = arith.index_cast %scan3A_515 : i32 to index
        %get3A_717 = arith.constant 224 : index
        %get3A_718 = tpu.vector_load %arg14[%get3A_716, %get3A_717] {strides = array<i32>} : memref<80x256xf32, #tpu.memory_space<vmem>>, vector<1x16xf32>,
        %get3A_719 = vector.shape_cast %get3A_718 : vector<1x16xf32> to vector<16xf32>
        %add3A_720 = arith.addf %get3A_715, %get3A_719 : vector<16xf32>
        %swap3A_721 = arith.index_cast %scan3A_515 : i32 to index
        %swap3A_722 = arith.constant 224 : index
        %swap3A_723 = tpu.vector_load %arg13[%swap3A_721, %swap3A_722] {strides = array<i32>} : memref<80x256xf32, #tpu.memory_space<vmem>>, vector<1x16xf32>,
        %swap3A_724 = vector.shape_cast %swap3A_723 : vector<1x16xf32> to vector<16xf32>
        %swap3A_725 = vector.shape_cast %add3A_720 : vector<16xf32> to vector<1x16xf32>
        tpu.vector_store %arg13[%swap3A_721, %swap3A_722], %swap3A_725 {strides = array<i32>} : memref<80x256xf32, #tpu.memory_space<vmem>>, vector<1x16xf32>,
        %get3A_726 = arith.index_cast %scan3A_515 : i32 to index
        %get3A_727 = arith.constant 240 : index
        %get3A_728 = tpu.vector_load %arg13[%get3A_726, %get3A_727] {strides = array<i32>} : memref<80x256xf32, #tpu.memory_space<vmem>>, vector<1x16xf32>,
        %get3A_729 = vector.shape_cast %get3A_728 : vector<1x16xf32> to vector<16xf32>
        %get3A_730 = arith.index_cast %scan3A_515 : i32 to index
        %get3A_731 = arith.constant 240 : index
        %get3A_732 = tpu.vector_load %arg14[%get3A_730, %get3A_731] {strides = array<i32>} : memref<80x256xf32, #tpu.memory_space<vmem>>, vector<1x16xf32>,
        %get3A_733 = vector.shape_cast %get3A_732 : vector<1x16xf32> to vector<16xf32>
        %add3A_734 = arith.addf %get3A_729, %get3A_733 : vector<16xf32>
        %swap3A_735 = arith.index_cast %scan3A_515 : i32 to index
        %swap3A_736 = arith.constant 240 : index
        %swap3A_737 = tpu.vector_load %arg13[%swap3A_735, %swap3A_736] {strides = array<i32>} : memref<80x256xf32, #tpu.memory_space<vmem>>, vector<1x16xf32>,
        %swap3A_738 = vector.shape_cast %swap3A_737 : vector<1x16xf32> to vector<16xf32>
        %swap3A_739 = vector.shape_cast %add3A_734 : vector<16xf32> to vector<1x16xf32>
        tpu.vector_store %arg13[%swap3A_735, %swap3A_736], %swap3A_739 {strides = array<i32>} : memref<80x256xf32, #tpu.memory_space<vmem>>, vector<1x16xf32>,
        %scan3A_740 = arith.constant 3 : i32
        %scan3A_741 = arith.addi %scan3A_65, %scan3A_740 : i32
        %get3A_742 = arith.index_cast %scan3A_741 : i32 to index
        %get3A_743 = arith.constant 0 : index
        %get3A_744 = tpu.vector_load %arg13[%get3A_742, %get3A_743] {strides = array<i32>} : memref<80x256xf32, #tpu.memory_space<vmem>>, vector<1x16xf32>,
        %get3A_745 = vector.shape_cast %get3A_744 : vector<1x16xf32> to vector<16xf32>
        %get3A_746 = arith.index_cast %scan3A_741 : i32 to index
        %get3A_747 = arith.constant 0 : index
        %get3A_748 = tpu.vector_load %arg14[%get3A_746, %get3A_747] {strides = array<i32>} : memref<80x256xf32, #tpu.memory_space<vmem>>, vector<1x16xf32>,
        %get3A_749 = vector.shape_cast %get3A_748 : vector<1x16xf32> to vector<16xf32>
        %add3A_750 = arith.addf %get3A_745, %get3A_749 : vector<16xf32>
        %swap3A_751 = arith.index_cast %scan3A_741 : i32 to index
        %swap3A_752 = arith.constant 0 : index
        %swap3A_753 = tpu.vector_load %arg13[%swap3A_751, %swap3A_752] {strides = array<i32>} : memref<80x256xf32, #tpu.memory_space<vmem>>, vector<1x16xf32>,
        %swap3A_754 = vector.shape_cast %swap3A_753 : vector<1x16xf32> to vector<16xf32>
        %swap3A_755 = vector.shape_cast %add3A_750 : vector<16xf32> to vector<1x16xf32>
        tpu.vector_store %arg13[%swap3A_751, %swap3A_752], %swap3A_755 {strides = array<i32>} : memref<80x256xf32, #tpu.memory_space<vmem>>, vector<1x16xf32>,
        %get3A_756 = arith.index_cast %scan3A_741 : i32 to index
        %get3A_757 = arith.constant 16 : index
        %get3A_758 = tpu.vector_load %arg13[%get3A_756, %get3A_757] {strides = array<i32>} : memref<80x256xf32, #tpu.memory_space<vmem>>, vector<1x16xf32>,
        %get3A_759 = vector.shape_cast %get3A_758 : vector<1x16xf32> to vector<16xf32>
        %get3A_760 = arith.index_cast %scan3A_741 : i32 to index
        %get3A_761 = arith.constant 16 : index
        %get3A_762 = tpu.vector_load %arg14[%get3A_760, %get3A_761] {strides = array<i32>} : memref<80x256xf32, #tpu.memory_space<vmem>>, vector<1x16xf32>,
        %get3A_763 = vector.shape_cast %get3A_762 : vector<1x16xf32> to vector<16xf32>
        %add3A_764 = arith.addf %get3A_759, %get3A_763 : vector<16xf32>
        %swap3A_765 = arith.index_cast %scan3A_741 : i32 to index
        %swap3A_766 = arith.constant 16 : index
        %swap3A_767 = tpu.vector_load %arg13[%swap3A_765, %swap3A_766] {strides = array<i32>} : memref<80x256xf32, #tpu.memory_space<vmem>>, vector<1x16xf32>,
        %swap3A_768 = vector.shape_cast %swap3A_767 : vector<1x16xf32> to vector<16xf32>
        %swap3A_769 = vector.shape_cast %add3A_764 : vector<16xf32> to vector<1x16xf32>
        tpu.vector_store %arg13[%swap3A_765, %swap3A_766], %swap3A_769 {strides = array<i32>} : memref<80x256xf32, #tpu.memory_space<vmem>>, vector<1x16xf32>,
        %get3A_770 = arith.index_cast %scan3A_741 : i32 to index
        %get3A_771 = arith.constant 32 : index
        %get3A_772 = tpu.vector_load %arg13[%get3A_770, %get3A_771] {strides = array<i32>} : memref<80x256xf32, #tpu.memory_space<vmem>>, vector<1x16xf32>,
        %get3A_773 = vector.shape_cast %get3A_772 : vector<1x16xf32> to vector<16xf32>
        %get3A_774 = arith.index_cast %scan3A_741 : i32 to index
        %get3A_775 = arith.constant 32 : index
        %get3A_776 = tpu.vector_load %arg14[%get3A_774, %get3A_775] {strides = array<i32>} : memref<80x256xf32, #tpu.memory_space<vmem>>, vector<1x16xf32>,
        %get3A_777 = vector.shape_cast %get3A_776 : vector<1x16xf32> to vector<16xf32>
        %add3A_778 = arith.addf %get3A_773, %get3A_777 : vector<16xf32>
        %swap3A_779 = arith.index_cast %scan3A_741 : i32 to index
        %swap3A_780 = arith.constant 32 : index
        %swap3A_781 = tpu.vector_load %arg13[%swap3A_779, %swap3A_780] {strides = array<i32>} : memref<80x256xf32, #tpu.memory_space<vmem>>, vector<1x16xf32>,
        %swap3A_782 = vector.shape_cast %swap3A_781 : vector<1x16xf32> to vector<16xf32>
        %swap3A_783 = vector.shape_cast %add3A_778 : vector<16xf32> to vector<1x16xf32>
        tpu.vector_store %arg13[%swap3A_779, %swap3A_780], %swap3A_783 {strides = array<i32>} : memref<80x256xf32, #tpu.memory_space<vmem>>, vector<1x16xf32>,
        %get3A_784 = arith.index_cast %scan3A_741 : i32 to index
        %get3A_785 = arith.constant 48 : index
        %get3A_786 = tpu.vector_load %arg13[%get3A_784, %get3A_785] {strides = array<i32>} : memref<80x256xf32, #tpu.memory_space<vmem>>, vector<1x16xf32>,
        %get3A_787 = vector.shape_cast %get3A_786 : vector<1x16xf32> to vector<16xf32>
        %get3A_788 = arith.index_cast %scan3A_741 : i32 to index
        %get3A_789 = arith.constant 48 : index
        %get3A_790 = tpu.vector_load %arg14[%get3A_788, %get3A_789] {strides = array<i32>} : memref<80x256xf32, #tpu.memory_space<vmem>>, vector<1x16xf32>,
        %get3A_791 = vector.shape_cast %get3A_790 : vector<1x16xf32> to vector<16xf32>
        %add3A_792 = arith.addf %get3A_787, %get3A_791 : vector<16xf32>
        %swap3A_793 = arith.index_cast %scan3A_741 : i32 to index
        %swap3A_794 = arith.constant 48 : index
        %swap3A_795 = tpu.vector_load %arg13[%swap3A_793, %swap3A_794] {strides = array<i32>} : memref<80x256xf32, #tpu.memory_space<vmem>>, vector<1x16xf32>,
        %swap3A_796 = vector.shape_cast %swap3A_795 : vector<1x16xf32> to vector<16xf32>
        %swap3A_797 = vector.shape_cast %add3A_792 : vector<16xf32> to vector<1x16xf32>
        tpu.vector_store %arg13[%swap3A_793, %swap3A_794], %swap3A_797 {strides = array<i32>} : memref<80x256xf32, #tpu.memory_space<vmem>>, vector<1x16xf32>,
        %get3A_798 = arith.index_cast %scan3A_741 : i32 to index
        %get3A_799 = arith.constant 64 : index
        %get3A_800 = tpu.vector_load %arg13[%get3A_798, %get3A_799] {strides = array<i32>} : memref<80x256xf32, #tpu.memory_space<vmem>>, vector<1x16xf32>,
        %get3A_801 = vector.shape_cast %get3A_800 : vector<1x16xf32> to vector<16xf32>
        %get3A_802 = arith.index_cast %scan3A_741 : i32 to index
        %get3A_803 = arith.constant 64 : index
        %get3A_804 = tpu.vector_load %arg14[%get3A_802, %get3A_803] {strides = array<i32>} : memref<80x256xf32, #tpu.memory_space<vmem>>, vector<1x16xf32>,
        %get3A_805 = vector.shape_cast %get3A_804 : vector<1x16xf32> to vector<16xf32>
        %add3A_806 = arith.addf %get3A_801, %get3A_805 : vector<16xf32>
        %swap3A_807 = arith.index_cast %scan3A_741 : i32 to index
        %swap3A_808 = arith.constant 64 : index
        %swap3A_809 = tpu.vector_load %arg13[%swap3A_807, %swap3A_808] {strides = array<i32>} : memref<80x256xf32, #tpu.memory_space<vmem>>, vector<1x16xf32>,
        %swap3A_810 = vector.shape_cast %swap3A_809 : vector<1x16xf32> to vector<16xf32>
        %swap3A_811 = vector.shape_cast %add3A_806 : vector<16xf32> to vector<1x16xf32>
        tpu.vector_store %arg13[%swap3A_807, %swap3A_808], %swap3A_811 {strides = array<i32>} : memref<80x256xf32, #tpu.memory_space<vmem>>, vector<1x16xf32>,
        %get3A_812 = arith.index_cast %scan3A_741 : i32 to index
        %get3A_813 = arith.constant 80 : index
        %get3A_814 = tpu.vector_load %arg13[%get3A_812, %get3A_813] {strides = array<i32>} : memref<80x256xf32, #tpu.memory_space<vmem>>, vector<1x16xf32>,
        %get3A_815 = vector.shape_cast %get3A_814 : vector<1x16xf32> to vector<16xf32>
        %get3A_816 = arith.index_cast %scan3A_741 : i32 to index
        %get3A_817 = arith.constant 80 : index
        %get3A_818 = tpu.vector_load %arg14[%get3A_816, %get3A_817] {strides = array<i32>} : memref<80x256xf32, #tpu.memory_space<vmem>>, vector<1x16xf32>,
        %get3A_819 = vector.shape_cast %get3A_818 : vector<1x16xf32> to vector<16xf32>
        %add3A_820 = arith.addf %get3A_815, %get3A_819 : vector<16xf32>
        %swap3A_821 = arith.index_cast %scan3A_741 : i32 to index
        %swap3A_822 = arith.constant 80 : index
        %swap3A_823 = tpu.vector_load %arg13[%swap3A_821, %swap3A_822] {strides = array<i32>} : memref<80x256xf32, #tpu.memory_space<vmem>>, vector<1x16xf32>,
        %swap3A_824 = vector.shape_cast %swap3A_823 : vector<1x16xf32> to vector<16xf32>
        %swap3A_825 = vector.shape_cast %add3A_820 : vector<16xf32> to vector<1x16xf32>
        tpu.vector_store %arg13[%swap3A_821, %swap3A_822], %swap3A_825 {strides = array<i32>} : memref<80x256xf32, #tpu.memory_space<vmem>>, vector<1x16xf32>,
        %get3A_826 = arith.index_cast %scan3A_741 : i32 to index
        %get3A_827 = arith.constant 96 : index
        %get3A_828 = tpu.vector_load %arg13[%get3A_826, %get3A_827] {strides = array<i32>} : memref<80x256xf32, #tpu.memory_space<vmem>>, vector<1x16xf32>,
        %get3A_829 = vector.shape_cast %get3A_828 : vector<1x16xf32> to vector<16xf32>
        %get3A_830 = arith.index_cast %scan3A_741 : i32 to index
        %get3A_831 = arith.constant 96 : index
        %get3A_832 = tpu.vector_load %arg14[%get3A_830, %get3A_831] {strides = array<i32>} : memref<80x256xf32, #tpu.memory_space<vmem>>, vector<1x16xf32>,
        %get3A_833 = vector.shape_cast %get3A_832 : vector<1x16xf32> to vector<16xf32>
        %add3A_834 = arith.addf %get3A_829, %get3A_833 : vector<16xf32>
        %swap3A_835 = arith.index_cast %scan3A_741 : i32 to index
        %swap3A_836 = arith.constant 96 : index
        %swap3A_837 = tpu.vector_load %arg13[%swap3A_835, %swap3A_836] {strides = array<i32>} : memref<80x256xf32, #tpu.memory_space<vmem>>, vector<1x16xf32>,
        %swap3A_838 = vector.shape_cast %swap3A_837 : vector<1x16xf32> to vector<16xf32>
        %swap3A_839 = vector.shape_cast %add3A_834 : vector<16xf32> to vector<1x16xf32>
        tpu.vector_store %arg13[%swap3A_835, %swap3A_836], %swap3A_839 {strides = array<i32>} : memref<80x256xf32, #tpu.memory_space<vmem>>, vector<1x16xf32>,
        %get3A_840 = arith.index_cast %scan3A_741 : i32 to index
        %get3A_841 = arith.constant 112 : index
        %get3A_842 = tpu.vector_load %arg13[%get3A_840, %get3A_841] {strides = array<i32>} : memref<80x256xf32, #tpu.memory_space<vmem>>, vector<1x16xf32>,
        %get3A_843 = vector.shape_cast %get3A_842 : vector<1x16xf32> to vector<16xf32>
        %get3A_844 = arith.index_cast %scan3A_741 : i32 to index
        %get3A_845 = arith.constant 112 : index
        %get3A_846 = tpu.vector_load %arg14[%get3A_844, %get3A_845] {strides = array<i32>} : memref<80x256xf32, #tpu.memory_space<vmem>>, vector<1x16xf32>,
        %get3A_847 = vector.shape_cast %get3A_846 : vector<1x16xf32> to vector<16xf32>
        %add3A_848 = arith.addf %get3A_843, %get3A_847 : vector<16xf32>
        %swap3A_849 = arith.index_cast %scan3A_741 : i32 to index
        %swap3A_850 = arith.constant 112 : index
        %swap3A_851 = tpu.vector_load %arg13[%swap3A_849, %swap3A_850] {strides = array<i32>} : memref<80x256xf32, #tpu.memory_space<vmem>>, vector<1x16xf32>,
        %swap3A_852 = vector.shape_cast %swap3A_851 : vector<1x16xf32> to vector<16xf32>
        %swap3A_853 = vector.shape_cast %add3A_848 : vector<16xf32> to vector<1x16xf32>
        tpu.vector_store %arg13[%swap3A_849, %swap3A_850], %swap3A_853 {strides = array<i32>} : memref<80x256xf32, #tpu.memory_space<vmem>>, vector<1x16xf32>,
        %get3A_854 = arith.index_cast %scan3A_741 : i32 to index
        %get3A_855 = arith.constant 128 : index
        %get3A_856 = tpu.vector_load %arg13[%get3A_854, %get3A_855] {strides = array<i32>} : memref<80x256xf32, #tpu.memory_space<vmem>>, vector<1x16xf32>,
        %get3A_857 = vector.shape_cast %get3A_856 : vector<1x16xf32> to vector<16xf32>
        %get3A_858 = arith.index_cast %scan3A_741 : i32 to index
        %get3A_859 = arith.constant 128 : index
        %get3A_860 = tpu.vector_load %arg14[%get3A_858, %get3A_859] {strides = array<i32>} : memref<80x256xf32, #tpu.memory_space<vmem>>, vector<1x16xf32>,
        %get3A_861 = vector.shape_cast %get3A_860 : vector<1x16xf32> to vector<16xf32>
        %add3A_862 = arith.addf %get3A_857, %get3A_861 : vector<16xf32>
        %swap3A_863 = arith.index_cast %scan3A_741 : i32 to index
        %swap3A_864 = arith.constant 128 : index
        %swap3A_865 = tpu.vector_load %arg13[%swap3A_863, %swap3A_864] {strides = array<i32>} : memref<80x256xf32, #tpu.memory_space<vmem>>, vector<1x16xf32>,
        %swap3A_866 = vector.shape_cast %swap3A_865 : vector<1x16xf32> to vector<16xf32>
        %swap3A_867 = vector.shape_cast %add3A_862 : vector<16xf32> to vector<1x16xf32>
        tpu.vector_store %arg13[%swap3A_863, %swap3A_864], %swap3A_867 {strides = array<i32>} : memref<80x256xf32, #tpu.memory_space<vmem>>, vector<1x16xf32>,
        %get3A_868 = arith.index_cast %scan3A_741 : i32 to index
        %get3A_869 = arith.constant 144 : index
        %get3A_870 = tpu.vector_load %arg13[%get3A_868, %get3A_869] {strides = array<i32>} : memref<80x256xf32, #tpu.memory_space<vmem>>, vector<1x16xf32>,
        %get3A_871 = vector.shape_cast %get3A_870 : vector<1x16xf32> to vector<16xf32>
        %get3A_872 = arith.index_cast %scan3A_741 : i32 to index
        %get3A_873 = arith.constant 144 : index
        %get3A_874 = tpu.vector_load %arg14[%get3A_872, %get3A_873] {strides = array<i32>} : memref<80x256xf32, #tpu.memory_space<vmem>>, vector<1x16xf32>,
        %get3A_875 = vector.shape_cast %get3A_874 : vector<1x16xf32> to vector<16xf32>
        %add3A_876 = arith.addf %get3A_871, %get3A_875 : vector<16xf32>
        %swap3A_877 = arith.index_cast %scan3A_741 : i32 to index
        %swap3A_878 = arith.constant 144 : index
        %swap3A_879 = tpu.vector_load %arg13[%swap3A_877, %swap3A_878] {strides = array<i32>} : memref<80x256xf32, #tpu.memory_space<vmem>>, vector<1x16xf32>,
        %swap3A_880 = vector.shape_cast %swap3A_879 : vector<1x16xf32> to vector<16xf32>
        %swap3A_881 = vector.shape_cast %add3A_876 : vector<16xf32> to vector<1x16xf32>
        tpu.vector_store %arg13[%swap3A_877, %swap3A_878], %swap3A_881 {strides = array<i32>} : memref<80x256xf32, #tpu.memory_space<vmem>>, vector<1x16xf32>,
        %get3A_882 = arith.index_cast %scan3A_741 : i32 to index
        %get3A_883 = arith.constant 160 : index
        %get3A_884 = tpu.vector_load %arg13[%get3A_882, %get3A_883] {strides = array<i32>} : memref<80x256xf32, #tpu.memory_space<vmem>>, vector<1x16xf32>,
        %get3A_885 = vector.shape_cast %get3A_884 : vector<1x16xf32> to vector<16xf32>
        %get3A_886 = arith.index_cast %scan3A_741 : i32 to index
        %get3A_887 = arith.constant 160 : index
        %get3A_888 = tpu.vector_load %arg14[%get3A_886, %get3A_887] {strides = array<i32>} : memref<80x256xf32, #tpu.memory_space<vmem>>, vector<1x16xf32>,
        %get3A_889 = vector.shape_cast %get3A_888 : vector<1x16xf32> to vector<16xf32>
        %add3A_890 = arith.addf %get3A_885, %get3A_889 : vector<16xf32>
        %swap3A_891 = arith.index_cast %scan3A_741 : i32 to index
        %swap3A_892 = arith.constant 160 : index
        %swap3A_893 = tpu.vector_load %arg13[%swap3A_891, %swap3A_892] {strides = array<i32>} : memref<80x256xf32, #tpu.memory_space<vmem>>, vector<1x16xf32>,
        %swap3A_894 = vector.shape_cast %swap3A_893 : vector<1x16xf32> to vector<16xf32>
        %swap3A_895 = vector.shape_cast %add3A_890 : vector<16xf32> to vector<1x16xf32>
        tpu.vector_store %arg13[%swap3A_891, %swap3A_892], %swap3A_895 {strides = array<i32>} : memref<80x256xf32, #tpu.memory_space<vmem>>, vector<1x16xf32>,
        %get3A_896 = arith.index_cast %scan3A_741 : i32 to index
        %get3A_897 = arith.constant 176 : index
        %get3A_898 = tpu.vector_load %arg13[%get3A_896, %get3A_897] {strides = array<i32>} : memref<80x256xf32, #tpu.memory_space<vmem>>, vector<1x16xf32>,
        %get3A_899 = vector.shape_cast %get3A_898 : vector<1x16xf32> to vector<16xf32>
        %get3A_900 = arith.index_cast %scan3A_741 : i32 to index
        %get3A_901 = arith.constant 176 : index
        %get3A_902 = tpu.vector_load %arg14[%get3A_900, %get3A_901] {strides = array<i32>} : memref<80x256xf32, #tpu.memory_space<vmem>>, vector<1x16xf32>,
        %get3A_903 = vector.shape_cast %get3A_902 : vector<1x16xf32> to vector<16xf32>
        %add3A_904 = arith.addf %get3A_899, %get3A_903 : vector<16xf32>
        %swap3A_905 = arith.index_cast %scan3A_741 : i32 to index
        %swap3A_906 = arith.constant 176 : index
        %swap3A_907 = tpu.vector_load %arg13[%swap3A_905, %swap3A_906] {strides = array<i32>} : memref<80x256xf32, #tpu.memory_space<vmem>>, vector<1x16xf32>,
        %swap3A_908 = vector.shape_cast %swap3A_907 : vector<1x16xf32> to vector<16xf32>
        %swap3A_909 = vector.shape_cast %add3A_904 : vector<16xf32> to vector<1x16xf32>
        tpu.vector_store %arg13[%swap3A_905, %swap3A_906], %swap3A_909 {strides = array<i32>} : memref<80x256xf32, #tpu.memory_space<vmem>>, vector<1x16xf32>,
        %get3A_910 = arith.index_cast %scan3A_741 : i32 to index
        %get3A_911 = arith.constant 192 : index
        %get3A_912 = tpu.vector_load %arg13[%get3A_910, %get3A_911] {strides = array<i32>} : memref<80x256xf32, #tpu.memory_space<vmem>>, vector<1x16xf32>,
        %get3A_913 = vector.shape_cast %get3A_912 : vector<1x16xf32> to vector<16xf32>
        %get3A_914 = arith.index_cast %scan3A_741 : i32 to index
        %get3A_915 = arith.constant 192 : index
        %get3A_916 = tpu.vector_load %arg14[%get3A_914, %get3A_915] {strides = array<i32>} : memref<80x256xf32, #tpu.memory_space<vmem>>, vector<1x16xf32>,
        %get3A_917 = vector.shape_cast %get3A_916 : vector<1x16xf32> to vector<16xf32>
        %add3A_918 = arith.addf %get3A_913, %get3A_917 : vector<16xf32>
        %swap3A_919 = arith.index_cast %scan3A_741 : i32 to index
        %swap3A_920 = arith.constant 192 : index
        %swap3A_921 = tpu.vector_load %arg13[%swap3A_919, %swap3A_920] {strides = array<i32>} : memref<80x256xf32, #tpu.memory_space<vmem>>, vector<1x16xf32>,
        %swap3A_922 = vector.shape_cast %swap3A_921 : vector<1x16xf32> to vector<16xf32>
        %swap3A_923 = vector.shape_cast %add3A_918 : vector<16xf32> to vector<1x16xf32>
        tpu.vector_store %arg13[%swap3A_919, %swap3A_920], %swap3A_923 {strides = array<i32>} : memref<80x256xf32, #tpu.memory_space<vmem>>, vector<1x16xf32>,
        %get3A_924 = arith.index_cast %scan3A_741 : i32 to index
        %get3A_925 = arith.constant 208 : index
        %get3A_926 = tpu.vector_load %arg13[%get3A_924, %get3A_925] {strides = array<i32>} : memref<80x256xf32, #tpu.memory_space<vmem>>, vector<1x16xf32>,
        %get3A_927 = vector.shape_cast %get3A_926 : vector<1x16xf32> to vector<16xf32>
        %get3A_928 = arith.index_cast %scan3A_741 : i32 to index
        %get3A_929 = arith.constant 208 : index
        %get3A_930 = tpu.vector_load %arg14[%get3A_928, %get3A_929] {strides = array<i32>} : memref<80x256xf32, #tpu.memory_space<vmem>>, vector<1x16xf32>,
        %get3A_931 = vector.shape_cast %get3A_930 : vector<1x16xf32> to vector<16xf32>
        %add3A_932 = arith.addf %get3A_927, %get3A_931 : vector<16xf32>
        %swap3A_933 = arith.index_cast %scan3A_741 : i32 to index
        %swap3A_934 = arith.constant 208 : index
        %swap3A_935 = tpu.vector_load %arg13[%swap3A_933, %swap3A_934] {strides = array<i32>} : memref<80x256xf32, #tpu.memory_space<vmem>>, vector<1x16xf32>,
        %swap3A_936 = vector.shape_cast %swap3A_935 : vector<1x16xf32> to vector<16xf32>
        %swap3A_937 = vector.shape_cast %add3A_932 : vector<16xf32> to vector<1x16xf32>
        tpu.vector_store %arg13[%swap3A_933, %swap3A_934], %swap3A_937 {strides = array<i32>} : memref<80x256xf32, #tpu.memory_space<vmem>>, vector<1x16xf32>,
        %get3A_938 = arith.index_cast %scan3A_741 : i32 to index
        %get3A_939 = arith.constant 224 : index
        %get3A_940 = tpu.vector_load %arg13[%get3A_938, %get3A_939] {strides = array<i32>} : memref<80x256xf32, #tpu.memory_space<vmem>>, vector<1x16xf32>,
        %get3A_941 = vector.shape_cast %get3A_940 : vector<1x16xf32> to vector<16xf32>
        %get3A_942 = arith.index_cast %scan3A_741 : i32 to index
        %get3A_943 = arith.constant 224 : index
        %get3A_944 = tpu.vector_load %arg14[%get3A_942, %get3A_943] {strides = array<i32>} : memref<80x256xf32, #tpu.memory_space<vmem>>, vector<1x16xf32>,
        %get3A_945 = vector.shape_cast %get3A_944 : vector<1x16xf32> to vector<16xf32>
        %add3A_946 = arith.addf %get3A_941, %get3A_945 : vector<16xf32>
        %swap3A_947 = arith.index_cast %scan3A_741 : i32 to index
        %swap3A_948 = arith.constant 224 : index
        %swap3A_949 = tpu.vector_load %arg13[%swap3A_947, %swap3A_948] {strides = array<i32>} : memref<80x256xf32, #tpu.memory_space<vmem>>, vector<1x16xf32>,
        %swap3A_950 = vector.shape_cast %swap3A_949 : vector<1x16xf32> to vector<16xf32>
        %swap3A_951 = vector.shape_cast %add3A_946 : vector<16xf32> to vector<1x16xf32>
        tpu.vector_store %arg13[%swap3A_947, %swap3A_948], %swap3A_951 {strides = array<i32>} : memref<80x256xf32, #tpu.memory_space<vmem>>, vector<1x16xf32>,
        %get3A_952 = arith.index_cast %scan3A_741 : i32 to index
        %get3A_953 = arith.constant 240 : index
        %get3A_954 = tpu.vector_load %arg13[%get3A_952, %get3A_953] {strides = array<i32>} : memref<80x256xf32, #tpu.memory_space<vmem>>, vector<1x16xf32>,
        %get3A_955 = vector.shape_cast %get3A_954 : vector<1x16xf32> to vector<16xf32>
        %get3A_956 = arith.index_cast %scan3A_741 : i32 to index
        %get3A_957 = arith.constant 240 : index
        %get3A_958 = tpu.vector_load %arg14[%get3A_956, %get3A_957] {strides = array<i32>} : memref<80x256xf32, #tpu.memory_space<vmem>>, vector<1x16xf32>,
        %get3A_959 = vector.shape_cast %get3A_958 : vector<1x16xf32> to vector<16xf32>
        %add3A_960 = arith.addf %get3A_955, %get3A_959 : vector<16xf32>
        %swap3A_961 = arith.index_cast %scan3A_741 : i32 to index
        %swap3A_962 = arith.constant 240 : index
        %swap3A_963 = tpu.vector_load %arg13[%swap3A_961, %swap3A_962] {strides = array<i32>} : memref<80x256xf32, #tpu.memory_space<vmem>>, vector<1x16xf32>,
        %swap3A_964 = vector.shape_cast %swap3A_963 : vector<1x16xf32> to vector<16xf32>
        %swap3A_965 = vector.shape_cast %add3A_960 : vector<16xf32> to vector<1x16xf32>
        tpu.vector_store %arg13[%swap3A_961, %swap3A_962], %swap3A_965 {strides = array<i32>} : memref<80x256xf32, #tpu.memory_space<vmem>>, vector<1x16xf32>,
      }
      %scan3A_64 = arith.constant 80 : i32
      "tpu.region"() ({
        %run_scoped3A = tpu.sem_alloc : memref<!tpu.dma_semaphore, #tpu.memory_space<semaphore_mem>>
        %dma_start3A_65 = arith.constant 0 : i32
        %dma_start3A_66 = tpu.memref_slice %arg6[%multiple_of3A_52, %dma_start3A_65] : memref<163840x256xf32, #tpu.memory_space<hbm>> -> memref<80x256xf32, #tpu.memory_space<hbm>>
        %dma_start3A_67 = arith.constant 0 : i32
        %dma_start3A_68 = tpu.memref_slice %arg6[%multiple_of3A_52, %dma_start3A_67] : memref<163840x256xf32, #tpu.memory_space<hbm>> -> memref<80x256xf32, #tpu.memory_space<hbm>>
        tpu.enqueue_dma source(%arg13 : memref<80x256xf32, #tpu.memory_space<vmem>>) target(%dma_start3A_68 : memref<80x256xf32, #tpu.memory_space<hbm>>) target_semaphore(%run_scoped3A : memref<!tpu.dma_semaphore, #tpu.memory_space<semaphore_mem>>)
        %dma_wait3A_69 = arith.constant 0 : i32
        %dma_wait3A_70 = tpu.memref_slice %arg6[%multiple_of3A_52, %dma_wait3A_69] : memref<163840x256xf32, #tpu.memory_space<hbm>> -> memref<80x256xf32, #tpu.memory_space<hbm>>
        %dma_wait3A_71 = arith.constant 0 : i32
        %dma_wait3A_72 = tpu.memref_slice %arg6[%multiple_of3A_52, %dma_wait3A_71] : memref<163840x256xf32, #tpu.memory_space<hbm>> -> memref<80x256xf32, #tpu.memory_space<hbm>>
        tpu.wait_dma2 semaphore(%run_scoped3A : memref<!tpu.dma_semaphore, #tpu.memory_space<semaphore_mem>>) src(%arg13 : memref<80x256xf32, #tpu.memory_space<vmem>>) dst(%dma_wait3A_72 : memref<80x256xf32, #tpu.memory_space<hbm>>)
        tpu.yield
      }) : () -> ()
    }
    %scan3A_14 = arith.constant 32 : i32
    return
  }
}

#map = affine_map<(d0, d1) -> (0, 0)>
#map1 = affine_map<(d0, d1) -> (0)>
module attributes {stable_mosaic.version = 14 : i64} {
  func.func @k(%arg0: i32, %arg1: i32, %arg2: memref<10000x256xf32, #tpu.memory_space<hbm>>, %arg3: memref<10000x256xf32, #tpu.memory_space<hbm>>, %arg4: memref<163840x256xf32, #tpu.memory_space<hbm>>, %arg5: memref<160000x256xf32, #tpu.memory_space<hbm>>, %arg6: memref<1280xi32, #tpu.memory_space<hbm>>, %arg7: memref<1280xi32, #tpu.memory_space<hbm>>, %arg8: memref<256xi32, #tpu.memory_space<hbm>>, %arg9: memref<1280x256xf32, #tpu.memory_space<hbm>>, %arg10: memref<1280x256xf32, #tpu.memory_space<hbm>>, %arg11: memref<256x256xf32, #tpu.memory_space<hbm>>, %arg12: memref<256x256xf32, #tpu.memory_space<hbm>>, %arg13: memref<40xi32, #tpu.memory_space<vmem>>, %arg14: memref<40xi32, #tpu.memory_space<vmem>>, %arg15: memref<8xi32, #tpu.memory_space<vmem>>, %arg16: memref<40x256xf32, #tpu.memory_space<vmem>>, %arg17: memref<40x256xf32, #tpu.memory_space<vmem>>, %arg18: memref<8x256xf32, #tpu.memory_space<vmem>>, %arg19: memref<8x256xf32, #tpu.memory_space<vmem>>, %arg20: memref<!tpu.dma_semaphore, #tpu.memory_space<semaphore_mem>>, %arg21: memref<!tpu.dma_semaphore, #tpu.memory_space<semaphore_mem>>, %arg22: memref<!tpu.dma_semaphore, #tpu.memory_space<semaphore_mem>>, %arg23: memref<!tpu.dma_semaphore, #tpu.memory_space<semaphore_mem>>) attributes {dimension_semantics = [#tpu.dimension_semantics<core_parallel>, #tpu.dimension_semantics<subcore_parallel>], iteration_bounds = array<i64: 2, 16>, scalar_prefetch = 0 : i64, scratch_operands = 11 : i64, tpu.core_type = #tpu.core_type<sc_vector_subcore>, window_params = [{transform_indices = #map}, {transform_indices = #map}, {transform_indices = #map}, {transform_indices = #map}, {transform_indices = #map1}, {transform_indices = #map1}, {transform_indices = #map1}, {transform_indices = #map}, {transform_indices = #map}, {transform_indices = #map}, {transform_indices = #map}]} {
    %mul3A = arith.constant 2 : i32
    %mul3A_0 = arith.muli %arg1, %mul3A : i32
    %add3A = arith.addi %mul3A_0, %arg0 : i32
    %mul3A_1 = arith.constant 40 : i32
    %mul3A_2 = arith.muli %add3A, %mul3A_1 : i32
    "tpu.region"() ({
      %run_scoped3A = tpu.sem_alloc : memref<!tpu.dma_semaphore, #tpu.memory_space<semaphore_mem>>
      %dma_start3A_37 = tpu.memref_slice %arg6[%mul3A_2] : memref<1280xi32, #tpu.memory_space<hbm>> -> memref<40xi32, #tpu.memory_space<hbm>>
      %dma_start3A_38 = tpu.memref_slice %arg6[%mul3A_2] : memref<1280xi32, #tpu.memory_space<hbm>> -> memref<40xi32, #tpu.memory_space<hbm>>
      tpu.enqueue_dma source(%dma_start3A_38 : memref<40xi32, #tpu.memory_space<hbm>>) target(%arg13 : memref<40xi32, #tpu.memory_space<vmem>>) target_semaphore(%run_scoped3A : memref<!tpu.dma_semaphore, #tpu.memory_space<semaphore_mem>>)
      %dma_wait3A_39 = tpu.memref_slice %arg6[%mul3A_2] : memref<1280xi32, #tpu.memory_space<hbm>> -> memref<40xi32, #tpu.memory_space<hbm>>
      %dma_wait3A_40 = tpu.memref_slice %arg6[%mul3A_2] : memref<1280xi32, #tpu.memory_space<hbm>> -> memref<40xi32, #tpu.memory_space<hbm>>
      tpu.wait_dma2 semaphore(%run_scoped3A : memref<!tpu.dma_semaphore, #tpu.memory_space<semaphore_mem>>) src(%dma_wait3A_40 : memref<40xi32, #tpu.memory_space<hbm>>) dst(%arg13 : memref<40xi32, #tpu.memory_space<vmem>>)
      tpu.yield
    }) : () -> ()
    %mul3A_3 = arith.constant 40 : i32
    %mul3A_4 = arith.muli %add3A, %mul3A_3 : i32
    "tpu.region"() ({
      %run_scoped3A = tpu.sem_alloc : memref<!tpu.dma_semaphore, #tpu.memory_space<semaphore_mem>>
      %dma_start3A_37 = tpu.memref_slice %arg7[%mul3A_4] : memref<1280xi32, #tpu.memory_space<hbm>> -> memref<40xi32, #tpu.memory_space<hbm>>
      %dma_start3A_38 = tpu.memref_slice %arg7[%mul3A_4] : memref<1280xi32, #tpu.memory_space<hbm>> -> memref<40xi32, #tpu.memory_space<hbm>>
      tpu.enqueue_dma source(%dma_start3A_38 : memref<40xi32, #tpu.memory_space<hbm>>) target(%arg14 : memref<40xi32, #tpu.memory_space<vmem>>) target_semaphore(%run_scoped3A : memref<!tpu.dma_semaphore, #tpu.memory_space<semaphore_mem>>)
      %dma_wait3A_39 = tpu.memref_slice %arg7[%mul3A_4] : memref<1280xi32, #tpu.memory_space<hbm>> -> memref<40xi32, #tpu.memory_space<hbm>>
      %dma_wait3A_40 = tpu.memref_slice %arg7[%mul3A_4] : memref<1280xi32, #tpu.memory_space<hbm>> -> memref<40xi32, #tpu.memory_space<hbm>>
      tpu.wait_dma2 semaphore(%run_scoped3A : memref<!tpu.dma_semaphore, #tpu.memory_space<semaphore_mem>>) src(%dma_wait3A_40 : memref<40xi32, #tpu.memory_space<hbm>>) dst(%arg14 : memref<40xi32, #tpu.memory_space<vmem>>)
      tpu.yield
    }) : () -> ()
    %mul3A_5 = arith.constant 8 : i32
    %mul3A_6 = arith.muli %add3A, %mul3A_5 : i32
    "tpu.region"() ({
      %run_scoped3A = tpu.sem_alloc : memref<!tpu.dma_semaphore, #tpu.memory_space<semaphore_mem>>
      %dma_start3A_37 = tpu.memref_slice %arg8[%mul3A_6] : memref<256xi32, #tpu.memory_space<hbm>> -> memref<8xi32, #tpu.memory_space<hbm>>
      %dma_start3A_38 = tpu.memref_slice %arg8[%mul3A_6] : memref<256xi32, #tpu.memory_space<hbm>> -> memref<8xi32, #tpu.memory_space<hbm>>
      tpu.enqueue_dma source(%dma_start3A_38 : memref<8xi32, #tpu.memory_space<hbm>>) target(%arg15 : memref<8xi32, #tpu.memory_space<vmem>>) target_semaphore(%run_scoped3A : memref<!tpu.dma_semaphore, #tpu.memory_space<semaphore_mem>>)
      %dma_wait3A_39 = tpu.memref_slice %arg8[%mul3A_6] : memref<256xi32, #tpu.memory_space<hbm>> -> memref<8xi32, #tpu.memory_space<hbm>>
      %dma_wait3A_40 = tpu.memref_slice %arg8[%mul3A_6] : memref<256xi32, #tpu.memory_space<hbm>> -> memref<8xi32, #tpu.memory_space<hbm>>
      tpu.wait_dma2 semaphore(%run_scoped3A : memref<!tpu.dma_semaphore, #tpu.memory_space<semaphore_mem>>) src(%dma_wait3A_40 : memref<8xi32, #tpu.memory_space<hbm>>) dst(%arg15 : memref<8xi32, #tpu.memory_space<vmem>>)
      tpu.yield
    }) : () -> ()
    %dma_start3A = arith.constant 0 : i32
    %dma_start3A_7 = arith.constant 0 : i32
    %dma_start3A_8 = tpu.memref_slice %arg2[%dma_start3A, %dma_start3A_7] : memref<10000x256xf32, #tpu.memory_space<hbm>> -> memref<10000x256xf32, #tpu.memory_space<hbm>>
    tpu.enqueue_indirect_dma source(%dma_start3A_8 : memref<10000x256xf32, #tpu.memory_space<hbm>>) target(%arg16 : memref<40x256xf32, #tpu.memory_space<vmem>>) offsets(%arg13 : memref<40xi32, #tpu.memory_space<vmem>>) semaphore(%arg20 : memref<!tpu.dma_semaphore, #tpu.memory_space<semaphore_mem>>)
    %dma_start3A_9 = arith.constant 0 : i32
    %dma_start3A_10 = arith.constant 0 : i32
    %dma_start3A_11 = tpu.memref_slice %arg3[%dma_start3A_9, %dma_start3A_10] : memref<10000x256xf32, #tpu.memory_space<hbm>> -> memref<10000x256xf32, #tpu.memory_space<hbm>>
    tpu.enqueue_indirect_dma source(%dma_start3A_11 : memref<10000x256xf32, #tpu.memory_space<hbm>>) target(%arg17 : memref<40x256xf32, #tpu.memory_space<vmem>>) offsets(%arg14 : memref<40xi32, #tpu.memory_space<vmem>>) semaphore(%arg21 : memref<!tpu.dma_semaphore, #tpu.memory_space<semaphore_mem>>)
    %dma_start3A_12 = arith.constant 0 : i32
    %dma_start3A_13 = arith.constant 0 : i32
    %dma_start3A_14 = tpu.memref_slice %arg4[%dma_start3A_12, %dma_start3A_13] : memref<163840x256xf32, #tpu.memory_space<hbm>> -> memref<163840x256xf32, #tpu.memory_space<hbm>>
    tpu.enqueue_indirect_dma source(%dma_start3A_14 : memref<163840x256xf32, #tpu.memory_space<hbm>>) target(%arg18 : memref<8x256xf32, #tpu.memory_space<vmem>>) offsets(%arg15 : memref<8xi32, #tpu.memory_space<vmem>>) semaphore(%arg22 : memref<!tpu.dma_semaphore, #tpu.memory_space<semaphore_mem>>)
    %dma_start3A_15 = arith.constant 0 : i32
    %dma_start3A_16 = arith.constant 0 : i32
    %dma_start3A_17 = tpu.memref_slice %arg5[%dma_start3A_15, %dma_start3A_16] : memref<160000x256xf32, #tpu.memory_space<hbm>> -> memref<160000x256xf32, #tpu.memory_space<hbm>>
    tpu.enqueue_indirect_dma source(%dma_start3A_17 : memref<160000x256xf32, #tpu.memory_space<hbm>>) target(%arg19 : memref<8x256xf32, #tpu.memory_space<vmem>>) offsets(%arg15 : memref<8xi32, #tpu.memory_space<vmem>>) semaphore(%arg23 : memref<!tpu.dma_semaphore, #tpu.memory_space<semaphore_mem>>)
    %dma_wait3A = arith.constant 0 : i32
    %dma_wait3A_18 = arith.constant 0 : i32
    %dma_wait3A_19 = tpu.memref_slice %arg2[%dma_wait3A, %dma_wait3A_18] : memref<10000x256xf32, #tpu.memory_space<hbm>> -> memref<10000x256xf32, #tpu.memory_space<hbm>>
    tpu.wait_indirect_dma semaphore(%arg20 : memref<!tpu.dma_semaphore, #tpu.memory_space<semaphore_mem>>) src(%dma_wait3A_19 : memref<10000x256xf32, #tpu.memory_space<hbm>>) dst(%arg16 : memref<40x256xf32, #tpu.memory_space<vmem>>)
    %dma_wait3A_20 = arith.constant 0 : i32
    %dma_wait3A_21 = arith.constant 0 : i32
    %dma_wait3A_22 = tpu.memref_slice %arg3[%dma_wait3A_20, %dma_wait3A_21] : memref<10000x256xf32, #tpu.memory_space<hbm>> -> memref<10000x256xf32, #tpu.memory_space<hbm>>
    tpu.wait_indirect_dma semaphore(%arg21 : memref<!tpu.dma_semaphore, #tpu.memory_space<semaphore_mem>>) src(%dma_wait3A_22 : memref<10000x256xf32, #tpu.memory_space<hbm>>) dst(%arg17 : memref<40x256xf32, #tpu.memory_space<vmem>>)
    %dma_wait3A_23 = arith.constant 0 : i32
    %dma_wait3A_24 = arith.constant 0 : i32
    %dma_wait3A_25 = tpu.memref_slice %arg4[%dma_wait3A_23, %dma_wait3A_24] : memref<163840x256xf32, #tpu.memory_space<hbm>> -> memref<163840x256xf32, #tpu.memory_space<hbm>>
    tpu.wait_indirect_dma semaphore(%arg22 : memref<!tpu.dma_semaphore, #tpu.memory_space<semaphore_mem>>) src(%dma_wait3A_25 : memref<163840x256xf32, #tpu.memory_space<hbm>>) dst(%arg18 : memref<8x256xf32, #tpu.memory_space<vmem>>)
    %dma_wait3A_26 = arith.constant 0 : i32
    %dma_wait3A_27 = arith.constant 0 : i32
    %dma_wait3A_28 = tpu.memref_slice %arg5[%dma_wait3A_26, %dma_wait3A_27] : memref<160000x256xf32, #tpu.memory_space<hbm>> -> memref<160000x256xf32, #tpu.memory_space<hbm>>
    tpu.wait_indirect_dma semaphore(%arg23 : memref<!tpu.dma_semaphore, #tpu.memory_space<semaphore_mem>>) src(%dma_wait3A_28 : memref<160000x256xf32, #tpu.memory_space<hbm>>) dst(%arg19 : memref<8x256xf32, #tpu.memory_space<vmem>>)
    %mul3A_29 = arith.constant 40 : i32
    %mul3A_30 = arith.muli %add3A, %mul3A_29 : i32
    "tpu.region"() ({
      %run_scoped3A = tpu.sem_alloc : memref<!tpu.dma_semaphore, #tpu.memory_space<semaphore_mem>>
      %dma_start3A_37 = arith.constant 0 : i32
      %dma_start3A_38 = tpu.memref_slice %arg9[%mul3A_30, %dma_start3A_37] : memref<1280x256xf32, #tpu.memory_space<hbm>> -> memref<40x256xf32, #tpu.memory_space<hbm>>
      %dma_start3A_39 = arith.constant 0 : i32
      %dma_start3A_40 = tpu.memref_slice %arg9[%mul3A_30, %dma_start3A_39] : memref<1280x256xf32, #tpu.memory_space<hbm>> -> memref<40x256xf32, #tpu.memory_space<hbm>>
      tpu.enqueue_dma source(%arg16 : memref<40x256xf32, #tpu.memory_space<vmem>>) target(%dma_start3A_40 : memref<40x256xf32, #tpu.memory_space<hbm>>) target_semaphore(%run_scoped3A : memref<!tpu.dma_semaphore, #tpu.memory_space<semaphore_mem>>)
      %dma_wait3A_41 = arith.constant 0 : i32
      %dma_wait3A_42 = tpu.memref_slice %arg9[%mul3A_30, %dma_wait3A_41] : memref<1280x256xf32, #tpu.memory_space<hbm>> -> memref<40x256xf32, #tpu.memory_space<hbm>>
      %dma_wait3A_43 = arith.constant 0 : i32
      %dma_wait3A_44 = tpu.memref_slice %arg9[%mul3A_30, %dma_wait3A_43] : memref<1280x256xf32, #tpu.memory_space<hbm>> -> memref<40x256xf32, #tpu.memory_space<hbm>>
      tpu.wait_dma2 semaphore(%run_scoped3A : memref<!tpu.dma_semaphore, #tpu.memory_space<semaphore_mem>>) src(%arg16 : memref<40x256xf32, #tpu.memory_space<vmem>>) dst(%dma_wait3A_44 : memref<40x256xf32, #tpu.memory_space<hbm>>)
      tpu.yield
    }) : () -> ()
    %mul3A_31 = arith.constant 40 : i32
    %mul3A_32 = arith.muli %add3A, %mul3A_31 : i32
    "tpu.region"() ({
      %run_scoped3A = tpu.sem_alloc : memref<!tpu.dma_semaphore, #tpu.memory_space<semaphore_mem>>
      %dma_start3A_37 = arith.constant 0 : i32
      %dma_start3A_38 = tpu.memref_slice %arg10[%mul3A_32, %dma_start3A_37] : memref<1280x256xf32, #tpu.memory_space<hbm>> -> memref<40x256xf32, #tpu.memory_space<hbm>>
      %dma_start3A_39 = arith.constant 0 : i32
      %dma_start3A_40 = tpu.memref_slice %arg10[%mul3A_32, %dma_start3A_39] : memref<1280x256xf32, #tpu.memory_space<hbm>> -> memref<40x256xf32, #tpu.memory_space<hbm>>
      tpu.enqueue_dma source(%arg17 : memref<40x256xf32, #tpu.memory_space<vmem>>) target(%dma_start3A_40 : memref<40x256xf32, #tpu.memory_space<hbm>>) target_semaphore(%run_scoped3A : memref<!tpu.dma_semaphore, #tpu.memory_space<semaphore_mem>>)
      %dma_wait3A_41 = arith.constant 0 : i32
      %dma_wait3A_42 = tpu.memref_slice %arg10[%mul3A_32, %dma_wait3A_41] : memref<1280x256xf32, #tpu.memory_space<hbm>> -> memref<40x256xf32, #tpu.memory_space<hbm>>
      %dma_wait3A_43 = arith.constant 0 : i32
      %dma_wait3A_44 = tpu.memref_slice %arg10[%mul3A_32, %dma_wait3A_43] : memref<1280x256xf32, #tpu.memory_space<hbm>> -> memref<40x256xf32, #tpu.memory_space<hbm>>
      tpu.wait_dma2 semaphore(%run_scoped3A : memref<!tpu.dma_semaphore, #tpu.memory_space<semaphore_mem>>) src(%arg17 : memref<40x256xf32, #tpu.memory_space<vmem>>) dst(%dma_wait3A_44 : memref<40x256xf32, #tpu.memory_space<hbm>>)
      tpu.yield
    }) : () -> ()
    %mul3A_33 = arith.constant 8 : i32
    %mul3A_34 = arith.muli %add3A, %mul3A_33 : i32
    "tpu.region"() ({
      %run_scoped3A = tpu.sem_alloc : memref<!tpu.dma_semaphore, #tpu.memory_space<semaphore_mem>>
      %dma_start3A_37 = arith.constant 0 : i32
      %dma_start3A_38 = tpu.memref_slice %arg11[%mul3A_34, %dma_start3A_37] : memref<256x256xf32, #tpu.memory_space<hbm>> -> memref<8x256xf32, #tpu.memory_space<hbm>>
      %dma_start3A_39 = arith.constant 0 : i32
      %dma_start3A_40 = tpu.memref_slice %arg11[%mul3A_34, %dma_start3A_39] : memref<256x256xf32, #tpu.memory_space<hbm>> -> memref<8x256xf32, #tpu.memory_space<hbm>>
      tpu.enqueue_dma source(%arg18 : memref<8x256xf32, #tpu.memory_space<vmem>>) target(%dma_start3A_40 : memref<8x256xf32, #tpu.memory_space<hbm>>) target_semaphore(%run_scoped3A : memref<!tpu.dma_semaphore, #tpu.memory_space<semaphore_mem>>)
      %dma_wait3A_41 = arith.constant 0 : i32
      %dma_wait3A_42 = tpu.memref_slice %arg11[%mul3A_34, %dma_wait3A_41] : memref<256x256xf32, #tpu.memory_space<hbm>> -> memref<8x256xf32, #tpu.memory_space<hbm>>
      %dma_wait3A_43 = arith.constant 0 : i32
      %dma_wait3A_44 = tpu.memref_slice %arg11[%mul3A_34, %dma_wait3A_43] : memref<256x256xf32, #tpu.memory_space<hbm>> -> memref<8x256xf32, #tpu.memory_space<hbm>>
      tpu.wait_dma2 semaphore(%run_scoped3A : memref<!tpu.dma_semaphore, #tpu.memory_space<semaphore_mem>>) src(%arg18 : memref<8x256xf32, #tpu.memory_space<vmem>>) dst(%dma_wait3A_44 : memref<8x256xf32, #tpu.memory_space<hbm>>)
      tpu.yield
    }) : () -> ()
    %mul3A_35 = arith.constant 8 : i32
    %mul3A_36 = arith.muli %add3A, %mul3A_35 : i32
    "tpu.region"() ({
      %run_scoped3A = tpu.sem_alloc : memref<!tpu.dma_semaphore, #tpu.memory_space<semaphore_mem>>
      %dma_start3A_37 = arith.constant 0 : i32
      %dma_start3A_38 = tpu.memref_slice %arg12[%mul3A_36, %dma_start3A_37] : memref<256x256xf32, #tpu.memory_space<hbm>> -> memref<8x256xf32, #tpu.memory_space<hbm>>
      %dma_start3A_39 = arith.constant 0 : i32
      %dma_start3A_40 = tpu.memref_slice %arg12[%mul3A_36, %dma_start3A_39] : memref<256x256xf32, #tpu.memory_space<hbm>> -> memref<8x256xf32, #tpu.memory_space<hbm>>
      tpu.enqueue_dma source(%arg19 : memref<8x256xf32, #tpu.memory_space<vmem>>) target(%dma_start3A_40 : memref<8x256xf32, #tpu.memory_space<hbm>>) target_semaphore(%run_scoped3A : memref<!tpu.dma_semaphore, #tpu.memory_space<semaphore_mem>>)
      %dma_wait3A_41 = arith.constant 0 : i32
      %dma_wait3A_42 = tpu.memref_slice %arg12[%mul3A_36, %dma_wait3A_41] : memref<256x256xf32, #tpu.memory_space<hbm>> -> memref<8x256xf32, #tpu.memory_space<hbm>>
      %dma_wait3A_43 = arith.constant 0 : i32
      %dma_wait3A_44 = tpu.memref_slice %arg12[%mul3A_36, %dma_wait3A_43] : memref<256x256xf32, #tpu.memory_space<hbm>> -> memref<8x256xf32, #tpu.memory_space<hbm>>
      tpu.wait_dma2 semaphore(%run_scoped3A : memref<!tpu.dma_semaphore, #tpu.memory_space<semaphore_mem>>) src(%arg19 : memref<8x256xf32, #tpu.memory_space<vmem>>) dst(%dma_wait3A_44 : memref<8x256xf32, #tpu.memory_space<hbm>>)
      tpu.yield
    }) : () -> ()
    return
  }
}

module attributes {stable_mosaic.version = 14 : i64} {
  func.func @_score_body(%arg0: i32, %arg1: memref<1280x256xf32, #tpu.memory_space<vmem>>, %arg2: memref<1280x256xf32, #tpu.memory_space<vmem>>, %arg3: memref<1x1x1280xi32, #tpu.memory_space<vmem>>, %arg4: memref<64x256xf32, #tpu.memory_space<vmem>>, %arg5: memref<16x256xf32, #tpu.memory_space<vmem>>, %arg6: memref<256x256xf32, #tpu.memory_space<vmem>>, %arg7: memref<16x128xi32, #tpu.memory_space<vmem>>, %arg8: memref<16x163840xf32, #tpu.memory_space<vmem>>) attributes {dimension_semantics = [#tpu.dimension_semantics<arbitrary>], iteration_bounds = array<i64: 128>, scalar_prefetch = 0 : i64, scratch_operands = 1 : i64, tpu.core_type = #tpu.core_type<tc>, window_params = [{transform_indices = @transform_0, window_bounds = array<i64: 1280, 256>}, {transform_indices = @transform_1, window_bounds = array<i64: 1280, 256>}, {transform_indices = @transform_2, window_bounds = array<i64: 1, 1, 1280>}, {pipeline_mode = #tpu.pipeline_mode<synchronous>, transform_indices = @transform_3, window_bounds = array<i64: 64, 256>}, {pipeline_mode = #tpu.pipeline_mode<synchronous>, transform_indices = @transform_4, window_bounds = array<i64: 16, 256>}, {pipeline_mode = #tpu.pipeline_mode<synchronous>, transform_indices = @transform_5, window_bounds = array<i64: 256, 256>}, {pipeline_mode = #tpu.pipeline_mode<synchronous>, transform_indices = @transform_6, window_bounds = array<i64: 16, 128>}]} {
    %get3A = arith.constant 0 : index
    %get3A_0 = arith.constant 0 : index
    %get3A_1 = arith.constant 0 : index
    %get3A_2 = vector.load %arg3[%get3A, %get3A_0, %get3A_1] : memref<1x1x1280xi32, #tpu.memory_space<vmem>>, vector<1x1x1280xi32>
    %get3A_3 = vector.shape_cast %get3A_2 : vector<1x1x1280xi32> to vector<1x1280xi32>
    %iota3A = tpu.iota {dimensions = array<i32: 0>} : vector<64x1280xi32>
    %eq3A = vector.broadcast %get3A_3 : vector<1x1280xi32> to vector<64x1280xi32>
    %eq3A_4 = arith.cmpi eq, %iota3A, %eq3A : vector<64x1280xi32>
    %convert_element_type3A = arith.extui %eq3A_4 : vector<64x1280xi1> to vector<64x1280xi32>
    %convert_element_type3A_5 = arith.sitofp %convert_element_type3A : vector<64x1280xi32> to vector<64x1280xf32>
    %get3A_6 = arith.constant 0 : index
    %get3A_7 = arith.constant 0 : index
    %get3A_8 = vector.load %arg4[%get3A_6, %get3A_7] : memref<64x256xf32, #tpu.memory_space<vmem>>, vector<64x256xf32>
    %dot_general3A = arith.constant dense<0.000000e+00> : vector<1280x256xf32>
    %dot_general3A_9 = tpu.matmul %convert_element_type3A_5, %get3A_8, %dot_general3A {dimension_numbers = #tpu.dot_dimension_numbers<[0], [0], [1], [1], [0, 1, 1, 1], [], []>, precision = #tpu.contract_precision<fp32>, transpose_lhs_hint = false} : vector<64x1280xf32>, vector<64x256xf32>, vector<1280x256xf32> -> vector<1280x256xf32>
    %get3A_10 = arith.constant 0 : index
    %get3A_11 = arith.constant 0 : index
    %get3A_12 = vector.load %arg1[%get3A_10, %get3A_11] : memref<1280x256xf32, #tpu.memory_space<vmem>>, vector<1280x256xf32>
    %get3A_13 = arith.constant 0 : index
    %get3A_14 = arith.constant 0 : index
    %get3A_15 = vector.load %arg2[%get3A_13, %get3A_14] : memref<1280x256xf32, #tpu.memory_space<vmem>>, vector<1280x256xf32>
    %add3A = arith.addf %get3A_12, %get3A_15 : vector<1280x256xf32>
    %add3A_16 = arith.addf %add3A, %dot_general3A_9 : vector<1280x256xf32>
    %max3A = arith.constant 0.000000e+00 : f32
    %max3A_17 = vector.broadcast %max3A : f32 to vector<1280x256xf32>
    %max3A_18 = arith.maximumf %add3A_16, %max3A_17 : vector<1280x256xf32>
    %convert_element_type3A_19 = arith.truncf %max3A_18 : vector<1280x256xf32> to vector<1280x256xbf16>
    %get3A_20 = arith.constant 0 : index
    %get3A_21 = arith.constant 0 : index
    %get3A_22 = vector.load %arg6[%get3A_20, %get3A_21] : memref<256x256xf32, #tpu.memory_space<vmem>>, vector<256x256xf32>
    %convert_element_type3A_23 = arith.truncf %get3A_22 : vector<256x256xf32> to vector<256x256xbf16>
    %dot_general3A_24 = arith.constant dense<0.000000e+00> : vector<1280x256xf32>
    %dot_general3A_25 = tpu.matmul %convert_element_type3A_19, %convert_element_type3A_23, %dot_general3A_24 {dimension_numbers = #tpu.dot_dimension_numbers<[1], [0], [0], [1], [0, 0, 1, 1], [], []>, transpose_lhs_hint = false} : vector<1280x256xbf16>, vector<256x256xbf16>, vector<1280x256xf32> -> vector<1280x256xf32>
    %convert_element_type3A_26 = arith.truncf %dot_general3A_25 : vector<1280x256xf32> to vector<1280x256xbf16>
    %get3A_27 = arith.constant 0 : index
    %get3A_28 = arith.constant 0 : index
    %get3A_29 = vector.load %arg5[%get3A_27, %get3A_28] : memref<16x256xf32, #tpu.memory_space<vmem>>, vector<16x256xf32>
    %slice3A = vector.extract_strided_slice %get3A_29 {offsets = [0, 0], sizes = [16, 128], strides = [1, 1]} : vector<16x256xf32> to vector<16x128xf32>
    %convert_element_type3A_30 = arith.truncf %slice3A : vector<16x128xf32> to vector<16x128xbf16>
    %slice3A_31 = vector.extract_strided_slice %convert_element_type3A_26 {offsets = [0, 0], sizes = [1280, 128], strides = [1, 1]} : vector<1280x256xbf16> to vector<1280x128xbf16>
    %dot_general3A_32 = arith.constant dense<0.000000e+00> : vector<16x1280xf32>
    %dot_general3A_33 = tpu.matmul %convert_element_type3A_30, %slice3A_31, %dot_general3A_32 {dimension_numbers = #tpu.dot_dimension_numbers<[1], [1], [0], [0], [0, 0, 1, 0], [], []>, transpose_lhs_hint = false} : vector<16x128xbf16>, vector<1280x128xbf16>, vector<16x1280xf32> -> vector<16x1280xf32>
    %slice3A_34 = vector.extract_strided_slice %get3A_29 {offsets = [0, 128], sizes = [16, 128], strides = [1, 1]} : vector<16x256xf32> to vector<16x128xf32>
    %convert_element_type3A_35 = arith.truncf %slice3A_34 : vector<16x128xf32> to vector<16x128xbf16>
    %slice3A_36 = vector.extract_strided_slice %convert_element_type3A_26 {offsets = [0, 128], sizes = [1280, 128], strides = [1, 1]} : vector<1280x256xbf16> to vector<1280x128xbf16>
    %dot_general3A_37 = arith.constant dense<0.000000e+00> : vector<16x1280xf32>
    %dot_general3A_38 = tpu.matmul %convert_element_type3A_35, %slice3A_36, %dot_general3A_37 {dimension_numbers = #tpu.dot_dimension_numbers<[1], [1], [0], [0], [0, 0, 1, 0], [], []>, transpose_lhs_hint = false} : vector<16x128xbf16>, vector<1280x128xbf16>, vector<16x1280xf32> -> vector<16x1280xf32>
    %add3A_39 = arith.addf %dot_general3A_33, %dot_general3A_38 : vector<16x1280xf32>
    %iota3A_40 = tpu.iota {dimensions = array<i32: 1>} : vector<16x1280xi32>
    %mul3A = arith.constant 1280 : i32
    %mul3A_41 = arith.muli %arg0, %mul3A : i32
    %add3A_42 = vector.broadcast %mul3A_41 : i32 to vector<16x1280xi32>
    %add3A_43 = arith.addi %iota3A_40, %add3A_42 : vector<16x1280xi32>
    %lt3A = arith.constant 160000 : i32
    %lt3A_44 = vector.broadcast %lt3A : i32 to vector<16x1280xi32>
    %lt3A_45 = arith.cmpi slt, %add3A_43, %lt3A_44 : vector<16x1280xi32>
    %jit3A = arith.constant -3.000000e+38 : f32
    %broadcast_in_dim3A = vector.broadcast %jit3A : f32 to vector<16x1280xf32>
    %select_n3A = arith.select %lt3A_45, %add3A_39, %broadcast_in_dim3A : vector<16x1280xi1>, vector<16x1280xf32>
    %mul3A_46 = arith.constant 1280 : i32
    %mul3A_47 = arith.muli %arg0, %mul3A_46 : i32
    %swap3A = arith.constant 0 : index
    %swap3A_48 = arith.index_cast %mul3A_47 : i32 to index
    %swap3A_49 = vector.load %arg8[%swap3A, %swap3A_48] : memref<16x163840xf32, #tpu.memory_space<vmem>>, vector<16x1280xf32>
    tpu.vector_store %arg8[%swap3A, %swap3A_48], %select_n3A {strides = array<i32>} : memref<16x163840xf32, #tpu.memory_space<vmem>>, vector<16x1280xf32>,
    %eq3A_50 = arith.constant 127 : i32
    %eq3A_51 = arith.cmpi eq, %arg0, %eq3A_50 : i32
    %convert_element_type3A_52 = arith.extui %eq3A_51 : i1 to i32
    %cond3A = arith.constant 0 : i32
    %cond3A_53 = arith.cmpi ne, %convert_element_type3A_52, %cond3A : i32
    scf.if %cond3A_53 {
      %get3A_54 = arith.constant 0 : index
      %get3A_55 = arith.constant 0 : index
      %get3A_56 = vector.load %arg8[%get3A_54, %get3A_55] : memref<16x163840xf32, #tpu.memory_space<vmem>>, vector<16x163840xf32>
      %iota3A_57 = tpu.iota {dimensions = array<i32: 1>} : vector<16x163840xi32>
      %iota3A_58 = tpu.iota {dimensions = array<i32: 1>} : vector<16x128xi32>
      %broadcast_in_dim3A_59 = arith.constant 0 : i32
      %broadcast_in_dim3A_60 = vector.broadcast %broadcast_in_dim3A_59 : i32 to vector<16x128xi32>
      %reduce_max3A = arith.constant dense<0xFF800000> : vector<16xf32>
      %reduce_max3A_61 = vector.multi_reduction <maximumf>, %get3A_56, %reduce_max3A [1] : vector<16x163840xf32> to vector<16xf32>
      %broadcast_in_dim3A_62 = vector.shape_cast %reduce_max3A_61 : vector<16xf32> to vector<16x1xf32>
      %eq3A_63 = vector.broadcast %broadcast_in_dim3A_62 : vector<16x1xf32> to vector<16x163840xf32>
      %eq3A_64 = arith.cmpf oeq, %get3A_56, %eq3A_63 : vector<16x163840xf32>
      %jit3A_65 = arith.constant 163840 : i32
      %broadcast_in_dim3A_66 = vector.broadcast %jit3A_65 : i32 to vector<16x163840xi32>
      %select_n3A_67 = arith.select %eq3A_64, %iota3A_57, %broadcast_in_dim3A_66 : vector<16x163840xi1>, vector<16x163840xi32>
      %reduce_min3A = arith.constant dense<2147483647> : vector<16xi32>
      %reduce_min3A_68 = vector.multi_reduction <minsi>, %select_n3A_67, %reduce_min3A [1] : vector<16x163840xi32> to vector<16xi32>
      %broadcast_in_dim3A_69 = vector.shape_cast %reduce_min3A_68 : vector<16xi32> to vector<16x1xi32>
      %eq3A_70 = arith.constant 0 : i32
      %eq3A_71 = vector.broadcast %eq3A_70 : i32 to vector<16x128xi32>
      %eq3A_72 = arith.cmpi eq, %iota3A_58, %eq3A_71 : vector<16x128xi32>
      %broadcast_in_dim3A_73 = vector.shape_cast %broadcast_in_dim3A_69 : vector<16x1xi32> to vector<16x1xi32>
      %broadcast_in_dim3A_74 = vector.broadcast %broadcast_in_dim3A_73 : vector<16x1xi32> to vector<16x128xi32>
      %select_n3A_75 = arith.select %eq3A_72, %broadcast_in_dim3A_74, %broadcast_in_dim3A_60 : vector<16x128xi1>, vector<16x128xi32>
      %eq3A_76 = vector.broadcast %broadcast_in_dim3A_69 : vector<16x1xi32> to vector<16x163840xi32>
      %eq3A_77 = arith.cmpi eq, %iota3A_57, %eq3A_76 : vector<16x163840xi32>
      %jit3A_78 = arith.constant -3.000000e+38 : f32
      %broadcast_in_dim3A_79 = vector.broadcast %jit3A_78 : f32 to vector<16x163840xf32>
      %select_n3A_80 = arith.select %eq3A_77, %broadcast_in_dim3A_79, %get3A_56 : vector<16x163840xi1>, vector<16x163840xf32>
      %reduce_max3A_81 = arith.constant dense<0xFF800000> : vector<16xf32>
      %reduce_max3A_82 = vector.multi_reduction <maximumf>, %select_n3A_80, %reduce_max3A_81 [1] : vector<16x163840xf32> to vector<16xf32>
      %broadcast_in_dim3A_83 = vector.shape_cast %reduce_max3A_82 : vector<16xf32> to vector<16x1xf32>
      %eq3A_84 = vector.broadcast %broadcast_in_dim3A_83 : vector<16x1xf32> to vector<16x163840xf32>
      %eq3A_85 = arith.cmpf oeq, %select_n3A_80, %eq3A_84 : vector<16x163840xf32>
      %jit3A_86 = arith.constant 163840 : i32
      %broadcast_in_dim3A_87 = vector.broadcast %jit3A_86 : i32 to vector<16x163840xi32>
      %select_n3A_88 = arith.select %eq3A_85, %iota3A_57, %broadcast_in_dim3A_87 : vector<16x163840xi1>, vector<16x163840xi32>
      %reduce_min3A_89 = arith.constant dense<2147483647> : vector<16xi32>
      %reduce_min3A_90 = vector.multi_reduction <minsi>, %select_n3A_88, %reduce_min3A_89 [1] : vector<16x163840xi32> to vector<16xi32>
      %broadcast_in_dim3A_91 = vector.shape_cast %reduce_min3A_90 : vector<16xi32> to vector<16x1xi32>
      %eq3A_92 = arith.constant 1 : i32
      %eq3A_93 = vector.broadcast %eq3A_92 : i32 to vector<16x128xi32>
      %eq3A_94 = arith.cmpi eq, %iota3A_58, %eq3A_93 : vector<16x128xi32>
      %broadcast_in_dim3A_95 = vector.shape_cast %broadcast_in_dim3A_91 : vector<16x1xi32> to vector<16x1xi32>
      %broadcast_in_dim3A_96 = vector.broadcast %broadcast_in_dim3A_95 : vector<16x1xi32> to vector<16x128xi32>
      %select_n3A_97 = arith.select %eq3A_94, %broadcast_in_dim3A_96, %select_n3A_75 : vector<16x128xi1>, vector<16x128xi32>
      %eq3A_98 = vector.broadcast %broadcast_in_dim3A_91 : vector<16x1xi32> to vector<16x163840xi32>
      %eq3A_99 = arith.cmpi eq, %iota3A_57, %eq3A_98 : vector<16x163840xi32>
      %jit3A_100 = arith.constant -3.000000e+38 : f32
      %broadcast_in_dim3A_101 = vector.broadcast %jit3A_100 : f32 to vector<16x163840xf32>
      %select_n3A_102 = arith.select %eq3A_99, %broadcast_in_dim3A_101, %select_n3A_80 : vector<16x163840xi1>, vector<16x163840xf32>
      %reduce_max3A_103 = arith.constant dense<0xFF800000> : vector<16xf32>
      %reduce_max3A_104 = vector.multi_reduction <maximumf>, %select_n3A_102, %reduce_max3A_103 [1] : vector<16x163840xf32> to vector<16xf32>
      %broadcast_in_dim3A_105 = vector.shape_cast %reduce_max3A_104 : vector<16xf32> to vector<16x1xf32>
      %eq3A_106 = vector.broadcast %broadcast_in_dim3A_105 : vector<16x1xf32> to vector<16x163840xf32>
      %eq3A_107 = arith.cmpf oeq, %select_n3A_102, %eq3A_106 : vector<16x163840xf32>
      %jit3A_108 = arith.constant 163840 : i32
      %broadcast_in_dim3A_109 = vector.broadcast %jit3A_108 : i32 to vector<16x163840xi32>
      %select_n3A_110 = arith.select %eq3A_107, %iota3A_57, %broadcast_in_dim3A_109 : vector<16x163840xi1>, vector<16x163840xi32>
      %reduce_min3A_111 = arith.constant dense<2147483647> : vector<16xi32>
      %reduce_min3A_112 = vector.multi_reduction <minsi>, %select_n3A_110, %reduce_min3A_111 [1] : vector<16x163840xi32> to vector<16xi32>
      %broadcast_in_dim3A_113 = vector.shape_cast %reduce_min3A_112 : vector<16xi32> to vector<16x1xi32>
      %eq3A_114 = arith.constant 2 : i32
      %eq3A_115 = vector.broadcast %eq3A_114 : i32 to vector<16x128xi32>
      %eq3A_116 = arith.cmpi eq, %iota3A_58, %eq3A_115 : vector<16x128xi32>
      %broadcast_in_dim3A_117 = vector.shape_cast %broadcast_in_dim3A_113 : vector<16x1xi32> to vector<16x1xi32>
      %broadcast_in_dim3A_118 = vector.broadcast %broadcast_in_dim3A_117 : vector<16x1xi32> to vector<16x128xi32>
      %select_n3A_119 = arith.select %eq3A_116, %broadcast_in_dim3A_118, %select_n3A_97 : vector<16x128xi1>, vector<16x128xi32>
      %eq3A_120 = vector.broadcast %broadcast_in_dim3A_113 : vector<16x1xi32> to vector<16x163840xi32>
      %eq3A_121 = arith.cmpi eq, %iota3A_57, %eq3A_120 : vector<16x163840xi32>
      %jit3A_122 = arith.constant -3.000000e+38 : f32
      %broadcast_in_dim3A_123 = vector.broadcast %jit3A_122 : f32 to vector<16x163840xf32>
      %select_n3A_124 = arith.select %eq3A_121, %broadcast_in_dim3A_123, %select_n3A_102 : vector<16x163840xi1>, vector<16x163840xf32>
      %reduce_max3A_125 = arith.constant dense<0xFF800000> : vector<16xf32>
      %reduce_max3A_126 = vector.multi_reduction <maximumf>, %select_n3A_124, %reduce_max3A_125 [1] : vector<16x163840xf32> to vector<16xf32>
      %broadcast_in_dim3A_127 = vector.shape_cast %reduce_max3A_126 : vector<16xf32> to vector<16x1xf32>
      %eq3A_128 = vector.broadcast %broadcast_in_dim3A_127 : vector<16x1xf32> to vector<16x163840xf32>
      %eq3A_129 = arith.cmpf oeq, %select_n3A_124, %eq3A_128 : vector<16x163840xf32>
      %jit3A_130 = arith.constant 163840 : i32
      %broadcast_in_dim3A_131 = vector.broadcast %jit3A_130 : i32 to vector<16x163840xi32>
      %select_n3A_132 = arith.select %eq3A_129, %iota3A_57, %broadcast_in_dim3A_131 : vector<16x163840xi1>, vector<16x163840xi32>
      %reduce_min3A_133 = arith.constant dense<2147483647> : vector<16xi32>
      %reduce_min3A_134 = vector.multi_reduction <minsi>, %select_n3A_132, %reduce_min3A_133 [1] : vector<16x163840xi32> to vector<16xi32>
      %broadcast_in_dim3A_135 = vector.shape_cast %reduce_min3A_134 : vector<16xi32> to vector<16x1xi32>
      %eq3A_136 = arith.constant 3 : i32
      %eq3A_137 = vector.broadcast %eq3A_136 : i32 to vector<16x128xi32>
      %eq3A_138 = arith.cmpi eq, %iota3A_58, %eq3A_137 : vector<16x128xi32>
      %broadcast_in_dim3A_139 = vector.shape_cast %broadcast_in_dim3A_135 : vector<16x1xi32> to vector<16x1xi32>
      %broadcast_in_dim3A_140 = vector.broadcast %broadcast_in_dim3A_139 : vector<16x1xi32> to vector<16x128xi32>
      %select_n3A_141 = arith.select %eq3A_138, %broadcast_in_dim3A_140, %select_n3A_119 : vector<16x128xi1>, vector<16x128xi32>
      %eq3A_142 = vector.broadcast %broadcast_in_dim3A_135 : vector<16x1xi32> to vector<16x163840xi32>
      %eq3A_143 = arith.cmpi eq, %iota3A_57, %eq3A_142 : vector<16x163840xi32>
      %jit3A_144 = arith.constant -3.000000e+38 : f32
      %broadcast_in_dim3A_145 = vector.broadcast %jit3A_144 : f32 to vector<16x163840xf32>
      %select_n3A_146 = arith.select %eq3A_143, %broadcast_in_dim3A_145, %select_n3A_124 : vector<16x163840xi1>, vector<16x163840xf32>
      %reduce_max3A_147 = arith.constant dense<0xFF800000> : vector<16xf32>
      %reduce_max3A_148 = vector.multi_reduction <maximumf>, %select_n3A_146, %reduce_max3A_147 [1] : vector<16x163840xf32> to vector<16xf32>
      %broadcast_in_dim3A_149 = vector.shape_cast %reduce_max3A_148 : vector<16xf32> to vector<16x1xf32>
      %eq3A_150 = vector.broadcast %broadcast_in_dim3A_149 : vector<16x1xf32> to vector<16x163840xf32>
      %eq3A_151 = arith.cmpf oeq, %select_n3A_146, %eq3A_150 : vector<16x163840xf32>
      %jit3A_152 = arith.constant 163840 : i32
      %broadcast_in_dim3A_153 = vector.broadcast %jit3A_152 : i32 to vector<16x163840xi32>
      %select_n3A_154 = arith.select %eq3A_151, %iota3A_57, %broadcast_in_dim3A_153 : vector<16x163840xi1>, vector<16x163840xi32>
      %reduce_min3A_155 = arith.constant dense<2147483647> : vector<16xi32>
      %reduce_min3A_156 = vector.multi_reduction <minsi>, %select_n3A_154, %reduce_min3A_155 [1] : vector<16x163840xi32> to vector<16xi32>
      %broadcast_in_dim3A_157 = vector.shape_cast %reduce_min3A_156 : vector<16xi32> to vector<16x1xi32>
      %eq3A_158 = arith.constant 4 : i32
      %eq3A_159 = vector.broadcast %eq3A_158 : i32 to vector<16x128xi32>
      %eq3A_160 = arith.cmpi eq, %iota3A_58, %eq3A_159 : vector<16x128xi32>
      %broadcast_in_dim3A_161 = vector.shape_cast %broadcast_in_dim3A_157 : vector<16x1xi32> to vector<16x1xi32>
      %broadcast_in_dim3A_162 = vector.broadcast %broadcast_in_dim3A_161 : vector<16x1xi32> to vector<16x128xi32>
      %select_n3A_163 = arith.select %eq3A_160, %broadcast_in_dim3A_162, %select_n3A_141 : vector<16x128xi1>, vector<16x128xi32>
      %eq3A_164 = vector.broadcast %broadcast_in_dim3A_157 : vector<16x1xi32> to vector<16x163840xi32>
      %eq3A_165 = arith.cmpi eq, %iota3A_57, %eq3A_164 : vector<16x163840xi32>
      %jit3A_166 = arith.constant -3.000000e+38 : f32
      %broadcast_in_dim3A_167 = vector.broadcast %jit3A_166 : f32 to vector<16x163840xf32>
      %select_n3A_168 = arith.select %eq3A_165, %broadcast_in_dim3A_167, %select_n3A_146 : vector<16x163840xi1>, vector<16x163840xf32>
      %reduce_max3A_169 = arith.constant dense<0xFF800000> : vector<16xf32>
      %reduce_max3A_170 = vector.multi_reduction <maximumf>, %select_n3A_168, %reduce_max3A_169 [1] : vector<16x163840xf32> to vector<16xf32>
      %broadcast_in_dim3A_171 = vector.shape_cast %reduce_max3A_170 : vector<16xf32> to vector<16x1xf32>
      %eq3A_172 = vector.broadcast %broadcast_in_dim3A_171 : vector<16x1xf32> to vector<16x163840xf32>
      %eq3A_173 = arith.cmpf oeq, %select_n3A_168, %eq3A_172 : vector<16x163840xf32>
      %jit3A_174 = arith.constant 163840 : i32
      %broadcast_in_dim3A_175 = vector.broadcast %jit3A_174 : i32 to vector<16x163840xi32>
      %select_n3A_176 = arith.select %eq3A_173, %iota3A_57, %broadcast_in_dim3A_175 : vector<16x163840xi1>, vector<16x163840xi32>
      %reduce_min3A_177 = arith.constant dense<2147483647> : vector<16xi32>
      %reduce_min3A_178 = vector.multi_reduction <minsi>, %select_n3A_176, %reduce_min3A_177 [1] : vector<16x163840xi32> to vector<16xi32>
      %broadcast_in_dim3A_179 = vector.shape_cast %reduce_min3A_178 : vector<16xi32> to vector<16x1xi32>
      %eq3A_180 = arith.constant 5 : i32
      %eq3A_181 = vector.broadcast %eq3A_180 : i32 to vector<16x128xi32>
      %eq3A_182 = arith.cmpi eq, %iota3A_58, %eq3A_181 : vector<16x128xi32>
      %broadcast_in_dim3A_183 = vector.shape_cast %broadcast_in_dim3A_179 : vector<16x1xi32> to vector<16x1xi32>
      %broadcast_in_dim3A_184 = vector.broadcast %broadcast_in_dim3A_183 : vector<16x1xi32> to vector<16x128xi32>
      %select_n3A_185 = arith.select %eq3A_182, %broadcast_in_dim3A_184, %select_n3A_163 : vector<16x128xi1>, vector<16x128xi32>
      %eq3A_186 = vector.broadcast %broadcast_in_dim3A_179 : vector<16x1xi32> to vector<16x163840xi32>
      %eq3A_187 = arith.cmpi eq, %iota3A_57, %eq3A_186 : vector<16x163840xi32>
      %jit3A_188 = arith.constant -3.000000e+38 : f32
      %broadcast_in_dim3A_189 = vector.broadcast %jit3A_188 : f32 to vector<16x163840xf32>
      %select_n3A_190 = arith.select %eq3A_187, %broadcast_in_dim3A_189, %select_n3A_168 : vector<16x163840xi1>, vector<16x163840xf32>
      %reduce_max3A_191 = arith.constant dense<0xFF800000> : vector<16xf32>
      %reduce_max3A_192 = vector.multi_reduction <maximumf>, %select_n3A_190, %reduce_max3A_191 [1] : vector<16x163840xf32> to vector<16xf32>
      %broadcast_in_dim3A_193 = vector.shape_cast %reduce_max3A_192 : vector<16xf32> to vector<16x1xf32>
      %eq3A_194 = vector.broadcast %broadcast_in_dim3A_193 : vector<16x1xf32> to vector<16x163840xf32>
      %eq3A_195 = arith.cmpf oeq, %select_n3A_190, %eq3A_194 : vector<16x163840xf32>
      %jit3A_196 = arith.constant 163840 : i32
      %broadcast_in_dim3A_197 = vector.broadcast %jit3A_196 : i32 to vector<16x163840xi32>
      %select_n3A_198 = arith.select %eq3A_195, %iota3A_57, %broadcast_in_dim3A_197 : vector<16x163840xi1>, vector<16x163840xi32>
      %reduce_min3A_199 = arith.constant dense<2147483647> : vector<16xi32>
      %reduce_min3A_200 = vector.multi_reduction <minsi>, %select_n3A_198, %reduce_min3A_199 [1] : vector<16x163840xi32> to vector<16xi32>
      %broadcast_in_dim3A_201 = vector.shape_cast %reduce_min3A_200 : vector<16xi32> to vector<16x1xi32>
      %eq3A_202 = arith.constant 6 : i32
      %eq3A_203 = vector.broadcast %eq3A_202 : i32 to vector<16x128xi32>
      %eq3A_204 = arith.cmpi eq, %iota3A_58, %eq3A_203 : vector<16x128xi32>
      %broadcast_in_dim3A_205 = vector.shape_cast %broadcast_in_dim3A_201 : vector<16x1xi32> to vector<16x1xi32>
      %broadcast_in_dim3A_206 = vector.broadcast %broadcast_in_dim3A_205 : vector<16x1xi32> to vector<16x128xi32>
      %select_n3A_207 = arith.select %eq3A_204, %broadcast_in_dim3A_206, %select_n3A_185 : vector<16x128xi1>, vector<16x128xi32>
      %eq3A_208 = vector.broadcast %broadcast_in_dim3A_201 : vector<16x1xi32> to vector<16x163840xi32>
      %eq3A_209 = arith.cmpi eq, %iota3A_57, %eq3A_208 : vector<16x163840xi32>
      %jit3A_210 = arith.constant -3.000000e+38 : f32
      %broadcast_in_dim3A_211 = vector.broadcast %jit3A_210 : f32 to vector<16x163840xf32>
      %select_n3A_212 = arith.select %eq3A_209, %broadcast_in_dim3A_211, %select_n3A_190 : vector<16x163840xi1>, vector<16x163840xf32>
      %reduce_max3A_213 = arith.constant dense<0xFF800000> : vector<16xf32>
      %reduce_max3A_214 = vector.multi_reduction <maximumf>, %select_n3A_212, %reduce_max3A_213 [1] : vector<16x163840xf32> to vector<16xf32>
      %broadcast_in_dim3A_215 = vector.shape_cast %reduce_max3A_214 : vector<16xf32> to vector<16x1xf32>
      %eq3A_216 = vector.broadcast %broadcast_in_dim3A_215 : vector<16x1xf32> to vector<16x163840xf32>
      %eq3A_217 = arith.cmpf oeq, %select_n3A_212, %eq3A_216 : vector<16x163840xf32>
      %jit3A_218 = arith.constant 163840 : i32
      %broadcast_in_dim3A_219 = vector.broadcast %jit3A_218 : i32 to vector<16x163840xi32>
      %select_n3A_220 = arith.select %eq3A_217, %iota3A_57, %broadcast_in_dim3A_219 : vector<16x163840xi1>, vector<16x163840xi32>
      %reduce_min3A_221 = arith.constant dense<2147483647> : vector<16xi32>
      %reduce_min3A_222 = vector.multi_reduction <minsi>, %select_n3A_220, %reduce_min3A_221 [1] : vector<16x163840xi32> to vector<16xi32>
      %broadcast_in_dim3A_223 = vector.shape_cast %reduce_min3A_222 : vector<16xi32> to vector<16x1xi32>
      %eq3A_224 = arith.constant 7 : i32
      %eq3A_225 = vector.broadcast %eq3A_224 : i32 to vector<16x128xi32>
      %eq3A_226 = arith.cmpi eq, %iota3A_58, %eq3A_225 : vector<16x128xi32>
      %broadcast_in_dim3A_227 = vector.shape_cast %broadcast_in_dim3A_223 : vector<16x1xi32> to vector<16x1xi32>
      %broadcast_in_dim3A_228 = vector.broadcast %broadcast_in_dim3A_227 : vector<16x1xi32> to vector<16x128xi32>
      %select_n3A_229 = arith.select %eq3A_226, %broadcast_in_dim3A_228, %select_n3A_207 : vector<16x128xi1>, vector<16x128xi32>
      %eq3A_230 = vector.broadcast %broadcast_in_dim3A_223 : vector<16x1xi32> to vector<16x163840xi32>
      %eq3A_231 = arith.cmpi eq, %iota3A_57, %eq3A_230 : vector<16x163840xi32>
      %jit3A_232 = arith.constant -3.000000e+38 : f32
      %broadcast_in_dim3A_233 = vector.broadcast %jit3A_232 : f32 to vector<16x163840xf32>
      %select_n3A_234 = arith.select %eq3A_231, %broadcast_in_dim3A_233, %select_n3A_212 : vector<16x163840xi1>, vector<16x163840xf32>
      %reduce_max3A_235 = arith.constant dense<0xFF800000> : vector<16xf32>
      %reduce_max3A_236 = vector.multi_reduction <maximumf>, %select_n3A_234, %reduce_max3A_235 [1] : vector<16x163840xf32> to vector<16xf32>
      %broadcast_in_dim3A_237 = vector.shape_cast %reduce_max3A_236 : vector<16xf32> to vector<16x1xf32>
      %eq3A_238 = vector.broadcast %broadcast_in_dim3A_237 : vector<16x1xf32> to vector<16x163840xf32>
      %eq3A_239 = arith.cmpf oeq, %select_n3A_234, %eq3A_238 : vector<16x163840xf32>
      %jit3A_240 = arith.constant 163840 : i32
      %broadcast_in_dim3A_241 = vector.broadcast %jit3A_240 : i32 to vector<16x163840xi32>
      %select_n3A_242 = arith.select %eq3A_239, %iota3A_57, %broadcast_in_dim3A_241 : vector<16x163840xi1>, vector<16x163840xi32>
      %reduce_min3A_243 = arith.constant dense<2147483647> : vector<16xi32>
      %reduce_min3A_244 = vector.multi_reduction <minsi>, %select_n3A_242, %reduce_min3A_243 [1] : vector<16x163840xi32> to vector<16xi32>
      %broadcast_in_dim3A_245 = vector.shape_cast %reduce_min3A_244 : vector<16xi32> to vector<16x1xi32>
      %eq3A_246 = arith.constant 8 : i32
      %eq3A_247 = vector.broadcast %eq3A_246 : i32 to vector<16x128xi32>
      %eq3A_248 = arith.cmpi eq, %iota3A_58, %eq3A_247 : vector<16x128xi32>
      %broadcast_in_dim3A_249 = vector.shape_cast %broadcast_in_dim3A_245 : vector<16x1xi32> to vector<16x1xi32>
      %broadcast_in_dim3A_250 = vector.broadcast %broadcast_in_dim3A_249 : vector<16x1xi32> to vector<16x128xi32>
      %select_n3A_251 = arith.select %eq3A_248, %broadcast_in_dim3A_250, %select_n3A_229 : vector<16x128xi1>, vector<16x128xi32>
      %eq3A_252 = vector.broadcast %broadcast_in_dim3A_245 : vector<16x1xi32> to vector<16x163840xi32>
      %eq3A_253 = arith.cmpi eq, %iota3A_57, %eq3A_252 : vector<16x163840xi32>
      %jit3A_254 = arith.constant -3.000000e+38 : f32
      %broadcast_in_dim3A_255 = vector.broadcast %jit3A_254 : f32 to vector<16x163840xf32>
      %select_n3A_256 = arith.select %eq3A_253, %broadcast_in_dim3A_255, %select_n3A_234 : vector<16x163840xi1>, vector<16x163840xf32>
      %reduce_max3A_257 = arith.constant dense<0xFF800000> : vector<16xf32>
      %reduce_max3A_258 = vector.multi_reduction <maximumf>, %select_n3A_256, %reduce_max3A_257 [1] : vector<16x163840xf32> to vector<16xf32>
      %broadcast_in_dim3A_259 = vector.shape_cast %reduce_max3A_258 : vector<16xf32> to vector<16x1xf32>
      %eq3A_260 = vector.broadcast %broadcast_in_dim3A_259 : vector<16x1xf32> to vector<16x163840xf32>
      %eq3A_261 = arith.cmpf oeq, %select_n3A_256, %eq3A_260 : vector<16x163840xf32>
      %jit3A_262 = arith.constant 163840 : i32
      %broadcast_in_dim3A_263 = vector.broadcast %jit3A_262 : i32 to vector<16x163840xi32>
      %select_n3A_264 = arith.select %eq3A_261, %iota3A_57, %broadcast_in_dim3A_263 : vector<16x163840xi1>, vector<16x163840xi32>
      %reduce_min3A_265 = arith.constant dense<2147483647> : vector<16xi32>
      %reduce_min3A_266 = vector.multi_reduction <minsi>, %select_n3A_264, %reduce_min3A_265 [1] : vector<16x163840xi32> to vector<16xi32>
      %broadcast_in_dim3A_267 = vector.shape_cast %reduce_min3A_266 : vector<16xi32> to vector<16x1xi32>
      %eq3A_268 = arith.constant 9 : i32
      %eq3A_269 = vector.broadcast %eq3A_268 : i32 to vector<16x128xi32>
      %eq3A_270 = arith.cmpi eq, %iota3A_58, %eq3A_269 : vector<16x128xi32>
      %broadcast_in_dim3A_271 = vector.shape_cast %broadcast_in_dim3A_267 : vector<16x1xi32> to vector<16x1xi32>
      %broadcast_in_dim3A_272 = vector.broadcast %broadcast_in_dim3A_271 : vector<16x1xi32> to vector<16x128xi32>
      %select_n3A_273 = arith.select %eq3A_270, %broadcast_in_dim3A_272, %select_n3A_251 : vector<16x128xi1>, vector<16x128xi32>
      %swap3A_274 = arith.constant 0 : index
      %swap3A_275 = arith.constant 0 : index
      %swap3A_276 = vector.load %arg7[%swap3A_274, %swap3A_275] : memref<16x128xi32, #tpu.memory_space<vmem>>, vector<16x128xi32>
      tpu.vector_store %arg7[%swap3A_274, %swap3A_275], %select_n3A_273 {strides = array<i32>} : memref<16x128xi32, #tpu.memory_space<vmem>>, vector<16x128xi32>,
    } else {
    }
    return
  }
  func.func @transform_0(%arg0: i32) -> (i32, i32) {
    %c0_i32 = arith.constant 0 : i32
    %c0_i32_0 = arith.constant 0 : i32
    return %arg0, %c0_i32 : i32, i32
  }
  func.func @transform_1(%arg0: i32) -> (i32, i32) {
    %min3A = arith.constant 124 : i32
    %min3A_0 = arith.minsi %arg0, %min3A : i32
    %c0_i32 = arith.constant 0 : i32
    %c0_i32_1 = arith.constant 0 : i32
    return %min3A_0, %c0_i32 : i32, i32
  }
  func.func @transform_2(%arg0: i32) -> (i32, i32, i32) {
    %min3A = arith.constant 124 : i32
    %min3A_0 = arith.minsi %arg0, %min3A : i32
    %c0_i32 = arith.constant 0 : i32
    %c0_i32_1 = arith.constant 0 : i32
    %c0_i32_2 = arith.constant 0 : i32
    return %min3A_0, %c0_i32, %c0_i32_1 : i32, i32, i32
  }
  func.func @transform_3(%arg0: i32) -> (i32, i32) {
    %c0_i32 = arith.constant 0 : i32
    %c0_i32_0 = arith.constant 0 : i32
    %c0_i32_1 = arith.constant 0 : i32
    return %c0_i32, %c0_i32_0 : i32, i32
  }
  func.func @transform_4(%arg0: i32) -> (i32, i32) {
    %c0_i32 = arith.constant 0 : i32
    %c0_i32_0 = arith.constant 0 : i32
    %c0_i32_1 = arith.constant 0 : i32
    return %c0_i32, %c0_i32_0 : i32, i32
  }
  func.func @transform_5(%arg0: i32) -> (i32, i32) {
    %c0_i32 = arith.constant 0 : i32
    %c0_i32_0 = arith.constant 0 : i32
    %c0_i32_1 = arith.constant 0 : i32
    return %c0_i32, %c0_i32_0 : i32, i32
  }
  func.func @transform_6(%arg0: i32) -> (i32, i32) {
    %c0_i32 = arith.constant 0 : i32
    %c0_i32_0 = arith.constant 0 : i32
    %c0_i32_1 = arith.constant 0 : i32
    return %c0_i32, %c0_i32_0 : i32, i32
  }
}

module attributes {stable_mosaic.version = 14 : i64} {
  func.func @_tail_body(%arg0: memref<256x256xf32, #tpu.memory_space<vmem>>, %arg1: memref<256x16xf32, #tpu.memory_space<vmem>>, %arg2: memref<256x1xi32, #tpu.memory_space<vmem>>, %arg3: memref<1280x256xf32, #tpu.memory_space<vmem>>, %arg4: memref<1280x256xf32, #tpu.memory_space<vmem>>, %arg5: memref<1280x16xf32, #tpu.memory_space<vmem>>, %arg6: memref<1280x1xi32, #tpu.memory_space<vmem>>, %arg7: memref<16x256xf32, #tpu.memory_space<vmem>>, %arg8: memref<64x256xf32, #tpu.memory_space<vmem>>, %arg9: memref<256x256xf32, #tpu.memory_space<vmem>>, %arg10: memref<256x256xf32, #tpu.memory_space<vmem>>, %arg11: memref<1280x256xf32, #tpu.memory_space<vmem>>, %arg12: memref<256x256xf32, #tpu.memory_space<vmem>>, %arg13: memref<1280x256xf32, #tpu.memory_space<vmem>>, %arg14: memref<256x128xf32, #tpu.memory_space<vmem>>, %arg15: memref<1280x128xf32, #tpu.memory_space<vmem>>) attributes {dimension_semantics = [], scalar_prefetch = 0 : i64, scratch_operands = 0 : i64, tpu.core_type = #tpu.core_type<tc>} {
    %get3A = arith.constant 0 : index
    %get3A_0 = arith.constant 0 : index
    %get3A_1 = vector.load %arg7[%get3A, %get3A_0] : memref<16x256xf32, #tpu.memory_space<vmem>>, vector<16x256xf32>
    %get3A_2 = arith.constant 0 : index
    %get3A_3 = arith.constant 0 : index
    %get3A_4 = vector.load %arg8[%get3A_2, %get3A_3] : memref<64x256xf32, #tpu.memory_space<vmem>>, vector<64x256xf32>
    %get3A_5 = arith.constant 0 : index
    %get3A_6 = arith.constant 0 : index
    %get3A_7 = vector.load %arg9[%get3A_5, %get3A_6] : memref<256x256xf32, #tpu.memory_space<vmem>>, vector<256x256xf32>
    %iota3A = tpu.iota {dimensions = array<i32: 1>} : vector<256x64xi32>
    %get3A_8 = arith.constant 0 : index
    %get3A_9 = arith.constant 0 : index
    %get3A_10 = vector.load %arg2[%get3A_8, %get3A_9] : memref<256x1xi32, #tpu.memory_space<vmem>>, vector<256x1xi32>
    %eq3A = vector.broadcast %get3A_10 : vector<256x1xi32> to vector<256x64xi32>
    %eq3A_11 = arith.cmpi eq, %iota3A, %eq3A : vector<256x64xi32>
    %convert_element_type3A = arith.extui %eq3A_11 : vector<256x64xi1> to vector<256x64xi32>
    %convert_element_type3A_12 = arith.sitofp %convert_element_type3A : vector<256x64xi32> to vector<256x64xf32>
    %get3A_13 = arith.constant 0 : index
    %get3A_14 = arith.constant 0 : index
    %get3A_15 = vector.load %arg1[%get3A_13, %get3A_14] : memref<256x16xf32, #tpu.memory_space<vmem>>, vector<256x16xf32>
    %dot_general3A = arith.constant dense<0.000000e+00> : vector<256x256xf32>
    %dot_general3A_16 = tpu.matmul %get3A_15, %get3A_1, %dot_general3A {dimension_numbers = #tpu.dot_dimension_numbers<[1], [0], [0], [1], [0, 0, 1, 1], [], []>, precision = #tpu.contract_precision<fp32>, transpose_lhs_hint = false} : vector<256x16xf32>, vector<16x256xf32>, vector<256x256xf32> -> vector<256x256xf32>
    %dot_general3A_17 = arith.constant dense<0.000000e+00> : vector<256x256xf32>
    %dot_general3A_18 = tpu.matmul %convert_element_type3A_12, %get3A_4, %dot_general3A_17 {dimension_numbers = #tpu.dot_dimension_numbers<[1], [0], [0], [1], [0, 0, 1, 1], [], []>, precision = #tpu.contract_precision<fp32>, transpose_lhs_hint = false} : vector<256x64xf32>, vector<64x256xf32>, vector<256x256xf32> -> vector<256x256xf32>
    %add3A = arith.addf %dot_general3A_16, %dot_general3A_18 : vector<256x256xf32>
    %get3A_19 = arith.constant 0 : index
    %get3A_20 = arith.constant 0 : index
    %get3A_21 = vector.load %arg0[%get3A_19, %get3A_20] : memref<256x256xf32, #tpu.memory_space<vmem>>, vector<256x256xf32>
    %add3A_22 = arith.addf %get3A_21, %add3A : vector<256x256xf32>
    %max3A = arith.constant 0.000000e+00 : f32
    %max3A_23 = vector.broadcast %max3A : f32 to vector<256x256xf32>
    %max3A_24 = arith.maximumf %add3A_22, %max3A_23 : vector<256x256xf32>
    %dot_general3A_25 = arith.constant dense<0.000000e+00> : vector<256x256xf32>
    %dot_general3A_26 = tpu.matmul %max3A_24, %get3A_7, %dot_general3A_25 {dimension_numbers = #tpu.dot_dimension_numbers<[1], [0], [0], [1], [0, 0, 1, 1], [], []>, precision = #tpu.contract_precision<fp32>, transpose_lhs_hint = false} : vector<256x256xf32>, vector<256x256xf32>, vector<256x256xf32> -> vector<256x256xf32>
    %swap3A = arith.constant 0 : index
    %swap3A_27 = arith.constant 0 : index
    %swap3A_28 = vector.load %arg12[%swap3A, %swap3A_27] : memref<256x256xf32, #tpu.memory_space<vmem>>, vector<256x256xf32>
    tpu.vector_store %arg12[%swap3A, %swap3A_27], %dot_general3A_26 {strides = array<i32>} : memref<256x256xf32, #tpu.memory_space<vmem>>, vector<256x256xf32>,
    %get3A_29 = arith.constant 0 : index
    %get3A_30 = arith.constant 0 : index
    %get3A_31 = vector.load %arg10[%get3A_29, %get3A_30] : memref<256x256xf32, #tpu.memory_space<vmem>>, vector<256x256xf32>
    %mul3A = arith.mulf %dot_general3A_26, %get3A_31 : vector<256x256xf32>
    %reduce_sum3A = arith.constant dense<0.000000e+00> : vector<256xf32>
    %reduce_sum3A_32 = vector.multi_reduction <add>, %mul3A, %reduce_sum3A [1] : vector<256x256xf32> to vector<256xf32>
    %broadcast_in_dim3A = vector.shape_cast %reduce_sum3A_32 : vector<256xf32> to vector<256x1xf32>
    %broadcast_in_dim3A_33 = vector.shape_cast %broadcast_in_dim3A : vector<256x1xf32> to vector<256x1xf32>
    %broadcast_in_dim3A_34 = vector.broadcast %broadcast_in_dim3A_33 : vector<256x1xf32> to vector<256x128xf32>
    %swap3A_35 = arith.constant 0 : index
    %swap3A_36 = arith.constant 0 : index
    %swap3A_37 = vector.load %arg14[%swap3A_35, %swap3A_36] : memref<256x128xf32, #tpu.memory_space<vmem>>, vector<256x128xf32>
    tpu.vector_store %arg14[%swap3A_35, %swap3A_36], %broadcast_in_dim3A_34 {strides = array<i32>} : memref<256x128xf32, #tpu.memory_space<vmem>>, vector<256x128xf32>,
    %iota3A_38 = tpu.iota {dimensions = array<i32: 1>} : vector<1280x64xi32>
    %get3A_39 = arith.constant 0 : index
    %get3A_40 = arith.constant 0 : index
    %get3A_41 = vector.load %arg6[%get3A_39, %get3A_40] : memref<1280x1xi32, #tpu.memory_space<vmem>>, vector<1280x1xi32>
    %eq3A_42 = vector.broadcast %get3A_41 : vector<1280x1xi32> to vector<1280x64xi32>
    %eq3A_43 = arith.cmpi eq, %iota3A_38, %eq3A_42 : vector<1280x64xi32>
    %convert_element_type3A_44 = arith.extui %eq3A_43 : vector<1280x64xi1> to vector<1280x64xi32>
    %convert_element_type3A_45 = arith.sitofp %convert_element_type3A_44 : vector<1280x64xi32> to vector<1280x64xf32>
    %get3A_46 = arith.constant 0 : index
    %get3A_47 = arith.constant 0 : index
    %get3A_48 = vector.load %arg5[%get3A_46, %get3A_47] : memref<1280x16xf32, #tpu.memory_space<vmem>>, vector<1280x16xf32>
    %dot_general3A_49 = arith.constant dense<0.000000e+00> : vector<1280x256xf32>
    %dot_general3A_50 = tpu.matmul %get3A_48, %get3A_1, %dot_general3A_49 {dimension_numbers = #tpu.dot_dimension_numbers<[1], [0], [0], [1], [0, 0, 1, 1], [], []>, precision = #tpu.contract_precision<fp32>, transpose_lhs_hint = false} : vector<1280x16xf32>, vector<16x256xf32>, vector<1280x256xf32> -> vector<1280x256xf32>
    %dot_general3A_51 = arith.constant dense<0.000000e+00> : vector<1280x256xf32>
    %dot_general3A_52 = tpu.matmul %convert_element_type3A_45, %get3A_4, %dot_general3A_51 {dimension_numbers = #tpu.dot_dimension_numbers<[1], [0], [0], [1], [0, 0, 1, 1], [], []>, precision = #tpu.contract_precision<fp32>, transpose_lhs_hint = false} : vector<1280x64xf32>, vector<64x256xf32>, vector<1280x256xf32> -> vector<1280x256xf32>
    %add3A_53 = arith.addf %dot_general3A_50, %dot_general3A_52 : vector<1280x256xf32>
    %get3A_54 = arith.constant 0 : index
    %get3A_55 = arith.constant 0 : index
    %get3A_56 = vector.load %arg3[%get3A_54, %get3A_55] : memref<1280x256xf32, #tpu.memory_space<vmem>>, vector<1280x256xf32>
    %get3A_57 = arith.constant 0 : index
    %get3A_58 = arith.constant 0 : index
    %get3A_59 = vector.load %arg4[%get3A_57, %get3A_58] : memref<1280x256xf32, #tpu.memory_space<vmem>>, vector<1280x256xf32>
    %add3A_60 = arith.addf %get3A_56, %get3A_59 : vector<1280x256xf32>
    %add3A_61 = arith.addf %add3A_60, %add3A_53 : vector<1280x256xf32>
    %max3A_62 = arith.constant 0.000000e+00 : f32
    %max3A_63 = vector.broadcast %max3A_62 : f32 to vector<1280x256xf32>
    %max3A_64 = arith.maximumf %add3A_61, %max3A_63 : vector<1280x256xf32>
    %dot_general3A_65 = arith.constant dense<0.000000e+00> : vector<1280x256xf32>
    %dot_general3A_66 = tpu.matmul %max3A_64, %get3A_7, %dot_general3A_65 {dimension_numbers = #tpu.dot_dimension_numbers<[1], [0], [0], [1], [0, 0, 1, 1], [], []>, precision = #tpu.contract_precision<fp32>, transpose_lhs_hint = false} : vector<1280x256xf32>, vector<256x256xf32>, vector<1280x256xf32> -> vector<1280x256xf32>
    %swap3A_67 = arith.constant 0 : index
    %swap3A_68 = arith.constant 0 : index
    %swap3A_69 = vector.load %arg13[%swap3A_67, %swap3A_68] : memref<1280x256xf32, #tpu.memory_space<vmem>>, vector<1280x256xf32>
    tpu.vector_store %arg13[%swap3A_67, %swap3A_68], %dot_general3A_66 {strides = array<i32>} : memref<1280x256xf32, #tpu.memory_space<vmem>>, vector<1280x256xf32>,
    %get3A_70 = arith.constant 0 : index
    %get3A_71 = arith.constant 0 : index
    %get3A_72 = vector.load %arg11[%get3A_70, %get3A_71] : memref<1280x256xf32, #tpu.memory_space<vmem>>, vector<1280x256xf32>
    %mul3A_73 = arith.mulf %dot_general3A_66, %get3A_72 : vector<1280x256xf32>
    %reduce_sum3A_74 = arith.constant dense<0.000000e+00> : vector<1280xf32>
    %reduce_sum3A_75 = vector.multi_reduction <add>, %mul3A_73, %reduce_sum3A_74 [1] : vector<1280x256xf32> to vector<1280xf32>
    %broadcast_in_dim3A_76 = vector.shape_cast %reduce_sum3A_75 : vector<1280xf32> to vector<1280x1xf32>
    %broadcast_in_dim3A_77 = vector.shape_cast %broadcast_in_dim3A_76 : vector<1280x1xf32> to vector<1280x1xf32>
    %broadcast_in_dim3A_78 = vector.broadcast %broadcast_in_dim3A_77 : vector<1280x1xf32> to vector<1280x128xf32>
    %swap3A_79 = arith.constant 0 : index
    %swap3A_80 = arith.constant 0 : index
    %swap3A_81 = vector.load %arg15[%swap3A_79, %swap3A_80] : memref<1280x128xf32, #tpu.memory_space<vmem>>, vector<1280x128xf32>
    tpu.vector_store %arg15[%swap3A_79, %swap3A_80], %broadcast_in_dim3A_78 {strides = array<i32>} : memref<1280x128xf32, #tpu.memory_space<vmem>>, vector<1280x128xf32>,
    return
  }
}

</mosaic_0001>

<sc_bundles>
// kernel: kernel.6.cloned.1.call-start
scs
__scs_entry_jumppad:
0x0: {  	(pc) =	sbr.rel $0x88, $3  }
0x1: {  	(tag) =	ssettag $0x0;
	lr =	simm.s32 $0x1  }
0x2: {  	[smem:$0x3F97] =	sst lr;
	_ =	strace $0xD0000000  }
0x3: {  	_ = 	snop  }
0x4: {  	_ = 	snop  }
0x5: {  	_ = 	snop  }
0x6: {  	_ = 	snop  }
0x7: {  	_ = 	snop  }
__scs_overlays_trampoline_lowered:
0x8: {  	[smem:$0x3FA6] =	sst s0  }
0x9: {  	[smem:$0x3FA7] =	sst s1  }
0xa: {  	[smem:$0x3FA8] =	sst s2  }
0xb: {  	[smem:$0x3FA9] =	sst s3  }
0xc: {  	[smem:$0x3FAA] =	sst s4  }
0xd: {  	[smem:$0x3FAB] =	sst s5  }
0xe: {  	[smem:$0x3FAC] =	sst s6  }
0xf: {  	[smem:$0x3FAD] =	sst s7  }
0x10: {  	[smem:$0x3FAE] =	sst s8  }
0x11: {  	[smem:$0x3FAF] =	sst s9;
	s0 =	simm.s32 @!p0 $0x0  }
0x12: {  	s1 =	sld [smem:$0x3F95];
	s0 =	simm.s32 @p0 $0x1  }
0x13: {  	[smem:$0x3FB0] =	sst s0;
	s0 =	simm.s32 @!p1 $0x0  }
0x14: {  	s2 =	sld [smem:$0x3F94];
	s0 =	simm.s32 @p1 $0x1  }
0x15: {  	[smem:$0x3FB1] =	sst s0;
	s0 =	simm.s32 @!p2 $0x0  }
0x16: {  	s3 =	sld [smem:$0x3FDB];
	s0 =	simm.s32 @p2 $0x1  }
0x17: {  	s4 =	simm.s32 $0x1BF5;
	[smem:$0x3FB3] =	sst s0  }
0x18: {  	s0 =	sld [smem:$0x3F96];
	_ =	swait.ge [sflag:s4], $0x0  }
0x19: {  	s7 =	sld [smem:$0x3F97]  }
0x1a: {  	s8 =	sadd.s32 $0xFFFFE003, lr  }
0x1b: {  	s9 =	sadd.s32 $0xFFFFFEF7, lr;
	s5 =	simm.s32 $0xFFFFFFFF;
	p2 =	slt.u32 s8, $0xFFFFF086  }
0x1c: {  	p1 =	slt.u32 s9, $0xF7A;
	s5 =	simm.s32 @!p2 $0x0  }
0x1d: {  	s5 =	simm.s32 @p1 $0x1;
	p0 =	seq.s32 s7, s2  }
0x1e: {  	s7 =	smul.u32 @!p0 $0xF7A, s2;
	p2 =	seq.s32 @!p0 s5, $0x0  }
0x1f: {  	s9 =	smul.u32 $0xF7A, s1;
	s8 =	simm.s32 @!p0 $0x1BF5;
	p2 =	por !p2, p0  }
0x20: {  	[sflag:s8] =	ssyncset.s32 @!p0 $0xFFFFF086;
	s6 =	sadd.s32 @!p0 s3, s7;
	s7 =	simm.s32 @!p0 $0x108  }
0x21: {  	s3 =	sadd.s32 s3, s9;
	s6 =	sadd.s32 @!p0 $0x88, s6;
	s7 =	simm.s32 @p2 $0x1082  }
0x22: {  	[simem:s7], [sflag:s8] =	dma.local @!p0 [hbm:s6], $0xF7A  }
0x23: {  	s9 =	sor.u32 $0xD0000000, s2;
	s6 =	simm.s32 $0x108;
	_ =	swait.ge @!p0 [sflag:s8], $0x0  }
0x24: {  	s3 =	sadd.s32 $0x88, s3;
	s6 =	simm.s32 @!p1 $0x1082;
	[sflag:s4] =	ssyncset.s32 $0xFFFFF086  }
0x25: {  	[simem:s6], [sflag:s4] =	dma.local [hbm:s3], $0xF7A  }
0x26: {  	[smem:$0x3F97] =	sst s1;
	(tag) =	ssettag s2;
	_ =	strace s9  }
0x27: {  	s1 =	sld [smem:$0x3FA7]  }
0x28: {  	s2 =	sld [smem:$0x3FA8]  }
0x29: {  	s4 =	sld [smem:$0x3FAA]  }
0x2a: {  	p0 =	seq.s32 s5, $0x0;
	s5 =	sld [smem:$0x3FAB]  }
0x2b: {  	s6 =	sld [smem:$0x3FAC]  }
0x2c: {  	s7 =	sld [smem:$0x3FAD]  }
0x2d: {  	s3 =	simm.s32 $0x108;
	s8 =	sld [smem:$0x3FAE]  }
0x2e: {  	s3 =	simm.s32 @!p0 $0x1082;
	s9 =	sld [smem:$0x3FAF]  }
0x2f: {  	lr =	sadd.s32 s0, s3;
	s0 =	sld [smem:$0x3FA6]  }
0x30: {  	s3 =	sld [smem:$0x3FA9]  }
0x31: {  	[smem:$0x3FB2] =	sst s10  }
0x32: {  	s10 =	sld [smem:$0x3FB0];
	_ =	sdelay $0x3  }
0x33: {  	p0 =	seq.s32 s10, $0x1;
	s10 =	sld [smem:$0x3FB2];
	_ =	sdelay $0x3  }
0x34: {  	[smem:$0x3FB2] =	sst s10  }
0x35: {  	s10 =	sld [smem:$0x3FB1];
	_ =	sdelay $0x3  }
0x36: {  	p1 =	seq.s32 s10, $0x1;
	s10 =	sld [smem:$0x3FB2];
	_ =	sdelay $0x3  }
0x37: {  	[smem:$0x3FB2] =	sst s10  }
0x38: {  	s10 =	sld [smem:$0x3FB3]  }
0x39: {  	_ = 	snop;
	(pc) =	sbr.ind lr, $3  }
0x3a: {  	_ = 	snop  }
0x3b: {  	_ = 	snop  }
0x3c: {  	p2 =	seq.s32 s10, $0x1;
	s10 =	sld [smem:$0x3FB2]  }
0x3d: {  	_ =	shalt  }
0x3e: {  	_ =	shalt  }
0x3f: {  	_ =	shalt  }
0x40: {  	_ =	shalt  }
0x41: {  	_ =	shalt  }
0x42: {  	_ =	shalt  }
0x43: {  	_ =	shalt  }
0x44: {  	_ =	shalt  }
0x45: {  	_ =	shalt  }
0x46: {  	_ =	shalt  }
0x47: {  	_ =	shalt  }
0x48: {  	_ =	shalt  }
0x49: {  	_ =	shalt  }
0x4a: {  	_ =	shalt  }
0x4b: {  	_ =	shalt  }
0x4c: {  	_ =	shalt  }
0x4d: {  	_ =	shalt  }
0x4e: {  	_ =	shalt  }
0x4f: {  	_ =	shalt  }
0x50: {  	_ =	shalt  }
0x51: {  	_ =	shalt  }
0x52: {  	_ =	shalt  }
0x53: {  	_ =	shalt  }
0x54: {  	_ =	shalt  }
0x55: {  	_ =	shalt  }
0x56: {  	_ =	shalt  }
0x57: {  	_ =	shalt  }
0x58: {  	_ =	shalt  }
0x59: {  	_ =	shalt  }
0x5a: {  	_ =	shalt  }
0x5b: {  	_ =	shalt  }
0x5c: {  	_ =	shalt  }
0x5d: {  	_ =	shalt  }
0x5e: {  	_ =	shalt  }
0x5f: {  	_ =	shalt  }
0x60: {  	_ =	shalt  }
0x61: {  	_ =	shalt  }
0x62: {  	_ =	shalt  }
0x63: {  	_ =	shalt  }
0x64: {  	_ =	shalt  }
0x65: {  	_ =	shalt  }
0x66: {  	_ =	shalt  }
0x67: {  	_ =	shalt  }
0x68: {  	_ =	shalt  }
0x69: {  	_ =	shalt  }
0x6a: {  	_ =	shalt  }
0x6b: {  	_ =	shalt  }
0x6c: {  	_ =	shalt  }
0x6d: {  	_ =	shalt  }
0x6e: {  	_ =	shalt  }
0x6f: {  	_ =	shalt  }
0x70: {  	_ =	shalt  }
0x71: {  	_ =	shalt  }
0x72: {  	_ =	shalt  }
0x73: {  	_ =	shalt  }
0x74: {  	_ =	shalt  }
0x75: {  	_ =	shalt  }
0x76: {  	_ =	shalt  }
0x77: {  	_ =	shalt  }
0x78: {  	_ =	shalt  }
0x79: {  	_ =	shalt  }
0x7a: {  	_ =	shalt  }
0x7b: {  	_ =	shalt  }
0x7c: {  	_ =	shalt  }
0x7d: {  	_ =	shalt  }
0x7e: {  	_ =	shalt  }
0x7f: {  	_ =	shalt  }
0x80: {  	_ =	shalt  }
0x81: {  	_ =	shalt  }
0x82: {  	_ =	shalt  }
0x83: {  	_ =	shalt  }
0x84: {  	_ =	shalt  }
0x85: {  	_ =	shalt  }
0x86: {  	_ =	shalt  }
0x87: {  	_ =	shalt  }
.Lfunc_end0:
.L_simem_size_0:
called_computation_lowered:
.L_overlay_start_0:
0x88: {  	s2 =	sld [smem:$0x3FD9]  }
0x89: {  	s3 =	sld [smem:$0x3FFE];
	_ =	sdelay $0x1  }
0x8a: {  	s1 =	srdreg.scid  }
0x8b: {  	s0 =	sand.u32 $0x1, s1  }
0x8c: {  	s14 =	sshll.u32 s0, $0xA;
	s2 =	sadd.s32 s3, s2  }
0x8d: {  	s2 =	sadd.s32 s2, s14  }
0x8e: {  	[smem:$0x3FBE] =	sst s2  }
0x8f: {  	_ = 	snop  }
0x90: {  	s2 =	sld [smem:$0x3FD0];
	_ =	sdelay $0x2  }
0x91: {  	s15 =	simm.s32 $0xA;
	s4 =	simm.s32 $0x10  }
0x92: {  	[smem:s4], [sflag:s15] =	dma.local [hbm:s2], $0x1  }
0x93: {  	_ =	swait.eq [sflag:s15], $0x1  }
0x94: {  	[sflag:s15] =	ssyncset.done $0x0  }
0x95: {  	[sflag:s15] =	ssyncadd.s32 $0xFFFFFFFF  }
0x96: {  	s16 =	sld [smem:$0x15];
	(tm) =	ssettm $0x1  }
0x97: {  	s17 =	sld [smem:$0x3FFB];
	_ =	sdelay $0x3  }
0x98: {  	_ =	strace s17  }
0x99: {  	s3 =	sld [smem:$0x3FFC];
	_ =	sdelay $0x3  }
0x9a: {  	_ =	strace s3  }
0x9b: {  	s3 =	sld [smem:$0x3FFD];
	_ =	sdelay $0x3  }
0x9c: {  	_ =	strace s3  }
0x9d: {  	_ =	strace $0x8FFFFFFF  }
0x9e: {  	s18 =	sld [smem:$0x3FDB];
	_ =	sdelay $0x1  }
0x9f: {  	s19 =	simm.s32 $_scs_section_size  }
0xa0: {  	s5 =	simm.s32 $_size__tile_overlayer_lowered;
	s6 =	simm.s32 $_tile_overlayer_lowered  }
0xa1: {  	s22 =	simm.s32 $0x1BFF;
	s21 =	sshll.u32 s6, $0x1;
	s3 =	sadd.s32 s19, s18  }
0xa2: {  	s7 =	simm.s32 $0x0;
	s20 =	sshll.u32 s5, $0x1;
	s5 =	sadd.s32 s21, s3  }
0xa3: {  	[timem:s7], [sflag:s22] =	dma.local [hbm:s5], s20  }
0xa4: {  	_ =	swait.ge [sflag:s22], s20  }
0xa5: {  	s4 =	ssub.s32 $0x0, s20;
	[sflag:s22] =	ssyncset.done $0x0  }
0xa6: {  	[sflag:s22] =	ssyncadd.s32 s4;
	_ =	sdelay $0x1  }
0xa7: {  	s23 =	simm.s32 $0x1B8B  }
0xa8: {  	_ =	swait.ge [sflag:s23], $0x1  }
0xa9: {  	[sflag:s23] =	ssyncset.done $0x0  }
0xaa: {  	s25 =	simm.s32 $0x1B8E;
	s24 =	sld [smem:$0x3FFE];
	[sflag:s23] =	ssyncadd.s32 $0xFFFFFFFF  }
0xab: {  	s26 =	simm.s32 $execute0_lowered;
	[smem:$0x3FD2] =	sst s25  }
0xac: {  	s5 =	sshll.u32 s26, $0x1;
	_ =	strace $0x80000046;
	[dreg:$0x1] =	wrdreg $0xFFFFFFFF  }
0xad: {  	s28 =	simm.s32 $_size_execute0_lowered;
	s3 =	sadd.s32 s3, s5;
	[dreg:$0x0] =	wrdreg $0x0  }
0xae: {  	s5 =	sshll.u32 s28, $0x1;
	[dreg:$0x2] =	wrdreg s3  }
0xaf: {  	[dreg:$0x3] =	wrdreg s5  }
0xb0: {  	[dreg:$0x4] =	wrdreg $0xC0  }
0xb1: {  	_ =	task [dreg:s7], $0x5FFFF  }
0xb2: {  	[dreg:$0x1] =	wrdreg $0xFFFFFFFF  }
0xb3: {  	[dreg:$0x0] =	wrdreg $0x60  }
0xb4: {  	[dreg:$0x2] =	wrdreg s24  }
0xb5: {  	[dreg:$0x3] =	wrdreg s16  }
0xb6: {  	[dreg:$0x4] =	wrdreg $0x9  }
0xb7: {  	_ =	task.clear_ibuf [dreg:s7], $0x5FFFF;
	_ =	strace $0x90000046  }
0xb8: {  	s29 =	simm.s32 $0x9;
	_ =	strace $0x80000048  }
0xb9: {  	_ =	swait.ge [sflag:s29], $0x1  }
0xba: {  	[sflag:s29] =	ssyncadd.s32 $0xFFFFFFFF  }
0xbb: {  	_ =	strace $0x90000048  }
0xbc: {  	_ =	sfence  }
0xbd: {  	s30 =	sld [smem:$0x0];
	_ =	sdelay $0x2  }
0xbe: {  	s31 =	sshll.u32 s1, $0xD;
	s1 =	sshrl.u32 s1, $0x2  }
0xbf: {  	s3 =	sand.u32 $0x4000, s31;
	s1 =	sadd.s32 s1, s30  }
0xc0: {  	s0 =	sor.u32 s3, s0;
	s1 =	sshll.u32 s1, $0x11  }
0xc1: {  	s0 =	sor.u32 s1, s0  }
0xc2: {  	s0 =	sadd.s32 $0x8F2B, s0  }
0xc3: {  	[sflag:s0] =	ssyncadd.remote.s32 $0x1  }
0xc4: {  	_ =	sfence.sel $0xFFFF  }
0xc5: {  	[dreg:$0x0] =	wrdreg $0xFFFFFFFF;
	(pc) =	sbr.abs _section_cstart, $3  }
0xc6: {  	[dreg:$0x1] =	wrdreg $0xFFFFFFFF  }
0xc7: {  	_ =	task.clear_ibuf [dreg:s7], $0x2FFFF;
	_ =	strace $0x9FFFFFFF  }
0xc8: {  	(tm) =	ssettm $0x7FFFFFFF  }
0xc9: {  	_ =	shalt  }
tec
execute0_lowered:
.L_overlay_start_1:
0x0: {  	(tag) =	ssettag $0x1  }
0x1: {  	s0 =	rddreg [dreg:$0x0]  }
0x2: {  	s2 =	rddreg [dreg:$0x1]  }
0x3: {  	s3 =	simm.s32 $0x0;
	s1 =	srdreg.scid;
	s4 =	stileid.u32  }
0x4: {  	s14 =	simm.s32 $0x5;
	s16 =	simm.s32 $0x100;
	s18 =	simm.s32 $0xA200  }
0x5: {  	s10 =	simm.s32 $0x12200;
	s13 =	simm.s32 $0x12A00;
	s12 =	simm.s32 $0x13200  }
0x6: {  	s15 =	simm.s32 $0x13A00;
	s17 =	simm.s32 $0x1;
	s19 =	simm.s32 $0x2  }
0x7: {  	s20 =	simm.s32 $0x3;
	s1 =	sand.u32 $0x1, s1;
	s4 =	sshll.u32 s4, $0x1  }
0x8: {  	[smem:$0x7FF] =	sst s3;
	s6 =	sadd.s32 $0x2C00, s0;
	s5 =	sor.u32 s1, s4  }
0x9: {  	s7 =	sadd.s32 $0xA4000, s0;
	s1 =	ssub.s32 $0x2, s1;
	s5 =	smul.u32 $0x1400, s5  }
0xa: {  	s8 =	sadd.s32 $0xA9000, s0;
	_ =	strace $0x80000047;
	s9 =	sshrl.u32 s1, $0x1  }
0xb: {  	s4 =	sadd.s32 $0x50E00, s0;
	s28 =	ssub.s32 s1, s9;
	s31 =	sor.u32 $0xA0, s5  }
0xc: {  	s29 =	sshrl.u32 s5, $0x3;
	s0 =	smax.u32 s28, $0x1;
	[dreg:$0x5] =	wrdreg s31  }
0xd: {  	v2 =	vlaneseq.u32;
	s21 =	simm.s32 $0x4;
	s30 =	sadd.s32 s2, s29;
	[dreg:$0x6] =	wrdreg s0  }
0xe: {  	vm0 =	vmmov $0xffff;
	v1 =	vshrl.u32 v2, $0x3;
	s9 =	simm.s32 $0x11A00;
	s1 =	sadd.s32 s7, s29;
	[dreg:$0x3] =	wrdreg s30  }
0xf: {  	v0 =	vand.u32 $0x7, v2;
	v2 =	vor.u32 $0x8, v2;
	v1 =	vmul.u32 $0x8, v1;
	s11 =	sor.u32 $0x50, s5;
	[dreg:$0x4] =	wrdreg s1;
	s1 =	simm.s32 $0x0  }
.LBB2_1:
0x10: {  	[dreg:$0x7] =	wrdreg s1  }
0x11: {  	s0 =	rddreg [dreg:$0x3]  }
0x12: {  	[tilespmem:s3], [sflag:$0x5] =	stream.linear.gather [hbm4b:s0+s3], $0x50, $0x38;
	[tilespmem:$0x14200] =	vst v63  }
0x13: {  	_ =	swait.ge [sflag:s14], $0x50  }
0x14: {  	[sflag:s14] =	ssyncset.done $0x0  }
0x15: {  	s31 =	simm.s32 $0x80;
	s30 =	rddreg [dreg:$0x4];
	[sflag:s14] =	ssyncadd.s32 $0xFFFFFFB0  }
0x16: {  	[tilespmem:s31], [sflag:$0x5] =	stream.linear.gather [hbm4b:s30+s3], $0x50, $0x38;
	[tilespmem:$0x14200] =	vst v63  }
0x17: {  	_ =	swait.ge [sflag:s14], $0x50  }
0x18: {  	[sflag:s14] =	ssyncset.done $0x0  }
0x19: {  	[sflag:s14] =	ssyncadd.s32 $0xFFFFFFB0  }
0x1a: {  	v3 =	vld [tilespmem:$0x0];
	_ =	sdelay $0x4  }
0x1b: {  	v4 =	vshll.u32 v3, $0x1  }
0x1c: {  	v3 =	vand.u32 $0x7, v3;
	v4 =	vand.u32 $0xFFFFFFF0, v4  }
0x1d: {  	v3 =	vor.u32 v3, v4  }
0x1e: {  	v4 =	vperm.xlane v3, v0;
	_ =	sdelay $0x1  }
0x1f: {  	v3 =	vperm.xlane v3, v2;
	v4 =	vadd.s32 v1, v4;
	_ =	sdelay $0x1  }
0x20: {  	v3 =	vadd.s32 v1, v3;
	_ =	sdelay $0x2  }
0x21: {  	[tilespmem:s16], [sflag:$0x1] =	stream.indirect_vreg.gather [hbm4b:s4+s3], $0x80, v4, vm0, $0xb8;
	[tilespmem:$0x14200] =	vst v63  }
0x22: {  	s22 =	simm.s32 $0x900  }
0x23: {  	[tilespmem:s22], [sflag:$0x1] =	stream.indirect_vreg.gather [hbm4b:s4+s3], $0x80, v3, vm0, $0xb8;
	[tilespmem:$0x14200] =	vst v63  }
0x24: {  	v3 =	vld [tilespmem:$0x10];
	_ =	sdelay $0x4  }
0x25: {  	v55 =	vshll.u32 v3, $0x1  }
0x26: {  	v3 =	vand.u32 $0x7, v3;
	v4 =	vand.u32 $0xFFFFFFF0, v55  }
0x27: {  	v3 =	vor.u32 v3, v4  }
0x28: {  	v4 =	vperm.xlane v3, v0;
	_ =	sdelay $0x1  }
0x29: {  	v3 =	vperm.xlane v3, v2;
	v4 =	vadd.s32 v1, v4;
	_ =	sdelay $0x1  }
0x2a: {  	v3 =	vadd.s32 v1, v3;
	_ =	sdelay $0x1  }
0x2b: {  	s23 =	simm.s32 $0x1100  }
0x2c: {  	[tilespmem:s23], [sflag:$0x1] =	stream.indirect_vreg.gather [hbm4b:s4+s3], $0x80, v4, vm0, $0xb8;
	[tilespmem:$0x14200] =	vst v63  }
0x2d: {  	s24 =	simm.s32 $0x1900  }
0x2e: {  	[tilespmem:s24], [sflag:$0x1] =	stream.indirect_vreg.gather [hbm4b:s4+s3], $0x80, v3, vm0, $0xb8;
	[tilespmem:$0x14200] =	vst v63  }
0x2f: {  	v3 =	vld [tilespmem:$0x20];
	_ =	sdelay $0x4  }
0x30: {  	v56 =	vshll.u32 v3, $0x1  }
0x31: {  	v3 =	vand.u32 $0x7, v3;
	v4 =	vand.u32 $0xFFFFFFF0, v56  }
0x32: {  	v3 =	vor.u32 v3, v4  }
0x33: {  	v4 =	vperm.xlane v3, v0;
	_ =	sdelay $0x1  }
0x34: {  	v3 =	vperm.xlane v3, v2;
	v4 =	vadd.s32 v1, v4;
	_ =	sdelay $0x1  }
0x35: {  	v3 =	vadd.s32 v1, v3;
	_ =	sdelay $0x1  }
0x36: {  	s25 =	simm.s32 $0x2100  }
0x37: {  	[tilespmem:s25], [sflag:$0x1] =	stream.indirect_vreg.gather [hbm4b:s4+s3], $0x80, v4, vm0, $0xb8;
	[tilespmem:$0x14200] =	vst v63  }
0x38: {  	s26 =	simm.s32 $0x2900  }
0x39: {  	[tilespmem:s26], [sflag:$0x1] =	stream.indirect_vreg.gather [hbm4b:s4+s3], $0x80, v3, vm0, $0xb8;
	[tilespmem:$0x14200] =	vst v63  }
0x3a: {  	v3 =	vld [tilespmem:$0x30];
	_ =	sdelay $0x4  }
0x3b: {  	v57 =	vshll.u32 v3, $0x1  }
0x3c: {  	v3 =	vand.u32 $0x7, v3;
	v4 =	vand.u32 $0xFFFFFFF0, v57  }
0x3d: {  	v3 =	vor.u32 v3, v4  }
0x3e: {  	v4 =	vperm.xlane v3, v0;
	_ =	sdelay $0x1  }
0x3f: {  	v3 =	vperm.xlane v3, v2;
	v4 =	vadd.s32 v1, v4;
	_ =	sdelay $0x1  }
0x40: {  	v3 =	vadd.s32 v1, v3;
	_ =	sdelay $0x1  }
0x41: {  	s28 =	simm.s32 $0x3100  }
0x42: {  	[tilespmem:s28], [sflag:$0x1] =	stream.indirect_vreg.gather [hbm4b:s4+s3], $0x80, v4, vm0, $0xb8;
	[tilespmem:$0x14200] =	vst v63  }
0x43: {  	s29 =	simm.s32 $0x3900  }
0x44: {  	[tilespmem:s29], [sflag:$0x1] =	stream.indirect_vreg.gather [hbm4b:s4+s3], $0x80, v3, vm0, $0xb8;
	[tilespmem:$0x14200] =	vst v63  }
0x45: {  	v3 =	vld [tilespmem:$0x40];
	_ =	sdelay $0x4  }
0x46: {  	v58 =	vshll.u32 v3, $0x1  }
0x47: {  	v3 =	vand.u32 $0x7, v3;
	v4 =	vand.u32 $0xFFFFFFF0, v58  }
0x48: {  	v3 =	vor.u32 v3, v4  }
0x49: {  	v4 =	vperm.xlane v3, v0;
	_ =	sdelay $0x1  }
0x4a: {  	v3 =	vperm.xlane v3, v2;
	v4 =	vadd.s32 v1, v4;
	_ =	sdelay $0x1  }
0x4b: {  	v3 =	vadd.s32 v1, v3;
	_ =	sdelay $0x1  }
0x4c: {  	s30 =	simm.s32 $0x4100  }
0x4d: {  	[tilespmem:s30], [sflag:$0x1] =	stream.indirect_vreg.gather [hbm4b:s4+s3], $0x80, v4, vm0, $0xb8;
	[tilespmem:$0x14200] =	vst v63  }
0x4e: {  	s31 =	simm.s32 $0x4900  }
0x4f: {  	[tilespmem:s31], [sflag:$0x1] =	stream.indirect_vreg.gather [hbm4b:s4+s3], $0x80, v3, vm0, $0xb8;
	[tilespmem:$0x14200] =	vst v63  }
0x50: {  	v3 =	vld [tilespmem:$0x80];
	_ =	sdelay $0x4  }
0x51: {  	v59 =	vshll.u32 v3, $0x1  }
0x52: {  	v3 =	vand.u32 $0x7, v3;
	v4 =	vand.u32 $0xFFFFFFF0, v59  }
0x53: {  	v3 =	vor.u32 v3, v4  }
0x54: {  	v4 =	vperm.xlane v3, v0;
	_ =	sdelay $0x1  }
0x55: {  	v3 =	vperm.xlane v3, v2;
	v4 =	vadd.s32 v1, v4;
	_ =	sdelay $0x1  }
0x56: {  	v3 =	vadd.s32 v1, v3;
	_ =	sdelay $0x1  }
0x57: {  	s1 =	simm.s32 $0x5100  }
0x58: {  	[tilespmem:s1], [sflag:$0x2] =	stream.indirect_vreg.gather [hbm4b:s6+s3], $0x80, v4, vm0, $0xb8;
	[tilespmem:$0x14200] =	vst v63  }
0x59: {  	s22 =	simm.s32 $0x5900  }
0x5a: {  	[tilespmem:s22], [sflag:$0x2] =	stream.indirect_vreg.gather [hbm4b:s6+s3], $0x80, v3, vm0, $0xb8;
	[tilespmem:$0x14200] =	vst v63  }
0x5b: {  	v3 =	vld [tilespmem:$0x90];
	_ =	sdelay $0x4  }
0x5c: {  	v60 =	vshll.u32 v3, $0x1  }
0x5d: {  	v3 =	vand.u32 $0x7, v3;
	v4 =	vand.u32 $0xFFFFFFF0, v60  }
0x5e: {  	v3 =	vor.u32 v3, v4  }
0x5f: {  	v4 =	vperm.xlane v3, v0;
	_ =	sdelay $0x1  }
0x60: {  	v3 =	vperm.xlane v3, v2;
	v4 =	vadd.s32 v1, v4;
	_ =	sdelay $0x1  }
0x61: {  	v3 =	vadd.s32 v1, v3;
	_ =	sdelay $0x1  }
0x62: {  	s23 =	simm.s32 $0x6100  }
0x63: {  	[tilespmem:s23], [sflag:$0x2] =	stream.indirect_vreg.gather [hbm4b:s6+s3], $0x80, v4, vm0, $0xb8;
	[tilespmem:$0x14200] =	vst v63  }
0x64: {  	s24 =	simm.s32 $0x6900  }
0x65: {  	[tilespmem:s24], [sflag:$0x2] =	stream.indirect_vreg.gather [hbm4b:s6+s3], $0x80, v3, vm0, $0xb8;
	[tilespmem:$0x14200] =	vst v63  }
0x66: {  	v3 =	vld [tilespmem:$0xA0];
	_ =	sdelay $0x4  }
0x67: {  	v61 =	vshll.u32 v3, $0x1  }
0x68: {  	v3 =	vand.u32 $0x7, v3;
	v4 =	vand.u32 $0xFFFFFFF0, v61  }
0x69: {  	v3 =	vor.u32 v3, v4  }
0x6a: {  	v4 =	vperm.xlane v3, v0;
	_ =	sdelay $0x1  }
0x6b: {  	v3 =	vperm.xlane v3, v2;
	v4 =	vadd.s32 v1, v4;
	_ =	sdelay $0x1  }
0x6c: {  	v3 =	vadd.s32 v1, v3;
	_ =	sdelay $0x1  }
0x6d: {  	s25 =	simm.s32 $0x7100  }
0x6e: {  	[tilespmem:s25], [sflag:$0x2] =	stream.indirect_vreg.gather [hbm4b:s6+s3], $0x80, v4, vm0, $0xb8;
	[tilespmem:$0x14200] =	vst v63  }
0x6f: {  	s26 =	simm.s32 $0x7900  }
0x70: {  	[tilespmem:s26], [sflag:$0x2] =	stream.indirect_vreg.gather [hbm4b:s6+s3], $0x80, v3, vm0, $0xb8;
	[tilespmem:$0x14200] =	vst v63  }
0x71: {  	v3 =	vld [tilespmem:$0xB0];
	_ =	sdelay $0x4  }
0x72: {  	v62 =	vshll.u32 v3, $0x1  }
0x73: {  	v3 =	vand.u32 $0x7, v3;
	v4 =	vand.u32 $0xFFFFFFF0, v62  }
0x74: {  	v3 =	vor.u32 v3, v4  }
0x75: {  	v4 =	vperm.xlane v3, v0;
	_ =	sdelay $0x1  }
0x76: {  	v3 =	vperm.xlane v3, v2;
	v4 =	vadd.s32 v1, v4;
	_ =	sdelay $0x1  }
0x77: {  	v3 =	vadd.s32 v1, v3;
	_ =	sdelay $0x1  }
0x78: {  	s28 =	simm.s32 $0x8100  }
0x79: {  	[tilespmem:s28], [sflag:$0x2] =	stream.indirect_vreg.gather [hbm4b:s6+s3], $0x80, v4, vm0, $0xb8;
	[tilespmem:$0x14200] =	vst v63  }
0x7a: {  	s29 =	simm.s32 $0x8900  }
0x7b: {  	[tilespmem:s29], [sflag:$0x2] =	stream.indirect_vreg.gather [hbm4b:s6+s3], $0x80, v3, vm0, $0xb8;
	[tilespmem:$0x14200] =	vst v63  }
0x7c: {  	v3 =	vld [tilespmem:$0xC0];
	_ =	sdelay $0x4  }
0x7d: {  	v63 =	vshll.u32 v3, $0x1  }
0x7e: {  	v3 =	vand.u32 $0x7, v3;
	v4 =	vand.u32 $0xFFFFFFF0, v63  }
0x7f: {  	v3 =	vor.u32 v3, v4  }
0x80: {  	v4 =	vperm.xlane v3, v0;
	_ =	sdelay $0x1  }
0x81: {  	v3 =	vperm.xlane v3, v2;
	v4 =	vadd.s32 v1, v4;
	_ =	sdelay $0x1  }
0x82: {  	v3 =	vadd.s32 v1, v3;
	_ =	sdelay $0x1  }
0x83: {  	s30 =	simm.s32 $0x9100  }
0x84: {  	[tilespmem:s30], [sflag:$0x2] =	stream.indirect_vreg.gather [hbm4b:s6+s3], $0x80, v4, vm0, $0xb8;
	[tilespmem:$0x14200] =	vst v63  }
0x85: {  	s31 =	simm.s32 $0x9900;
	s22 =	simm.s32 $0x0  }
0x86: {  	[tilespmem:s31], [sflag:$0x2] =	stream.indirect_vreg.gather [hbm4b:s6+s3], $0x80, v3, vm0, $0xb8;
	[tilespmem:$0x14200] =	vst v63  }
.LBB2_2:
0x87: {  	s24 =	smul.u32 $0xA0, s22;
	_ =	sdelay $0x1  }
0x88: {  	s23 =	sadd.s32 s24, s11  }
0x89: {  	s26 =	sshrl.u32 s23, $0x3  }
0x8a: {  	s25 =	simm.s32 $0x0;
	s0 =	simm.s32 $0xA100;
	s28 =	sadd.s32 s2, s26  }
0x8b: {  	[tilespmem:s0], [sflag:$0x5] =	stream.linear.gather [hbm4b:s28+s25], $0x50, $0x38;
	[tilespmem:$0x14200] =	vst v63  }
0x8c: {  	_ =	swait.ge [sflag:s14], $0x50  }
0x8d: {  	[sflag:s14] =	ssyncset.done $0x0  }
0x8e: {  	s1 =	simm.s32 $0xA180;
	s26 =	sadd.s32 s7, s26;
	[sflag:s14] =	ssyncadd.s32 $0xFFFFFFB0  }
0x8f: {  	[tilespmem:s1], [sflag:$0x5] =	stream.linear.gather [hbm4b:s26+s25], $0x50, $0x38;
	[tilespmem:$0x14200] =	vst v63  }
0x90: {  	_ =	swait.ge [sflag:s14], $0x50  }
0x91: {  	[sflag:s14] =	ssyncset.done $0x0  }
0x92: {  	[sflag:s14] =	ssyncadd.s32 $0xFFFFFFB0  }
0x93: {  	v3 =	vld [tilespmem:$0xA100];
	_ =	sdelay $0x4  }
0x94: {  	v4 =	vshll.u32 v3, $0x1  }
0x95: {  	v3 =	vand.u32 $0x7, v3;
	v4 =	vand.u32 $0xFFFFFFF0, v4  }
0x96: {  	v3 =	vor.u32 v3, v4  }
0x97: {  	v4 =	vperm.xlane v3, v0;
	_ =	sdelay $0x1  }
0x98: {  	v3 =	vperm.xlane v3, v2;
	v4 =	vadd.s32 v1, v4;
	_ =	sdelay $0x1  }
0x99: {  	v3 =	vadd.s32 v1, v3;
	_ =	sdelay $0x2  }
0x9a: {  	[tilespmem:s18], [sflag:$0x3] =	stream.indirect_vreg.gather [hbm4b:s4+s25], $0x80, v4, vm0, $0xb8;
	[tilespmem:$0x14200] =	vst v63  }
0x9b: {  	s30 =	simm.s32 $0xAA00  }
0x9c: {  	[tilespmem:s30], [sflag:$0x3] =	stream.indirect_vreg.gather [hbm4b:s4+s25], $0x80, v3, vm0, $0xb8;
	[tilespmem:$0x14200] =	vst v63  }
0x9d: {  	v3 =	vld [tilespmem:$0xA110];
	_ =	sdelay $0x4  }
0x9e: {  	v55 =	vshll.u32 v3, $0x1  }
0x9f: {  	v3 =	vand.u32 $0x7, v3;
	v4 =	vand.u32 $0xFFFFFFF0, v55  }
0xa0: {  	v3 =	vor.u32 v3, v4  }
0xa1: {  	v4 =	vperm.xlane v3, v0;
	_ =	sdelay $0x1  }
0xa2: {  	v3 =	vperm.xlane v3, v2;
	v4 =	vadd.s32 v1, v4;
	_ =	sdelay $0x1  }
0xa3: {  	v3 =	vadd.s32 v1, v3;
	_ =	sdelay $0x1  }
0xa4: {  	s31 =	simm.s32 $0xB200  }
0xa5: {  	[tilespmem:s31], [sflag:$0x3] =	stream.indirect_vreg.gather [hbm4b:s4+s25], $0x80, v4, vm0, $0xb8;
	[tilespmem:$0x14200] =	vst v63  }
0xa6: {  	s1 =	simm.s32 $0xBA00  }
0xa7: {  	[tilespmem:s1], [sflag:$0x3] =	stream.indirect_vreg.gather [hbm4b:s4+s25], $0x80, v3, vm0, $0xb8;
	[tilespmem:$0x14200] =	vst v63  }
0xa8: {  	v3 =	vld [tilespmem:$0xA120];
	_ =	sdelay $0x4  }
0xa9: {  	v56 =	vshll.u32 v3, $0x1  }
0xaa: {  	v3 =	vand.u32 $0x7, v3;
	v4 =	vand.u32 $0xFFFFFFF0, v56  }
0xab: {  	v3 =	vor.u32 v3, v4  }
0xac: {  	v4 =	vperm.xlane v3, v0;
	_ =	sdelay $0x1  }
0xad: {  	v3 =	vperm.xlane v3, v2;
	v4 =	vadd.s32 v1, v4;
	_ =	sdelay $0x1  }
0xae: {  	v3 =	vadd.s32 v1, v3;
	_ =	sdelay $0x1  }
0xaf: {  	s26 =	simm.s32 $0xC200  }
0xb0: {  	[tilespmem:s26], [sflag:$0x3] =	stream.indirect_vreg.gather [hbm4b:s4+s25], $0x80, v4, vm0, $0xb8;
	[tilespmem:$0x14200] =	vst v63  }
0xb1: {  	s30 =	simm.s32 $0xCA00  }
0xb2: {  	[tilespmem:s30], [sflag:$0x3] =	stream.indirect_vreg.gather [hbm4b:s4+s25], $0x80, v3, vm0, $0xb8;
	[tilespmem:$0x14200] =	vst v63  }
0xb3: {  	v3 =	vld [tilespmem:$0xA130];
	_ =	sdelay $0x4  }
0xb4: {  	v57 =	vshll.u32 v3, $0x1  }
0xb5: {  	v3 =	vand.u32 $0x7, v3;
	v4 =	vand.u32 $0xFFFFFFF0, v57  }
0xb6: {  	v3 =	vor.u32 v3, v4  }
0xb7: {  	v4 =	vperm.xlane v3, v0;
	_ =	sdelay $0x1  }
0xb8: {  	v3 =	vperm.xlane v3, v2;
	v4 =	vadd.s32 v1, v4;
	_ =	sdelay $0x1  }
0xb9: {  	v3 =	vadd.s32 v1, v3;
	_ =	sdelay $0x1  }
0xba: {  	s31 =	simm.s32 $0xD200  }
0xbb: {  	[tilespmem:s31], [sflag:$0x3] =	stream.indirect_vreg.gather [hbm4b:s4+s25], $0x80, v4, vm0, $0xb8;
	[tilespmem:$0x14200] =	vst v63  }
0xbc: {  	s1 =	simm.s32 $0xDA00  }
0xbd: {  	[tilespmem:s1], [sflag:$0x3] =	stream.indirect_vreg.gather [hbm4b:s4+s25], $0x80, v3, vm0, $0xb8;
	[tilespmem:$0x14200] =	vst v63  }
0xbe: {  	v3 =	vld [tilespmem:$0xA140];
	_ =	sdelay $0x4  }
0xbf: {  	v58 =	vshll.u32 v3, $0x1  }
0xc0: {  	v3 =	vand.u32 $0x7, v3;
	v4 =	vand.u32 $0xFFFFFFF0, v58  }
0xc1: {  	v3 =	vor.u32 v3, v4  }
0xc2: {  	v4 =	vperm.xlane v3, v0;
	_ =	sdelay $0x1  }
0xc3: {  	v3 =	vperm.xlane v3, v2;
	v4 =	vadd.s32 v1, v4;
	_ =	sdelay $0x1  }
0xc4: {  	v3 =	vadd.s32 v1, v3;
	_ =	sdelay $0x1  }
0xc5: {  	s26 =	simm.s32 $0xE200  }
0xc6: {  	[tilespmem:s26], [sflag:$0x3] =	stream.indirect_vreg.gather [hbm4b:s4+s25], $0x80, v4, vm0, $0xb8;
	[tilespmem:$0x14200] =	vst v63  }
0xc7: {  	s30 =	simm.s32 $0xEA00  }
0xc8: {  	[tilespmem:s30], [sflag:$0x3] =	stream.indirect_vreg.gather [hbm4b:s4+s25], $0x80, v3, vm0, $0xb8;
	[tilespmem:$0x14200] =	vst v63  }
0xc9: {  	v3 =	vld [tilespmem:$0xA180];
	_ =	sdelay $0x4  }
0xca: {  	v59 =	vshll.u32 v3, $0x1  }
0xcb: {  	v3 =	vand.u32 $0x7, v3;
	v4 =	vand.u32 $0xFFFFFFF0, v59  }
0xcc: {  	v3 =	vor.u32 v3, v4  }
0xcd: {  	v4 =	vperm.xlane v3, v0;
	_ =	sdelay $0x1  }
0xce: {  	v3 =	vperm.xlane v3, v2;
	v4 =	vadd.s32 v1, v4;
	_ =	sdelay $0x1  }
0xcf: {  	v3 =	vadd.s32 v1, v3;
	_ =	sdelay $0x1  }
0xd0: {  	s31 =	simm.s32 $0xF200  }
0xd1: {  	[tilespmem:s31], [sflag:$0x4] =	stream.indirect_vreg.gather [hbm4b:s6+s25], $0x80, v4, vm0, $0xb8;
	[tilespmem:$0x14200] =	vst v63  }
0xd2: {  	s1 =	simm.s32 $0xFA00  }
0xd3: {  	[tilespmem:s1], [sflag:$0x4] =	stream.indirect_vreg.gather [hbm4b:s6+s25], $0x80, v3, vm0, $0xb8;
	[tilespmem:$0x14200] =	vst v63  }
0xd4: {  	v3 =	vld [tilespmem:$0xA190];
	_ =	sdelay $0x4  }
0xd5: {  	v60 =	vshll.u32 v3, $0x1  }
0xd6: {  	v3 =	vand.u32 $0x7, v3;
	v4 =	vand.u32 $0xFFFFFFF0, v60  }
0xd7: {  	v3 =	vor.u32 v3, v4  }
0xd8: {  	v4 =	vperm.xlane v3, v0;
	_ =	sdelay $0x1  }
0xd9: {  	v3 =	vperm.xlane v3, v2;
	v4 =	vadd.s32 v1, v4;
	_ =	sdelay $0x1  }
0xda: {  	v3 =	vadd.s32 v1, v3;
	_ =	sdelay $0x1  }
0xdb: {  	s26 =	simm.s32 $0x10200  }
0xdc: {  	[tilespmem:s26], [sflag:$0x4] =	stream.indirect_vreg.gather [hbm4b:s6+s25], $0x80, v4, vm0, $0xb8;
	[tilespmem:$0x14200] =	vst v63  }
0xdd: {  	s30 =	simm.s32 $0x10A00  }
0xde: {  	[tilespmem:s30], [sflag:$0x4] =	stream.indirect_vreg.gather [hbm4b:s6+s25], $0x80, v3, vm0, $0xb8;
	[tilespmem:$0x14200] =	vst v63  }
0xdf: {  	v3 =	vld [tilespmem:$0xA1A0];
	_ =	sdelay $0x4  }
0xe0: {  	v61 =	vshll.u32 v3, $0x1  }
0xe1: {  	v3 =	vand.u32 $0x7, v3;
	v4 =	vand.u32 $0xFFFFFFF0, v61  }
0xe2: {  	v3 =	vor.u32 v3, v4  }
0xe3: {  	v4 =	vperm.xlane v3, v0;
	_ =	sdelay $0x1  }
0xe4: {  	v3 =	vperm.xlane v3, v2;
	v4 =	vadd.s32 v1, v4;
	_ =	sdelay $0x1  }
0xe5: {  	v3 =	vadd.s32 v1, v3;
	_ =	sdelay $0x1  }
0xe6: {  	s31 =	simm.s32 $0x11200  }
0xe7: {  	[tilespmem:s31], [sflag:$0x4] =	stream.indirect_vreg.gather [hbm4b:s6+s25], $0x80, v4, vm0, $0xb8;
	[tilespmem:$0x14200] =	vst v63  }
0xe8: {  	_ = 	snop  }
0xe9: {  	[tilespmem:s9], [sflag:$0x4] =	stream.indirect_vreg.gather [hbm4b:s6+s25], $0x80, v3, vm0, $0xb8;
	[tilespmem:$0x14200] =	vst v63  }
0xea: {  	v3 =	vld [tilespmem:$0xA1B0];
	_ =	sdelay $0x4  }
0xeb: {  	v62 =	vshll.u32 v3, $0x1  }
0xec: {  	v3 =	vand.u32 $0x7, v3;
	v4 =	vand.u32 $0xFFFFFFF0, v62  }
0xed: {  	v3 =	vor.u32 v3, v4  }
0xee: {  	v4 =	vperm.xlane v3, v0;
	_ =	sdelay $0x1  }
0xef: {  	v3 =	vperm.xlane v3, v2;
	v4 =	vadd.s32 v1, v4;
	_ =	sdelay $0x1  }
0xf0: {  	v3 =	vadd.s32 v1, v3;
	_ =	sdelay $0x2  }
0xf1: {  	[tilespmem:s10], [sflag:$0x4] =	stream.indirect_vreg.gather [hbm4b:s6+s25], $0x80, v4, vm0, $0xb8;
	[tilespmem:$0x14200] =	vst v63  }
0xf2: {  	_ = 	snop  }
0xf3: {  	[tilespmem:s13], [sflag:$0x4] =	stream.indirect_vreg.gather [hbm4b:s6+s25], $0x80, v3, vm0, $0xb8;
	[tilespmem:$0x14200] =	vst v63  }
0xf4: {  	v3 =	vld [tilespmem:$0xA1C0];
	_ =	sdelay $0x4  }
0xf5: {  	v63 =	vshll.u32 v3, $0x1  }
0xf6: {  	v3 =	vand.u32 $0x7, v3;
	v4 =	vand.u32 $0xFFFFFFF0, v63  }
0xf7: {  	v3 =	vor.u32 v3, v4  }
0xf8: {  	v4 =	vperm.xlane v3, v0;
	_ =	sdelay $0x1  }
0xf9: {  	v3 =	vperm.xlane v3, v2;
	v4 =	vadd.s32 v1, v4;
	_ =	sdelay $0x1  }
0xfa: {  	v3 =	vadd.s32 v1, v3;
	_ =	sdelay $0x2  }
0xfb: {  	[tilespmem:s12], [sflag:$0x4] =	stream.indirect_vreg.gather [hbm4b:s6+s25], $0x80, v4, vm0, $0xb8;
	[tilespmem:$0x14200] =	vst v63  }
0xfc: {  	_ = 	snop  }
0xfd: {  	[tilespmem:s15], [sflag:$0x4] =	stream.indirect_vreg.gather [hbm4b:s6+s25], $0x80, v3, vm0, $0xb8;
	[tilespmem:$0x14200] =	vst v63  }
0xfe: {  	_ =	swait.ge [sflag:s17], $0x5000  }
0xff: {  	[sflag:s17] =	ssyncset.done $0x0  }
0x100: {  	[sflag:s17] =	ssyncadd.s32 $0xFFFFB000  }
0x101: {  	_ =	swait.ge [sflag:s19], $0x5000  }
0x102: {  	p0 =	por $0x0, $0x0;
	s29 =	simm.s32 $0x0;
	[sflag:s19] =	ssyncset.done $0x0  }
0x103: {  	s28 =	simm.s32 $0xFFFFFFFC;
	s26 =	sadd.s32 s5, s24;
	[sflag:s19] =	ssyncadd.s32 $0xFFFFB000  }
.LBB2_3:
0x104: {  	s30 =	sand.u32 $0x7800, s25;
	s31 =	sand.u32 $0x200, s29  }
0x105: {  	s30 =	sor.u32 s31, s30  }
0x106: {  	v3 =	vld [tilespmem:s30+$0x100]  }
0x107: {  	v4 =	vld [tilespmem:s30+$0x5100]  }
0x108: {  	v5 =	vld [tilespmem:s30+$0x110]  }
0x109: {  	v6 =	vld [tilespmem:s30+$0x5110]  }
0x10a: {  	v7 =	vld [tilespmem:s30+$0x120]  }
0x10b: {  	v8 =	vld [tilespmem:s30+$0x5120]  }
0x10c: {  	v9 =	vld [tilespmem:s30+$0x130]  }
0x10d: {  	v10 =	vld [tilespmem:s30+$0x5130]  }
0x10e: {  	v11 =	vld [tilespmem:s30+$0x140]  }
0x10f: {  	v12 =	vld [tilespmem:s30+$0x5140]  }
0x110: {  	v13 =	vld [tilespmem:s30+$0x150]  }
0x111: {  	v14 =	vld [tilespmem:s30+$0x5150]  }
0x112: {  	v15 =	vld [tilespmem:s30+$0x160]  }
0x113: {  	v23 =	vld [tilespmem:s30+$0x170];
	v3 =	vadd.f32 v4, v3  }
0x114: {  	v24 =	vld [tilespmem:s30+$0x5170];
	v5 =	vadd.f32 v6, v5  }
0x115: {  	v22 =	vld [tilespmem:s30+$0x5160];
	v25 =	vadd.f32 v10, v9;
	[tilespmem:s30+$0x100] =	vst v3  }
0x116: {  	v3 =	vadd.f32 v8, v7;
	[tilespmem:s30+$0x110] =	vst v5  }
0x117: {  	s31 =	simm.s32 $0x1;
	v26 =	vadd.f32 v14, v13;
	[tilespmem:s30+$0x130] =	vst v25  }
0x118: {  	s31 =	simm.s32 @!p0 $0x0;
	[tilespmem:s30+$0x120] =	vst v3;
	v3 =	vadd.f32 v12, v11  }
0x119: {  	s31 =	sshll.u32 s31, $0x9;
	v27 =	vadd.f32 v24, v23;
	[tilespmem:s30+$0x150] =	vst v26  }
0x11a: {  	s31 =	sadd.s32 s31, s25;
	[tilespmem:s30+$0x140] =	vst v3;
	v3 =	vadd.f32 v22, v15  }
0x11b: {  	s0 =	sor.u32 $0x400, s31;
	[tilespmem:s30+$0x170] =	vst v27  }
0x11c: {  	[tilespmem:s30+$0x160] =	vst v3;
	v3 =	vld [tilespmem:s0+$0x100]  }
0x11d: {  	v4 =	vld [tilespmem:s0+$0x5100];
	_ =	sdelay $0x4  }
0x11e: {  	v3 =	vadd.f32 v4, v3;
	_ =	sdelay $0x1  }
0x11f: {  	s1 =	sor.u32 $0x410, s31;
	[tilespmem:s0+$0x100] =	vst v3  }
0x120: {  	v3 =	vld [tilespmem:s1+$0x100]  }
0x121: {  	v28 =	vld [tilespmem:s1+$0x5100];
	_ =	sdelay $0x4  }
0x122: {  	v3 =	vadd.f32 v28, v3;
	_ =	sdelay $0x1  }
0x123: {  	[tilespmem:s1+$0x100] =	vst v3;
	s1 =	sor.u32 $0x420, s31  }
0x124: {  	v3 =	vld [tilespmem:s1+$0x100]  }
0x125: {  	v29 =	vld [tilespmem:s1+$0x5100];
	_ =	sdelay $0x4  }
0x126: {  	v3 =	vadd.f32 v29, v3;
	_ =	sdelay $0x1  }
0x127: {  	[tilespmem:s1+$0x100] =	vst v3;
	s1 =	sor.u32 $0x430, s31  }
0x128: {  	v3 =	vld [tilespmem:s1+$0x100]  }
0x129: {  	v30 =	vld [tilespmem:s1+$0x5100];
	_ =	sdelay $0x4  }
0x12a: {  	v3 =	vadd.f32 v30, v3;
	_ =	sdelay $0x1  }
0x12b: {  	[tilespmem:s1+$0x100] =	vst v3;
	s1 =	sor.u32 $0x440, s31  }
0x12c: {  	v3 =	vld [tilespmem:s1+$0x100]  }
0x12d: {  	v31 =	vld [tilespmem:s1+$0x5100];
	_ =	sdelay $0x4  }
0x12e: {  	v3 =	vadd.f32 v31, v3;
	_ =	sdelay $0x1  }
0x12f: {  	[tilespmem:s1+$0x100] =	vst v3;
	s1 =	sor.u32 $0x450, s31  }
0x130: {  	v3 =	vld [tilespmem:s1+$0x100]  }
0x131: {  	v32 =	vld [tilespmem:s1+$0x5100];
	_ =	sdelay $0x4  }
0x132: {  	v3 =	vadd.f32 v32, v3;
	_ =	sdelay $0x1  }
0x133: {  	[tilespmem:s1+$0x100] =	vst v3;
	s1 =	sor.u32 $0x460, s31  }
0x134: {  	v3 =	vld [tilespmem:s1+$0x100]  }
0x135: {  	v33 =	vld [tilespmem:s1+$0x5100];
	_ =	sdelay $0x4  }
0x136: {  	v3 =	vadd.f32 v33, v3;
	_ =	sdelay $0x1  }
0x137: {  	[tilespmem:s1+$0x100] =	vst v3;
	s1 =	sor.u32 $0x470, s31  }
0x138: {  	v3 =	vld [tilespmem:s1+$0x100]  }
0x139: {  	v34 =	vld [tilespmem:s1+$0x5100];
	_ =	sdelay $0x4  }
0x13a: {  	v3 =	vadd.f32 v34, v3;
	_ =	sdelay $0x1  }
0x13b: {  	[tilespmem:s1+$0x100] =	vst v3  }
0x13c: {  	v3 =	vld [tilespmem:s30+$0x180]  }
0x13d: {  	v35 =	vld [tilespmem:s30+$0x5180]  }
0x13e: {  	v36 =	vld [tilespmem:s30+$0x190]  }
0x13f: {  	v37 =	vld [tilespmem:s30+$0x5190]  }
0x140: {  	v38 =	vld [tilespmem:s30+$0x1A0]  }
0x141: {  	v39 =	vld [tilespmem:s30+$0x51A0]  }
0x142: {  	v40 =	vld [tilespmem:s30+$0x1B0]  }
0x143: {  	v41 =	vld [tilespmem:s30+$0x51B0]  }
0x144: {  	v42 =	vld [tilespmem:s30+$0x1C0]  }
0x145: {  	v43 =	vld [tilespmem:s30+$0x1D0]  }
0x146: {  	v44 =	vld [tilespmem:s30+$0x51D0]  }
0x147: {  	v45 =	vld [tilespmem:s30+$0x1E0]  }
0x148: {  	v46 =	vld [tilespmem:s30+$0x51E0]  }
0x149: {  	v47 =	vld [tilespmem:s30+$0x1F0];
	v3 =	vadd.f32 v35, v3  }
0x14a: {  	v48 =	vld [tilespmem:s30+$0x51F0];
	v5 =	vadd.f32 v37, v36  }
0x14b: {  	v49 =	vld [tilespmem:s30+$0x51C0];
	[tilespmem:s30+$0x180] =	vst v3;
	v3 =	vadd.f32 v39, v38  }
0x14c: {  	v50 =	vadd.f32 v41, v40;
	[tilespmem:s30+$0x190] =	vst v5  }
0x14d: {  	[tilespmem:s30+$0x1A0] =	vst v3;
	v3 =	vadd.f32 v44, v43  }
0x14e: {  	v51 =	vadd.f32 v46, v45;
	[tilespmem:s30+$0x1B0] =	vst v50  }
0x14f: {  	[tilespmem:s30+$0x1D0] =	vst v3;
	v3 =	vadd.f32 v48, v47  }
0x150: {  	s0 =	sadd.s32 $0x80, s31;
	v52 =	vadd.f32 v49, v42;
	[tilespmem:s30+$0x1E0] =	vst v51  }
0x151: {  	s1 =	sor.u32 $0x400, s0;
	[tilespmem:s30+$0x1F0] =	vst v3  }
0x152: {  	[tilespmem:s30+$0x1C0] =	vst v52;
	v3 =	vld [tilespmem:s1+$0x100]  }
0x153: {  	v4 =	vld [tilespmem:s1+$0x5100];
	_ =	sdelay $0x4  }
0x154: {  	v3 =	vadd.f32 v4, v3;
	_ =	sdelay $0x1  }
0x155: {  	[tilespmem:s1+$0x100] =	vst v3;
	s1 =	sor.u32 $0x410, s0  }
0x156: {  	v3 =	vld [tilespmem:s1+$0x100]  }
0x157: {  	v53 =	vld [tilespmem:s1+$0x5100];
	_ =	sdelay $0x4  }
0x158: {  	v3 =	vadd.f32 v53, v3;
	_ =	sdelay $0x1  }
0x159: {  	[tilespmem:s1+$0x100] =	vst v3;
	s1 =	sor.u32 $0x420, s0  }
0x15a: {  	v3 =	vld [tilespmem:s1+$0x100]  }
0x15b: {  	v54 =	vld [tilespmem:s1+$0x5100];
	_ =	sdelay $0x4  }
0x15c: {  	v3 =	vadd.f32 v54, v3;
	_ =	sdelay $0x1  }
0x15d: {  	[tilespmem:s1+$0x100] =	vst v3;
	s1 =	sor.u32 $0x430, s0  }
0x15e: {  	v3 =	vld [tilespmem:s1+$0x100]  }
0x15f: {  	v55 =	vld [tilespmem:s1+$0x5100];
	_ =	sdelay $0x4  }
0x160: {  	v3 =	vadd.f32 v55, v3;
	_ =	sdelay $0x1  }
0x161: {  	[tilespmem:s1+$0x100] =	vst v3;
	s1 =	sor.u32 $0x440, s0  }
0x162: {  	v3 =	vld [tilespmem:s1+$0x100]  }
0x163: {  	v56 =	vld [tilespmem:s1+$0x5100];
	_ =	sdelay $0x4  }
0x164: {  	v3 =	vadd.f32 v56, v3;
	_ =	sdelay $0x1  }
0x165: {  	[tilespmem:s1+$0x100] =	vst v3;
	s1 =	sor.u32 $0x450, s0  }
0x166: {  	v3 =	vld [tilespmem:s1+$0x100]  }
0x167: {  	v57 =	vld [tilespmem:s1+$0x5100];
	_ =	sdelay $0x4  }
0x168: {  	v3 =	vadd.f32 v57, v3;
	_ =	sdelay $0x1  }
0x169: {  	[tilespmem:s1+$0x100] =	vst v3;
	s1 =	sor.u32 $0x460, s0  }
0x16a: {  	v3 =	vld [tilespmem:s1+$0x100]  }
0x16b: {  	v58 =	vld [tilespmem:s1+$0x5100];
	_ =	sdelay $0x4  }
0x16c: {  	v3 =	vadd.f32 v58, v3;
	_ =	sdelay $0x1  }
0x16d: {  	s0 =	sor.u32 $0x470, s0;
	[tilespmem:s1+$0x100] =	vst v3  }
0x16e: {  	v3 =	vld [tilespmem:s0+$0x100]  }
0x16f: {  	v59 =	vld [tilespmem:s0+$0x5100];
	_ =	sdelay $0x4  }
0x170: {  	v3 =	vadd.f32 v59, v3;
	_ =	sdelay $0x1  }
0x171: {  	[tilespmem:s0+$0x100] =	vst v3  }
0x172: {  	v3 =	vld [tilespmem:s30+$0x200]  }
0x173: {  	v60 =	vld [tilespmem:s30+$0x5200]  }
0x174: {  	v61 =	vld [tilespmem:s30+$0x210]  }
0x175: {  	v62 =	vld [tilespmem:s30+$0x5210]  }
0x176: {  	v63 =	vld [tilespmem:s30+$0x220]  }
0x177: {  	v18 =	vld [tilespmem:s30+$0x5220]  }
0x178: {  	v19 =	vld [tilespmem:s30+$0x230]  }
0x179: {  	v20 =	vld [tilespmem:s30+$0x5230]  }
0x17a: {  	v21 =	vld [tilespmem:s30+$0x240]  }
0x17b: {  	v22 =	vld [tilespmem:s30+$0x5240]  }
0x17c: {  	v23 =	vld [tilespmem:s30+$0x250]  }
0x17d: {  	v24 =	vld [tilespmem:s30+$0x5250]  }
0x17e: {  	v25 =	vld [tilespmem:s30+$0x260]  }
0x17f: {  	v27 =	vld [tilespmem:s30+$0x270];
	v3 =	vadd.f32 v60, v3  }
0x180: {  	v28 =	vld [tilespmem:s30+$0x5270];
	v5 =	vadd.f32 v62, v61  }
0x181: {  	v26 =	vld [tilespmem:s30+$0x5260];
	v29 =	vadd.f32 v20, v19;
	[tilespmem:s30+$0x200] =	vst v3  }
0x182: {  	v3 =	vadd.f32 v18, v63;
	[tilespmem:s30+$0x210] =	vst v5  }
0x183: {  	v30 =	vadd.f32 v24, v23;
	[tilespmem:s30+$0x230] =	vst v29  }
0x184: {  	[tilespmem:s30+$0x220] =	vst v3;
	v3 =	vadd.f32 v22, v21  }
0x185: {  	v31 =	vadd.f32 v28, v27;
	[tilespmem:s30+$0x250] =	vst v30  }
0x186: {  	s0 =	sadd.s32 $0x100, s31;
	[tilespmem:s30+$0x240] =	vst v3;
	v3 =	vadd.f32 v26, v25  }
0x187: {  	s1 =	sor.u32 $0x400, s0;
	[tilespmem:s30+$0x270] =	vst v31  }
0x188: {  	[tilespmem:s30+$0x260] =	vst v3;
	v3 =	vld [tilespmem:s1+$0x100]  }
0x189: {  	v4 =	vld [tilespmem:s1+$0x5100];
	_ =	sdelay $0x4  }
0x18a: {  	v3 =	vadd.f32 v4, v3;
	_ =	sdelay $0x1  }
0x18b: {  	[tilespmem:s1+$0x100] =	vst v3;
	s1 =	sor.u32 $0x410, s0  }
0x18c: {  	v3 =	vld [tilespmem:s1+$0x100]  }
0x18d: {  	v32 =	vld [tilespmem:s1+$0x5100];
	_ =	sdelay $0x4  }
0x18e: {  	v3 =	vadd.f32 v32, v3;
	_ =	sdelay $0x1  }
0x18f: {  	[tilespmem:s1+$0x100] =	vst v3;
	s1 =	sor.u32 $0x420, s0  }
0x190: {  	v3 =	vld [tilespmem:s1+$0x100]  }
0x191: {  	v33 =	vld [tilespmem:s1+$0x5100];
	_ =	sdelay $0x4  }
0x192: {  	v3 =	vadd.f32 v33, v3;
	_ =	sdelay $0x1  }
0x193: {  	[tilespmem:s1+$0x100] =	vst v3;
	s1 =	sor.u32 $0x430, s0  }
0x194: {  	v3 =	vld [tilespmem:s1+$0x100]  }
0x195: {  	v34 =	vld [tilespmem:s1+$0x5100];
	_ =	sdelay $0x4  }
0x196: {  	v3 =	vadd.f32 v34, v3;
	_ =	sdelay $0x1  }
0x197: {  	[tilespmem:s1+$0x100] =	vst v3;
	s1 =	sor.u32 $0x440, s0  }
0x198: {  	v3 =	vld [tilespmem:s1+$0x100]  }
0x199: {  	v35 =	vld [tilespmem:s1+$0x5100];
	_ =	sdelay $0x4  }
0x19a: {  	v3 =	vadd.f32 v35, v3;
	_ =	sdelay $0x1  }
0x19b: {  	[tilespmem:s1+$0x100] =	vst v3;
	s1 =	sor.u32 $0x450, s0  }
0x19c: {  	v3 =	vld [tilespmem:s1+$0x100]  }
0x19d: {  	v36 =	vld [tilespmem:s1+$0x5100];
	_ =	sdelay $0x4  }
0x19e: {  	v3 =	vadd.f32 v36, v3;
	_ =	sdelay $0x1  }
0x19f: {  	[tilespmem:s1+$0x100] =	vst v3;
	s1 =	sor.u32 $0x460, s0  }
0x1a0: {  	v3 =	vld [tilespmem:s1+$0x100]  }
0x1a1: {  	v37 =	vld [tilespmem:s1+$0x5100];
	_ =	sdelay $0x4  }
0x1a2: {  	v3 =	vadd.f32 v37, v3;
	_ =	sdelay $0x1  }
0x1a3: {  	s0 =	sor.u32 $0x470, s0;
	[tilespmem:s1+$0x100] =	vst v3  }
0x1a4: {  	v3 =	vld [tilespmem:s0+$0x100]  }
0x1a5: {  	v38 =	vld [tilespmem:s0+$0x5100];
	_ =	sdelay $0x4  }
0x1a6: {  	v3 =	vadd.f32 v38, v3;
	_ =	sdelay $0x1  }
0x1a7: {  	[tilespmem:s0+$0x100] =	vst v3  }
0x1a8: {  	v3 =	vld [tilespmem:s30+$0x280]  }
0x1a9: {  	v39 =	vld [tilespmem:s30+$0x5280]  }
0x1aa: {  	v40 =	vld [tilespmem:s30+$0x290]  }
0x1ab: {  	v41 =	vld [tilespmem:s30+$0x5290]  }
0x1ac: {  	v42 =	vld [tilespmem:s30+$0x2A0]  }
0x1ad: {  	v43 =	vld [tilespmem:s30+$0x52A0]  }
0x1ae: {  	v44 =	vld [tilespmem:s30+$0x2B0]  }
0x1af: {  	v45 =	vld [tilespmem:s30+$0x52B0]  }
0x1b0: {  	v46 =	vld [tilespmem:s30+$0x2C0]  }
0x1b1: {  	v47 =	vld [tilespmem:s30+$0x2D0]  }
0x1b2: {  	v48 =	vld [tilespmem:s30+$0x52D0]  }
0x1b3: {  	v49 =	vld [tilespmem:s30+$0x2E0]  }
0x1b4: {  	v50 =	vld [tilespmem:s30+$0x52E0]  }
0x1b5: {  	v51 =	vld [tilespmem:s30+$0x2F0];
	v3 =	vadd.f32 v39, v3  }
0x1b6: {  	v52 =	vld [tilespmem:s30+$0x52F0];
	v5 =	vadd.f32 v41, v40  }
0x1b7: {  	v53 =	vld [tilespmem:s30+$0x52C0];
	[tilespmem:s30+$0x280] =	vst v3;
	v3 =	vadd.f32 v43, v42  }
0x1b8: {  	v54 =	vadd.f32 v45, v44;
	[tilespmem:s30+$0x290] =	vst v5  }
0x1b9: {  	[tilespmem:s30+$0x2A0] =	vst v3;
	v3 =	vadd.f32 v48, v47  }
0x1ba: {  	v55 =	vadd.f32 v50, v49;
	[tilespmem:s30+$0x2B0] =	vst v54  }
0x1bb: {  	[tilespmem:s30+$0x2D0] =	vst v3;
	v3 =	vadd.f32 v52, v51  }
0x1bc: {  	s0 =	sadd.s32 $0x180, s31;
	v56 =	vadd.f32 v53, v46;
	[tilespmem:s30+$0x2E0] =	vst v55  }
0x1bd: {  	s31 =	sor.u32 $0x400, s0;
	[tilespmem:s30+$0x2F0] =	vst v3  }
0x1be: {  	[tilespmem:s30+$0x2C0] =	vst v56;
	v3 =	vld [tilespmem:s31+$0x100]  }
0x1bf: {  	v4 =	vld [tilespmem:s31+$0x5100];
	_ =	sdelay $0x4  }
0x1c0: {  	v3 =	vadd.f32 v4, v3;
	_ =	sdelay $0x1  }
0x1c1: {  	s30 =	sor.u32 $0x410, s0;
	[tilespmem:s31+$0x100] =	vst v3  }
0x1c2: {  	v3 =	vld [tilespmem:s30+$0x100]  }
0x1c3: {  	v57 =	vld [tilespmem:s30+$0x5100];
	_ =	sdelay $0x4  }
0x1c4: {  	v3 =	vadd.f32 v57, v3;
	_ =	sdelay $0x1  }
0x1c5: {  	s31 =	sor.u32 $0x420, s0;
	[tilespmem:s30+$0x100] =	vst v3  }
0x1c6: {  	v3 =	vld [tilespmem:s31+$0x100]  }
0x1c7: {  	v58 =	vld [tilespmem:s31+$0x5100];
	_ =	sdelay $0x4  }
0x1c8: {  	v3 =	vadd.f32 v58, v3;
	_ =	sdelay $0x1  }
0x1c9: {  	s30 =	sor.u32 $0x430, s0;
	[tilespmem:s31+$0x100] =	vst v3  }
0x1ca: {  	v3 =	vld [tilespmem:s30+$0x100]  }
0x1cb: {  	v59 =	vld [tilespmem:s30+$0x5100];
	_ =	sdelay $0x4  }
0x1cc: {  	v3 =	vadd.f32 v59, v3;
	_ =	sdelay $0x1  }
0x1cd: {  	s31 =	sor.u32 $0x440, s0;
	[tilespmem:s30+$0x100] =	vst v3  }
0x1ce: {  	v3 =	vld [tilespmem:s31+$0x100]  }
0x1cf: {  	v60 =	vld [tilespmem:s31+$0x5100];
	_ =	sdelay $0x4  }
0x1d0: {  	v3 =	vadd.f32 v60, v3;
	_ =	sdelay $0x1  }
0x1d1: {  	s30 =	sor.u32 $0x450, s0;
	[tilespmem:s31+$0x100] =	vst v3  }
0x1d2: {  	v3 =	vld [tilespmem:s30+$0x100]  }
0x1d3: {  	v61 =	vld [tilespmem:s30+$0x5100];
	_ =	sdelay $0x4  }
0x1d4: {  	v3 =	vadd.f32 v61, v3;
	_ =	sdelay $0x1  }
0x1d5: {  	s31 =	sor.u32 $0x460, s0;
	[tilespmem:s30+$0x100] =	vst v3  }
0x1d6: {  	v3 =	vld [tilespmem:s31+$0x100]  }
0x1d7: {  	v62 =	vld [tilespmem:s31+$0x5100];
	_ =	sdelay $0x4  }
0x1d8: {  	v3 =	vadd.f32 v62, v3;
	_ =	sdelay $0x1  }
0x1d9: {  	s0 =	sor.u32 $0x470, s0;
	[tilespmem:s31+$0x100] =	vst v3  }
0x1da: {  	v3 =	vld [tilespmem:s0+$0x100]  }
0x1db: {  	v63 =	vld [tilespmem:s0+$0x5100]  }
0x1dc: {  	s28 =	sadd.s32 $0x4, s28  }
0x1dd: {  	p1 =	slt.u32 s28, $0x4C  }
.Ltmp0:
0x1de: {  	_ = 	snop;
	(pc) =	sbr.rel @p1 .LBB2_3-.Ltmp0, $3  }
0x1df: {  	_ = 	snop  }
0x1e0: {  	v3 =	vadd.f32 v63, v3;
	_ =	sdelay $0x1  }
0x1e1: {  	s29 =	sadd.s32 $0x200, s29;
	p0 =	por !p0, !p0;
	s25 =	sadd.s32 $0x400, s25;
	[tilespmem:s0+$0x100] =	vst v3  }
0x1e2: {  	s0 =	sshll.u32 s26, $0x5;
	p0 =	seq.s32 s22, $0x1F  }
.Ltmp1:
0x1e3: {  	s0 =	sadd.s32 s8, s0;
	(pc) =	sbr.rel @p0 .LBB2_6-.Ltmp1, $4  }
0x1e4: {  	[hbm4b:s0+s3] =	stream.linear.scatter [tilespmem:s16], [sflag:$0x5], $0x5000, $0x38;
	[tilespmem:$0x14200] =	vst v63  }
0x1e5: {  	_ =	swait.ge [sflag:s14], $0x5000  }
0x1e6: {  	[sflag:s14] =	ssyncset.done $0x0  }
0x1e7: {  	[sflag:s14] =	ssyncadd.s32 $0xFFFFB000  }
0x1e8: {  	s0 =	rddreg [dreg:$0x5]  }
0x1e9: {  	s0 =	sadd.s32 s24, s0  }
0x1ea: {  	s0 =	sshrl.u32 s0, $0x3  }
0x1eb: {  	s1 =	sadd.s32 s2, s0  }
0x1ec: {  	[tilespmem:s3], [sflag:$0x5] =	stream.linear.gather [hbm4b:s1+s3], $0x50, $0x38;
	[tilespmem:$0x14200] =	vst v63  }
0x1ed: {  	_ =	swait.ge [sflag:s14], $0x50  }
0x1ee: {  	[sflag:s14] =	ssyncset.done $0x0  }
0x1ef: {  	s28 =	simm.s32 $0x80;
	s0 =	sadd.s32 s7, s0;
	[sflag:s14] =	ssyncadd.s32 $0xFFFFFFB0  }
0x1f0: {  	[tilespmem:s28], [sflag:$0x5] =	stream.linear.gather [hbm4b:s0+s3], $0x50, $0x38;
	[tilespmem:$0x14200] =	vst v63  }
0x1f1: {  	_ =	swait.ge [sflag:s14], $0x50  }
0x1f2: {  	[sflag:s14] =	ssyncset.done $0x0  }
0x1f3: {  	[sflag:s14] =	ssyncadd.s32 $0xFFFFFFB0  }
0x1f4: {  	v3 =	vld [tilespmem:$0x0];
	_ =	sdelay $0x4  }
0x1f5: {  	v4 =	vshll.u32 v3, $0x1  }
0x1f6: {  	v3 =	vand.u32 $0x7, v3;
	v4 =	vand.u32 $0xFFFFFFF0, v4  }
0x1f7: {  	v3 =	vor.u32 v3, v4  }
0x1f8: {  	v4 =	vperm.xlane v3, v0;
	_ =	sdelay $0x1  }
0x1f9: {  	v3 =	vperm.xlane v3, v2;
	v4 =	vadd.s32 v1, v4;
	_ =	sdelay $0x1  }
0x1fa: {  	v3 =	vadd.s32 v1, v3;
	_ =	sdelay $0x2  }
0x1fb: {  	[tilespmem:s16], [sflag:$0x1] =	stream.indirect_vreg.gather [hbm4b:s4+s3], $0x80, v4, vm0, $0xb8;
	[tilespmem:$0x14200] =	vst v63  }
0x1fc: {  	s29 =	simm.s32 $0x900  }
0x1fd: {  	[tilespmem:s29], [sflag:$0x1] =	stream.indirect_vreg.gather [hbm4b:s4+s3], $0x80, v3, vm0, $0xb8;
	[tilespmem:$0x14200] =	vst v63  }
0x1fe: {  	v3 =	vld [tilespmem:$0x10];
	_ =	sdelay $0x4  }
0x1ff: {  	v55 =	vshll.u32 v3, $0x1  }
0x200: {  	v3 =	vand.u32 $0x7, v3;
	v4 =	vand.u32 $0xFFFFFFF0, v55  }
0x201: {  	v3 =	vor.u32 v3, v4  }
0x202: {  	v4 =	vperm.xlane v3, v0;
	_ =	sdelay $0x1  }
0x203: {  	v3 =	vperm.xlane v3, v2;
	v4 =	vadd.s32 v1, v4;
	_ =	sdelay $0x1  }
0x204: {  	v3 =	vadd.s32 v1, v3;
	_ =	sdelay $0x1  }
0x205: {  	s30 =	simm.s32 $0x1100  }
0x206: {  	[tilespmem:s30], [sflag:$0x1] =	stream.indirect_vreg.gather [hbm4b:s4+s3], $0x80, v4, vm0, $0xb8;
	[tilespmem:$0x14200] =	vst v63  }
0x207: {  	s31 =	simm.s32 $0x1900  }
0x208: {  	[tilespmem:s31], [sflag:$0x1] =	stream.indirect_vreg.gather [hbm4b:s4+s3], $0x80, v3, vm0, $0xb8;
	[tilespmem:$0x14200] =	vst v63  }
0x209: {  	v3 =	vld [tilespmem:$0x20];
	_ =	sdelay $0x4  }
0x20a: {  	v56 =	vshll.u32 v3, $0x1  }
0x20b: {  	v3 =	vand.u32 $0x7, v3;
	v4 =	vand.u32 $0xFFFFFFF0, v56  }
0x20c: {  	v3 =	vor.u32 v3, v4  }
0x20d: {  	v4 =	vperm.xlane v3, v0;
	_ =	sdelay $0x1  }
0x20e: {  	v3 =	vperm.xlane v3, v2;
	v4 =	vadd.s32 v1, v4;
	_ =	sdelay $0x1  }
0x20f: {  	v3 =	vadd.s32 v1, v3;
	_ =	sdelay $0x1  }
0x210: {  	s1 =	simm.s32 $0x2100  }
0x211: {  	[tilespmem:s1], [sflag:$0x1] =	stream.indirect_vreg.gather [hbm4b:s4+s3], $0x80, v4, vm0, $0xb8;
	[tilespmem:$0x14200] =	vst v63  }
0x212: {  	s24 =	simm.s32 $0x2900  }
0x213: {  	[tilespmem:s24], [sflag:$0x1] =	stream.indirect_vreg.gather [hbm4b:s4+s3], $0x80, v3, vm0, $0xb8;
	[tilespmem:$0x14200] =	vst v63  }
0x214: {  	v3 =	vld [tilespmem:$0x30];
	_ =	sdelay $0x4  }
0x215: {  	v57 =	vshll.u32 v3, $0x1  }
0x216: {  	v3 =	vand.u32 $0x7, v3;
	v4 =	vand.u32 $0xFFFFFFF0, v57  }
0x217: {  	v3 =	vor.u32 v3, v4  }
0x218: {  	v4 =	vperm.xlane v3, v0;
	_ =	sdelay $0x1  }
0x219: {  	v3 =	vperm.xlane v3, v2;
	v4 =	vadd.s32 v1, v4;
	_ =	sdelay $0x1  }
0x21a: {  	v3 =	vadd.s32 v1, v3;
	_ =	sdelay $0x1  }
0x21b: {  	s25 =	simm.s32 $0x3100  }
0x21c: {  	[tilespmem:s25], [sflag:$0x1] =	stream.indirect_vreg.gather [hbm4b:s4+s3], $0x80, v4, vm0, $0xb8;
	[tilespmem:$0x14200] =	vst v63  }
0x21d: {  	s26 =	simm.s32 $0x3900  }
0x21e: {  	[tilespmem:s26], [sflag:$0x1] =	stream.indirect_vreg.gather [hbm4b:s4+s3], $0x80, v3, vm0, $0xb8;
	[tilespmem:$0x14200] =	vst v63  }
0x21f: {  	v3 =	vld [tilespmem:$0x40];
	_ =	sdelay $0x4  }
0x220: {  	v58 =	vshll.u32 v3, $0x1  }
0x221: {  	v3 =	vand.u32 $0x7, v3;
	v4 =	vand.u32 $0xFFFFFFF0, v58  }
0x222: {  	v3 =	vor.u32 v3, v4  }
0x223: {  	v4 =	vperm.xlane v3, v0;
	_ =	sdelay $0x1  }
0x224: {  	v3 =	vperm.xlane v3, v2;
	v4 =	vadd.s32 v1, v4;
	_ =	sdelay $0x1  }
0x225: {  	v3 =	vadd.s32 v1, v3;
	_ =	sdelay $0x1  }
0x226: {  	s28 =	simm.s32 $0x4100  }
0x227: {  	[tilespmem:s28], [sflag:$0x1] =	stream.indirect_vreg.gather [hbm4b:s4+s3], $0x80, v4, vm0, $0xb8;
	[tilespmem:$0x14200] =	vst v63  }
0x228: {  	s29 =	simm.s32 $0x4900  }
0x229: {  	[tilespmem:s29], [sflag:$0x1] =	stream.indirect_vreg.gather [hbm4b:s4+s3], $0x80, v3, vm0, $0xb8;
	[tilespmem:$0x14200] =	vst v63  }
0x22a: {  	v3 =	vld [tilespmem:$0x80];
	_ =	sdelay $0x4  }
0x22b: {  	v59 =	vshll.u32 v3, $0x1  }
0x22c: {  	v3 =	vand.u32 $0x7, v3;
	v4 =	vand.u32 $0xFFFFFFF0, v59  }
0x22d: {  	v3 =	vor.u32 v3, v4  }
0x22e: {  	v4 =	vperm.xlane v3, v0;
	_ =	sdelay $0x1  }
0x22f: {  	v3 =	vperm.xlane v3, v2;
	v4 =	vadd.s32 v1, v4;
	_ =	sdelay $0x1  }
0x230: {  	v3 =	vadd.s32 v1, v3;
	_ =	sdelay $0x1  }
0x231: {  	s30 =	simm.s32 $0x5100  }
0x232: {  	[tilespmem:s30], [sflag:$0x2] =	stream.indirect_vreg.gather [hbm4b:s6+s3], $0x80, v4, vm0, $0xb8;
	[tilespmem:$0x14200] =	vst v63  }
0x233: {  	s31 =	simm.s32 $0x5900  }
0x234: {  	[tilespmem:s31], [sflag:$0x2] =	stream.indirect_vreg.gather [hbm4b:s6+s3], $0x80, v3, vm0, $0xb8;
	[tilespmem:$0x14200] =	vst v63  }
0x235: {  	v3 =	vld [tilespmem:$0x90];
	_ =	sdelay $0x4  }
0x236: {  	v60 =	vshll.u32 v3, $0x1  }
0x237: {  	v3 =	vand.u32 $0x7, v3;
	v4 =	vand.u32 $0xFFFFFFF0, v60  }
0x238: {  	v3 =	vor.u32 v3, v4  }
0x239: {  	v4 =	vperm.xlane v3, v0;
	_ =	sdelay $0x1  }
0x23a: {  	v3 =	vperm.xlane v3, v2;
	v4 =	vadd.s32 v1, v4;
	_ =	sdelay $0x1  }
0x23b: {  	v3 =	vadd.s32 v1, v3;
	_ =	sdelay $0x1  }
0x23c: {  	s1 =	simm.s32 $0x6100  }
0x23d: {  	[tilespmem:s1], [sflag:$0x2] =	stream.indirect_vreg.gather [hbm4b:s6+s3], $0x80, v4, vm0, $0xb8;
	[tilespmem:$0x14200] =	vst v63  }
0x23e: {  	s24 =	simm.s32 $0x6900  }
0x23f: {  	[tilespmem:s24], [sflag:$0x2] =	stream.indirect_vreg.gather [hbm4b:s6+s3], $0x80, v3, vm0, $0xb8;
	[tilespmem:$0x14200] =	vst v63  }
0x240: {  	v3 =	vld [tilespmem:$0xA0];
	_ =	sdelay $0x4  }
0x241: {  	v61 =	vshll.u32 v3, $0x1  }
0x242: {  	v3 =	vand.u32 $0x7, v3;
	v4 =	vand.u32 $0xFFFFFFF0, v61  }
0x243: {  	v3 =	vor.u32 v3, v4  }
0x244: {  	v4 =	vperm.xlane v3, v0;
	_ =	sdelay $0x1  }
0x245: {  	v3 =	vperm.xlane v3, v2;
	v4 =	vadd.s32 v1, v4;
	_ =	sdelay $0x1  }
0x246: {  	v3 =	vadd.s32 v1, v3;
	_ =	sdelay $0x1  }
0x247: {  	s25 =	simm.s32 $0x7100  }
0x248: {  	[tilespmem:s25], [sflag:$0x2] =	stream.indirect_vreg.gather [hbm4b:s6+s3], $0x80, v4, vm0, $0xb8;
	[tilespmem:$0x14200] =	vst v63  }
0x249: {  	s26 =	simm.s32 $0x7900  }
0x24a: {  	[tilespmem:s26], [sflag:$0x2] =	stream.indirect_vreg.gather [hbm4b:s6+s3], $0x80, v3, vm0, $0xb8;
	[tilespmem:$0x14200] =	vst v63  }
0x24b: {  	v3 =	vld [tilespmem:$0xB0];
	_ =	sdelay $0x4  }
0x24c: {  	v62 =	vshll.u32 v3, $0x1  }
0x24d: {  	v3 =	vand.u32 $0x7, v3;
	v4 =	vand.u32 $0xFFFFFFF0, v62  }
0x24e: {  	v3 =	vor.u32 v3, v4  }
0x24f: {  	v4 =	vperm.xlane v3, v0;
	_ =	sdelay $0x1  }
0x250: {  	v3 =	vperm.xlane v3, v2;
	v4 =	vadd.s32 v1, v4;
	_ =	sdelay $0x1  }
0x251: {  	v3 =	vadd.s32 v1, v3;
	_ =	sdelay $0x1  }
0x252: {  	s28 =	simm.s32 $0x8100  }
0x253: {  	[tilespmem:s28], [sflag:$0x2] =	stream.indirect_vreg.gather [hbm4b:s6+s3], $0x80, v4, vm0, $0xb8;
	[tilespmem:$0x14200] =	vst v63  }
0x254: {  	s29 =	simm.s32 $0x8900  }
0x255: {  	[tilespmem:s29], [sflag:$0x2] =	stream.indirect_vreg.gather [hbm4b:s6+s3], $0x80, v3, vm0, $0xb8;
	[tilespmem:$0x14200] =	vst v63  }
0x256: {  	v3 =	vld [tilespmem:$0xC0];
	_ =	sdelay $0x4  }
0x257: {  	v63 =	vshll.u32 v3, $0x1  }
0x258: {  	v3 =	vand.u32 $0x7, v3;
	v4 =	vand.u32 $0xFFFFFFF0, v63  }
0x259: {  	v3 =	vor.u32 v3, v4  }
0x25a: {  	v4 =	vperm.xlane v3, v0;
	_ =	sdelay $0x1  }
0x25b: {  	v3 =	vperm.xlane v3, v2;
	v4 =	vadd.s32 v1, v4;
	_ =	sdelay $0x1  }
0x25c: {  	v3 =	vadd.s32 v1, v3;
	_ =	sdelay $0x1  }
0x25d: {  	s30 =	simm.s32 $0x9100  }
0x25e: {  	[tilespmem:s30], [sflag:$0x2] =	stream.indirect_vreg.gather [hbm4b:s6+s3], $0x80, v4, vm0, $0xb8;
	[tilespmem:$0x14200] =	vst v63  }
0x25f: {  	s31 =	simm.s32 $0x9900  }
0x260: {  	[tilespmem:s31], [sflag:$0x2] =	stream.indirect_vreg.gather [hbm4b:s6+s3], $0x80, v3, vm0, $0xb8;
	[tilespmem:$0x14200] =	vst v63  }
.LBB2_6:
0x261: {  	_ =	swait.ge [sflag:s20], $0x5000  }
0x262: {  	[sflag:s20] =	ssyncset.done $0x0  }
0x263: {  	[sflag:s20] =	ssyncadd.s32 $0xFFFFB000  }
0x264: {  	_ =	swait.ge [sflag:s21], $0x5000  }
0x265: {  	s24 =	simm.s32 $0xFFFFFFFC;
	s25 =	simm.s32 $0x0;
	[sflag:s21] =	ssyncset.done $0x0  }
0x266: {  	p0 =	por $0x0, $0x0;
	s26 =	simm.s32 $0x0;
	[sflag:s21] =	ssyncadd.s32 $0xFFFFB000  }
.LBB2_7:
0x267: {  	s0 =	sand.u32 $0x7800, s25;
	s1 =	sand.u32 $0x200, s26  }
0x268: {  	s28 =	sor.u32 s1, s0  }
0x269: {  	v3 =	vld [tilespmem:s28+$0xA200]  }
0x26a: {  	v4 =	vld [tilespmem:s28+$0xF200]  }
0x26b: {  	v5 =	vld [tilespmem:s28+$0xA210]  }
0x26c: {  	v6 =	vld [tilespmem:s28+$0xF210]  }
0x26d: {  	v7 =	vld [tilespmem:s28+$0xA220]  }
0x26e: {  	v8 =	vld [tilespmem:s28+$0xF220]  }
0x26f: {  	v9 =	vld [tilespmem:s28+$0xA230]  }
0x270: {  	v10 =	vld [tilespmem:s28+$0xF230]  }
0x271: {  	v11 =	vld [tilespmem:s28+$0xA240]  }
0x272: {  	v12 =	vld [tilespmem:s28+$0xF240]  }
0x273: {  	v13 =	vld [tilespmem:s28+$0xA250]  }
0x274: {  	v14 =	vld [tilespmem:s28+$0xF250]  }
0x275: {  	v15 =	vld [tilespmem:s28+$0xA260]  }
0x276: {  	v23 =	vld [tilespmem:s28+$0xA270];
	v3 =	vadd.f32 v4, v3  }
0x277: {  	v24 =	vld [tilespmem:s28+$0xF270];
	v5 =	vadd.f32 v6, v5  }
0x278: {  	v22 =	vld [tilespmem:s28+$0xF260];
	v25 =	vadd.f32 v10, v9;
	[tilespmem:s28+$0xA200] =	vst v3  }
0x279: {  	v3 =	vadd.f32 v8, v7;
	[tilespmem:s28+$0xA210] =	vst v5  }
0x27a: {  	s0 =	simm.s32 $0x1;
	v26 =	vadd.f32 v14, v13;
	[tilespmem:s28+$0xA230] =	vst v25  }
0x27b: {  	s0 =	simm.s32 @!p0 $0x0;
	[tilespmem:s28+$0xA220] =	vst v3;
	v3 =	vadd.f32 v12, v11  }
0x27c: {  	s0 =	sshll.u32 s0, $0x9;
	v27 =	vadd.f32 v24, v23;
	[tilespmem:s28+$0xA250] =	vst v26  }
0x27d: {  	s29 =	sadd.s32 s0, s25;
	[tilespmem:s28+$0xA240] =	vst v3;
	v3 =	vadd.f32 v22, v15  }
0x27e: {  	s0 =	sor.u32 $0x400, s29;
	[tilespmem:s28+$0xA270] =	vst v27  }
0x27f: {  	[tilespmem:s28+$0xA260] =	vst v3;
	v3 =	vld [tilespmem:s0+$0xA200]  }
0x280: {  	v4 =	vld [tilespmem:s0+$0xF200];
	_ =	sdelay $0x4  }
0x281: {  	v3 =	vadd.f32 v4, v3;
	_ =	sdelay $0x1  }
0x282: {  	s1 =	sor.u32 $0x410, s29;
	[tilespmem:s0+$0xA200] =	vst v3  }
0x283: {  	v3 =	vld [tilespmem:s1+$0xA200]  }
0x284: {  	v28 =	vld [tilespmem:s1+$0xF200];
	_ =	sdelay $0x4  }
0x285: {  	v3 =	vadd.f32 v28, v3;
	_ =	sdelay $0x1  }
0x286: {  	s30 =	sor.u32 $0x420, s29;
	[tilespmem:s1+$0xA200] =	vst v3  }
0x287: {  	v3 =	vld [tilespmem:s30+$0xA200]  }
0x288: {  	v29 =	vld [tilespmem:s30+$0xF200];
	_ =	sdelay $0x4  }
0x289: {  	v3 =	vadd.f32 v29, v3;
	_ =	sdelay $0x1  }
0x28a: {  	s31 =	sor.u32 $0x430, s29;
	[tilespmem:s30+$0xA200] =	vst v3  }
0x28b: {  	v3 =	vld [tilespmem:s31+$0xA200]  }
0x28c: {  	v30 =	vld [tilespmem:s31+$0xF200];
	_ =	sdelay $0x4  }
0x28d: {  	v3 =	vadd.f32 v30, v3;
	_ =	sdelay $0x1  }
0x28e: {  	s1 =	sor.u32 $0x440, s29;
	[tilespmem:s31+$0xA200] =	vst v3  }
0x28f: {  	v3 =	vld [tilespmem:s1+$0xA200]  }
0x290: {  	v31 =	vld [tilespmem:s1+$0xF200];
	_ =	sdelay $0x4  }
0x291: {  	v3 =	vadd.f32 v31, v3;
	_ =	sdelay $0x1  }
0x292: {  	s30 =	sor.u32 $0x450, s29;
	[tilespmem:s1+$0xA200] =	vst v3  }
0x293: {  	v3 =	vld [tilespmem:s30+$0xA200]  }
0x294: {  	v32 =	vld [tilespmem:s30+$0xF200];
	_ =	sdelay $0x4  }
0x295: {  	v3 =	vadd.f32 v32, v3;
	_ =	sdelay $0x1  }
0x296: {  	s31 =	sor.u32 $0x460, s29;
	[tilespmem:s30+$0xA200] =	vst v3  }
0x297: {  	v3 =	vld [tilespmem:s31+$0xA200]  }
0x298: {  	v33 =	vld [tilespmem:s31+$0xF200];
	_ =	sdelay $0x4  }
0x299: {  	v3 =	vadd.f32 v33, v3;
	_ =	sdelay $0x1  }
0x29a: {  	s1 =	sor.u32 $0x470, s29;
	[tilespmem:s31+$0xA200] =	vst v3  }
0x29b: {  	v3 =	vld [tilespmem:s1+$0xA200]  }
0x29c: {  	v34 =	vld [tilespmem:s1+$0xF200];
	_ =	sdelay $0x4  }
0x29d: {  	v3 =	vadd.f32 v34, v3;
	_ =	sdelay $0x1  }
0x29e: {  	[tilespmem:s1+$0xA200] =	vst v3  }
0x29f: {  	v3 =	vld [tilespmem:s28+$0xA280]  }
0x2a0: {  	v35 =	vld [tilespmem:s28+$0xF280]  }
0x2a1: {  	v36 =	vld [tilespmem:s28+$0xA290]  }
0x2a2: {  	v37 =	vld [tilespmem:s28+$0xF290]  }
0x2a3: {  	v38 =	vld [tilespmem:s28+$0xA2A0]  }
0x2a4: {  	v39 =	vld [tilespmem:s28+$0xF2A0]  }
0x2a5: {  	v40 =	vld [tilespmem:s28+$0xA2B0]  }
0x2a6: {  	v41 =	vld [tilespmem:s28+$0xF2B0]  }
0x2a7: {  	v42 =	vld [tilespmem:s28+$0xA2C0]  }
0x2a8: {  	v43 =	vld [tilespmem:s28+$0xA2D0]  }
0x2a9: {  	v44 =	vld [tilespmem:s28+$0xF2D0]  }
0x2aa: {  	v45 =	vld [tilespmem:s28+$0xA2E0]  }
0x2ab: {  	v46 =	vld [tilespmem:s28+$0xF2E0]  }
0x2ac: {  	v47 =	vld [tilespmem:s28+$0xA2F0];
	v3 =	vadd.f32 v35, v3  }
0x2ad: {  	v48 =	vld [tilespmem:s28+$0xF2F0];
	v5 =	vadd.f32 v37, v36  }
0x2ae: {  	v49 =	vld [tilespmem:s28+$0xF2C0];
	[tilespmem:s28+$0xA280] =	vst v3;
	v3 =	vadd.f32 v39, v38  }
0x2af: {  	v50 =	vadd.f32 v41, v40;
	[tilespmem:s28+$0xA290] =	vst v5  }
0x2b0: {  	[tilespmem:s28+$0xA2A0] =	vst v3;
	v3 =	vadd.f32 v44, v43  }
0x2b1: {  	v51 =	vadd.f32 v46, v45;
	[tilespmem:s28+$0xA2B0] =	vst v50  }
0x2b2: {  	[tilespmem:s28+$0xA2D0] =	vst v3;
	v3 =	vadd.f32 v48, v47  }
0x2b3: {  	s0 =	sadd.s32 $0x80, s29;
	v52 =	vadd.f32 v49, v42;
	[tilespmem:s28+$0xA2E0] =	vst v51  }
0x2b4: {  	s30 =	sor.u32 $0x400, s0;
	[tilespmem:s28+$0xA2F0] =	vst v3  }
0x2b5: {  	[tilespmem:s28+$0xA2C0] =	vst v52;
	v3 =	vld [tilespmem:s30+$0xA200]  }
0x2b6: {  	v4 =	vld [tilespmem:s30+$0xF200];
	_ =	sdelay $0x4  }
0x2b7: {  	v3 =	vadd.f32 v4, v3;
	_ =	sdelay $0x1  }
0x2b8: {  	s31 =	sor.u32 $0x410, s0;
	[tilespmem:s30+$0xA200] =	vst v3  }
0x2b9: {  	v3 =	vld [tilespmem:s31+$0xA200]  }
0x2ba: {  	v53 =	vld [tilespmem:s31+$0xF200];
	_ =	sdelay $0x4  }
0x2bb: {  	v3 =	vadd.f32 v53, v3;
	_ =	sdelay $0x1  }
0x2bc: {  	s30 =	sor.u32 $0x420, s0;
	[tilespmem:s31+$0xA200] =	vst v3  }
0x2bd: {  	v3 =	vld [tilespmem:s30+$0xA200]  }
0x2be: {  	v54 =	vld [tilespmem:s30+$0xF200];
	_ =	sdelay $0x4  }
0x2bf: {  	v3 =	vadd.f32 v54, v3;
	_ =	sdelay $0x1  }
0x2c0: {  	s31 =	sor.u32 $0x430, s0;
	[tilespmem:s30+$0xA200] =	vst v3  }
0x2c1: {  	v3 =	vld [tilespmem:s31+$0xA200]  }
0x2c2: {  	v55 =	vld [tilespmem:s31+$0xF200];
	_ =	sdelay $0x4  }
0x2c3: {  	v3 =	vadd.f32 v55, v3;
	_ =	sdelay $0x1  }
0x2c4: {  	s30 =	sor.u32 $0x440, s0;
	[tilespmem:s31+$0xA200] =	vst v3  }
0x2c5: {  	v3 =	vld [tilespmem:s30+$0xA200]  }
0x2c6: {  	v56 =	vld [tilespmem:s30+$0xF200];
	_ =	sdelay $0x4  }
0x2c7: {  	v3 =	vadd.f32 v56, v3;
	_ =	sdelay $0x1  }
0x2c8: {  	s31 =	sor.u32 $0x450, s0;
	[tilespmem:s30+$0xA200] =	vst v3  }
0x2c9: {  	v3 =	vld [tilespmem:s31+$0xA200]  }
0x2ca: {  	v57 =	vld [tilespmem:s31+$0xF200];
	_ =	sdelay $0x4  }
0x2cb: {  	v3 =	vadd.f32 v57, v3;
	_ =	sdelay $0x1  }
0x2cc: {  	s30 =	sor.u32 $0x460, s0;
	[tilespmem:s31+$0xA200] =	vst v3  }
0x2cd: {  	v3 =	vld [tilespmem:s30+$0xA200]  }
0x2ce: {  	v58 =	vld [tilespmem:s30+$0xF200];
	_ =	sdelay $0x4  }
0x2cf: {  	v3 =	vadd.f32 v58, v3;
	_ =	sdelay $0x1  }
0x2d0: {  	s0 =	sor.u32 $0x470, s0;
	[tilespmem:s30+$0xA200] =	vst v3  }
0x2d1: {  	v3 =	vld [tilespmem:s0+$0xA200]  }
0x2d2: {  	v59 =	vld [tilespmem:s0+$0xF200];
	_ =	sdelay $0x4  }
0x2d3: {  	v3 =	vadd.f32 v59, v3;
	_ =	sdelay $0x1  }
0x2d4: {  	[tilespmem:s0+$0xA200] =	vst v3  }
0x2d5: {  	v3 =	vld [tilespmem:s28+$0xA300]  }
0x2d6: {  	v60 =	vld [tilespmem:s28+$0xF300]  }
0x2d7: {  	v61 =	vld [tilespmem:s28+$0xA310]  }
0x2d8: {  	v62 =	vld [tilespmem:s28+$0xF310]  }
0x2d9: {  	v63 =	vld [tilespmem:s28+$0xA320]  }
0x2da: {  	v18 =	vld [tilespmem:s28+$0xF320]  }
0x2db: {  	v19 =	vld [tilespmem:s28+$0xA330]  }
0x2dc: {  	v20 =	vld [tilespmem:s28+$0xF330]  }
0x2dd: {  	v21 =	vld [tilespmem:s28+$0xA340]  }
0x2de: {  	v22 =	vld [tilespmem:s28+$0xF340]  }
0x2df: {  	v23 =	vld [tilespmem:s28+$0xA350]  }
0x2e0: {  	v24 =	vld [tilespmem:s28+$0xF350]  }
0x2e1: {  	v25 =	vld [tilespmem:s28+$0xA360]  }
0x2e2: {  	v27 =	vld [tilespmem:s28+$0xA370];
	v3 =	vadd.f32 v60, v3  }
0x2e3: {  	v28 =	vld [tilespmem:s28+$0xF370];
	v5 =	vadd.f32 v62, v61  }
0x2e4: {  	v26 =	vld [tilespmem:s28+$0xF360];
	v29 =	vadd.f32 v20, v19;
	[tilespmem:s28+$0xA300] =	vst v3  }
0x2e5: {  	v3 =	vadd.f32 v18, v63;
	[tilespmem:s28+$0xA310] =	vst v5  }
0x2e6: {  	v30 =	vadd.f32 v24, v23;
	[tilespmem:s28+$0xA330] =	vst v29  }
0x2e7: {  	[tilespmem:s28+$0xA320] =	vst v3;
	v3 =	vadd.f32 v22, v21  }
0x2e8: {  	v31 =	vadd.f32 v28, v27;
	[tilespmem:s28+$0xA350] =	vst v30  }
0x2e9: {  	s0 =	sadd.s32 $0x100, s29;
	[tilespmem:s28+$0xA340] =	vst v3;
	v3 =	vadd.f32 v26, v25  }
0x2ea: {  	s31 =	sor.u32 $0x400, s0;
	[tilespmem:s28+$0xA370] =	vst v31  }
0x2eb: {  	[tilespmem:s28+$0xA360] =	vst v3;
	v3 =	vld [tilespmem:s31+$0xA200]  }
0x2ec: {  	v4 =	vld [tilespmem:s31+$0xF200];
	_ =	sdelay $0x4  }
0x2ed: {  	v3 =	vadd.f32 v4, v3;
	_ =	sdelay $0x1  }
0x2ee: {  	s30 =	sor.u32 $0x410, s0;
	[tilespmem:s31+$0xA200] =	vst v3  }
0x2ef: {  	v3 =	vld [tilespmem:s30+$0xA200]  }
0x2f0: {  	v32 =	vld [tilespmem:s30+$0xF200];
	_ =	sdelay $0x4  }
0x2f1: {  	v3 =	vadd.f32 v32, v3;
	_ =	sdelay $0x1  }
0x2f2: {  	s31 =	sor.u32 $0x420, s0;
	[tilespmem:s30+$0xA200] =	vst v3  }
0x2f3: {  	v3 =	vld [tilespmem:s31+$0xA200]  }
0x2f4: {  	v33 =	vld [tilespmem:s31+$0xF200];
	_ =	sdelay $0x4  }
0x2f5: {  	v3 =	vadd.f32 v33, v3;
	_ =	sdelay $0x1  }
0x2f6: {  	s30 =	sor.u32 $0x430, s0;
	[tilespmem:s31+$0xA200] =	vst v3  }
0x2f7: {  	v3 =	vld [tilespmem:s30+$0xA200]  }
0x2f8: {  	v34 =	vld [tilespmem:s30+$0xF200];
	_ =	sdelay $0x4  }
0x2f9: {  	v3 =	vadd.f32 v34, v3;
	_ =	sdelay $0x1  }
0x2fa: {  	s31 =	sor.u32 $0x440, s0;
	[tilespmem:s30+$0xA200] =	vst v3  }
0x2fb: {  	v3 =	vld [tilespmem:s31+$0xA200]  }
0x2fc: {  	v35 =	vld [tilespmem:s31+$0xF200];
	_ =	sdelay $0x4  }
0x2fd: {  	v3 =	vadd.f32 v35, v3;
	_ =	sdelay $0x1  }
0x2fe: {  	s30 =	sor.u32 $0x450, s0;
	[tilespmem:s31+$0xA200] =	vst v3  }
0x2ff: {  	v3 =	vld [tilespmem:s30+$0xA200]  }
0x300: {  	v36 =	vld [tilespmem:s30+$0xF200];
	_ =	sdelay $0x4  }
0x301: {  	v3 =	vadd.f32 v36, v3;
	_ =	sdelay $0x1  }
0x302: {  	s31 =	sor.u32 $0x460, s0;
	[tilespmem:s30+$0xA200] =	vst v3  }
0x303: {  	v3 =	vld [tilespmem:s31+$0xA200]  }
0x304: {  	v37 =	vld [tilespmem:s31+$0xF200];
	_ =	sdelay $0x4  }
0x305: {  	v3 =	vadd.f32 v37, v3;
	_ =	sdelay $0x1  }
0x306: {  	s0 =	sor.u32 $0x470, s0;
	[tilespmem:s31+$0xA200] =	vst v3  }
0x307: {  	v3 =	vld [tilespmem:s0+$0xA200]  }
0x308: {  	v38 =	vld [tilespmem:s0+$0xF200];
	_ =	sdelay $0x4  }
0x309: {  	v3 =	vadd.f32 v38, v3;
	_ =	sdelay $0x1  }
0x30a: {  	[tilespmem:s0+$0xA200] =	vst v3  }
0x30b: {  	v3 =	vld [tilespmem:s28+$0xA380]  }
0x30c: {  	v39 =	vld [tilespmem:s28+$0xF380]  }
0x30d: {  	v40 =	vld [tilespmem:s28+$0xA390]  }
0x30e: {  	v41 =	vld [tilespmem:s28+$0xF390]  }
0x30f: {  	v42 =	vld [tilespmem:s28+$0xA3A0]  }
0x310: {  	v43 =	vld [tilespmem:s28+$0xF3A0]  }
0x311: {  	v44 =	vld [tilespmem:s28+$0xA3B0]  }
0x312: {  	v45 =	vld [tilespmem:s28+$0xF3B0]  }
0x313: {  	v46 =	vld [tilespmem:s28+$0xA3C0]  }
0x314: {  	v47 =	vld [tilespmem:s28+$0xA3D0]  }
0x315: {  	v48 =	vld [tilespmem:s28+$0xF3D0]  }
0x316: {  	v49 =	vld [tilespmem:s28+$0xA3E0]  }
0x317: {  	v50 =	vld [tilespmem:s28+$0xF3E0]  }
0x318: {  	v51 =	vld [tilespmem:s28+$0xA3F0];
	v3 =	vadd.f32 v39, v3  }
0x319: {  	v52 =	vld [tilespmem:s28+$0xF3F0];
	v5 =	vadd.f32 v41, v40  }
0x31a: {  	v53 =	vld [tilespmem:s28+$0xF3C0];
	[tilespmem:s28+$0xA380] =	vst v3;
	v3 =	vadd.f32 v43, v42  }
0x31b: {  	v54 =	vadd.f32 v45, v44;
	[tilespmem:s28+$0xA390] =	vst v5  }
0x31c: {  	[tilespmem:s28+$0xA3A0] =	vst v3;
	v3 =	vadd.f32 v48, v47  }
0x31d: {  	v55 =	vadd.f32 v50, v49;
	[tilespmem:s28+$0xA3B0] =	vst v54  }
0x31e: {  	[tilespmem:s28+$0xA3D0] =	vst v3;
	v3 =	vadd.f32 v52, v51  }
0x31f: {  	s0 =	sadd.s32 $0x180, s29;
	v56 =	vadd.f32 v53, v46;
	[tilespmem:s28+$0xA3E0] =	vst v55  }
0x320: {  	s29 =	sor.u32 $0x400, s0;
	[tilespmem:s28+$0xA3F0] =	vst v3  }
0x321: {  	[tilespmem:s28+$0xA3C0] =	vst v56;
	v3 =	vld [tilespmem:s29+$0xA200]  }
0x322: {  	v4 =	vld [tilespmem:s29+$0xF200];
	_ =	sdelay $0x4  }
0x323: {  	v3 =	vadd.f32 v4, v3;
	_ =	sdelay $0x1  }
0x324: {  	s30 =	sor.u32 $0x410, s0;
	[tilespmem:s29+$0xA200] =	vst v3  }
0x325: {  	v3 =	vld [tilespmem:s30+$0xA200]  }
0x326: {  	v57 =	vld [tilespmem:s30+$0xF200];
	_ =	sdelay $0x4  }
0x327: {  	v3 =	vadd.f32 v57, v3;
	_ =	sdelay $0x1  }
0x328: {  	s31 =	sor.u32 $0x420, s0;
	[tilespmem:s30+$0xA200] =	vst v3  }
0x329: {  	v3 =	vld [tilespmem:s31+$0xA200]  }
0x32a: {  	v58 =	vld [tilespmem:s31+$0xF200];
	_ =	sdelay $0x4  }
0x32b: {  	v3 =	vadd.f32 v58, v3;
	_ =	sdelay $0x1  }
0x32c: {  	s28 =	sor.u32 $0x430, s0;
	[tilespmem:s31+$0xA200] =	vst v3  }
0x32d: {  	v3 =	vld [tilespmem:s28+$0xA200]  }
0x32e: {  	v59 =	vld [tilespmem:s28+$0xF200];
	_ =	sdelay $0x4  }
0x32f: {  	v3 =	vadd.f32 v59, v3;
	_ =	sdelay $0x1  }
0x330: {  	s29 =	sor.u32 $0x440, s0;
	[tilespmem:s28+$0xA200] =	vst v3  }
0x331: {  	v3 =	vld [tilespmem:s29+$0xA200]  }
0x332: {  	v60 =	vld [tilespmem:s29+$0xF200];
	_ =	sdelay $0x4  }
0x333: {  	v3 =	vadd.f32 v60, v3;
	_ =	sdelay $0x1  }
0x334: {  	s30 =	sor.u32 $0x450, s0;
	[tilespmem:s29+$0xA200] =	vst v3  }
0x335: {  	v3 =	vld [tilespmem:s30+$0xA200]  }
0x336: {  	v61 =	vld [tilespmem:s30+$0xF200];
	_ =	sdelay $0x4  }
0x337: {  	v3 =	vadd.f32 v61, v3;
	_ =	sdelay $0x1  }
0x338: {  	s31 =	sor.u32 $0x460, s0;
	[tilespmem:s30+$0xA200] =	vst v3  }
0x339: {  	v3 =	vld [tilespmem:s31+$0xA200]  }
0x33a: {  	v62 =	vld [tilespmem:s31+$0xF200];
	_ =	sdelay $0x4  }
0x33b: {  	v3 =	vadd.f32 v62, v3;
	_ =	sdelay $0x1  }
0x33c: {  	s0 =	sor.u32 $0x470, s0;
	[tilespmem:s31+$0xA200] =	vst v3  }
0x33d: {  	v3 =	vld [tilespmem:s0+$0xA200]  }
0x33e: {  	v63 =	vld [tilespmem:s0+$0xF200]  }
0x33f: {  	s24 =	sadd.s32 $0x4, s24  }
0x340: {  	p1 =	slt.u32 s24, $0x4C  }
.Ltmp2:
0x341: {  	_ = 	snop;
	(pc) =	sbr.rel @p1 .LBB2_7-.Ltmp2, $3  }
0x342: {  	_ = 	snop  }
0x343: {  	v3 =	vadd.f32 v63, v3;
	_ =	sdelay $0x1  }
0x344: {  	s26 =	sadd.s32 $0x200, s26;
	p0 =	por !p0, !p0;
	s25 =	sadd.s32 $0x400, s25;
	[tilespmem:s0+$0xA200] =	vst v3  }
0x345: {  	s22 =	sadd.s32 $0x1, s22  }
0x346: {  	s0 =	sshll.u32 s23, $0x5;
	p0 =	sne.s32 s22, $0x20  }
.Ltmp3:
0x347: {  	s0 =	sadd.s32 s8, s0;
	(pc) =	sbr.rel @p0 .LBB2_2-.Ltmp3, $4  }
0x348: {  	[hbm4b:s0+s3] =	stream.linear.scatter [tilespmem:s18], [sflag:$0x5], $0x5000, $0x38;
	[tilespmem:$0x14200] =	vst v63  }
0x349: {  	_ =	swait.ge [sflag:s14], $0x5000  }
0x34a: {  	[sflag:s14] =	ssyncset.done $0x0  }
0x34b: {  	[sflag:s14] =	ssyncadd.s32 $0xFFFFB000  }
0x34c: {  	s1 =	rddreg [dreg:$0x7]  }
0x34d: {  	s0 =	rddreg [dreg:$0x6];
	s1 =	sadd.s32 $0x1, s1  }
0x34e: {  	p0 =	sne.s32 s1, s0  }
.Ltmp4:
0x34f: {  	_ = 	snop;
	(pc) =	sbr.rel @p0 .LBB2_1-.Ltmp4, $1  }
0x350: {  	_ =	sdelay $0x3  }
0x351: {  	_ =	sfence.sel $0x180000  }
0x352: {  	[bflag:$0x0] =	sbarrier.arrive $0xFFFF  }
0x353: {  	_ =	strace $0x90000047  }
0x354: {  	s0 =	stileid.u32;
	[bflag:$0x2] =	sbarrier.arrive $0xFFFF  }
0x355: {  	p0 =	sne.s32 s0, $0x0;
	s0 =	rddreg [dreg:$0x2]  }
0x356: {  	s0 =	sadd.s32 @!p0 $0x100000, s0  }
0x357: {  	[sflag:s0] =	ssyncadd.tile.s32 @!p0 $0x1;
	_ =	shalt  }
.Lfunc_end2:
_tile_overlayer_lowered:
.L_overlay_start_2:
0x358: {  	(tag) =	ssettag $0x2  }
0x359: {  	s0 =	rddreg [dreg:$0x0];
	s2 =	stileid.u32  }
0x35a: {  	s1 =	rddreg [dreg:$0x1];
	p0 =	sne.s32 s2, $0x0  }
0x35b: {  	s3 =	rddreg [dreg:$0x2];
	[bflag:$0x3] =	sbarrier.arrive $0xFFFF;
	s2 =	simm.s32 @!p0 $0x1C05  }
0x35c: {  	[timem:s3], [sflag:s2] =	dma.local @!p0 [hbm:s0], s1  }
0x35d: {  	s0 =	simm.s32 @!p0 $0x5  }
0x35e: {  	_ =	swait.ge @!p0 [sflag:s0], s1  }
0x35f: {  	s1 =	ssub.s32 @!p0 $0x0, s1;
	[sflag:s0] =	ssyncset.done @!p0 $0x0  }
0x360: {  	[sflag:s0] =	ssyncadd.s32 @!p0 s1  }
0x361: {  	[bflag:$0x3] =	sbarrier.arrive $0xFFFF  }
0x362: {  	_ =	shalt  }

// kernel: kernel.9.cloned.1.call-start
scs
__scs_entry_jumppad:
0x0: {  	(pc) =	sbr.rel $0x88, $3  }
0x1: {  	(tag) =	ssettag $0x0;
	lr =	simm.s32 $0x1  }
0x2: {  	[smem:$0x3F97] =	sst lr;
	_ =	strace $0xD0000000  }
0x3: {  	_ = 	snop  }
0x4: {  	_ = 	snop  }
0x5: {  	_ = 	snop  }
0x6: {  	_ = 	snop  }
0x7: {  	_ = 	snop  }
__scs_overlays_trampoline_lowered:
0x8: {  	[smem:$0x3FA6] =	sst s0  }
0x9: {  	[smem:$0x3FA7] =	sst s1  }
0xa: {  	[smem:$0x3FA8] =	sst s2  }
0xb: {  	[smem:$0x3FA9] =	sst s3  }
0xc: {  	[smem:$0x3FAA] =	sst s4  }
0xd: {  	[smem:$0x3FAB] =	sst s5  }
0xe: {  	[smem:$0x3FAC] =	sst s6  }
0xf: {  	[smem:$0x3FAD] =	sst s7  }
0x10: {  	[smem:$0x3FAE] =	sst s8  }
0x11: {  	[smem:$0x3FAF] =	sst s9;
	s0 =	simm.s32 @!p0 $0x0  }
0x12: {  	s1 =	sld [smem:$0x3F95];
	s0 =	simm.s32 @p0 $0x1  }
0x13: {  	[smem:$0x3FB0] =	sst s0;
	s0 =	simm.s32 @!p1 $0x0  }
0x14: {  	s2 =	sld [smem:$0x3F94];
	s0 =	simm.s32 @p1 $0x1  }
0x15: {  	[smem:$0x3FB1] =	sst s0;
	s0 =	simm.s32 @!p2 $0x0  }
0x16: {  	s3 =	sld [smem:$0x3FDB];
	s0 =	simm.s32 @p2 $0x1  }
0x17: {  	s4 =	simm.s32 $0x1BF5;
	[smem:$0x3FB3] =	sst s0  }
0x18: {  	s0 =	sld [smem:$0x3F96];
	_ =	swait.ge [sflag:s4], $0x0  }
0x19: {  	s7 =	sld [smem:$0x3F97]  }
0x1a: {  	s8 =	sadd.s32 $0xFFFFE003, lr  }
0x1b: {  	s9 =	sadd.s32 $0xFFFFFEF7, lr;
	s5 =	simm.s32 $0xFFFFFFFF;
	p2 =	slt.u32 s8, $0xFFFFF086  }
0x1c: {  	p1 =	slt.u32 s9, $0xF7A;
	s5 =	simm.s32 @!p2 $0x0  }
0x1d: {  	s5 =	simm.s32 @p1 $0x1;
	p0 =	seq.s32 s7, s2  }
0x1e: {  	s7 =	smul.u32 @!p0 $0xF7A, s2;
	p2 =	seq.s32 @!p0 s5, $0x0  }
0x1f: {  	s9 =	smul.u32 $0xF7A, s1;
	s8 =	simm.s32 @!p0 $0x1BF5;
	p2 =	por !p2, p0  }
0x20: {  	[sflag:s8] =	ssyncset.s32 @!p0 $0xFFFFF086;
	s6 =	sadd.s32 @!p0 s3, s7;
	s7 =	simm.s32 @!p0 $0x108  }
0x21: {  	s3 =	sadd.s32 s3, s9;
	s6 =	sadd.s32 @!p0 $0x88, s6;
	s7 =	simm.s32 @p2 $0x1082  }
0x22: {  	[simem:s7], [sflag:s8] =	dma.local @!p0 [hbm:s6], $0xF7A  }
0x23: {  	s9 =	sor.u32 $0xD0000000, s2;
	s6 =	simm.s32 $0x108;
	_ =	swait.ge @!p0 [sflag:s8], $0x0  }
0x24: {  	s3 =	sadd.s32 $0x88, s3;
	s6 =	simm.s32 @!p1 $0x1082;
	[sflag:s4] =	ssyncset.s32 $0xFFFFF086  }
0x25: {  	[simem:s6], [sflag:s4] =	dma.local [hbm:s3], $0xF7A  }
0x26: {  	[smem:$0x3F97] =	sst s1;
	(tag) =	ssettag s2;
	_ =	strace s9  }
0x27: {  	s1 =	sld [smem:$0x3FA7]  }
0x28: {  	s2 =	sld [smem:$0x3FA8]  }
0x29: {  	s4 =	sld [smem:$0x3FAA]  }
0x2a: {  	p0 =	seq.s32 s5, $0x0;
	s5 =	sld [smem:$0x3FAB]  }
0x2b: {  	s6 =	sld [smem:$0x3FAC]  }
0x2c: {  	s7 =	sld [smem:$0x3FAD]  }
0x2d: {  	s3 =	simm.s32 $0x108;
	s8 =	sld [smem:$0x3FAE]  }
0x2e: {  	s3 =	simm.s32 @!p0 $0x1082;
	s9 =	sld [smem:$0x3FAF]  }
0x2f: {  	lr =	sadd.s32 s0, s3;
	s0 =	sld [smem:$0x3FA6]  }
0x30: {  	s3 =	sld [smem:$0x3FA9]  }
0x31: {  	[smem:$0x3FB2] =	sst s10  }
0x32: {  	s10 =	sld [smem:$0x3FB0];
	_ =	sdelay $0x3  }
0x33: {  	p0 =	seq.s32 s10, $0x1;
	s10 =	sld [smem:$0x3FB2];
	_ =	sdelay $0x3  }
0x34: {  	[smem:$0x3FB2] =	sst s10  }
0x35: {  	s10 =	sld [smem:$0x3FB1];
	_ =	sdelay $0x3  }
0x36: {  	p1 =	seq.s32 s10, $0x1;
	s10 =	sld [smem:$0x3FB2];
	_ =	sdelay $0x3  }
0x37: {  	[smem:$0x3FB2] =	sst s10  }
0x38: {  	s10 =	sld [smem:$0x3FB3]  }
0x39: {  	_ = 	snop;
	(pc) =	sbr.ind lr, $3  }
0x3a: {  	_ = 	snop  }
0x3b: {  	_ = 	snop  }
0x3c: {  	p2 =	seq.s32 s10, $0x1;
	s10 =	sld [smem:$0x3FB2]  }
0x3d: {  	_ =	shalt  }
0x3e: {  	_ =	shalt  }
0x3f: {  	_ =	shalt  }
0x40: {  	_ =	shalt  }
0x41: {  	_ =	shalt  }
0x42: {  	_ =	shalt  }
0x43: {  	_ =	shalt  }
0x44: {  	_ =	shalt  }
0x45: {  	_ =	shalt  }
0x46: {  	_ =	shalt  }
0x47: {  	_ =	shalt  }
0x48: {  	_ =	shalt  }
0x49: {  	_ =	shalt  }
0x4a: {  	_ =	shalt  }
0x4b: {  	_ =	shalt  }
0x4c: {  	_ =	shalt  }
0x4d: {  	_ =	shalt  }
0x4e: {  	_ =	shalt  }
0x4f: {  	_ =	shalt  }
0x50: {  	_ =	shalt  }
0x51: {  	_ =	shalt  }
0x52: {  	_ =	shalt  }
0x53: {  	_ =	shalt  }
0x54: {  	_ =	shalt  }
0x55: {  	_ =	shalt  }
0x56: {  	_ =	shalt  }
0x57: {  	_ =	shalt  }
0x58: {  	_ =	shalt  }
0x59: {  	_ =	shalt  }
0x5a: {  	_ =	shalt  }
0x5b: {  	_ =	shalt  }
0x5c: {  	_ =	shalt  }
0x5d: {  	_ =	shalt  }
0x5e: {  	_ =	shalt  }
0x5f: {  	_ =	shalt  }
0x60: {  	_ =	shalt  }
0x61: {  	_ =	shalt  }
0x62: {  	_ =	shalt  }
0x63: {  	_ =	shalt  }
0x64: {  	_ =	shalt  }
0x65: {  	_ =	shalt  }
0x66: {  	_ =	shalt  }
0x67: {  	_ =	shalt  }
0x68: {  	_ =	shalt  }
0x69: {  	_ =	shalt  }
0x6a: {  	_ =	shalt  }
0x6b: {  	_ =	shalt  }
0x6c: {  	_ =	shalt  }
0x6d: {  	_ =	shalt  }
0x6e: {  	_ =	shalt  }
0x6f: {  	_ =	shalt  }
0x70: {  	_ =	shalt  }
0x71: {  	_ =	shalt  }
0x72: {  	_ =	shalt  }
0x73: {  	_ =	shalt  }
0x74: {  	_ =	shalt  }
0x75: {  	_ =	shalt  }
0x76: {  	_ =	shalt  }
0x77: {  	_ =	shalt  }
0x78: {  	_ =	shalt  }
0x79: {  	_ =	shalt  }
0x7a: {  	_ =	shalt  }
0x7b: {  	_ =	shalt  }
0x7c: {  	_ =	shalt  }
0x7d: {  	_ =	shalt  }
0x7e: {  	_ =	shalt  }
0x7f: {  	_ =	shalt  }
0x80: {  	_ =	shalt  }
0x81: {  	_ =	shalt  }
0x82: {  	_ =	shalt  }
0x83: {  	_ =	shalt  }
0x84: {  	_ =	shalt  }
0x85: {  	_ =	shalt  }
0x86: {  	_ =	shalt  }
0x87: {  	_ =	shalt  }
.Lfunc_end0:
.L_simem_size_0:
called_computation.1_lowered:
.L_overlay_start_0:
0x88: {  	s2 =	sld [smem:$0x3FD9]  }
0x89: {  	s3 =	sld [smem:$0x3FFE];
	_ =	sdelay $0x1  }
0x8a: {  	s1 =	srdreg.scid  }
0x8b: {  	s0 =	sand.u32 $0x1, s1  }
0x8c: {  	s14 =	sshll.u32 s0, $0xA;
	s2 =	sadd.s32 s3, s2  }
0x8d: {  	s2 =	sadd.s32 s2, s14  }
0x8e: {  	[smem:$0x3FBE] =	sst s2  }
0x8f: {  	_ = 	snop  }
0x90: {  	s2 =	sld [smem:$0x3FD0];
	_ =	sdelay $0x2  }
0x91: {  	s4 =	simm.s32 $0xA;
	s5 =	simm.s32 $0x10;
	s15 =	sld [smem:$0x3FC4]  }
0x92: {  	[smem:s5], [sflag:s4] =	dma.local [hbm:s2], $0x1  }
0x93: {  	_ =	swait.eq [sflag:s4], $0x1  }
0x94: {  	s16 =	sld [smem:$0x11];
	[sflag:s4] =	ssyncset.done $0x0  }
0x95: {  	s17 =	sld [smem:$0x12];
	[sflag:s4] =	ssyncadd.s32 $0xFFFFFFFF  }
0x96: {  	s18 =	sld [smem:$0x15];
	(tm) =	ssettm $0x1  }
0x97: {  	s6 =	sld [smem:$0x3FFB];
	_ =	sdelay $0x3  }
0x98: {  	_ =	strace s6  }
0x99: {  	s6 =	sld [smem:$0x3FFC];
	_ =	sdelay $0x3  }
0x9a: {  	_ =	strace s6  }
0x9b: {  	s6 =	sld [smem:$0x3FFD];
	_ =	sdelay $0x3  }
0x9c: {  	_ =	strace s6  }
0x9d: {  	_ =	strace $0x8FFFFFFF  }
0x9e: {  	s19 =	sld [smem:$0x3FDB];
	_ =	sdelay $0x1  }
0x9f: {  	s7 =	simm.s32 $_scs_section_size  }
0xa0: {  	s8 =	simm.s32 $_size__tile_overlayer_lowered;
	s9 =	simm.s32 $_tile_overlayer_lowered  }
0xa1: {  	s22 =	simm.s32 $0x1BFF;
	s21 =	sshll.u32 s9, $0x1;
	s6 =	sadd.s32 s7, s19  }
0xa2: {  	s10 =	simm.s32 $0x0;
	s20 =	sshll.u32 s8, $0x1;
	s8 =	sadd.s32 s21, s6  }
0xa3: {  	[timem:s10], [sflag:s22] =	dma.local [hbm:s8], s20  }
0xa4: {  	_ =	swait.ge [sflag:s22], s20  }
0xa5: {  	s7 =	ssub.s32 $0x0, s20;
	[sflag:s22] =	ssyncset.done $0x0  }
0xa6: {  	[sflag:s22] =	ssyncadd.s32 s7;
	_ =	sdelay $0x1  }
0xa7: {  	s23 =	simm.s32 $0x1B8B  }
0xa8: {  	_ =	swait.ge [sflag:s23], $0x1  }
0xa9: {  	[sflag:s23] =	ssyncset.done $0x0  }
0xaa: {  	s25 =	simm.s32 $0x1B8E;
	s24 =	sld [smem:$0x3FFE];
	[sflag:s23] =	ssyncadd.s32 $0xFFFFFFFF  }
0xab: {  	s26 =	simm.s32 $execute0_lowered;
	[smem:$0x3FD2] =	sst s25  }
0xac: {  	s8 =	sshll.u32 s26, $0x1;
	_ =	strace $0x80000049;
	[dreg:$0x1] =	wrdreg $0xFFFFFFFF  }
0xad: {  	s28 =	simm.s32 $_size_execute0_lowered;
	s6 =	sadd.s32 s6, s8;
	[dreg:$0x0] =	wrdreg $0x0  }
0xae: {  	s8 =	sshll.u32 s28, $0x1;
	[dreg:$0x2] =	wrdreg s6  }
0xaf: {  	[dreg:$0x3] =	wrdreg s8  }
0xb0: {  	[dreg:$0x4] =	wrdreg $0xC0  }
0xb1: {  	_ =	task [dreg:s10], $0x5FFFF  }
0xb2: {  	[dreg:$0x1] =	wrdreg $0xFFFFFFFF  }
0xb3: {  	[dreg:$0x0] =	wrdreg $0x60  }
0xb4: {  	[dreg:$0x2] =	wrdreg s24  }
0xb5: {  	[dreg:$0x3] =	wrdreg s15  }
0xb6: {  	[dreg:$0x4] =	wrdreg s17  }
0xb7: {  	[dreg:$0x5] =	wrdreg s16  }
0xb8: {  	[dreg:$0x6] =	wrdreg s18  }
0xb9: {  	[dreg:$0x7] =	wrdreg $0x9  }
0xba: {  	_ =	task.clear_ibuf [dreg:s10], $0x8FFFF;
	_ =	strace $0x90000049  }
0xbb: {  	s29 =	simm.s32 $0x9;
	_ =	strace $0x8000004B  }
0xbc: {  	_ =	swait.ge [sflag:s29], $0x1  }
0xbd: {  	[sflag:s29] =	ssyncadd.s32 $0xFFFFFFFF  }
0xbe: {  	_ =	strace $0x9000004B  }
0xbf: {  	_ =	sfence  }
0xc0: {  	s30 =	sld [smem:$0x0];
	_ =	sdelay $0x2  }
0xc1: {  	s31 =	sshll.u32 s1, $0xD;
	s1 =	sshrl.u32 s1, $0x2  }
0xc2: {  	s3 =	sand.u32 $0x4000, s31;
	s1 =	sadd.s32 s1, s30  }
0xc3: {  	s0 =	sor.u32 s3, s0;
	s1 =	sshll.u32 s1, $0x11  }
0xc4: {  	s0 =	sor.u32 s1, s0  }
0xc5: {  	s0 =	sadd.s32 $0x8F2B, s0  }
0xc6: {  	[sflag:s0] =	ssyncadd.remote.s32 $0x1  }
0xc7: {  	_ =	sfence.sel $0xFFFF  }
0xc8: {  	[dreg:$0x0] =	wrdreg $0xFFFFFFFF;
	(pc) =	sbr.abs _section_cstart, $3  }
0xc9: {  	[dreg:$0x1] =	wrdreg $0xFFFFFFFF  }
0xca: {  	_ =	task.clear_ibuf [dreg:s10], $0x2FFFF;
	_ =	strace $0x9FFFFFFF  }
0xcb: {  	(tm) =	ssettm $0x7FFFFFFF  }
tec
execute0_lowered:
.L_overlay_start_1:
0x0: {  	(tag) =	ssettag $0x1  }
0x1: {  	s0 =	rddreg [dreg:$0x0]  }
0x2: {  	s1 =	rddreg [dreg:$0x1]  }
0x3: {  	s5 =	rddreg [dreg:$0x2]  }
0x4: {  	s6 =	rddreg [dreg:$0x3]  }
0x5: {  	s8 =	rddreg [dreg:$0x4];
	s4 =	srdreg.scid  }
0x6: {  	s2 =	stileid.u32;
	s15 =	simm.s32 $0x100;
	s16 =	simm.s32 $0x180  }
0x7: {  	s17 =	simm.s32 $0x980;
	s18 =	simm.s32 $0x1180;
	s19 =	simm.s32 $0x1980  }
0x8: {  	s20 =	simm.s32 $0x2180;
	s21 =	simm.s32 $0x2980;
	s22 =	simm.s32 $0x3180  }
0x9: {  	s23 =	simm.s32 $0x3980;
	s24 =	simm.s32 $0x4180;
	s28 =	simm.s32 $0x5980  }
0xa: {  	s29 =	simm.s32 $0x1;
	s30 =	simm.s32 $0x2;
	s31 =	simm.s32 $0x3  }
0xb: {  	[dreg:$0x7] =	wrdreg s1;
	s1 =	simm.s32 $0x0;
	s3 =	sadd.s32 $0x50E00, s0  }
0xc: {  	s7 =	sadd.s32 $0xA9000, s0;
	s9 =	sand.u32 $0x1, s4;
	s10 =	sshll.u32 s2, $0x1  }
0xd: {  	s4 =	sadd.s32 $0x2C00, s0;
	[smem:$0x7FF] =	sst s1;
	s25 =	sor.u32 s9, s10  }
0xe: {  	s9 =	ssub.s32 $0x2, s9;
	_ =	strace $0x8000004A;
	[dreg:$0x6] =	wrdreg s7  }
0xf: {  	s10 =	sadd.s32 s25, s0;
	s11 =	smul.u32 $0x500, s25;
	s12 =	sshll.u32 s25, $0x8  }
0x10: {  	s13 =	sshrl.u32 s9, $0x1;
	s7 =	smul.u32 $0x5, s25;
	s25 =	simm.s32 $0x4980  }
0x11: {  	s26 =	ssub.s32 s9, s13;
	s13 =	simm.s32 $0x5;
	s14 =	sadd.s32 s11, s0  }
0x12: {  	s0 =	sadd.s32 s12, s0;
	s5 =	sadd.s32 s5, s7;
	s6 =	sadd.s32 s6, s7  }
0x13: {  	v2 =	vlaneseq.u32;
	s7 =	sadd.s32 $0x9F000, s10;
	s8 =	sadd.s32 s8, s11;
	s12 =	smax.u32 s26, $0x1  }
0x14: {  	vm0 =	vmmov $0xffff;
	v1 =	vshrl.u32 v2, $0x3;
	s26 =	simm.s32 $0x5180;
	s9 =	sadd.s32 $0x5A9000, s14;
	s10 =	sadd.s32 $0x9F400, s0  }
0x15: {  	v0 =	vand.u32 $0x7, v2;
	v2 =	vor.u32 $0x8, v2;
	v1 =	vmul.u32 $0x8, v1;
	s11 =	sadd.s32 $0xA1400, s0;
	s14 =	simm.s32 $0x80;
	s0 =	simm.s32 $0x4  }
.LBB2_1:
0x16: {  	[tilespmem:s1], [sflag:$0x5] =	stream.linear.gather [hbm4b:s5+s1], $0x28, $0x38;
	[tilespmem:$0x6180] =	vst v63  }
0x17: {  	_ =	swait.ge [sflag:s13], $0x28  }
0x18: {  	[sflag:s13] =	ssyncset.done $0x0  }
0x19: {  	[sflag:s13] =	ssyncadd.s32 $0xFFFFFFD8  }
0x1a: {  	[tilespmem:s14], [sflag:$0x5] =	stream.linear.gather [hbm4b:s6+s1], $0x28, $0x38;
	[tilespmem:$0x6180] =	vst v63  }
0x1b: {  	_ =	swait.ge [sflag:s13], $0x28  }
0x1c: {  	[sflag:s13] =	ssyncset.done $0x0  }
0x1d: {  	[sflag:s13] =	ssyncadd.s32 $0xFFFFFFD8  }
0x1e: {  	[tilespmem:s15], [sflag:$0x5] =	stream.linear.gather [hbm4b:s7+s1], $0x8, $0x38;
	[tilespmem:$0x6180] =	vst v63  }
0x1f: {  	_ =	swait.ge [sflag:s13], $0x8  }
0x20: {  	[sflag:s13] =	ssyncset.done $0x0  }
0x21: {  	[sflag:s13] =	ssyncadd.s32 $0xFFFFFFF8  }
0x22: {  	v3 =	vld [tilespmem:$0x0];
	_ =	sdelay $0x4  }
0x23: {  	v4 =	vshll.u32 v3, $0x1  }
0x24: {  	v3 =	vand.u32 $0x7, v3;
	v4 =	vand.u32 $0xFFFFFFF0, v4  }
0x25: {  	v3 =	vor.u32 v3, v4  }
0x26: {  	v4 =	vperm.xlane v3, v0;
	_ =	sdelay $0x1  }
0x27: {  	v3 =	vperm.xlane v3, v2;
	v4 =	vadd.s32 v1, v4;
	_ =	sdelay $0x1  }
0x28: {  	v3 =	vadd.s32 v1, v3;
	_ =	sdelay $0x2  }
0x29: {  	[tilespmem:s16], [sflag:$0x1] =	stream.indirect_vreg.gather [hbm4b:s3+s1], $0x80, v4, vm0, $0xb8;
	[tilespmem:$0x6180] =	vst v63  }
0x2a: {  	_ = 	snop  }
0x2b: {  	[tilespmem:s17], [sflag:$0x1] =	stream.indirect_vreg.gather [hbm4b:s3+s1], $0x80, v3, vm0, $0xb8;
	[tilespmem:$0x6180] =	vst v63  }
0x2c: {  	v3 =	vld [tilespmem:$0x10];
	_ =	sdelay $0x4  }
0x2d: {  	v57 =	vshll.u32 v3, $0x1  }
0x2e: {  	v3 =	vand.u32 $0x7, v3;
	v4 =	vand.u32 $0xFFFFFFF0, v57  }
0x2f: {  	v3 =	vor.u32 v3, v4  }
0x30: {  	v4 =	vperm.xlane v3, v0;
	_ =	sdelay $0x1  }
0x31: {  	v3 =	vperm.xlane v3, v2;
	v4 =	vadd.s32 v1, v4;
	_ =	sdelay $0x1  }
0x32: {  	v3 =	vadd.s32 v1, v3;
	_ =	sdelay $0x2  }
0x33: {  	[tilespmem:s18], [sflag:$0x1] =	stream.indirect_vreg.gather [hbm4b:s3+s1], $0x80, v4, vm0, $0xb8;
	[tilespmem:$0x6180] =	vst v63  }
0x34: {  	_ = 	snop  }
0x35: {  	[tilespmem:s19], [sflag:$0x1] =	stream.indirect_vreg.gather [hbm4b:s3+s1], $0x80, v3, vm0, $0xb8;
	[tilespmem:$0x6180] =	vst v63  }
0x36: {  	v3 =	vld.msk [tilespmem:$0x20], $0xff;
	_ =	sdelay $0x4  }
0x37: {  	v58 =	vshll.u32 v3, $0x1  }
0x38: {  	v3 =	vand.u32 $0x7, v3;
	v4 =	vand.u32 $0xFFFFFFF0, v58  }
0x39: {  	v3 =	vor.u32 v3, v4  }
0x3a: {  	v3 =	vperm.xlane v3, v0;
	_ =	sdelay $0x1  }
0x3b: {  	v3 =	vadd.s32 v1, v3;
	_ =	sdelay $0x4  }
0x3c: {  	[tilespmem:s20], [sflag:$0x1] =	stream.indirect_vreg.gather [hbm4b:s3+s1], $0x80, v3, vm0, $0xb8;
	[tilespmem:$0x6180] =	vst v63  }
0x3d: {  	v3 =	vld [tilespmem:$0x80];
	_ =	sdelay $0x4  }
0x3e: {  	v59 =	vshll.u32 v3, $0x1  }
0x3f: {  	v3 =	vand.u32 $0x7, v3;
	v4 =	vand.u32 $0xFFFFFFF0, v59  }
0x40: {  	v3 =	vor.u32 v3, v4  }
0x41: {  	v4 =	vperm.xlane v3, v0;
	_ =	sdelay $0x1  }
0x42: {  	v3 =	vperm.xlane v3, v2;
	v4 =	vadd.s32 v1, v4;
	_ =	sdelay $0x1  }
0x43: {  	v3 =	vadd.s32 v1, v3;
	_ =	sdelay $0x2  }
0x44: {  	[tilespmem:s21], [sflag:$0x2] =	stream.indirect_vreg.gather [hbm4b:s4+s1], $0x80, v4, vm0, $0xb8;
	[tilespmem:$0x6180] =	vst v63  }
0x45: {  	_ = 	snop  }
0x46: {  	[tilespmem:s22], [sflag:$0x2] =	stream.indirect_vreg.gather [hbm4b:s4+s1], $0x80, v3, vm0, $0xb8;
	[tilespmem:$0x6180] =	vst v63  }
0x47: {  	v3 =	vld [tilespmem:$0x90];
	_ =	sdelay $0x4  }
0x48: {  	v60 =	vshll.u32 v3, $0x1  }
0x49: {  	v3 =	vand.u32 $0x7, v3;
	v4 =	vand.u32 $0xFFFFFFF0, v60  }
0x4a: {  	v3 =	vor.u32 v3, v4  }
0x4b: {  	v4 =	vperm.xlane v3, v0;
	_ =	sdelay $0x1  }
0x4c: {  	v3 =	vperm.xlane v3, v2;
	v4 =	vadd.s32 v1, v4;
	_ =	sdelay $0x1  }
0x4d: {  	v3 =	vadd.s32 v1, v3;
	_ =	sdelay $0x2  }
0x4e: {  	[tilespmem:s23], [sflag:$0x2] =	stream.indirect_vreg.gather [hbm4b:s4+s1], $0x80, v4, vm0, $0xb8;
	[tilespmem:$0x6180] =	vst v63  }
0x4f: {  	_ = 	snop  }
0x50: {  	[tilespmem:s24], [sflag:$0x2] =	stream.indirect_vreg.gather [hbm4b:s4+s1], $0x80, v3, vm0, $0xb8;
	[tilespmem:$0x6180] =	vst v63  }
0x51: {  	v3 =	vld.msk [tilespmem:$0xA0], $0xff;
	_ =	sdelay $0x4  }
0x52: {  	v61 =	vshll.u32 v3, $0x1  }
0x53: {  	v3 =	vand.u32 $0x7, v3;
	v4 =	vand.u32 $0xFFFFFFF0, v61  }
0x54: {  	v3 =	vor.u32 v3, v4  }
0x55: {  	v3 =	vperm.xlane v3, v0;
	_ =	sdelay $0x1  }
0x56: {  	v3 =	vadd.s32 v1, v3;
	_ =	sdelay $0x4  }
0x57: {  	[tilespmem:s25], [sflag:$0x2] =	stream.indirect_vreg.gather [hbm4b:s4+s1], $0x80, v3, vm0, $0xb8;
	[tilespmem:$0x6180] =	vst v63  }
0x58: {  	v3 =	vld.msk [tilespmem:$0x100], $0xff;
	_ =	sdelay $0x4  }
0x59: {  	v62 =	vshll.u32 v3, $0x1  }
0x5a: {  	v3 =	vand.u32 $0x7, v3;
	v4 =	vand.u32 $0xFFFFFFF0, v62  }
0x5b: {  	v3 =	vor.u32 v3, v4  }
0x5c: {  	v3 =	vperm.xlane v3, v0;
	_ =	sdelay $0x1  }
0x5d: {  	v3 =	vadd.s32 v1, v3;
	_ =	sdelay $0x3  }
0x5e: {  	s2 =	rddreg [dreg:$0x6]  }
0x5f: {  	[tilespmem:s26], [sflag:$0x3] =	stream.indirect_vreg.gather [hbm4b:s2+s1], $0x80, v3, vm0, $0xb8;
	[tilespmem:$0x6180] =	vst v63  }
0x60: {  	v3 =	vld.msk [tilespmem:$0x100], $0xff;
	_ =	sdelay $0x4  }
0x61: {  	v63 =	vshll.u32 v3, $0x1  }
0x62: {  	v3 =	vand.u32 $0x7, v3;
	v4 =	vand.u32 $0xFFFFFFF0, v63  }
0x63: {  	v3 =	vor.u32 v3, v4  }
0x64: {  	v3 =	vperm.xlane v3, v0;
	_ =	sdelay $0x1  }
0x65: {  	v3 =	vadd.s32 v1, v3;
	_ =	sdelay $0x3  }
0x66: {  	s2 =	rddreg [dreg:$0x7]  }
0x67: {  	[tilespmem:s28], [sflag:$0x4] =	stream.indirect_vreg.gather [hbm4b:s2+s1], $0x80, v3, vm0, $0xb8;
	[tilespmem:$0x6180] =	vst v63  }
0x68: {  	_ =	swait.ge [sflag:s29], $0x2800  }
0x69: {  	[sflag:s29] =	ssyncset.done $0x0  }
0x6a: {  	[sflag:s29] =	ssyncadd.s32 $0xFFFFD800  }
0x6b: {  	_ =	swait.ge [sflag:s30], $0x2800  }
0x6c: {  	[sflag:s30] =	ssyncset.done $0x0  }
0x6d: {  	[sflag:s30] =	ssyncadd.s32 $0xFFFFD800  }
0x6e: {  	_ =	swait.ge [sflag:s31], $0x800  }
0x6f: {  	[sflag:s31] =	ssyncset.done $0x0  }
0x70: {  	[sflag:s31] =	ssyncadd.s32 $0xFFFFF800  }
0x71: {  	_ =	swait.ge [sflag:s0], $0x800  }
0x72: {  	[sflag:s0] =	ssyncset.done $0x0  }
0x73: {  	[sflag:s0] =	ssyncadd.s32 $0xFFFFF800  }
0x74: {  	[hbm4b:s8+s1] =	stream.linear.scatter [tilespmem:s16], [sflag:$0x5], $0x2800, $0x38;
	[tilespmem:$0x6180] =	vst v63  }
0x75: {  	_ =	swait.ge [sflag:s13], $0x2800  }
0x76: {  	[sflag:s13] =	ssyncset.done $0x0  }
0x77: {  	[sflag:s13] =	ssyncadd.s32 $0xFFFFD800  }
0x78: {  	[hbm4b:s9+s1] =	stream.linear.scatter [tilespmem:s21], [sflag:$0x5], $0x2800, $0x38;
	[tilespmem:$0x6180] =	vst v63  }
0x79: {  	_ =	swait.ge [sflag:s13], $0x2800  }
0x7a: {  	[sflag:s13] =	ssyncset.done $0x0  }
0x7b: {  	[sflag:s13] =	ssyncadd.s32 $0xFFFFD800  }
0x7c: {  	[hbm4b:s10+s1] =	stream.linear.scatter [tilespmem:s26], [sflag:$0x5], $0x800, $0x38;
	[tilespmem:$0x6180] =	vst v63  }
0x7d: {  	_ =	swait.ge [sflag:s13], $0x800  }
0x7e: {  	p0 =	sne.s32 s12, $0x1;
	[sflag:s13] =	ssyncset.done $0x0  }
.Ltmp0:
0x7f: {  	[sflag:s13] =	ssyncadd.s32 $0xFFFFF800;
	(pc) =	sbr.rel @p0 .LBB2_1-.Ltmp0, $4  }
0x80: {  	[hbm4b:s11+s1] =	stream.linear.scatter [tilespmem:s28], [sflag:$0x5], $0x800, $0x38;
	[tilespmem:$0x6180] =	vst v63  }
0x81: {  	_ =	swait.ge [sflag:s13], $0x800  }
0x82: {  	[sflag:s13] =	ssyncset.done $0x0  }
0x83: {  	s12 =	sadd.s32 $0xFFFFFFFF, s12;
	[sflag:s13] =	ssyncadd.s32 $0xFFFFF800  }
0x84: {  	_ =	sfence.sel $0x180000  }
0x85: {  	[bflag:$0x0] =	sbarrier.arrive $0xFFFF  }
0x86: {  	_ =	strace $0x9000004A  }
0x87: {  	s0 =	stileid.u32;
	[bflag:$0x2] =	sbarrier.arrive $0xFFFF  }
0x88: {  	p0 =	sne.s32 s0, $0x0;
	s0 =	rddreg [dreg:$0x5]  }
0x89: {  	s0 =	sadd.s32 @!p0 $0x100000, s0  }
0x8a: {  	[sflag:s0] =	ssyncadd.tile.s32 @!p0 $0x1;
	_ =	shalt  }
.Lfunc_end2:
_tile_overlayer_lowered:
.L_overlay_start_2:
0x8b: {  	(tag) =	ssettag $0x2  }
0x8c: {  	s0 =	rddreg [dreg:$0x0];
	s2 =	stileid.u32  }
0x8d: {  	s1 =	rddreg [dreg:$0x1];
	p0 =	sne.s32 s2, $0x0  }
0x8e: {  	s3 =	rddreg [dreg:$0x2];
	[bflag:$0x3] =	sbarrier.arrive $0xFFFF;
	s2 =	simm.s32 @!p0 $0x1C05  }
0x8f: {  	[timem:s3], [sflag:s2] =	dma.local @!p0 [hbm:s0], s1  }
0x90: {  	s0 =	simm.s32 @!p0 $0x5  }
0x91: {  	_ =	swait.ge @!p0 [sflag:s0], s1  }
0x92: {  	s1 =	ssub.s32 @!p0 $0x0, s1;
	[sflag:s0] =	ssyncset.done @!p0 $0x0  }
0x93: {  	[sflag:s0] =	ssyncadd.s32 @!p0 s1  }
0x94: {  	[bflag:$0x3] =	sbarrier.arrive $0xFFFF  }
0x95: {  	_ =	shalt  }

</sc_bundles>
